<compile_context>
chip_gen: v7x
topology: tpu7x:2x2x1
jax: 0.10.2.dev20260603
libtpu: 0.0.44.dev20260713+nightly
codegen_flags: <defaults>
</compile_context>

<pallas_src>
import functools

import jax
import jax.numpy as jnp
from jax import lax
from jax.experimental import pallas as pl
from jax.experimental.pallas import tpu as pltpu
from jax.experimental.pallas import tpu_sc as plsc

N, H, W, K = 4, 512, 512, 1
F, V = 100000, 50000
P = N * H * W * K
NC, NS, L = 2, 16, 16
NW = NC * NS
C = 512
HH = H
CHUNKS = P // C
RPT = CHUNKS // NW
SUB = C // 128
GROUPS = C // L


def _body(in_hbm, verts_hbm, faces_hbm, out_hbm,
          vu_v, vw_v, in_v0, in_v1, frows_v0, frows_v1,
          out_v0, out_v1, sverts, sin0, sin1, sgat0, sgat1, sout0, sout1):
    in_v = (in_v0, in_v1)
    frows_v = (frows_v0, frows_v1)
    out_v = (out_v0, out_v1)
    sin = (sin0, sin1)
    sgat = (sgat0, sgat1)
    sout = (sout0, sout1)

    c_idx = lax.axis_index("c")
    s_idx = lax.axis_index("s")
    wid = s_idx * NC + c_idx
    base = wid * RPT

    lanes = lax.iota(jnp.int32, L)
    lanes3 = lanes + lanes + lanes
    zeros = jnp.zeros((L,), jnp.int32)
    ones = jnp.ones((L,), jnp.int32)
    twos = jnp.full((L,), 2, jnp.int32)

    def start_in(lc, b):
        gc = base + lc
        n = gc // HH
        hh = gc % HH
        pltpu.async_copy(in_hbm.at[n, hh], in_v[b], sin[b])

    def wait_in(b):
        pltpu.make_async_copy(in_hbm.at[0, 0], in_v[b], sin[b]).wait()

    def fire_gat(b):
        for s in range(SUB):
            pltpu.async_copy(
                faces_hbm.at[in_v[b].at[pl.ds(3 * C + s * 128, 128)]],
                frows_v[b].at[pl.ds(s * 128, 128)], sgat[b])

    def wait_gat(b):
        pltpu.make_async_copy(
            faces_hbm.at[pl.ds(0, C)], frows_v[b], sgat[b]).wait()

    def wait_out(b):
        pltpu.make_async_copy(out_v[b], out_hbm.at[0, 0], sout[b]).wait()

    def compute(b):
        for g in range(GROUPS):
            rows = lanes + g * L
            v0 = plsc.load_gather(frows_v[b], [rows, zeros])
            v1 = plsc.load_gather(frows_v[b], [rows, ones])
            v2 = plsc.load_gather(frows_v[b], [rows, twos])
            bidx = lanes3 + (3 * L * g)
            b0 = plsc.bitcast(plsc.load_gather(in_v[b], [bidx]),
                              jnp.float32)
            b1 = plsc.bitcast(plsc.load_gather(in_v[b], [bidx + 1]),
                              jnp.float32)
            b2 = plsc.bitcast(plsc.load_gather(in_v[b], [bidx + 2]),
                              jnp.float32)
            u0 = plsc.load_gather(vu_v, [v0])
            u1 = plsc.load_gather(vu_v, [v1])
            u2 = plsc.load_gather(vu_v, [v2])
            w0 = plsc.load_gather(vw_v, [v0])
            w1 = plsc.load_gather(vw_v, [v1])
            w2 = plsc.load_gather(vw_v, [v2])
            u = b0 * u0 + b1 * u1 + b2 * u2
            w = b0 * w0 + b1 * w1 + b2 * w2
            orow = rows + rows
            plsc.store_scatter(out_v[b], [orow], u)
            plsc.store_scatter(out_v[b], [orow + 1], w)

    pltpu.async_copy(verts_hbm.at[0], vu_v, sverts)
    pltpu.async_copy(verts_hbm.at[1], vw_v, sverts)
    start_in(0, 0)
    start_in(1, 1)
    wait_in(0)
    fire_gat(0)
    pltpu.make_async_copy(verts_hbm.at[0], vu_v, sverts).wait()
    pltpu.make_async_copy(verts_hbm.at[1], vw_v, sverts).wait()

    @pl.loop(0, RPT, step=2)
    def _pair(ci):
        for phase in range(2):
            lc = ci + phase
            b = phase

            @pl.when(lc + 1 < RPT)
            def _():
                wait_in(1 - b)
                fire_gat(1 - b)

            wait_gat(b)

            @pl.when(lc >= 2)
            def _():
                wait_out(b)

            compute(b)
            gc = base + lc
            n = gc // HH
            hh = gc % HH
            pltpu.async_copy(out_v[b], out_hbm.at[n, hh], sout[b])

            @pl.when(lc + 2 < RPT)
            def _():
                start_in(lc + 2, b)

    wait_out(0)
    wait_out(1)


_sc_call = functools.partial(
    pl.kernel,
    out_type=jax.ShapeDtypeStruct((N, HH, C * 2), jnp.float32),
    mesh=plsc.VectorSubcoreMesh(core_axis_name="c", subcore_axis_name="s"),
    scratch_types=[
        pltpu.VMEM((V,), jnp.float32),
        pltpu.VMEM((V,), jnp.float32),
        pltpu.VMEM((C * 4,), jnp.int32),
        pltpu.VMEM((C * 4,), jnp.int32),
        pltpu.VMEM((C, 8), jnp.int32),
        pltpu.VMEM((C, 8), jnp.int32),
        pltpu.VMEM((C * 2,), jnp.float32),
        pltpu.VMEM((C * 2,), jnp.float32),
        pltpu.SemaphoreType.DMA,
        pltpu.SemaphoreType.DMA,
        pltpu.SemaphoreType.DMA,
        pltpu.SemaphoreType.DMA,
        pltpu.SemaphoreType.DMA,
        pltpu.SemaphoreType.DMA,
        pltpu.SemaphoreType.DMA,
    ],
    compiler_params=pltpu.CompilerParams(
        needs_layout_passes=False, use_tc_tiling_on_sc=False),
)(_body)


@jax.jit
def kernel(pix_to_face, bary_coords, verts_uvs, faces_uvs):
    bary_i = lax.bitcast_convert_type(bary_coords, jnp.int32)
    packed = jnp.concatenate(
        [bary_i.reshape(N, HH, 3 * C), pix_to_face.reshape(N, HH, C)],
        axis=2)
    verts2 = verts_uvs.T
    faces8 = jnp.pad(faces_uvs, ((0, 0), (0, 5)))
    out = _sc_call(packed, verts2, faces8)
    return out.reshape(N, H, W, K, 2)

# --- scband reference (transcript-rebuilt; emitter-appended) ---
"""Pipeline reference for scband-uvshader-30889404793486 (READ-ONLY COPY).

The authoritative reference and input builder live on the scoring server;
editing this copy changes nothing except your own understanding.
"""

import jax, jax.numpy as jnp
import numpy as np

N, H, W, K = 4, 512, 512, 1
F, V = 100000, 50000

def setup_inputs(seed: int = 0) -> dict:
    key = jax.random.key(seed)
    k1, k2, k3, k4 = jax.random.split(key, 4)
    pix_to_face = jax.random.randint(k1, (N, H, W, K), 0, F)
    bary_coords = jax.random.uniform(k2, (N, H, W, K, 3), dtype=jnp.float32)
    verts_uvs = jax.random.uniform(k3, (V, 2), dtype=jnp.float32)
    faces_uvs = jax.random.randint(k4, (F, 3), 0, V)
    return {"pix_to_face": pix_to_face, "bary_coords": bary_coords, "verts_uvs": verts_uvs, "faces_uvs": faces_uvs}


def reference(pix_to_face, bary_coords, verts_uvs, faces_uvs):
    # packing_list / faces_verts_uvs: gather per-face UVs from per-vertex UVs
    faces_verts_uvs = verts_uvs[faces_uvs]  # [F, 3, 2]
    # interpolate_face_attributes
    mask = pix_to_face < 0
    idx = jnp.where(mask, 0, pix_to_face)  # [N, H, W, K]
    pixel_face_vals = faces_verts_uvs[idx]  # [N, H, W, K, 3, 2]
    pixel_uvs = jnp.sum(bary_coords[..., None] * pixel_face_vals, axis=-2)  # [N, H, W, K, 2]
    pixel_uvs = jnp.where(mask[..., None], 0.0, pixel_uvs)
    return pixel_uvs

if __name__ == "__main__":
    import jax
    _d = setup_inputs()
    print(jax.jit(kernel)(*tuple(_d.values())))

</pallas_src>

<mosaic_0001>
#map = affine_map<(d0, d1) -> (0, 0, 0)>
#map1 = affine_map<(d0, d1) -> (0, 0)>
module attributes {stable_mosaic.version = 14 : i64} {
  func.func @_body(%arg0: i32, %arg1: i32, %arg2: memref<4x512x2048xi32, #tpu.memory_space<hbm>>, %arg3: memref<2x50000xf32, #tpu.memory_space<hbm>>, %arg4: memref<100000x8xi32, #tpu.memory_space<hbm>>, %arg5: memref<4x512x1024xf32, #tpu.memory_space<hbm>>, %arg6: memref<50000xf32, #tpu.memory_space<vmem>>, %arg7: memref<50000xf32, #tpu.memory_space<vmem>>, %arg8: memref<2048xi32, #tpu.memory_space<vmem>>, %arg9: memref<2048xi32, #tpu.memory_space<vmem>>, %arg10: memref<512x8xi32, #tpu.memory_space<vmem>>, %arg11: memref<512x8xi32, #tpu.memory_space<vmem>>, %arg12: memref<1024xf32, #tpu.memory_space<vmem>>, %arg13: memref<1024xf32, #tpu.memory_space<vmem>>, %arg14: memref<!tpu.dma_semaphore, #tpu.memory_space<semaphore_mem>>, %arg15: memref<!tpu.dma_semaphore, #tpu.memory_space<semaphore_mem>>, %arg16: memref<!tpu.dma_semaphore, #tpu.memory_space<semaphore_mem>>, %arg17: memref<!tpu.dma_semaphore, #tpu.memory_space<semaphore_mem>>, %arg18: memref<!tpu.dma_semaphore, #tpu.memory_space<semaphore_mem>>, %arg19: memref<!tpu.dma_semaphore, #tpu.memory_space<semaphore_mem>>, %arg20: memref<!tpu.dma_semaphore, #tpu.memory_space<semaphore_mem>>) attributes {dimension_semantics = [#tpu.dimension_semantics<core_parallel>, #tpu.dimension_semantics<subcore_parallel>], iteration_bounds = array<i64: 2, 16>, scalar_prefetch = 0 : i64, scratch_operands = 15 : i64, tpu.core_type = #tpu.core_type<sc_vector_subcore>, window_params = [{transform_indices = #map}, {transform_indices = #map1}, {transform_indices = #map1}, {transform_indices = #map}]} {
    %mul3A = arith.constant 2 : i32
    %mul3A_0 = arith.muli %arg1, %mul3A : i32
    %add3A = arith.addi %mul3A_0, %arg0 : i32
    %mul3A_1 = arith.constant 64 : i32
    %mul3A_2 = arith.muli %add3A, %mul3A_1 : i32
    %iota3A = tpu.iota {dimensions = array<i32: 0>} : vector<16xi32>
    %add3A_3 = arith.addi %iota3A, %iota3A : vector<16xi32>
    %add3A_4 = arith.addi %add3A_3, %iota3A : vector<16xi32>
    %broadcast_in_dim3A = arith.constant 0 : i32
    %broadcast_in_dim3A_5 = vector.broadcast %broadcast_in_dim3A : i32 to vector<16xi32>
    %broadcast_in_dim3A_6 = arith.constant 1 : i32
    %broadcast_in_dim3A_7 = vector.broadcast %broadcast_in_dim3A_6 : i32 to vector<16xi32>
    %broadcast_in_dim3A_8 = arith.constant 2 : i32
    %broadcast_in_dim3A_9 = vector.broadcast %broadcast_in_dim3A_8 : i32 to vector<16xi32>
    %dma_start3A = arith.constant 0 : i32
    %dma_start3A_10 = arith.constant 0 : i32
    %dma_start3A_11 = tpu.memref_slice %arg3[%dma_start3A, %dma_start3A_10] : memref<2x50000xf32, #tpu.memory_space<hbm>> -> memref<1x50000xf32, #tpu.memory_space<hbm>>
    %dma_start3A_12 = tpu.memref_squeeze %dma_start3A_11 : memref<1x50000xf32, #tpu.memory_space<hbm>> -> memref<50000xf32, #tpu.memory_space<hbm>>
    %dma_start3A_13 = arith.constant 0 : i32
    %dma_start3A_14 = tpu.memref_slice %arg3[%dma_start3A, %dma_start3A_13] : memref<2x50000xf32, #tpu.memory_space<hbm>> -> memref<1x50000xf32, #tpu.memory_space<hbm>>
    %dma_start3A_15 = tpu.memref_squeeze %dma_start3A_14 : memref<1x50000xf32, #tpu.memory_space<hbm>> -> memref<50000xf32, #tpu.memory_space<hbm>>
    tpu.enqueue_dma source(%dma_start3A_15 : memref<50000xf32, #tpu.memory_space<hbm>>) target(%arg6 : memref<50000xf32, #tpu.memory_space<vmem>>) target_semaphore(%arg14 : memref<!tpu.dma_semaphore, #tpu.memory_space<semaphore_mem>>)
    %dma_start3A_16 = arith.constant 1 : i32
    %dma_start3A_17 = arith.constant 0 : i32
    %dma_start3A_18 = tpu.memref_slice %arg3[%dma_start3A_16, %dma_start3A_17] : memref<2x50000xf32, #tpu.memory_space<hbm>> -> memref<1x50000xf32, #tpu.memory_space<hbm>>
    %dma_start3A_19 = tpu.memref_squeeze %dma_start3A_18 : memref<1x50000xf32, #tpu.memory_space<hbm>> -> memref<50000xf32, #tpu.memory_space<hbm>>
    %dma_start3A_20 = arith.constant 0 : i32
    %dma_start3A_21 = tpu.memref_slice %arg3[%dma_start3A_16, %dma_start3A_20] : memref<2x50000xf32, #tpu.memory_space<hbm>> -> memref<1x50000xf32, #tpu.memory_space<hbm>>
    %dma_start3A_22 = tpu.memref_squeeze %dma_start3A_21 : memref<1x50000xf32, #tpu.memory_space<hbm>> -> memref<50000xf32, #tpu.memory_space<hbm>>
    tpu.enqueue_dma source(%dma_start3A_22 : memref<50000xf32, #tpu.memory_space<hbm>>) target(%arg7 : memref<50000xf32, #tpu.memory_space<vmem>>) target_semaphore(%arg14 : memref<!tpu.dma_semaphore, #tpu.memory_space<semaphore_mem>>)
    %add3A_23 = arith.constant 0 : i32
    %add3A_24 = arith.addi %mul3A_2, %add3A_23 : i32
    %jit3A = arith.constant 512 : i32
    %div3A = arith.divsi %add3A_24, %jit3A : i32
    %sign3A = arith.constant 0 : i32
    %sign3A_25 = arith.cmpi sgt, %add3A_24, %sign3A : i32
    %sign3A_26 = arith.extui %sign3A_25 : i1 to i32
    %sign3A_27 = arith.constant 0 : i32
    %sign3A_28 = arith.cmpi slt, %add3A_24, %sign3A_27 : i32
    %sign3A_29 = arith.extui %sign3A_28 : i1 to i32
    %sign3A_30 = arith.subi %sign3A_26, %sign3A_29 : i32
    %sign3A_31 = arith.constant 0 : i32
    %sign3A_32 = arith.cmpi sgt, %jit3A, %sign3A_31 : i32
    %sign3A_33 = arith.extui %sign3A_32 : i1 to i32
    %sign3A_34 = arith.constant 0 : i32
    %sign3A_35 = arith.cmpi slt, %jit3A, %sign3A_34 : i32
    %sign3A_36 = arith.extui %sign3A_35 : i1 to i32
    %sign3A_37 = arith.subi %sign3A_33, %sign3A_36 : i32
    %ne3A = arith.cmpi ne, %sign3A_30, %sign3A_37 : i32
    %rem3A = arith.remsi %add3A_24, %jit3A : i32
    %ne3A_38 = arith.constant 0 : i32
    %ne3A_39 = arith.cmpi ne, %rem3A, %ne3A_38 : i32
    %and3A = arith.andi %ne3A, %ne3A_39 : i1
    %sub3A = arith.constant 1 : i32
    %sub3A_40 = arith.subi %div3A, %sub3A : i32
    %select_n3A = arith.select %and3A, %sub3A_40, %div3A : i32
    %jit3A_41 = arith.constant 512 : i32
    %eq3A = arith.constant 0 : i32
    %eq3A_42 = arith.cmpi eq, %jit3A_41, %eq3A : i32
    %jit3A_43 = arith.constant 1 : i32
    %select_n3A_44 = arith.select %eq3A_42, %jit3A_43, %jit3A_41 : i32
    %rem3A_45 = arith.remsi %add3A_24, %select_n3A_44 : i32
    %ne3A_46 = arith.constant 0 : i32
    %ne3A_47 = arith.cmpi ne, %rem3A_45, %ne3A_46 : i32
    %lt3A = arith.constant 0 : i32
    %lt3A_48 = arith.cmpi slt, %rem3A_45, %lt3A : i32
    %lt3A_49 = arith.constant 0 : i32
    %lt3A_50 = arith.cmpi slt, %select_n3A_44, %lt3A_49 : i32
    %ne3A_51 = arith.xori %lt3A_48, %lt3A_50 : i1
    %and3A_52 = arith.andi %ne3A_51, %ne3A_47 : i1
    %add3A_53 = arith.addi %rem3A_45, %select_n3A_44 : i32
    %select_n3A_54 = arith.select %and3A_52, %add3A_53, %rem3A_45 : i32
    %dma_start3A_55 = arith.constant 0 : i32
    %dma_start3A_56 = tpu.memref_slice %arg2[%select_n3A, %select_n3A_54, %dma_start3A_55] : memref<4x512x2048xi32, #tpu.memory_space<hbm>> -> memref<1x1x2048xi32, #tpu.memory_space<hbm>>
    %dma_start3A_57 = tpu.memref_squeeze %dma_start3A_56 : memref<1x1x2048xi32, #tpu.memory_space<hbm>> -> memref<2048xi32, #tpu.memory_space<hbm>>
    %dma_start3A_58 = arith.constant 0 : i32
    %dma_start3A_59 = tpu.memref_slice %arg2[%select_n3A, %select_n3A_54, %dma_start3A_58] : memref<4x512x2048xi32, #tpu.memory_space<hbm>> -> memref<1x1x2048xi32, #tpu.memory_space<hbm>>
    %dma_start3A_60 = tpu.memref_squeeze %dma_start3A_59 : memref<1x1x2048xi32, #tpu.memory_space<hbm>> -> memref<2048xi32, #tpu.memory_space<hbm>>
    tpu.enqueue_dma source(%dma_start3A_60 : memref<2048xi32, #tpu.memory_space<hbm>>) target(%arg8 : memref<2048xi32, #tpu.memory_space<vmem>>) target_semaphore(%arg15 : memref<!tpu.dma_semaphore, #tpu.memory_space<semaphore_mem>>)
    %add3A_61 = arith.constant 1 : i32
    %add3A_62 = arith.addi %mul3A_2, %add3A_61 : i32
    %jit3A_63 = arith.constant 512 : i32
    %div3A_64 = arith.divsi %add3A_62, %jit3A_63 : i32
    %sign3A_65 = arith.constant 0 : i32
    %sign3A_66 = arith.cmpi sgt, %add3A_62, %sign3A_65 : i32
    %sign3A_67 = arith.extui %sign3A_66 : i1 to i32
    %sign3A_68 = arith.constant 0 : i32
    %sign3A_69 = arith.cmpi slt, %add3A_62, %sign3A_68 : i32
    %sign3A_70 = arith.extui %sign3A_69 : i1 to i32
    %sign3A_71 = arith.subi %sign3A_67, %sign3A_70 : i32
    %sign3A_72 = arith.constant 0 : i32
    %sign3A_73 = arith.cmpi sgt, %jit3A_63, %sign3A_72 : i32
    %sign3A_74 = arith.extui %sign3A_73 : i1 to i32
    %sign3A_75 = arith.constant 0 : i32
    %sign3A_76 = arith.cmpi slt, %jit3A_63, %sign3A_75 : i32
    %sign3A_77 = arith.extui %sign3A_76 : i1 to i32
    %sign3A_78 = arith.subi %sign3A_74, %sign3A_77 : i32
    %ne3A_79 = arith.cmpi ne, %sign3A_71, %sign3A_78 : i32
    %rem3A_80 = arith.remsi %add3A_62, %jit3A_63 : i32
    %ne3A_81 = arith.constant 0 : i32
    %ne3A_82 = arith.cmpi ne, %rem3A_80, %ne3A_81 : i32
    %and3A_83 = arith.andi %ne3A_79, %ne3A_82 : i1
    %sub3A_84 = arith.constant 1 : i32
    %sub3A_85 = arith.subi %div3A_64, %sub3A_84 : i32
    %select_n3A_86 = arith.select %and3A_83, %sub3A_85, %div3A_64 : i32
    %jit3A_87 = arith.constant 512 : i32
    %eq3A_88 = arith.constant 0 : i32
    %eq3A_89 = arith.cmpi eq, %jit3A_87, %eq3A_88 : i32
    %jit3A_90 = arith.constant 1 : i32
    %select_n3A_91 = arith.select %eq3A_89, %jit3A_90, %jit3A_87 : i32
    %rem3A_92 = arith.remsi %add3A_62, %select_n3A_91 : i32
    %ne3A_93 = arith.constant 0 : i32
    %ne3A_94 = arith.cmpi ne, %rem3A_92, %ne3A_93 : i32
    %lt3A_95 = arith.constant 0 : i32
    %lt3A_96 = arith.cmpi slt, %rem3A_92, %lt3A_95 : i32
    %lt3A_97 = arith.constant 0 : i32
    %lt3A_98 = arith.cmpi slt, %select_n3A_91, %lt3A_97 : i32
    %ne3A_99 = arith.xori %lt3A_96, %lt3A_98 : i1
    %and3A_100 = arith.andi %ne3A_99, %ne3A_94 : i1
    %add3A_101 = arith.addi %rem3A_92, %select_n3A_91 : i32
    %select_n3A_102 = arith.select %and3A_100, %add3A_101, %rem3A_92 : i32
    %dma_start3A_103 = arith.constant 0 : i32
    %dma_start3A_104 = tpu.memref_slice %arg2[%select_n3A_86, %select_n3A_102, %dma_start3A_103] : memref<4x512x2048xi32, #tpu.memory_space<hbm>> -> memref<1x1x2048xi32, #tpu.memory_space<hbm>>
    %dma_start3A_105 = tpu.memref_squeeze %dma_start3A_104 : memref<1x1x2048xi32, #tpu.memory_space<hbm>> -> memref<2048xi32, #tpu.memory_space<hbm>>
    %dma_start3A_106 = arith.constant 0 : i32
    %dma_start3A_107 = tpu.memref_slice %arg2[%select_n3A_86, %select_n3A_102, %dma_start3A_106] : memref<4x512x2048xi32, #tpu.memory_space<hbm>> -> memref<1x1x2048xi32, #tpu.memory_space<hbm>>
    %dma_start3A_108 = tpu.memref_squeeze %dma_start3A_107 : memref<1x1x2048xi32, #tpu.memory_space<hbm>> -> memref<2048xi32, #tpu.memory_space<hbm>>
    tpu.enqueue_dma source(%dma_start3A_108 : memref<2048xi32, #tpu.memory_space<hbm>>) target(%arg9 : memref<2048xi32, #tpu.memory_space<vmem>>) target_semaphore(%arg16 : memref<!tpu.dma_semaphore, #tpu.memory_space<semaphore_mem>>)
    %dma_wait3A = arith.constant 0 : i32
    %dma_wait3A_109 = arith.constant 0 : i32
    %dma_wait3A_110 = arith.constant 0 : i32
    %dma_wait3A_111 = tpu.memref_slice %arg2[%dma_wait3A, %dma_wait3A_109, %dma_wait3A_110] : memref<4x512x2048xi32, #tpu.memory_space<hbm>> -> memref<1x1x2048xi32, #tpu.memory_space<hbm>>
    %dma_wait3A_112 = tpu.memref_squeeze %dma_wait3A_111 : memref<1x1x2048xi32, #tpu.memory_space<hbm>> -> memref<2048xi32, #tpu.memory_space<hbm>>
    %dma_wait3A_113 = arith.constant 0 : i32
    %dma_wait3A_114 = tpu.memref_slice %arg2[%dma_wait3A, %dma_wait3A_109, %dma_wait3A_113] : memref<4x512x2048xi32, #tpu.memory_space<hbm>> -> memref<1x1x2048xi32, #tpu.memory_space<hbm>>
    %dma_wait3A_115 = tpu.memref_squeeze %dma_wait3A_114 : memref<1x1x2048xi32, #tpu.memory_space<hbm>> -> memref<2048xi32, #tpu.memory_space<hbm>>
    tpu.wait_dma2 semaphore(%arg15 : memref<!tpu.dma_semaphore, #tpu.memory_space<semaphore_mem>>) src(%dma_wait3A_115 : memref<2048xi32, #tpu.memory_space<hbm>>) dst(%arg8 : memref<2048xi32, #tpu.memory_space<vmem>>)
    %dma_start3A_116 = arith.constant 0 : i32
    %dma_start3A_117 = arith.constant 0 : i32
    %dma_start3A_118 = tpu.memref_slice %arg10[%dma_start3A_116, %dma_start3A_117] : memref<512x8xi32, #tpu.memory_space<vmem>> -> memref<128x8xi32, #tpu.memory_space<vmem>>
    %dma_start3A_119 = arith.constant 1536 : i32
    %dma_start3A_120 = tpu.memref_slice %arg8[%dma_start3A_119] : memref<2048xi32, #tpu.memory_space<vmem>> -> memref<128xi32, #tpu.memory_space<vmem>>
    %dma_start3A_121 = arith.constant 0 : i32
    %dma_start3A_122 = arith.constant 0 : i32
    %dma_start3A_123 = tpu.memref_slice %arg4[%dma_start3A_121, %dma_start3A_122] : memref<100000x8xi32, #tpu.memory_space<hbm>> -> memref<100000x8xi32, #tpu.memory_space<hbm>>
    tpu.enqueue_indirect_dma source(%dma_start3A_123 : memref<100000x8xi32, #tpu.memory_space<hbm>>) target(%dma_start3A_118 : memref<128x8xi32, #tpu.memory_space<vmem>>) offsets(%dma_start3A_120 : memref<128xi32, #tpu.memory_space<vmem>>) semaphore(%arg17 : memref<!tpu.dma_semaphore, #tpu.memory_space<semaphore_mem>>)
    %dma_start3A_124 = arith.constant 128 : i32
    %dma_start3A_125 = arith.constant 0 : i32
    %dma_start3A_126 = tpu.memref_slice %arg10[%dma_start3A_124, %dma_start3A_125] : memref<512x8xi32, #tpu.memory_space<vmem>> -> memref<128x8xi32, #tpu.memory_space<vmem>>
    %dma_start3A_127 = arith.constant 1664 : i32
    %dma_start3A_128 = tpu.memref_slice %arg8[%dma_start3A_127] : memref<2048xi32, #tpu.memory_space<vmem>> -> memref<128xi32, #tpu.memory_space<vmem>>
    %dma_start3A_129 = arith.constant 0 : i32
    %dma_start3A_130 = arith.constant 0 : i32
    %dma_start3A_131 = tpu.memref_slice %arg4[%dma_start3A_129, %dma_start3A_130] : memref<100000x8xi32, #tpu.memory_space<hbm>> -> memref<100000x8xi32, #tpu.memory_space<hbm>>
    tpu.enqueue_indirect_dma source(%dma_start3A_131 : memref<100000x8xi32, #tpu.memory_space<hbm>>) target(%dma_start3A_126 : memref<128x8xi32, #tpu.memory_space<vmem>>) offsets(%dma_start3A_128 : memref<128xi32, #tpu.memory_space<vmem>>) semaphore(%arg17 : memref<!tpu.dma_semaphore, #tpu.memory_space<semaphore_mem>>)
    %dma_start3A_132 = arith.constant 256 : i32
    %dma_start3A_133 = arith.constant 0 : i32
    %dma_start3A_134 = tpu.memref_slice %arg10[%dma_start3A_132, %dma_start3A_133] : memref<512x8xi32, #tpu.memory_space<vmem>> -> memref<128x8xi32, #tpu.memory_space<vmem>>
    %dma_start3A_135 = arith.constant 1792 : i32
    %dma_start3A_136 = tpu.memref_slice %arg8[%dma_start3A_135] : memref<2048xi32, #tpu.memory_space<vmem>> -> memref<128xi32, #tpu.memory_space<vmem>>
    %dma_start3A_137 = arith.constant 0 : i32
    %dma_start3A_138 = arith.constant 0 : i32
    %dma_start3A_139 = tpu.memref_slice %arg4[%dma_start3A_137, %dma_start3A_138] : memref<100000x8xi32, #tpu.memory_space<hbm>> -> memref<100000x8xi32, #tpu.memory_space<hbm>>
    tpu.enqueue_indirect_dma source(%dma_start3A_139 : memref<100000x8xi32, #tpu.memory_space<hbm>>) target(%dma_start3A_134 : memref<128x8xi32, #tpu.memory_space<vmem>>) offsets(%dma_start3A_136 : memref<128xi32, #tpu.memory_space<vmem>>) semaphore(%arg17 : memref<!tpu.dma_semaphore, #tpu.memory_space<semaphore_mem>>)
    %dma_start3A_140 = arith.constant 384 : i32
    %dma_start3A_141 = arith.constant 0 : i32
    %dma_start3A_142 = tpu.memref_slice %arg10[%dma_start3A_140, %dma_start3A_141] : memref<512x8xi32, #tpu.memory_space<vmem>> -> memref<128x8xi32, #tpu.memory_space<vmem>>
    %dma_start3A_143 = arith.constant 1920 : i32
    %dma_start3A_144 = tpu.memref_slice %arg8[%dma_start3A_143] : memref<2048xi32, #tpu.memory_space<vmem>> -> memref<128xi32, #tpu.memory_space<vmem>>
    %dma_start3A_145 = arith.constant 0 : i32
    %dma_start3A_146 = arith.constant 0 : i32
    %dma_start3A_147 = tpu.memref_slice %arg4[%dma_start3A_145, %dma_start3A_146] : memref<100000x8xi32, #tpu.memory_space<hbm>> -> memref<100000x8xi32, #tpu.memory_space<hbm>>
    tpu.enqueue_indirect_dma source(%dma_start3A_147 : memref<100000x8xi32, #tpu.memory_space<hbm>>) target(%dma_start3A_142 : memref<128x8xi32, #tpu.memory_space<vmem>>) offsets(%dma_start3A_144 : memref<128xi32, #tpu.memory_space<vmem>>) semaphore(%arg17 : memref<!tpu.dma_semaphore, #tpu.memory_space<semaphore_mem>>)
    %dma_wait3A_148 = arith.constant 0 : i32
    %dma_wait3A_149 = arith.constant 0 : i32
    %dma_wait3A_150 = tpu.memref_slice %arg3[%dma_wait3A_148, %dma_wait3A_149] : memref<2x50000xf32, #tpu.memory_space<hbm>> -> memref<1x50000xf32, #tpu.memory_space<hbm>>
    %dma_wait3A_151 = tpu.memref_squeeze %dma_wait3A_150 : memref<1x50000xf32, #tpu.memory_space<hbm>> -> memref<50000xf32, #tpu.memory_space<hbm>>
    %dma_wait3A_152 = arith.constant 0 : i32
    %dma_wait3A_153 = tpu.memref_slice %arg3[%dma_wait3A_148, %dma_wait3A_152] : memref<2x50000xf32, #tpu.memory_space<hbm>> -> memref<1x50000xf32, #tpu.memory_space<hbm>>
    %dma_wait3A_154 = tpu.memref_squeeze %dma_wait3A_153 : memref<1x50000xf32, #tpu.memory_space<hbm>> -> memref<50000xf32, #tpu.memory_space<hbm>>
    tpu.wait_dma2 semaphore(%arg14 : memref<!tpu.dma_semaphore, #tpu.memory_space<semaphore_mem>>) src(%dma_wait3A_154 : memref<50000xf32, #tpu.memory_space<hbm>>) dst(%arg6 : memref<50000xf32, #tpu.memory_space<vmem>>)
    %dma_wait3A_155 = arith.constant 1 : i32
    %dma_wait3A_156 = arith.constant 0 : i32
    %dma_wait3A_157 = tpu.memref_slice %arg3[%dma_wait3A_155, %dma_wait3A_156] : memref<2x50000xf32, #tpu.memory_space<hbm>> -> memref<1x50000xf32, #tpu.memory_space<hbm>>
    %dma_wait3A_158 = tpu.memref_squeeze %dma_wait3A_157 : memref<1x50000xf32, #tpu.memory_space<hbm>> -> memref<50000xf32, #tpu.memory_space<hbm>>
    %dma_wait3A_159 = arith.constant 0 : i32
    %dma_wait3A_160 = tpu.memref_slice %arg3[%dma_wait3A_155, %dma_wait3A_159] : memref<2x50000xf32, #tpu.memory_space<hbm>> -> memref<1x50000xf32, #tpu.memory_space<hbm>>
    %dma_wait3A_161 = tpu.memref_squeeze %dma_wait3A_160 : memref<1x50000xf32, #tpu.memory_space<hbm>> -> memref<50000xf32, #tpu.memory_space<hbm>>
    tpu.wait_dma2 semaphore(%arg14 : memref<!tpu.dma_semaphore, #tpu.memory_space<semaphore_mem>>) src(%dma_wait3A_161 : memref<50000xf32, #tpu.memory_space<hbm>>) dst(%arg7 : memref<50000xf32, #tpu.memory_space<vmem>>)
    %scan3A = arith.constant 0 : i32
    %scan3A_162 = arith.constant 32 : i32
    %scan3A_163 = arith.addi %scan3A, %scan3A_162 : i32
    %scan3A_164 = arith.constant 1 : i32
    scf.for %scan3A_182 = %scan3A to %scan3A_163 step %scan3A_164  : i32 {
      %mul3A_183 = arith.constant 2 : i32
      %mul3A_184 = arith.muli %scan3A_182, %mul3A_183 : i32
      %add3A_185 = arith.constant 0 : i32
      %add3A_186 = arith.addi %add3A_185, %mul3A_184 : i32
      %add3A_187 = arith.constant 0 : i32
      %add3A_188 = arith.addi %add3A_186, %add3A_187 : i32
      %add3A_189 = arith.constant 1 : i32
      %add3A_190 = arith.addi %add3A_188, %add3A_189 : i32
      %lt3A_191 = arith.constant 64 : i32
      %lt3A_192 = arith.cmpi slt, %add3A_190, %lt3A_191 : i32
      %convert_element_type3A = arith.extui %lt3A_192 : i1 to i32
      %cond3A = arith.constant 0 : i32
      %cond3A_193 = arith.cmpi ne, %convert_element_type3A, %cond3A : i32
      scf.if %cond3A_193 {
        %dma_wait3A_2954 = arith.constant 0 : i32
        %dma_wait3A_2955 = arith.constant 0 : i32
        %dma_wait3A_2956 = arith.constant 0 : i32
        %dma_wait3A_2957 = tpu.memref_slice %arg2[%dma_wait3A_2954, %dma_wait3A_2955, %dma_wait3A_2956] : memref<4x512x2048xi32, #tpu.memory_space<hbm>> -> memref<1x1x2048xi32, #tpu.memory_space<hbm>>
        %dma_wait3A_2958 = tpu.memref_squeeze %dma_wait3A_2957 : memref<1x1x2048xi32, #tpu.memory_space<hbm>> -> memref<2048xi32, #tpu.memory_space<hbm>>
        %dma_wait3A_2959 = arith.constant 0 : i32
        %dma_wait3A_2960 = tpu.memref_slice %arg2[%dma_wait3A_2954, %dma_wait3A_2955, %dma_wait3A_2959] : memref<4x512x2048xi32, #tpu.memory_space<hbm>> -> memref<1x1x2048xi32, #tpu.memory_space<hbm>>
        %dma_wait3A_2961 = tpu.memref_squeeze %dma_wait3A_2960 : memref<1x1x2048xi32, #tpu.memory_space<hbm>> -> memref<2048xi32, #tpu.memory_space<hbm>>
        tpu.wait_dma2 semaphore(%arg16 : memref<!tpu.dma_semaphore, #tpu.memory_space<semaphore_mem>>) src(%dma_wait3A_2961 : memref<2048xi32, #tpu.memory_space<hbm>>) dst(%arg9 : memref<2048xi32, #tpu.memory_space<vmem>>)
        %dma_start3A_2962 = arith.constant 0 : i32
        %dma_start3A_2963 = arith.constant 0 : i32
        %dma_start3A_2964 = tpu.memref_slice %arg11[%dma_start3A_2962, %dma_start3A_2963] : memref<512x8xi32, #tpu.memory_space<vmem>> -> memref<128x8xi32, #tpu.memory_space<vmem>>
        %dma_start3A_2965 = arith.constant 1536 : i32
        %dma_start3A_2966 = tpu.memref_slice %arg9[%dma_start3A_2965] : memref<2048xi32, #tpu.memory_space<vmem>> -> memref<128xi32, #tpu.memory_space<vmem>>
        %dma_start3A_2967 = arith.constant 0 : i32
        %dma_start3A_2968 = arith.constant 0 : i32
        %dma_start3A_2969 = tpu.memref_slice %arg4[%dma_start3A_2967, %dma_start3A_2968] : memref<100000x8xi32, #tpu.memory_space<hbm>> -> memref<100000x8xi32, #tpu.memory_space<hbm>>
        tpu.enqueue_indirect_dma source(%dma_start3A_2969 : memref<100000x8xi32, #tpu.memory_space<hbm>>) target(%dma_start3A_2964 : memref<128x8xi32, #tpu.memory_space<vmem>>) offsets(%dma_start3A_2966 : memref<128xi32, #tpu.memory_space<vmem>>) semaphore(%arg18 : memref<!tpu.dma_semaphore, #tpu.memory_space<semaphore_mem>>)
        %dma_start3A_2970 = arith.constant 128 : i32
        %dma_start3A_2971 = arith.constant 0 : i32
        %dma_start3A_2972 = tpu.memref_slice %arg11[%dma_start3A_2970, %dma_start3A_2971] : memref<512x8xi32, #tpu.memory_space<vmem>> -> memref<128x8xi32, #tpu.memory_space<vmem>>
        %dma_start3A_2973 = arith.constant 1664 : i32
        %dma_start3A_2974 = tpu.memref_slice %arg9[%dma_start3A_2973] : memref<2048xi32, #tpu.memory_space<vmem>> -> memref<128xi32, #tpu.memory_space<vmem>>
        %dma_start3A_2975 = arith.constant 0 : i32
        %dma_start3A_2976 = arith.constant 0 : i32
        %dma_start3A_2977 = tpu.memref_slice %arg4[%dma_start3A_2975, %dma_start3A_2976] : memref<100000x8xi32, #tpu.memory_space<hbm>> -> memref<100000x8xi32, #tpu.memory_space<hbm>>
        tpu.enqueue_indirect_dma source(%dma_start3A_2977 : memref<100000x8xi32, #tpu.memory_space<hbm>>) target(%dma_start3A_2972 : memref<128x8xi32, #tpu.memory_space<vmem>>) offsets(%dma_start3A_2974 : memref<128xi32, #tpu.memory_space<vmem>>) semaphore(%arg18 : memref<!tpu.dma_semaphore, #tpu.memory_space<semaphore_mem>>)
        %dma_start3A_2978 = arith.constant 256 : i32
        %dma_start3A_2979 = arith.constant 0 : i32
        %dma_start3A_2980 = tpu.memref_slice %arg11[%dma_start3A_2978, %dma_start3A_2979] : memref<512x8xi32, #tpu.memory_space<vmem>> -> memref<128x8xi32, #tpu.memory_space<vmem>>
        %dma_start3A_2981 = arith.constant 1792 : i32
        %dma_start3A_2982 = tpu.memref_slice %arg9[%dma_start3A_2981] : memref<2048xi32, #tpu.memory_space<vmem>> -> memref<128xi32, #tpu.memory_space<vmem>>
        %dma_start3A_2983 = arith.constant 0 : i32
        %dma_start3A_2984 = arith.constant 0 : i32
        %dma_start3A_2985 = tpu.memref_slice %arg4[%dma_start3A_2983, %dma_start3A_2984] : memref<100000x8xi32, #tpu.memory_space<hbm>> -> memref<100000x8xi32, #tpu.memory_space<hbm>>
        tpu.enqueue_indirect_dma source(%dma_start3A_2985 : memref<100000x8xi32, #tpu.memory_space<hbm>>) target(%dma_start3A_2980 : memref<128x8xi32, #tpu.memory_space<vmem>>) offsets(%dma_start3A_2982 : memref<128xi32, #tpu.memory_space<vmem>>) semaphore(%arg18 : memref<!tpu.dma_semaphore, #tpu.memory_space<semaphore_mem>>)
        %dma_start3A_2986 = arith.constant 384 : i32
        %dma_start3A_2987 = arith.constant 0 : i32
        %dma_start3A_2988 = tpu.memref_slice %arg11[%dma_start3A_2986, %dma_start3A_2987] : memref<512x8xi32, #tpu.memory_space<vmem>> -> memref<128x8xi32, #tpu.memory_space<vmem>>
        %dma_start3A_2989 = arith.constant 1920 : i32
        %dma_start3A_2990 = tpu.memref_slice %arg9[%dma_start3A_2989] : memref<2048xi32, #tpu.memory_space<vmem>> -> memref<128xi32, #tpu.memory_space<vmem>>
        %dma_start3A_2991 = arith.constant 0 : i32
        %dma_start3A_2992 = arith.constant 0 : i32
        %dma_start3A_2993 = tpu.memref_slice %arg4[%dma_start3A_2991, %dma_start3A_2992] : memref<100000x8xi32, #tpu.memory_space<hbm>> -> memref<100000x8xi32, #tpu.memory_space<hbm>>
        tpu.enqueue_indirect_dma source(%dma_start3A_2993 : memref<100000x8xi32, #tpu.memory_space<hbm>>) target(%dma_start3A_2988 : memref<128x8xi32, #tpu.memory_space<vmem>>) offsets(%dma_start3A_2990 : memref<128xi32, #tpu.memory_space<vmem>>) semaphore(%arg18 : memref<!tpu.dma_semaphore, #tpu.memory_space<semaphore_mem>>)
      } else {
      }
      %dma_wait3A_194 = arith.constant 0 : i32
      %dma_wait3A_195 = arith.constant 0 : i32
      %dma_wait3A_196 = tpu.memref_slice %arg4[%dma_wait3A_194, %dma_wait3A_195] : memref<100000x8xi32, #tpu.memory_space<hbm>> -> memref<512x8xi32, #tpu.memory_space<hbm>>
      %dma_wait3A_197 = arith.constant 0 : i32
      %dma_wait3A_198 = arith.constant 0 : i32
      %dma_wait3A_199 = tpu.memref_slice %arg4[%dma_wait3A_197, %dma_wait3A_198] : memref<100000x8xi32, #tpu.memory_space<hbm>> -> memref<512x8xi32, #tpu.memory_space<hbm>>
      tpu.wait_dma2 semaphore(%arg17 : memref<!tpu.dma_semaphore, #tpu.memory_space<semaphore_mem>>) src(%dma_wait3A_199 : memref<512x8xi32, #tpu.memory_space<hbm>>) dst(%arg10 : memref<512x8xi32, #tpu.memory_space<vmem>>)
      %ge3A = arith.constant 2 : i32
      %ge3A_200 = arith.cmpi sge, %add3A_188, %ge3A : i32
      %convert_element_type3A_201 = arith.extui %ge3A_200 : i1 to i32
      %cond3A_202 = arith.constant 0 : i32
      %cond3A_203 = arith.cmpi ne, %convert_element_type3A_201, %cond3A_202 : i32
      scf.if %cond3A_203 {
        %dma_wait3A_2954 = arith.constant 0 : i32
        %dma_wait3A_2955 = arith.constant 0 : i32
        %dma_wait3A_2956 = arith.constant 0 : i32
        %dma_wait3A_2957 = tpu.memref_slice %arg5[%dma_wait3A_2954, %dma_wait3A_2955, %dma_wait3A_2956] : memref<4x512x1024xf32, #tpu.memory_space<hbm>> -> memref<1x1x1024xf32, #tpu.memory_space<hbm>>
        %dma_wait3A_2958 = tpu.memref_squeeze %dma_wait3A_2957 : memref<1x1x1024xf32, #tpu.memory_space<hbm>> -> memref<1024xf32, #tpu.memory_space<hbm>>
        %dma_wait3A_2959 = arith.constant 0 : i32
        %dma_wait3A_2960 = tpu.memref_slice %arg5[%dma_wait3A_2954, %dma_wait3A_2955, %dma_wait3A_2959] : memref<4x512x1024xf32, #tpu.memory_space<hbm>> -> memref<1x1x1024xf32, #tpu.memory_space<hbm>>
        %dma_wait3A_2961 = tpu.memref_squeeze %dma_wait3A_2960 : memref<1x1x1024xf32, #tpu.memory_space<hbm>> -> memref<1024xf32, #tpu.memory_space<hbm>>
        tpu.wait_dma2 semaphore(%arg19 : memref<!tpu.dma_semaphore, #tpu.memory_space<semaphore_mem>>) src(%arg12 : memref<1024xf32, #tpu.memory_space<vmem>>) dst(%dma_wait3A_2961 : memref<1024xf32, #tpu.memory_space<hbm>>)
      } else {
      }
      %add3A_204 = arith.constant 0 : i32
      %add3A_205 = vector.broadcast %add3A_204 : i32 to vector<16xi32>
      %add3A_206 = arith.addi %iota3A, %add3A_205 : vector<16xi32>
      %gather3A = tpu.vector_load_idx %arg10[%add3A_206, %broadcast_in_dim3A_5] : memref<512x8xi32, #tpu.memory_space<vmem>>[vector<16xi32>, vector<16xi32>], vector<16xi32>,
      %gather3A_207 = tpu.vector_load_idx %arg10[%add3A_206, %broadcast_in_dim3A_7] : memref<512x8xi32, #tpu.memory_space<vmem>>[vector<16xi32>, vector<16xi32>], vector<16xi32>,
      %gather3A_208 = tpu.vector_load_idx %arg10[%add3A_206, %broadcast_in_dim3A_9] : memref<512x8xi32, #tpu.memory_space<vmem>>[vector<16xi32>, vector<16xi32>], vector<16xi32>,
      %add3A_209 = arith.constant 0 : i32
      %add3A_210 = vector.broadcast %add3A_209 : i32 to vector<16xi32>
      %add3A_211 = arith.addi %add3A_4, %add3A_210 : vector<16xi32>
      %gather3A_212 = tpu.vector_load_idx %arg8[%add3A_211] : memref<2048xi32, #tpu.memory_space<vmem>>[vector<16xi32>], vector<16xi32>,
      %bitcast3A = vector.bitcast %gather3A_212 : vector<16xi32> to vector<16xf32>
      %add3A_213 = arith.constant 1 : i32
      %add3A_214 = vector.broadcast %add3A_213 : i32 to vector<16xi32>
      %add3A_215 = arith.addi %add3A_211, %add3A_214 : vector<16xi32>
      %gather3A_216 = tpu.vector_load_idx %arg8[%add3A_215] : memref<2048xi32, #tpu.memory_space<vmem>>[vector<16xi32>], vector<16xi32>,
      %bitcast3A_217 = vector.bitcast %gather3A_216 : vector<16xi32> to vector<16xf32>
      %add3A_218 = arith.constant 2 : i32
      %add3A_219 = vector.broadcast %add3A_218 : i32 to vector<16xi32>
      %add3A_220 = arith.addi %add3A_211, %add3A_219 : vector<16xi32>
      %gather3A_221 = tpu.vector_load_idx %arg8[%add3A_220] : memref<2048xi32, #tpu.memory_space<vmem>>[vector<16xi32>], vector<16xi32>,
      %bitcast3A_222 = vector.bitcast %gather3A_221 : vector<16xi32> to vector<16xf32>
      %gather3A_223 = tpu.vector_load_idx %arg6[%gather3A] : memref<50000xf32, #tpu.memory_space<vmem>>[vector<16xi32>], vector<16xf32>,
      %gather3A_224 = tpu.vector_load_idx %arg6[%gather3A_207] : memref<50000xf32, #tpu.memory_space<vmem>>[vector<16xi32>], vector<16xf32>,
      %gather3A_225 = tpu.vector_load_idx %arg6[%gather3A_208] : memref<50000xf32, #tpu.memory_space<vmem>>[vector<16xi32>], vector<16xf32>,
      %gather3A_226 = tpu.vector_load_idx %arg7[%gather3A] : memref<50000xf32, #tpu.memory_space<vmem>>[vector<16xi32>], vector<16xf32>,
      %gather3A_227 = tpu.vector_load_idx %arg7[%gather3A_207] : memref<50000xf32, #tpu.memory_space<vmem>>[vector<16xi32>], vector<16xf32>,
      %gather3A_228 = tpu.vector_load_idx %arg7[%gather3A_208] : memref<50000xf32, #tpu.memory_space<vmem>>[vector<16xi32>], vector<16xf32>,
      %mul3A_229 = arith.mulf %bitcast3A, %gather3A_223 : vector<16xf32>
      %mul3A_230 = arith.mulf %bitcast3A_217, %gather3A_224 : vector<16xf32>
      %add3A_231 = arith.addf %mul3A_229, %mul3A_230 : vector<16xf32>
      %mul3A_232 = arith.mulf %bitcast3A_222, %gather3A_225 : vector<16xf32>
      %add3A_233 = arith.addf %add3A_231, %mul3A_232 : vector<16xf32>
      %mul3A_234 = arith.mulf %bitcast3A, %gather3A_226 : vector<16xf32>
      %mul3A_235 = arith.mulf %bitcast3A_217, %gather3A_227 : vector<16xf32>
      %add3A_236 = arith.addf %mul3A_234, %mul3A_235 : vector<16xf32>
      %mul3A_237 = arith.mulf %bitcast3A_222, %gather3A_228 : vector<16xf32>
      %add3A_238 = arith.addf %add3A_236, %mul3A_237 : vector<16xf32>
      %add3A_239 = arith.addi %add3A_206, %add3A_206 : vector<16xi32>
      tpu.vector_store_idx %arg12[%add3A_239], %add3A_233 : memref<1024xf32, #tpu.memory_space<vmem>>[vector<16xi32>], vector<16xf32>,
      %add3A_240 = arith.constant 1 : i32
      %add3A_241 = vector.broadcast %add3A_240 : i32 to vector<16xi32>
      %add3A_242 = arith.addi %add3A_239, %add3A_241 : vector<16xi32>
      tpu.vector_store_idx %arg12[%add3A_242], %add3A_238 : memref<1024xf32, #tpu.memory_space<vmem>>[vector<16xi32>], vector<16xf32>,
      %add3A_243 = arith.constant 16 : i32
      %add3A_244 = vector.broadcast %add3A_243 : i32 to vector<16xi32>
      %add3A_245 = arith.addi %iota3A, %add3A_244 : vector<16xi32>
      %gather3A_246 = tpu.vector_load_idx %arg10[%add3A_245, %broadcast_in_dim3A_5] : memref<512x8xi32, #tpu.memory_space<vmem>>[vector<16xi32>, vector<16xi32>], vector<16xi32>,
      %gather3A_247 = tpu.vector_load_idx %arg10[%add3A_245, %broadcast_in_dim3A_7] : memref<512x8xi32, #tpu.memory_space<vmem>>[vector<16xi32>, vector<16xi32>], vector<16xi32>,
      %gather3A_248 = tpu.vector_load_idx %arg10[%add3A_245, %broadcast_in_dim3A_9] : memref<512x8xi32, #tpu.memory_space<vmem>>[vector<16xi32>, vector<16xi32>], vector<16xi32>,
      %add3A_249 = arith.constant 48 : i32
      %add3A_250 = vector.broadcast %add3A_249 : i32 to vector<16xi32>
      %add3A_251 = arith.addi %add3A_4, %add3A_250 : vector<16xi32>
      %gather3A_252 = tpu.vector_load_idx %arg8[%add3A_251] : memref<2048xi32, #tpu.memory_space<vmem>>[vector<16xi32>], vector<16xi32>,
      %bitcast3A_253 = vector.bitcast %gather3A_252 : vector<16xi32> to vector<16xf32>
      %add3A_254 = arith.constant 1 : i32
      %add3A_255 = vector.broadcast %add3A_254 : i32 to vector<16xi32>
      %add3A_256 = arith.addi %add3A_251, %add3A_255 : vector<16xi32>
      %gather3A_257 = tpu.vector_load_idx %arg8[%add3A_256] : memref<2048xi32, #tpu.memory_space<vmem>>[vector<16xi32>], vector<16xi32>,
      %bitcast3A_258 = vector.bitcast %gather3A_257 : vector<16xi32> to vector<16xf32>
      %add3A_259 = arith.constant 2 : i32
      %add3A_260 = vector.broadcast %add3A_259 : i32 to vector<16xi32>
      %add3A_261 = arith.addi %add3A_251, %add3A_260 : vector<16xi32>
      %gather3A_262 = tpu.vector_load_idx %arg8[%add3A_261] : memref<2048xi32, #tpu.memory_space<vmem>>[vector<16xi32>], vector<16xi32>,
      %bitcast3A_263 = vector.bitcast %gather3A_262 : vector<16xi32> to vector<16xf32>
      %gather3A_264 = tpu.vector_load_idx %arg6[%gather3A_246] : memref<50000xf32, #tpu.memory_space<vmem>>[vector<16xi32>], vector<16xf32>,
      %gather3A_265 = tpu.vector_load_idx %arg6[%gather3A_247] : memref<50000xf32, #tpu.memory_space<vmem>>[vector<16xi32>], vector<16xf32>,
      %gather3A_266 = tpu.vector_load_idx %arg6[%gather3A_248] : memref<50000xf32, #tpu.memory_space<vmem>>[vector<16xi32>], vector<16xf32>,
      %gather3A_267 = tpu.vector_load_idx %arg7[%gather3A_246] : memref<50000xf32, #tpu.memory_space<vmem>>[vector<16xi32>], vector<16xf32>,
      %gather3A_268 = tpu.vector_load_idx %arg7[%gather3A_247] : memref<50000xf32, #tpu.memory_space<vmem>>[vector<16xi32>], vector<16xf32>,
      %gather3A_269 = tpu.vector_load_idx %arg7[%gather3A_248] : memref<50000xf32, #tpu.memory_space<vmem>>[vector<16xi32>], vector<16xf32>,
      %mul3A_270 = arith.mulf %bitcast3A_253, %gather3A_264 : vector<16xf32>
      %mul3A_271 = arith.mulf %bitcast3A_258, %gather3A_265 : vector<16xf32>
      %add3A_272 = arith.addf %mul3A_270, %mul3A_271 : vector<16xf32>
      %mul3A_273 = arith.mulf %bitcast3A_263, %gather3A_266 : vector<16xf32>
      %add3A_274 = arith.addf %add3A_272, %mul3A_273 : vector<16xf32>
      %mul3A_275 = arith.mulf %bitcast3A_253, %gather3A_267 : vector<16xf32>
      %mul3A_276 = arith.mulf %bitcast3A_258, %gather3A_268 : vector<16xf32>
      %add3A_277 = arith.addf %mul3A_275, %mul3A_276 : vector<16xf32>
      %mul3A_278 = arith.mulf %bitcast3A_263, %gather3A_269 : vector<16xf32>
      %add3A_279 = arith.addf %add3A_277, %mul3A_278 : vector<16xf32>
      %add3A_280 = arith.addi %add3A_245, %add3A_245 : vector<16xi32>
      tpu.vector_store_idx %arg12[%add3A_280], %add3A_274 : memref<1024xf32, #tpu.memory_space<vmem>>[vector<16xi32>], vector<16xf32>,
      %add3A_281 = arith.constant 1 : i32
      %add3A_282 = vector.broadcast %add3A_281 : i32 to vector<16xi32>
      %add3A_283 = arith.addi %add3A_280, %add3A_282 : vector<16xi32>
      tpu.vector_store_idx %arg12[%add3A_283], %add3A_279 : memref<1024xf32, #tpu.memory_space<vmem>>[vector<16xi32>], vector<16xf32>,
      %add3A_284 = arith.constant 32 : i32
      %add3A_285 = vector.broadcast %add3A_284 : i32 to vector<16xi32>
      %add3A_286 = arith.addi %iota3A, %add3A_285 : vector<16xi32>
      %gather3A_287 = tpu.vector_load_idx %arg10[%add3A_286, %broadcast_in_dim3A_5] : memref<512x8xi32, #tpu.memory_space<vmem>>[vector<16xi32>, vector<16xi32>], vector<16xi32>,
      %gather3A_288 = tpu.vector_load_idx %arg10[%add3A_286, %broadcast_in_dim3A_7] : memref<512x8xi32, #tpu.memory_space<vmem>>[vector<16xi32>, vector<16xi32>], vector<16xi32>,
      %gather3A_289 = tpu.vector_load_idx %arg10[%add3A_286, %broadcast_in_dim3A_9] : memref<512x8xi32, #tpu.memory_space<vmem>>[vector<16xi32>, vector<16xi32>], vector<16xi32>,
      %add3A_290 = arith.constant 96 : i32
      %add3A_291 = vector.broadcast %add3A_290 : i32 to vector<16xi32>
      %add3A_292 = arith.addi %add3A_4, %add3A_291 : vector<16xi32>
      %gather3A_293 = tpu.vector_load_idx %arg8[%add3A_292] : memref<2048xi32, #tpu.memory_space<vmem>>[vector<16xi32>], vector<16xi32>,
      %bitcast3A_294 = vector.bitcast %gather3A_293 : vector<16xi32> to vector<16xf32>
      %add3A_295 = arith.constant 1 : i32
      %add3A_296 = vector.broadcast %add3A_295 : i32 to vector<16xi32>
      %add3A_297 = arith.addi %add3A_292, %add3A_296 : vector<16xi32>
      %gather3A_298 = tpu.vector_load_idx %arg8[%add3A_297] : memref<2048xi32, #tpu.memory_space<vmem>>[vector<16xi32>], vector<16xi32>,
      %bitcast3A_299 = vector.bitcast %gather3A_298 : vector<16xi32> to vector<16xf32>
      %add3A_300 = arith.constant 2 : i32
      %add3A_301 = vector.broadcast %add3A_300 : i32 to vector<16xi32>
      %add3A_302 = arith.addi %add3A_292, %add3A_301 : vector<16xi32>
      %gather3A_303 = tpu.vector_load_idx %arg8[%add3A_302] : memref<2048xi32, #tpu.memory_space<vmem>>[vector<16xi32>], vector<16xi32>,
      %bitcast3A_304 = vector.bitcast %gather3A_303 : vector<16xi32> to vector<16xf32>
      %gather3A_305 = tpu.vector_load_idx %arg6[%gather3A_287] : memref<50000xf32, #tpu.memory_space<vmem>>[vector<16xi32>], vector<16xf32>,
      %gather3A_306 = tpu.vector_load_idx %arg6[%gather3A_288] : memref<50000xf32, #tpu.memory_space<vmem>>[vector<16xi32>], vector<16xf32>,
      %gather3A_307 = tpu.vector_load_idx %arg6[%gather3A_289] : memref<50000xf32, #tpu.memory_space<vmem>>[vector<16xi32>], vector<16xf32>,
      %gather3A_308 = tpu.vector_load_idx %arg7[%gather3A_287] : memref<50000xf32, #tpu.memory_space<vmem>>[vector<16xi32>], vector<16xf32>,
      %gather3A_309 = tpu.vector_load_idx %arg7[%gather3A_288] : memref<50000xf32, #tpu.memory_space<vmem>>[vector<16xi32>], vector<16xf32>,
      %gather3A_310 = tpu.vector_load_idx %arg7[%gather3A_289] : memref<50000xf32, #tpu.memory_space<vmem>>[vector<16xi32>], vector<16xf32>,
      %mul3A_311 = arith.mulf %bitcast3A_294, %gather3A_305 : vector<16xf32>
      %mul3A_312 = arith.mulf %bitcast3A_299, %gather3A_306 : vector<16xf32>
      %add3A_313 = arith.addf %mul3A_311, %mul3A_312 : vector<16xf32>
      %mul3A_314 = arith.mulf %bitcast3A_304, %gather3A_307 : vector<16xf32>
      %add3A_315 = arith.addf %add3A_313, %mul3A_314 : vector<16xf32>
      %mul3A_316 = arith.mulf %bitcast3A_294, %gather3A_308 : vector<16xf32>
      %mul3A_317 = arith.mulf %bitcast3A_299, %gather3A_309 : vector<16xf32>
      %add3A_318 = arith.addf %mul3A_316, %mul3A_317 : vector<16xf32>
      %mul3A_319 = arith.mulf %bitcast3A_304, %gather3A_310 : vector<16xf32>
      %add3A_320 = arith.addf %add3A_318, %mul3A_319 : vector<16xf32>
      %add3A_321 = arith.addi %add3A_286, %add3A_286 : vector<16xi32>
      tpu.vector_store_idx %arg12[%add3A_321], %add3A_315 : memref<1024xf32, #tpu.memory_space<vmem>>[vector<16xi32>], vector<16xf32>,
      %add3A_322 = arith.constant 1 : i32
      %add3A_323 = vector.broadcast %add3A_322 : i32 to vector<16xi32>
      %add3A_324 = arith.addi %add3A_321, %add3A_323 : vector<16xi32>
      tpu.vector_store_idx %arg12[%add3A_324], %add3A_320 : memref<1024xf32, #tpu.memory_space<vmem>>[vector<16xi32>], vector<16xf32>,
      %add3A_325 = arith.constant 48 : i32
      %add3A_326 = vector.broadcast %add3A_325 : i32 to vector<16xi32>
      %add3A_327 = arith.addi %iota3A, %add3A_326 : vector<16xi32>
      %gather3A_328 = tpu.vector_load_idx %arg10[%add3A_327, %broadcast_in_dim3A_5] : memref<512x8xi32, #tpu.memory_space<vmem>>[vector<16xi32>, vector<16xi32>], vector<16xi32>,
      %gather3A_329 = tpu.vector_load_idx %arg10[%add3A_327, %broadcast_in_dim3A_7] : memref<512x8xi32, #tpu.memory_space<vmem>>[vector<16xi32>, vector<16xi32>], vector<16xi32>,
      %gather3A_330 = tpu.vector_load_idx %arg10[%add3A_327, %broadcast_in_dim3A_9] : memref<512x8xi32, #tpu.memory_space<vmem>>[vector<16xi32>, vector<16xi32>], vector<16xi32>,
      %add3A_331 = arith.constant 144 : i32
      %add3A_332 = vector.broadcast %add3A_331 : i32 to vector<16xi32>
      %add3A_333 = arith.addi %add3A_4, %add3A_332 : vector<16xi32>
      %gather3A_334 = tpu.vector_load_idx %arg8[%add3A_333] : memref<2048xi32, #tpu.memory_space<vmem>>[vector<16xi32>], vector<16xi32>,
      %bitcast3A_335 = vector.bitcast %gather3A_334 : vector<16xi32> to vector<16xf32>
      %add3A_336 = arith.constant 1 : i32
      %add3A_337 = vector.broadcast %add3A_336 : i32 to vector<16xi32>
      %add3A_338 = arith.addi %add3A_333, %add3A_337 : vector<16xi32>
      %gather3A_339 = tpu.vector_load_idx %arg8[%add3A_338] : memref<2048xi32, #tpu.memory_space<vmem>>[vector<16xi32>], vector<16xi32>,
      %bitcast3A_340 = vector.bitcast %gather3A_339 : vector<16xi32> to vector<16xf32>
      %add3A_341 = arith.constant 2 : i32
      %add3A_342 = vector.broadcast %add3A_341 : i32 to vector<16xi32>
      %add3A_343 = arith.addi %add3A_333, %add3A_342 : vector<16xi32>
      %gather3A_344 = tpu.vector_load_idx %arg8[%add3A_343] : memref<2048xi32, #tpu.memory_space<vmem>>[vector<16xi32>], vector<16xi32>,
      %bitcast3A_345 = vector.bitcast %gather3A_344 : vector<16xi32> to vector<16xf32>
      %gather3A_346 = tpu.vector_load_idx %arg6[%gather3A_328] : memref<50000xf32, #tpu.memory_space<vmem>>[vector<16xi32>], vector<16xf32>,
      %gather3A_347 = tpu.vector_load_idx %arg6[%gather3A_329] : memref<50000xf32, #tpu.memory_space<vmem>>[vector<16xi32>], vector<16xf32>,
      %gather3A_348 = tpu.vector_load_idx %arg6[%gather3A_330] : memref<50000xf32, #tpu.memory_space<vmem>>[vector<16xi32>], vector<16xf32>,
      %gather3A_349 = tpu.vector_load_idx %arg7[%gather3A_328] : memref<50000xf32, #tpu.memory_space<vmem>>[vector<16xi32>], vector<16xf32>,
      %gather3A_350 = tpu.vector_load_idx %arg7[%gather3A_329] : memref<50000xf32, #tpu.memory_space<vmem>>[vector<16xi32>], vector<16xf32>,
      %gather3A_351 = tpu.vector_load_idx %arg7[%gather3A_330] : memref<50000xf32, #tpu.memory_space<vmem>>[vector<16xi32>], vector<16xf32>,
      %mul3A_352 = arith.mulf %bitcast3A_335, %gather3A_346 : vector<16xf32>
      %mul3A_353 = arith.mulf %bitcast3A_340, %gather3A_347 : vector<16xf32>
      %add3A_354 = arith.addf %mul3A_352, %mul3A_353 : vector<16xf32>
      %mul3A_355 = arith.mulf %bitcast3A_345, %gather3A_348 : vector<16xf32>
      %add3A_356 = arith.addf %add3A_354, %mul3A_355 : vector<16xf32>
      %mul3A_357 = arith.mulf %bitcast3A_335, %gather3A_349 : vector<16xf32>
      %mul3A_358 = arith.mulf %bitcast3A_340, %gather3A_350 : vector<16xf32>
      %add3A_359 = arith.addf %mul3A_357, %mul3A_358 : vector<16xf32>
      %mul3A_360 = arith.mulf %bitcast3A_345, %gather3A_351 : vector<16xf32>
      %add3A_361 = arith.addf %add3A_359, %mul3A_360 : vector<16xf32>
      %add3A_362 = arith.addi %add3A_327, %add3A_327 : vector<16xi32>
      tpu.vector_store_idx %arg12[%add3A_362], %add3A_356 : memref<1024xf32, #tpu.memory_space<vmem>>[vector<16xi32>], vector<16xf32>,
      %add3A_363 = arith.constant 1 : i32
      %add3A_364 = vector.broadcast %add3A_363 : i32 to vector<16xi32>
      %add3A_365 = arith.addi %add3A_362, %add3A_364 : vector<16xi32>
      tpu.vector_store_idx %arg12[%add3A_365], %add3A_361 : memref<1024xf32, #tpu.memory_space<vmem>>[vector<16xi32>], vector<16xf32>,
      %add3A_366 = arith.constant 64 : i32
      %add3A_367 = vector.broadcast %add3A_366 : i32 to vector<16xi32>
      %add3A_368 = arith.addi %iota3A, %add3A_367 : vector<16xi32>
      %gather3A_369 = tpu.vector_load_idx %arg10[%add3A_368, %broadcast_in_dim3A_5] : memref<512x8xi32, #tpu.memory_space<vmem>>[vector<16xi32>, vector<16xi32>], vector<16xi32>,
      %gather3A_370 = tpu.vector_load_idx %arg10[%add3A_368, %broadcast_in_dim3A_7] : memref<512x8xi32, #tpu.memory_space<vmem>>[vector<16xi32>, vector<16xi32>], vector<16xi32>,
      %gather3A_371 = tpu.vector_load_idx %arg10[%add3A_368, %broadcast_in_dim3A_9] : memref<512x8xi32, #tpu.memory_space<vmem>>[vector<16xi32>, vector<16xi32>], vector<16xi32>,
      %add3A_372 = arith.constant 192 : i32
      %add3A_373 = vector.broadcast %add3A_372 : i32 to vector<16xi32>
      %add3A_374 = arith.addi %add3A_4, %add3A_373 : vector<16xi32>
      %gather3A_375 = tpu.vector_load_idx %arg8[%add3A_374] : memref<2048xi32, #tpu.memory_space<vmem>>[vector<16xi32>], vector<16xi32>,
      %bitcast3A_376 = vector.bitcast %gather3A_375 : vector<16xi32> to vector<16xf32>
      %add3A_377 = arith.constant 1 : i32
      %add3A_378 = vector.broadcast %add3A_377 : i32 to vector<16xi32>
      %add3A_379 = arith.addi %add3A_374, %add3A_378 : vector<16xi32>
      %gather3A_380 = tpu.vector_load_idx %arg8[%add3A_379] : memref<2048xi32, #tpu.memory_space<vmem>>[vector<16xi32>], vector<16xi32>,
      %bitcast3A_381 = vector.bitcast %gather3A_380 : vector<16xi32> to vector<16xf32>
      %add3A_382 = arith.constant 2 : i32
      %add3A_383 = vector.broadcast %add3A_382 : i32 to vector<16xi32>
      %add3A_384 = arith.addi %add3A_374, %add3A_383 : vector<16xi32>
      %gather3A_385 = tpu.vector_load_idx %arg8[%add3A_384] : memref<2048xi32, #tpu.memory_space<vmem>>[vector<16xi32>], vector<16xi32>,
      %bitcast3A_386 = vector.bitcast %gather3A_385 : vector<16xi32> to vector<16xf32>
      %gather3A_387 = tpu.vector_load_idx %arg6[%gather3A_369] : memref<50000xf32, #tpu.memory_space<vmem>>[vector<16xi32>], vector<16xf32>,
      %gather3A_388 = tpu.vector_load_idx %arg6[%gather3A_370] : memref<50000xf32, #tpu.memory_space<vmem>>[vector<16xi32>], vector<16xf32>,
      %gather3A_389 = tpu.vector_load_idx %arg6[%gather3A_371] : memref<50000xf32, #tpu.memory_space<vmem>>[vector<16xi32>], vector<16xf32>,
      %gather3A_390 = tpu.vector_load_idx %arg7[%gather3A_369] : memref<50000xf32, #tpu.memory_space<vmem>>[vector<16xi32>], vector<16xf32>,
      %gather3A_391 = tpu.vector_load_idx %arg7[%gather3A_370] : memref<50000xf32, #tpu.memory_space<vmem>>[vector<16xi32>], vector<16xf32>,
      %gather3A_392 = tpu.vector_load_idx %arg7[%gather3A_371] : memref<50000xf32, #tpu.memory_space<vmem>>[vector<16xi32>], vector<16xf32>,
      %mul3A_393 = arith.mulf %bitcast3A_376, %gather3A_387 : vector<16xf32>
      %mul3A_394 = arith.mulf %bitcast3A_381, %gather3A_388 : vector<16xf32>
      %add3A_395 = arith.addf %mul3A_393, %mul3A_394 : vector<16xf32>
      %mul3A_396 = arith.mulf %bitcast3A_386, %gather3A_389 : vector<16xf32>
      %add3A_397 = arith.addf %add3A_395, %mul3A_396 : vector<16xf32>
      %mul3A_398 = arith.mulf %bitcast3A_376, %gather3A_390 : vector<16xf32>
      %mul3A_399 = arith.mulf %bitcast3A_381, %gather3A_391 : vector<16xf32>
      %add3A_400 = arith.addf %mul3A_398, %mul3A_399 : vector<16xf32>
      %mul3A_401 = arith.mulf %bitcast3A_386, %gather3A_392 : vector<16xf32>
      %add3A_402 = arith.addf %add3A_400, %mul3A_401 : vector<16xf32>
      %add3A_403 = arith.addi %add3A_368, %add3A_368 : vector<16xi32>
      tpu.vector_store_idx %arg12[%add3A_403], %add3A_397 : memref<1024xf32, #tpu.memory_space<vmem>>[vector<16xi32>], vector<16xf32>,
      %add3A_404 = arith.constant 1 : i32
      %add3A_405 = vector.broadcast %add3A_404 : i32 to vector<16xi32>
      %add3A_406 = arith.addi %add3A_403, %add3A_405 : vector<16xi32>
      tpu.vector_store_idx %arg12[%add3A_406], %add3A_402 : memref<1024xf32, #tpu.memory_space<vmem>>[vector<16xi32>], vector<16xf32>,
      %add3A_407 = arith.constant 80 : i32
      %add3A_408 = vector.broadcast %add3A_407 : i32 to vector<16xi32>
      %add3A_409 = arith.addi %iota3A, %add3A_408 : vector<16xi32>
      %gather3A_410 = tpu.vector_load_idx %arg10[%add3A_409, %broadcast_in_dim3A_5] : memref<512x8xi32, #tpu.memory_space<vmem>>[vector<16xi32>, vector<16xi32>], vector<16xi32>,
      %gather3A_411 = tpu.vector_load_idx %arg10[%add3A_409, %broadcast_in_dim3A_7] : memref<512x8xi32, #tpu.memory_space<vmem>>[vector<16xi32>, vector<16xi32>], vector<16xi32>,
      %gather3A_412 = tpu.vector_load_idx %arg10[%add3A_409, %broadcast_in_dim3A_9] : memref<512x8xi32, #tpu.memory_space<vmem>>[vector<16xi32>, vector<16xi32>], vector<16xi32>,
      %add3A_413 = arith.constant 240 : i32
      %add3A_414 = vector.broadcast %add3A_413 : i32 to vector<16xi32>
      %add3A_415 = arith.addi %add3A_4, %add3A_414 : vector<16xi32>
      %gather3A_416 = tpu.vector_load_idx %arg8[%add3A_415] : memref<2048xi32, #tpu.memory_space<vmem>>[vector<16xi32>], vector<16xi32>,
      %bitcast3A_417 = vector.bitcast %gather3A_416 : vector<16xi32> to vector<16xf32>
      %add3A_418 = arith.constant 1 : i32
      %add3A_419 = vector.broadcast %add3A_418 : i32 to vector<16xi32>
      %add3A_420 = arith.addi %add3A_415, %add3A_419 : vector<16xi32>
      %gather3A_421 = tpu.vector_load_idx %arg8[%add3A_420] : memref<2048xi32, #tpu.memory_space<vmem>>[vector<16xi32>], vector<16xi32>,
      %bitcast3A_422 = vector.bitcast %gather3A_421 : vector<16xi32> to vector<16xf32>
      %add3A_423 = arith.constant 2 : i32
      %add3A_424 = vector.broadcast %add3A_423 : i32 to vector<16xi32>
      %add3A_425 = arith.addi %add3A_415, %add3A_424 : vector<16xi32>
      %gather3A_426 = tpu.vector_load_idx %arg8[%add3A_425] : memref<2048xi32, #tpu.memory_space<vmem>>[vector<16xi32>], vector<16xi32>,
      %bitcast3A_427 = vector.bitcast %gather3A_426 : vector<16xi32> to vector<16xf32>
      %gather3A_428 = tpu.vector_load_idx %arg6[%gather3A_410] : memref<50000xf32, #tpu.memory_space<vmem>>[vector<16xi32>], vector<16xf32>,
      %gather3A_429 = tpu.vector_load_idx %arg6[%gather3A_411] : memref<50000xf32, #tpu.memory_space<vmem>>[vector<16xi32>], vector<16xf32>,
      %gather3A_430 = tpu.vector_load_idx %arg6[%gather3A_412] : memref<50000xf32, #tpu.memory_space<vmem>>[vector<16xi32>], vector<16xf32>,
      %gather3A_431 = tpu.vector_load_idx %arg7[%gather3A_410] : memref<50000xf32, #tpu.memory_space<vmem>>[vector<16xi32>], vector<16xf32>,
      %gather3A_432 = tpu.vector_load_idx %arg7[%gather3A_411] : memref<50000xf32, #tpu.memory_space<vmem>>[vector<16xi32>], vector<16xf32>,
      %gather3A_433 = tpu.vector_load_idx %arg7[%gather3A_412] : memref<50000xf32, #tpu.memory_space<vmem>>[vector<16xi32>], vector<16xf32>,
      %mul3A_434 = arith.mulf %bitcast3A_417, %gather3A_428 : vector<16xf32>
      %mul3A_435 = arith.mulf %bitcast3A_422, %gather3A_429 : vector<16xf32>
      %add3A_436 = arith.addf %mul3A_434, %mul3A_435 : vector<16xf32>
      %mul3A_437 = arith.mulf %bitcast3A_427, %gather3A_430 : vector<16xf32>
      %add3A_438 = arith.addf %add3A_436, %mul3A_437 : vector<16xf32>
      %mul3A_439 = arith.mulf %bitcast3A_417, %gather3A_431 : vector<16xf32>
      %mul3A_440 = arith.mulf %bitcast3A_422, %gather3A_432 : vector<16xf32>
      %add3A_441 = arith.addf %mul3A_439, %mul3A_440 : vector<16xf32>
      %mul3A_442 = arith.mulf %bitcast3A_427, %gather3A_433 : vector<16xf32>
      %add3A_443 = arith.addf %add3A_441, %mul3A_442 : vector<16xf32>
      %add3A_444 = arith.addi %add3A_409, %add3A_409 : vector<16xi32>
      tpu.vector_store_idx %arg12[%add3A_444], %add3A_438 : memref<1024xf32, #tpu.memory_space<vmem>>[vector<16xi32>], vector<16xf32>,
      %add3A_445 = arith.constant 1 : i32
      %add3A_446 = vector.broadcast %add3A_445 : i32 to vector<16xi32>
      %add3A_447 = arith.addi %add3A_444, %add3A_446 : vector<16xi32>
      tpu.vector_store_idx %arg12[%add3A_447], %add3A_443 : memref<1024xf32, #tpu.memory_space<vmem>>[vector<16xi32>], vector<16xf32>,
      %add3A_448 = arith.constant 96 : i32
      %add3A_449 = vector.broadcast %add3A_448 : i32 to vector<16xi32>
      %add3A_450 = arith.addi %iota3A, %add3A_449 : vector<16xi32>
      %gather3A_451 = tpu.vector_load_idx %arg10[%add3A_450, %broadcast_in_dim3A_5] : memref<512x8xi32, #tpu.memory_space<vmem>>[vector<16xi32>, vector<16xi32>], vector<16xi32>,
      %gather3A_452 = tpu.vector_load_idx %arg10[%add3A_450, %broadcast_in_dim3A_7] : memref<512x8xi32, #tpu.memory_space<vmem>>[vector<16xi32>, vector<16xi32>], vector<16xi32>,
      %gather3A_453 = tpu.vector_load_idx %arg10[%add3A_450, %broadcast_in_dim3A_9] : memref<512x8xi32, #tpu.memory_space<vmem>>[vector<16xi32>, vector<16xi32>], vector<16xi32>,
      %add3A_454 = arith.constant 288 : i32
      %add3A_455 = vector.broadcast %add3A_454 : i32 to vector<16xi32>
      %add3A_456 = arith.addi %add3A_4, %add3A_455 : vector<16xi32>
      %gather3A_457 = tpu.vector_load_idx %arg8[%add3A_456] : memref<2048xi32, #tpu.memory_space<vmem>>[vector<16xi32>], vector<16xi32>,
      %bitcast3A_458 = vector.bitcast %gather3A_457 : vector<16xi32> to vector<16xf32>
      %add3A_459 = arith.constant 1 : i32
      %add3A_460 = vector.broadcast %add3A_459 : i32 to vector<16xi32>
      %add3A_461 = arith.addi %add3A_456, %add3A_460 : vector<16xi32>
      %gather3A_462 = tpu.vector_load_idx %arg8[%add3A_461] : memref<2048xi32, #tpu.memory_space<vmem>>[vector<16xi32>], vector<16xi32>,
      %bitcast3A_463 = vector.bitcast %gather3A_462 : vector<16xi32> to vector<16xf32>
      %add3A_464 = arith.constant 2 : i32
      %add3A_465 = vector.broadcast %add3A_464 : i32 to vector<16xi32>
      %add3A_466 = arith.addi %add3A_456, %add3A_465 : vector<16xi32>
      %gather3A_467 = tpu.vector_load_idx %arg8[%add3A_466] : memref<2048xi32, #tpu.memory_space<vmem>>[vector<16xi32>], vector<16xi32>,
      %bitcast3A_468 = vector.bitcast %gather3A_467 : vector<16xi32> to vector<16xf32>
      %gather3A_469 = tpu.vector_load_idx %arg6[%gather3A_451] : memref<50000xf32, #tpu.memory_space<vmem>>[vector<16xi32>], vector<16xf32>,
      %gather3A_470 = tpu.vector_load_idx %arg6[%gather3A_452] : memref<50000xf32, #tpu.memory_space<vmem>>[vector<16xi32>], vector<16xf32>,
      %gather3A_471 = tpu.vector_load_idx %arg6[%gather3A_453] : memref<50000xf32, #tpu.memory_space<vmem>>[vector<16xi32>], vector<16xf32>,
      %gather3A_472 = tpu.vector_load_idx %arg7[%gather3A_451] : memref<50000xf32, #tpu.memory_space<vmem>>[vector<16xi32>], vector<16xf32>,
      %gather3A_473 = tpu.vector_load_idx %arg7[%gather3A_452] : memref<50000xf32, #tpu.memory_space<vmem>>[vector<16xi32>], vector<16xf32>,
      %gather3A_474 = tpu.vector_load_idx %arg7[%gather3A_453] : memref<50000xf32, #tpu.memory_space<vmem>>[vector<16xi32>], vector<16xf32>,
      %mul3A_475 = arith.mulf %bitcast3A_458, %gather3A_469 : vector<16xf32>
      %mul3A_476 = arith.mulf %bitcast3A_463, %gather3A_470 : vector<16xf32>
      %add3A_477 = arith.addf %mul3A_475, %mul3A_476 : vector<16xf32>
      %mul3A_478 = arith.mulf %bitcast3A_468, %gather3A_471 : vector<16xf32>
      %add3A_479 = arith.addf %add3A_477, %mul3A_478 : vector<16xf32>
      %mul3A_480 = arith.mulf %bitcast3A_458, %gather3A_472 : vector<16xf32>
      %mul3A_481 = arith.mulf %bitcast3A_463, %gather3A_473 : vector<16xf32>
      %add3A_482 = arith.addf %mul3A_480, %mul3A_481 : vector<16xf32>
      %mul3A_483 = arith.mulf %bitcast3A_468, %gather3A_474 : vector<16xf32>
      %add3A_484 = arith.addf %add3A_482, %mul3A_483 : vector<16xf32>
      %add3A_485 = arith.addi %add3A_450, %add3A_450 : vector<16xi32>
      tpu.vector_store_idx %arg12[%add3A_485], %add3A_479 : memref<1024xf32, #tpu.memory_space<vmem>>[vector<16xi32>], vector<16xf32>,
      %add3A_486 = arith.constant 1 : i32
      %add3A_487 = vector.broadcast %add3A_486 : i32 to vector<16xi32>
      %add3A_488 = arith.addi %add3A_485, %add3A_487 : vector<16xi32>
      tpu.vector_store_idx %arg12[%add3A_488], %add3A_484 : memref<1024xf32, #tpu.memory_space<vmem>>[vector<16xi32>], vector<16xf32>,
      %add3A_489 = arith.constant 112 : i32
      %add3A_490 = vector.broadcast %add3A_489 : i32 to vector<16xi32>
      %add3A_491 = arith.addi %iota3A, %add3A_490 : vector<16xi32>
      %gather3A_492 = tpu.vector_load_idx %arg10[%add3A_491, %broadcast_in_dim3A_5] : memref<512x8xi32, #tpu.memory_space<vmem>>[vector<16xi32>, vector<16xi32>], vector<16xi32>,
      %gather3A_493 = tpu.vector_load_idx %arg10[%add3A_491, %broadcast_in_dim3A_7] : memref<512x8xi32, #tpu.memory_space<vmem>>[vector<16xi32>, vector<16xi32>], vector<16xi32>,
      %gather3A_494 = tpu.vector_load_idx %arg10[%add3A_491, %broadcast_in_dim3A_9] : memref<512x8xi32, #tpu.memory_space<vmem>>[vector<16xi32>, vector<16xi32>], vector<16xi32>,
      %add3A_495 = arith.constant 336 : i32
      %add3A_496 = vector.broadcast %add3A_495 : i32 to vector<16xi32>
      %add3A_497 = arith.addi %add3A_4, %add3A_496 : vector<16xi32>
      %gather3A_498 = tpu.vector_load_idx %arg8[%add3A_497] : memref<2048xi32, #tpu.memory_space<vmem>>[vector<16xi32>], vector<16xi32>,
      %bitcast3A_499 = vector.bitcast %gather3A_498 : vector<16xi32> to vector<16xf32>
      %add3A_500 = arith.constant 1 : i32
      %add3A_501 = vector.broadcast %add3A_500 : i32 to vector<16xi32>
      %add3A_502 = arith.addi %add3A_497, %add3A_501 : vector<16xi32>
      %gather3A_503 = tpu.vector_load_idx %arg8[%add3A_502] : memref<2048xi32, #tpu.memory_space<vmem>>[vector<16xi32>], vector<16xi32>,
      %bitcast3A_504 = vector.bitcast %gather3A_503 : vector<16xi32> to vector<16xf32>
      %add3A_505 = arith.constant 2 : i32
      %add3A_506 = vector.broadcast %add3A_505 : i32 to vector<16xi32>
      %add3A_507 = arith.addi %add3A_497, %add3A_506 : vector<16xi32>
      %gather3A_508 = tpu.vector_load_idx %arg8[%add3A_507] : memref<2048xi32, #tpu.memory_space<vmem>>[vector<16xi32>], vector<16xi32>,
      %bitcast3A_509 = vector.bitcast %gather3A_508 : vector<16xi32> to vector<16xf32>
      %gather3A_510 = tpu.vector_load_idx %arg6[%gather3A_492] : memref<50000xf32, #tpu.memory_space<vmem>>[vector<16xi32>], vector<16xf32>,
      %gather3A_511 = tpu.vector_load_idx %arg6[%gather3A_493] : memref<50000xf32, #tpu.memory_space<vmem>>[vector<16xi32>], vector<16xf32>,
      %gather3A_512 = tpu.vector_load_idx %arg6[%gather3A_494] : memref<50000xf32, #tpu.memory_space<vmem>>[vector<16xi32>], vector<16xf32>,
      %gather3A_513 = tpu.vector_load_idx %arg7[%gather3A_492] : memref<50000xf32, #tpu.memory_space<vmem>>[vector<16xi32>], vector<16xf32>,
      %gather3A_514 = tpu.vector_load_idx %arg7[%gather3A_493] : memref<50000xf32, #tpu.memory_space<vmem>>[vector<16xi32>], vector<16xf32>,
      %gather3A_515 = tpu.vector_load_idx %arg7[%gather3A_494] : memref<50000xf32, #tpu.memory_space<vmem>>[vector<16xi32>], vector<16xf32>,
      %mul3A_516 = arith.mulf %bitcast3A_499, %gather3A_510 : vector<16xf32>
      %mul3A_517 = arith.mulf %bitcast3A_504, %gather3A_511 : vector<16xf32>
      %add3A_518 = arith.addf %mul3A_516, %mul3A_517 : vector<16xf32>
      %mul3A_519 = arith.mulf %bitcast3A_509, %gather3A_512 : vector<16xf32>
      %add3A_520 = arith.addf %add3A_518, %mul3A_519 : vector<16xf32>
      %mul3A_521 = arith.mulf %bitcast3A_499, %gather3A_513 : vector<16xf32>
      %mul3A_522 = arith.mulf %bitcast3A_504, %gather3A_514 : vector<16xf32>
      %add3A_523 = arith.addf %mul3A_521, %mul3A_522 : vector<16xf32>
      %mul3A_524 = arith.mulf %bitcast3A_509, %gather3A_515 : vector<16xf32>
      %add3A_525 = arith.addf %add3A_523, %mul3A_524 : vector<16xf32>
      %add3A_526 = arith.addi %add3A_491, %add3A_491 : vector<16xi32>
      tpu.vector_store_idx %arg12[%add3A_526], %add3A_520 : memref<1024xf32, #tpu.memory_space<vmem>>[vector<16xi32>], vector<16xf32>,
      %add3A_527 = arith.constant 1 : i32
      %add3A_528 = vector.broadcast %add3A_527 : i32 to vector<16xi32>
      %add3A_529 = arith.addi %add3A_526, %add3A_528 : vector<16xi32>
      tpu.vector_store_idx %arg12[%add3A_529], %add3A_525 : memref<1024xf32, #tpu.memory_space<vmem>>[vector<16xi32>], vector<16xf32>,
      %add3A_530 = arith.constant 128 : i32
      %add3A_531 = vector.broadcast %add3A_530 : i32 to vector<16xi32>
      %add3A_532 = arith.addi %iota3A, %add3A_531 : vector<16xi32>
      %gather3A_533 = tpu.vector_load_idx %arg10[%add3A_532, %broadcast_in_dim3A_5] : memref<512x8xi32, #tpu.memory_space<vmem>>[vector<16xi32>, vector<16xi32>], vector<16xi32>,
      %gather3A_534 = tpu.vector_load_idx %arg10[%add3A_532, %broadcast_in_dim3A_7] : memref<512x8xi32, #tpu.memory_space<vmem>>[vector<16xi32>, vector<16xi32>], vector<16xi32>,
      %gather3A_535 = tpu.vector_load_idx %arg10[%add3A_532, %broadcast_in_dim3A_9] : memref<512x8xi32, #tpu.memory_space<vmem>>[vector<16xi32>, vector<16xi32>], vector<16xi32>,
      %add3A_536 = arith.constant 384 : i32
      %add3A_537 = vector.broadcast %add3A_536 : i32 to vector<16xi32>
      %add3A_538 = arith.addi %add3A_4, %add3A_537 : vector<16xi32>
      %gather3A_539 = tpu.vector_load_idx %arg8[%add3A_538] : memref<2048xi32, #tpu.memory_space<vmem>>[vector<16xi32>], vector<16xi32>,
      %bitcast3A_540 = vector.bitcast %gather3A_539 : vector<16xi32> to vector<16xf32>
      %add3A_541 = arith.constant 1 : i32
      %add3A_542 = vector.broadcast %add3A_541 : i32 to vector<16xi32>
      %add3A_543 = arith.addi %add3A_538, %add3A_542 : vector<16xi32>
      %gather3A_544 = tpu.vector_load_idx %arg8[%add3A_543] : memref<2048xi32, #tpu.memory_space<vmem>>[vector<16xi32>], vector<16xi32>,
      %bitcast3A_545 = vector.bitcast %gather3A_544 : vector<16xi32> to vector<16xf32>
      %add3A_546 = arith.constant 2 : i32
      %add3A_547 = vector.broadcast %add3A_546 : i32 to vector<16xi32>
      %add3A_548 = arith.addi %add3A_538, %add3A_547 : vector<16xi32>
      %gather3A_549 = tpu.vector_load_idx %arg8[%add3A_548] : memref<2048xi32, #tpu.memory_space<vmem>>[vector<16xi32>], vector<16xi32>,
      %bitcast3A_550 = vector.bitcast %gather3A_549 : vector<16xi32> to vector<16xf32>
      %gather3A_551 = tpu.vector_load_idx %arg6[%gather3A_533] : memref<50000xf32, #tpu.memory_space<vmem>>[vector<16xi32>], vector<16xf32>,
      %gather3A_552 = tpu.vector_load_idx %arg6[%gather3A_534] : memref<50000xf32, #tpu.memory_space<vmem>>[vector<16xi32>], vector<16xf32>,
      %gather3A_553 = tpu.vector_load_idx %arg6[%gather3A_535] : memref<50000xf32, #tpu.memory_space<vmem>>[vector<16xi32>], vector<16xf32>,
      %gather3A_554 = tpu.vector_load_idx %arg7[%gather3A_533] : memref<50000xf32, #tpu.memory_space<vmem>>[vector<16xi32>], vector<16xf32>,
      %gather3A_555 = tpu.vector_load_idx %arg7[%gather3A_534] : memref<50000xf32, #tpu.memory_space<vmem>>[vector<16xi32>], vector<16xf32>,
      %gather3A_556 = tpu.vector_load_idx %arg7[%gather3A_535] : memref<50000xf32, #tpu.memory_space<vmem>>[vector<16xi32>], vector<16xf32>,
      %mul3A_557 = arith.mulf %bitcast3A_540, %gather3A_551 : vector<16xf32>
      %mul3A_558 = arith.mulf %bitcast3A_545, %gather3A_552 : vector<16xf32>
      %add3A_559 = arith.addf %mul3A_557, %mul3A_558 : vector<16xf32>
      %mul3A_560 = arith.mulf %bitcast3A_550, %gather3A_553 : vector<16xf32>
      %add3A_561 = arith.addf %add3A_559, %mul3A_560 : vector<16xf32>
      %mul3A_562 = arith.mulf %bitcast3A_540, %gather3A_554 : vector<16xf32>
      %mul3A_563 = arith.mulf %bitcast3A_545, %gather3A_555 : vector<16xf32>
      %add3A_564 = arith.addf %mul3A_562, %mul3A_563 : vector<16xf32>
      %mul3A_565 = arith.mulf %bitcast3A_550, %gather3A_556 : vector<16xf32>
      %add3A_566 = arith.addf %add3A_564, %mul3A_565 : vector<16xf32>
      %add3A_567 = arith.addi %add3A_532, %add3A_532 : vector<16xi32>
      tpu.vector_store_idx %arg12[%add3A_567], %add3A_561 : memref<1024xf32, #tpu.memory_space<vmem>>[vector<16xi32>], vector<16xf32>,
      %add3A_568 = arith.constant 1 : i32
      %add3A_569 = vector.broadcast %add3A_568 : i32 to vector<16xi32>
      %add3A_570 = arith.addi %add3A_567, %add3A_569 : vector<16xi32>
      tpu.vector_store_idx %arg12[%add3A_570], %add3A_566 : memref<1024xf32, #tpu.memory_space<vmem>>[vector<16xi32>], vector<16xf32>,
      %add3A_571 = arith.constant 144 : i32
      %add3A_572 = vector.broadcast %add3A_571 : i32 to vector<16xi32>
      %add3A_573 = arith.addi %iota3A, %add3A_572 : vector<16xi32>
      %gather3A_574 = tpu.vector_load_idx %arg10[%add3A_573, %broadcast_in_dim3A_5] : memref<512x8xi32, #tpu.memory_space<vmem>>[vector<16xi32>, vector<16xi32>], vector<16xi32>,
      %gather3A_575 = tpu.vector_load_idx %arg10[%add3A_573, %broadcast_in_dim3A_7] : memref<512x8xi32, #tpu.memory_space<vmem>>[vector<16xi32>, vector<16xi32>], vector<16xi32>,
      %gather3A_576 = tpu.vector_load_idx %arg10[%add3A_573, %broadcast_in_dim3A_9] : memref<512x8xi32, #tpu.memory_space<vmem>>[vector<16xi32>, vector<16xi32>], vector<16xi32>,
      %add3A_577 = arith.constant 432 : i32
      %add3A_578 = vector.broadcast %add3A_577 : i32 to vector<16xi32>
      %add3A_579 = arith.addi %add3A_4, %add3A_578 : vector<16xi32>
      %gather3A_580 = tpu.vector_load_idx %arg8[%add3A_579] : memref<2048xi32, #tpu.memory_space<vmem>>[vector<16xi32>], vector<16xi32>,
      %bitcast3A_581 = vector.bitcast %gather3A_580 : vector<16xi32> to vector<16xf32>
      %add3A_582 = arith.constant 1 : i32
      %add3A_583 = vector.broadcast %add3A_582 : i32 to vector<16xi32>
      %add3A_584 = arith.addi %add3A_579, %add3A_583 : vector<16xi32>
      %gather3A_585 = tpu.vector_load_idx %arg8[%add3A_584] : memref<2048xi32, #tpu.memory_space<vmem>>[vector<16xi32>], vector<16xi32>,
      %bitcast3A_586 = vector.bitcast %gather3A_585 : vector<16xi32> to vector<16xf32>
      %add3A_587 = arith.constant 2 : i32
      %add3A_588 = vector.broadcast %add3A_587 : i32 to vector<16xi32>
      %add3A_589 = arith.addi %add3A_579, %add3A_588 : vector<16xi32>
      %gather3A_590 = tpu.vector_load_idx %arg8[%add3A_589] : memref<2048xi32, #tpu.memory_space<vmem>>[vector<16xi32>], vector<16xi32>,
      %bitcast3A_591 = vector.bitcast %gather3A_590 : vector<16xi32> to vector<16xf32>
      %gather3A_592 = tpu.vector_load_idx %arg6[%gather3A_574] : memref<50000xf32, #tpu.memory_space<vmem>>[vector<16xi32>], vector<16xf32>,
      %gather3A_593 = tpu.vector_load_idx %arg6[%gather3A_575] : memref<50000xf32, #tpu.memory_space<vmem>>[vector<16xi32>], vector<16xf32>,
      %gather3A_594 = tpu.vector_load_idx %arg6[%gather3A_576] : memref<50000xf32, #tpu.memory_space<vmem>>[vector<16xi32>], vector<16xf32>,
      %gather3A_595 = tpu.vector_load_idx %arg7[%gather3A_574] : memref<50000xf32, #tpu.memory_space<vmem>>[vector<16xi32>], vector<16xf32>,
      %gather3A_596 = tpu.vector_load_idx %arg7[%gather3A_575] : memref<50000xf32, #tpu.memory_space<vmem>>[vector<16xi32>], vector<16xf32>,
      %gather3A_597 = tpu.vector_load_idx %arg7[%gather3A_576] : memref<50000xf32, #tpu.memory_space<vmem>>[vector<16xi32>], vector<16xf32>,
      %mul3A_598 = arith.mulf %bitcast3A_581, %gather3A_592 : vector<16xf32>
      %mul3A_599 = arith.mulf %bitcast3A_586, %gather3A_593 : vector<16xf32>
      %add3A_600 = arith.addf %mul3A_598, %mul3A_599 : vector<16xf32>
      %mul3A_601 = arith.mulf %bitcast3A_591, %gather3A_594 : vector<16xf32>
      %add3A_602 = arith.addf %add3A_600, %mul3A_601 : vector<16xf32>
      %mul3A_603 = arith.mulf %bitcast3A_581, %gather3A_595 : vector<16xf32>
      %mul3A_604 = arith.mulf %bitcast3A_586, %gather3A_596 : vector<16xf32>
      %add3A_605 = arith.addf %mul3A_603, %mul3A_604 : vector<16xf32>
      %mul3A_606 = arith.mulf %bitcast3A_591, %gather3A_597 : vector<16xf32>
      %add3A_607 = arith.addf %add3A_605, %mul3A_606 : vector<16xf32>
      %add3A_608 = arith.addi %add3A_573, %add3A_573 : vector<16xi32>
      tpu.vector_store_idx %arg12[%add3A_608], %add3A_602 : memref<1024xf32, #tpu.memory_space<vmem>>[vector<16xi32>], vector<16xf32>,
      %add3A_609 = arith.constant 1 : i32
      %add3A_610 = vector.broadcast %add3A_609 : i32 to vector<16xi32>
      %add3A_611 = arith.addi %add3A_608, %add3A_610 : vector<16xi32>
      tpu.vector_store_idx %arg12[%add3A_611], %add3A_607 : memref<1024xf32, #tpu.memory_space<vmem>>[vector<16xi32>], vector<16xf32>,
      %add3A_612 = arith.constant 160 : i32
      %add3A_613 = vector.broadcast %add3A_612 : i32 to vector<16xi32>
      %add3A_614 = arith.addi %iota3A, %add3A_613 : vector<16xi32>
      %gather3A_615 = tpu.vector_load_idx %arg10[%add3A_614, %broadcast_in_dim3A_5] : memref<512x8xi32, #tpu.memory_space<vmem>>[vector<16xi32>, vector<16xi32>], vector<16xi32>,
      %gather3A_616 = tpu.vector_load_idx %arg10[%add3A_614, %broadcast_in_dim3A_7] : memref<512x8xi32, #tpu.memory_space<vmem>>[vector<16xi32>, vector<16xi32>], vector<16xi32>,
      %gather3A_617 = tpu.vector_load_idx %arg10[%add3A_614, %broadcast_in_dim3A_9] : memref<512x8xi32, #tpu.memory_space<vmem>>[vector<16xi32>, vector<16xi32>], vector<16xi32>,
      %add3A_618 = arith.constant 480 : i32
      %add3A_619 = vector.broadcast %add3A_618 : i32 to vector<16xi32>
      %add3A_620 = arith.addi %add3A_4, %add3A_619 : vector<16xi32>
      %gather3A_621 = tpu.vector_load_idx %arg8[%add3A_620] : memref<2048xi32, #tpu.memory_space<vmem>>[vector<16xi32>], vector<16xi32>,
      %bitcast3A_622 = vector.bitcast %gather3A_621 : vector<16xi32> to vector<16xf32>
      %add3A_623 = arith.constant 1 : i32
      %add3A_624 = vector.broadcast %add3A_623 : i32 to vector<16xi32>
      %add3A_625 = arith.addi %add3A_620, %add3A_624 : vector<16xi32>
      %gather3A_626 = tpu.vector_load_idx %arg8[%add3A_625] : memref<2048xi32, #tpu.memory_space<vmem>>[vector<16xi32>], vector<16xi32>,
      %bitcast3A_627 = vector.bitcast %gather3A_626 : vector<16xi32> to vector<16xf32>
      %add3A_628 = arith.constant 2 : i32
      %add3A_629 = vector.broadcast %add3A_628 : i32 to vector<16xi32>
      %add3A_630 = arith.addi %add3A_620, %add3A_629 : vector<16xi32>
      %gather3A_631 = tpu.vector_load_idx %arg8[%add3A_630] : memref<2048xi32, #tpu.memory_space<vmem>>[vector<16xi32>], vector<16xi32>,
      %bitcast3A_632 = vector.bitcast %gather3A_631 : vector<16xi32> to vector<16xf32>
      %gather3A_633 = tpu.vector_load_idx %arg6[%gather3A_615] : memref<50000xf32, #tpu.memory_space<vmem>>[vector<16xi32>], vector<16xf32>,
      %gather3A_634 = tpu.vector_load_idx %arg6[%gather3A_616] : memref<50000xf32, #tpu.memory_space<vmem>>[vector<16xi32>], vector<16xf32>,
      %gather3A_635 = tpu.vector_load_idx %arg6[%gather3A_617] : memref<50000xf32, #tpu.memory_space<vmem>>[vector<16xi32>], vector<16xf32>,
      %gather3A_636 = tpu.vector_load_idx %arg7[%gather3A_615] : memref<50000xf32, #tpu.memory_space<vmem>>[vector<16xi32>], vector<16xf32>,
      %gather3A_637 = tpu.vector_load_idx %arg7[%gather3A_616] : memref<50000xf32, #tpu.memory_space<vmem>>[vector<16xi32>], vector<16xf32>,
      %gather3A_638 = tpu.vector_load_idx %arg7[%gather3A_617] : memref<50000xf32, #tpu.memory_space<vmem>>[vector<16xi32>], vector<16xf32>,
      %mul3A_639 = arith.mulf %bitcast3A_622, %gather3A_633 : vector<16xf32>
      %mul3A_640 = arith.mulf %bitcast3A_627, %gather3A_634 : vector<16xf32>
      %add3A_641 = arith.addf %mul3A_639, %mul3A_640 : vector<16xf32>
      %mul3A_642 = arith.mulf %bitcast3A_632, %gather3A_635 : vector<16xf32>
      %add3A_643 = arith.addf %add3A_641, %mul3A_642 : vector<16xf32>
      %mul3A_644 = arith.mulf %bitcast3A_622, %gather3A_636 : vector<16xf32>
      %mul3A_645 = arith.mulf %bitcast3A_627, %gather3A_637 : vector<16xf32>
      %add3A_646 = arith.addf %mul3A_644, %mul3A_645 : vector<16xf32>
      %mul3A_647 = arith.mulf %bitcast3A_632, %gather3A_638 : vector<16xf32>
      %add3A_648 = arith.addf %add3A_646, %mul3A_647 : vector<16xf32>
      %add3A_649 = arith.addi %add3A_614, %add3A_614 : vector<16xi32>
      tpu.vector_store_idx %arg12[%add3A_649], %add3A_643 : memref<1024xf32, #tpu.memory_space<vmem>>[vector<16xi32>], vector<16xf32>,
      %add3A_650 = arith.constant 1 : i32
      %add3A_651 = vector.broadcast %add3A_650 : i32 to vector<16xi32>
      %add3A_652 = arith.addi %add3A_649, %add3A_651 : vector<16xi32>
      tpu.vector_store_idx %arg12[%add3A_652], %add3A_648 : memref<1024xf32, #tpu.memory_space<vmem>>[vector<16xi32>], vector<16xf32>,
      %add3A_653 = arith.constant 176 : i32
      %add3A_654 = vector.broadcast %add3A_653 : i32 to vector<16xi32>
      %add3A_655 = arith.addi %iota3A, %add3A_654 : vector<16xi32>
      %gather3A_656 = tpu.vector_load_idx %arg10[%add3A_655, %broadcast_in_dim3A_5] : memref<512x8xi32, #tpu.memory_space<vmem>>[vector<16xi32>, vector<16xi32>], vector<16xi32>,
      %gather3A_657 = tpu.vector_load_idx %arg10[%add3A_655, %broadcast_in_dim3A_7] : memref<512x8xi32, #tpu.memory_space<vmem>>[vector<16xi32>, vector<16xi32>], vector<16xi32>,
      %gather3A_658 = tpu.vector_load_idx %arg10[%add3A_655, %broadcast_in_dim3A_9] : memref<512x8xi32, #tpu.memory_space<vmem>>[vector<16xi32>, vector<16xi32>], vector<16xi32>,
      %add3A_659 = arith.constant 528 : i32
      %add3A_660 = vector.broadcast %add3A_659 : i32 to vector<16xi32>
      %add3A_661 = arith.addi %add3A_4, %add3A_660 : vector<16xi32>
      %gather3A_662 = tpu.vector_load_idx %arg8[%add3A_661] : memref<2048xi32, #tpu.memory_space<vmem>>[vector<16xi32>], vector<16xi32>,
      %bitcast3A_663 = vector.bitcast %gather3A_662 : vector<16xi32> to vector<16xf32>
      %add3A_664 = arith.constant 1 : i32
      %add3A_665 = vector.broadcast %add3A_664 : i32 to vector<16xi32>
      %add3A_666 = arith.addi %add3A_661, %add3A_665 : vector<16xi32>
      %gather3A_667 = tpu.vector_load_idx %arg8[%add3A_666] : memref<2048xi32, #tpu.memory_space<vmem>>[vector<16xi32>], vector<16xi32>,
      %bitcast3A_668 = vector.bitcast %gather3A_667 : vector<16xi32> to vector<16xf32>
      %add3A_669 = arith.constant 2 : i32
      %add3A_670 = vector.broadcast %add3A_669 : i32 to vector<16xi32>
      %add3A_671 = arith.addi %add3A_661, %add3A_670 : vector<16xi32>
      %gather3A_672 = tpu.vector_load_idx %arg8[%add3A_671] : memref<2048xi32, #tpu.memory_space<vmem>>[vector<16xi32>], vector<16xi32>,
      %bitcast3A_673 = vector.bitcast %gather3A_672 : vector<16xi32> to vector<16xf32>
      %gather3A_674 = tpu.vector_load_idx %arg6[%gather3A_656] : memref<50000xf32, #tpu.memory_space<vmem>>[vector<16xi32>], vector<16xf32>,
      %gather3A_675 = tpu.vector_load_idx %arg6[%gather3A_657] : memref<50000xf32, #tpu.memory_space<vmem>>[vector<16xi32>], vector<16xf32>,
      %gather3A_676 = tpu.vector_load_idx %arg6[%gather3A_658] : memref<50000xf32, #tpu.memory_space<vmem>>[vector<16xi32>], vector<16xf32>,
      %gather3A_677 = tpu.vector_load_idx %arg7[%gather3A_656] : memref<50000xf32, #tpu.memory_space<vmem>>[vector<16xi32>], vector<16xf32>,
      %gather3A_678 = tpu.vector_load_idx %arg7[%gather3A_657] : memref<50000xf32, #tpu.memory_space<vmem>>[vector<16xi32>], vector<16xf32>,
      %gather3A_679 = tpu.vector_load_idx %arg7[%gather3A_658] : memref<50000xf32, #tpu.memory_space<vmem>>[vector<16xi32>], vector<16xf32>,
      %mul3A_680 = arith.mulf %bitcast3A_663, %gather3A_674 : vector<16xf32>
      %mul3A_681 = arith.mulf %bitcast3A_668, %gather3A_675 : vector<16xf32>
      %add3A_682 = arith.addf %mul3A_680, %mul3A_681 : vector<16xf32>
      %mul3A_683 = arith.mulf %bitcast3A_673, %gather3A_676 : vector<16xf32>
      %add3A_684 = arith.addf %add3A_682, %mul3A_683 : vector<16xf32>
      %mul3A_685 = arith.mulf %bitcast3A_663, %gather3A_677 : vector<16xf32>
      %mul3A_686 = arith.mulf %bitcast3A_668, %gather3A_678 : vector<16xf32>
      %add3A_687 = arith.addf %mul3A_685, %mul3A_686 : vector<16xf32>
      %mul3A_688 = arith.mulf %bitcast3A_673, %gather3A_679 : vector<16xf32>
      %add3A_689 = arith.addf %add3A_687, %mul3A_688 : vector<16xf32>
      %add3A_690 = arith.addi %add3A_655, %add3A_655 : vector<16xi32>
      tpu.vector_store_idx %arg12[%add3A_690], %add3A_684 : memref<1024xf32, #tpu.memory_space<vmem>>[vector<16xi32>], vector<16xf32>,
      %add3A_691 = arith.constant 1 : i32
      %add3A_692 = vector.broadcast %add3A_691 : i32 to vector<16xi32>
      %add3A_693 = arith.addi %add3A_690, %add3A_692 : vector<16xi32>
      tpu.vector_store_idx %arg12[%add3A_693], %add3A_689 : memref<1024xf32, #tpu.memory_space<vmem>>[vector<16xi32>], vector<16xf32>,
      %add3A_694 = arith.constant 192 : i32
      %add3A_695 = vector.broadcast %add3A_694 : i32 to vector<16xi32>
      %add3A_696 = arith.addi %iota3A, %add3A_695 : vector<16xi32>
      %gather3A_697 = tpu.vector_load_idx %arg10[%add3A_696, %broadcast_in_dim3A_5] : memref<512x8xi32, #tpu.memory_space<vmem>>[vector<16xi32>, vector<16xi32>], vector<16xi32>,
      %gather3A_698 = tpu.vector_load_idx %arg10[%add3A_696, %broadcast_in_dim3A_7] : memref<512x8xi32, #tpu.memory_space<vmem>>[vector<16xi32>, vector<16xi32>], vector<16xi32>,
      %gather3A_699 = tpu.vector_load_idx %arg10[%add3A_696, %broadcast_in_dim3A_9] : memref<512x8xi32, #tpu.memory_space<vmem>>[vector<16xi32>, vector<16xi32>], vector<16xi32>,
      %add3A_700 = arith.constant 576 : i32
      %add3A_701 = vector.broadcast %add3A_700 : i32 to vector<16xi32>
      %add3A_702 = arith.addi %add3A_4, %add3A_701 : vector<16xi32>
      %gather3A_703 = tpu.vector_load_idx %arg8[%add3A_702] : memref<2048xi32, #tpu.memory_space<vmem>>[vector<16xi32>], vector<16xi32>,
      %bitcast3A_704 = vector.bitcast %gather3A_703 : vector<16xi32> to vector<16xf32>
      %add3A_705 = arith.constant 1 : i32
      %add3A_706 = vector.broadcast %add3A_705 : i32 to vector<16xi32>
      %add3A_707 = arith.addi %add3A_702, %add3A_706 : vector<16xi32>
      %gather3A_708 = tpu.vector_load_idx %arg8[%add3A_707] : memref<2048xi32, #tpu.memory_space<vmem>>[vector<16xi32>], vector<16xi32>,
      %bitcast3A_709 = vector.bitcast %gather3A_708 : vector<16xi32> to vector<16xf32>
      %add3A_710 = arith.constant 2 : i32
      %add3A_711 = vector.broadcast %add3A_710 : i32 to vector<16xi32>
      %add3A_712 = arith.addi %add3A_702, %add3A_711 : vector<16xi32>
      %gather3A_713 = tpu.vector_load_idx %arg8[%add3A_712] : memref<2048xi32, #tpu.memory_space<vmem>>[vector<16xi32>], vector<16xi32>,
      %bitcast3A_714 = vector.bitcast %gather3A_713 : vector<16xi32> to vector<16xf32>
      %gather3A_715 = tpu.vector_load_idx %arg6[%gather3A_697] : memref<50000xf32, #tpu.memory_space<vmem>>[vector<16xi32>], vector<16xf32>,
      %gather3A_716 = tpu.vector_load_idx %arg6[%gather3A_698] : memref<50000xf32, #tpu.memory_space<vmem>>[vector<16xi32>], vector<16xf32>,
      %gather3A_717 = tpu.vector_load_idx %arg6[%gather3A_699] : memref<50000xf32, #tpu.memory_space<vmem>>[vector<16xi32>], vector<16xf32>,
      %gather3A_718 = tpu.vector_load_idx %arg7[%gather3A_697] : memref<50000xf32, #tpu.memory_space<vmem>>[vector<16xi32>], vector<16xf32>,
      %gather3A_719 = tpu.vector_load_idx %arg7[%gather3A_698] : memref<50000xf32, #tpu.memory_space<vmem>>[vector<16xi32>], vector<16xf32>,
      %gather3A_720 = tpu.vector_load_idx %arg7[%gather3A_699] : memref<50000xf32, #tpu.memory_space<vmem>>[vector<16xi32>], vector<16xf32>,
      %mul3A_721 = arith.mulf %bitcast3A_704, %gather3A_715 : vector<16xf32>
      %mul3A_722 = arith.mulf %bitcast3A_709, %gather3A_716 : vector<16xf32>
      %add3A_723 = arith.addf %mul3A_721, %mul3A_722 : vector<16xf32>
      %mul3A_724 = arith.mulf %bitcast3A_714, %gather3A_717 : vector<16xf32>
      %add3A_725 = arith.addf %add3A_723, %mul3A_724 : vector<16xf32>
      %mul3A_726 = arith.mulf %bitcast3A_704, %gather3A_718 : vector<16xf32>
      %mul3A_727 = arith.mulf %bitcast3A_709, %gather3A_719 : vector<16xf32>
      %add3A_728 = arith.addf %mul3A_726, %mul3A_727 : vector<16xf32>
      %mul3A_729 = arith.mulf %bitcast3A_714, %gather3A_720 : vector<16xf32>
      %add3A_730 = arith.addf %add3A_728, %mul3A_729 : vector<16xf32>
      %add3A_731 = arith.addi %add3A_696, %add3A_696 : vector<16xi32>
      tpu.vector_store_idx %arg12[%add3A_731], %add3A_725 : memref<1024xf32, #tpu.memory_space<vmem>>[vector<16xi32>], vector<16xf32>,
      %add3A_732 = arith.constant 1 : i32
      %add3A_733 = vector.broadcast %add3A_732 : i32 to vector<16xi32>
      %add3A_734 = arith.addi %add3A_731, %add3A_733 : vector<16xi32>
      tpu.vector_store_idx %arg12[%add3A_734], %add3A_730 : memref<1024xf32, #tpu.memory_space<vmem>>[vector<16xi32>], vector<16xf32>,
      %add3A_735 = arith.constant 208 : i32
      %add3A_736 = vector.broadcast %add3A_735 : i32 to vector<16xi32>
      %add3A_737 = arith.addi %iota3A, %add3A_736 : vector<16xi32>
      %gather3A_738 = tpu.vector_load_idx %arg10[%add3A_737, %broadcast_in_dim3A_5] : memref<512x8xi32, #tpu.memory_space<vmem>>[vector<16xi32>, vector<16xi32>], vector<16xi32>,
      %gather3A_739 = tpu.vector_load_idx %arg10[%add3A_737, %broadcast_in_dim3A_7] : memref<512x8xi32, #tpu.memory_space<vmem>>[vector<16xi32>, vector<16xi32>], vector<16xi32>,
      %gather3A_740 = tpu.vector_load_idx %arg10[%add3A_737, %broadcast_in_dim3A_9] : memref<512x8xi32, #tpu.memory_space<vmem>>[vector<16xi32>, vector<16xi32>], vector<16xi32>,
      %add3A_741 = arith.constant 624 : i32
      %add3A_742 = vector.broadcast %add3A_741 : i32 to vector<16xi32>
      %add3A_743 = arith.addi %add3A_4, %add3A_742 : vector<16xi32>
      %gather3A_744 = tpu.vector_load_idx %arg8[%add3A_743] : memref<2048xi32, #tpu.memory_space<vmem>>[vector<16xi32>], vector<16xi32>,
      %bitcast3A_745 = vector.bitcast %gather3A_744 : vector<16xi32> to vector<16xf32>
      %add3A_746 = arith.constant 1 : i32
      %add3A_747 = vector.broadcast %add3A_746 : i32 to vector<16xi32>
      %add3A_748 = arith.addi %add3A_743, %add3A_747 : vector<16xi32>
      %gather3A_749 = tpu.vector_load_idx %arg8[%add3A_748] : memref<2048xi32, #tpu.memory_space<vmem>>[vector<16xi32>], vector<16xi32>,
      %bitcast3A_750 = vector.bitcast %gather3A_749 : vector<16xi32> to vector<16xf32>
      %add3A_751 = arith.constant 2 : i32
      %add3A_752 = vector.broadcast %add3A_751 : i32 to vector<16xi32>
      %add3A_753 = arith.addi %add3A_743, %add3A_752 : vector<16xi32>
      %gather3A_754 = tpu.vector_load_idx %arg8[%add3A_753] : memref<2048xi32, #tpu.memory_space<vmem>>[vector<16xi32>], vector<16xi32>,
      %bitcast3A_755 = vector.bitcast %gather3A_754 : vector<16xi32> to vector<16xf32>
      %gather3A_756 = tpu.vector_load_idx %arg6[%gather3A_738] : memref<50000xf32, #tpu.memory_space<vmem>>[vector<16xi32>], vector<16xf32>,
      %gather3A_757 = tpu.vector_load_idx %arg6[%gather3A_739] : memref<50000xf32, #tpu.memory_space<vmem>>[vector<16xi32>], vector<16xf32>,
      %gather3A_758 = tpu.vector_load_idx %arg6[%gather3A_740] : memref<50000xf32, #tpu.memory_space<vmem>>[vector<16xi32>], vector<16xf32>,
      %gather3A_759 = tpu.vector_load_idx %arg7[%gather3A_738] : memref<50000xf32, #tpu.memory_space<vmem>>[vector<16xi32>], vector<16xf32>,
      %gather3A_760 = tpu.vector_load_idx %arg7[%gather3A_739] : memref<50000xf32, #tpu.memory_space<vmem>>[vector<16xi32>], vector<16xf32>,
      %gather3A_761 = tpu.vector_load_idx %arg7[%gather3A_740] : memref<50000xf32, #tpu.memory_space<vmem>>[vector<16xi32>], vector<16xf32>,
      %mul3A_762 = arith.mulf %bitcast3A_745, %gather3A_756 : vector<16xf32>
      %mul3A_763 = arith.mulf %bitcast3A_750, %gather3A_757 : vector<16xf32>
      %add3A_764 = arith.addf %mul3A_762, %mul3A_763 : vector<16xf32>
      %mul3A_765 = arith.mulf %bitcast3A_755, %gather3A_758 : vector<16xf32>
      %add3A_766 = arith.addf %add3A_764, %mul3A_765 : vector<16xf32>
      %mul3A_767 = arith.mulf %bitcast3A_745, %gather3A_759 : vector<16xf32>
      %mul3A_768 = arith.mulf %bitcast3A_750, %gather3A_760 : vector<16xf32>
      %add3A_769 = arith.addf %mul3A_767, %mul3A_768 : vector<16xf32>
      %mul3A_770 = arith.mulf %bitcast3A_755, %gather3A_761 : vector<16xf32>
      %add3A_771 = arith.addf %add3A_769, %mul3A_770 : vector<16xf32>
      %add3A_772 = arith.addi %add3A_737, %add3A_737 : vector<16xi32>
      tpu.vector_store_idx %arg12[%add3A_772], %add3A_766 : memref<1024xf32, #tpu.memory_space<vmem>>[vector<16xi32>], vector<16xf32>,
      %add3A_773 = arith.constant 1 : i32
      %add3A_774 = vector.broadcast %add3A_773 : i32 to vector<16xi32>
      %add3A_775 = arith.addi %add3A_772, %add3A_774 : vector<16xi32>
      tpu.vector_store_idx %arg12[%add3A_775], %add3A_771 : memref<1024xf32, #tpu.memory_space<vmem>>[vector<16xi32>], vector<16xf32>,
      %add3A_776 = arith.constant 224 : i32
      %add3A_777 = vector.broadcast %add3A_776 : i32 to vector<16xi32>
      %add3A_778 = arith.addi %iota3A, %add3A_777 : vector<16xi32>
      %gather3A_779 = tpu.vector_load_idx %arg10[%add3A_778, %broadcast_in_dim3A_5] : memref<512x8xi32, #tpu.memory_space<vmem>>[vector<16xi32>, vector<16xi32>], vector<16xi32>,
      %gather3A_780 = tpu.vector_load_idx %arg10[%add3A_778, %broadcast_in_dim3A_7] : memref<512x8xi32, #tpu.memory_space<vmem>>[vector<16xi32>, vector<16xi32>], vector<16xi32>,
      %gather3A_781 = tpu.vector_load_idx %arg10[%add3A_778, %broadcast_in_dim3A_9] : memref<512x8xi32, #tpu.memory_space<vmem>>[vector<16xi32>, vector<16xi32>], vector<16xi32>,
      %add3A_782 = arith.constant 672 : i32
      %add3A_783 = vector.broadcast %add3A_782 : i32 to vector<16xi32>
      %add3A_784 = arith.addi %add3A_4, %add3A_783 : vector<16xi32>
      %gather3A_785 = tpu.vector_load_idx %arg8[%add3A_784] : memref<2048xi32, #tpu.memory_space<vmem>>[vector<16xi32>], vector<16xi32>,
      %bitcast3A_786 = vector.bitcast %gather3A_785 : vector<16xi32> to vector<16xf32>
      %add3A_787 = arith.constant 1 : i32
      %add3A_788 = vector.broadcast %add3A_787 : i32 to vector<16xi32>
      %add3A_789 = arith.addi %add3A_784, %add3A_788 : vector<16xi32>
      %gather3A_790 = tpu.vector_load_idx %arg8[%add3A_789] : memref<2048xi32, #tpu.memory_space<vmem>>[vector<16xi32>], vector<16xi32>,
      %bitcast3A_791 = vector.bitcast %gather3A_790 : vector<16xi32> to vector<16xf32>
      %add3A_792 = arith.constant 2 : i32
      %add3A_793 = vector.broadcast %add3A_792 : i32 to vector<16xi32>
      %add3A_794 = arith.addi %add3A_784, %add3A_793 : vector<16xi32>
      %gather3A_795 = tpu.vector_load_idx %arg8[%add3A_794] : memref<2048xi32, #tpu.memory_space<vmem>>[vector<16xi32>], vector<16xi32>,
      %bitcast3A_796 = vector.bitcast %gather3A_795 : vector<16xi32> to vector<16xf32>
      %gather3A_797 = tpu.vector_load_idx %arg6[%gather3A_779] : memref<50000xf32, #tpu.memory_space<vmem>>[vector<16xi32>], vector<16xf32>,
      %gather3A_798 = tpu.vector_load_idx %arg6[%gather3A_780] : memref<50000xf32, #tpu.memory_space<vmem>>[vector<16xi32>], vector<16xf32>,
      %gather3A_799 = tpu.vector_load_idx %arg6[%gather3A_781] : memref<50000xf32, #tpu.memory_space<vmem>>[vector<16xi32>], vector<16xf32>,
      %gather3A_800 = tpu.vector_load_idx %arg7[%gather3A_779] : memref<50000xf32, #tpu.memory_space<vmem>>[vector<16xi32>], vector<16xf32>,
      %gather3A_801 = tpu.vector_load_idx %arg7[%gather3A_780] : memref<50000xf32, #tpu.memory_space<vmem>>[vector<16xi32>], vector<16xf32>,
      %gather3A_802 = tpu.vector_load_idx %arg7[%gather3A_781] : memref<50000xf32, #tpu.memory_space<vmem>>[vector<16xi32>], vector<16xf32>,
      %mul3A_803 = arith.mulf %bitcast3A_786, %gather3A_797 : vector<16xf32>
      %mul3A_804 = arith.mulf %bitcast3A_791, %gather3A_798 : vector<16xf32>
      %add3A_805 = arith.addf %mul3A_803, %mul3A_804 : vector<16xf32>
      %mul3A_806 = arith.mulf %bitcast3A_796, %gather3A_799 : vector<16xf32>
      %add3A_807 = arith.addf %add3A_805, %mul3A_806 : vector<16xf32>
      %mul3A_808 = arith.mulf %bitcast3A_786, %gather3A_800 : vector<16xf32>
      %mul3A_809 = arith.mulf %bitcast3A_791, %gather3A_801 : vector<16xf32>
      %add3A_810 = arith.addf %mul3A_808, %mul3A_809 : vector<16xf32>
      %mul3A_811 = arith.mulf %bitcast3A_796, %gather3A_802 : vector<16xf32>
      %add3A_812 = arith.addf %add3A_810, %mul3A_811 : vector<16xf32>
      %add3A_813 = arith.addi %add3A_778, %add3A_778 : vector<16xi32>
      tpu.vector_store_idx %arg12[%add3A_813], %add3A_807 : memref<1024xf32, #tpu.memory_space<vmem>>[vector<16xi32>], vector<16xf32>,
      %add3A_814 = arith.constant 1 : i32
      %add3A_815 = vector.broadcast %add3A_814 : i32 to vector<16xi32>
      %add3A_816 = arith.addi %add3A_813, %add3A_815 : vector<16xi32>
      tpu.vector_store_idx %arg12[%add3A_816], %add3A_812 : memref<1024xf32, #tpu.memory_space<vmem>>[vector<16xi32>], vector<16xf32>,
      %add3A_817 = arith.constant 240 : i32
      %add3A_818 = vector.broadcast %add3A_817 : i32 to vector<16xi32>
      %add3A_819 = arith.addi %iota3A, %add3A_818 : vector<16xi32>
      %gather3A_820 = tpu.vector_load_idx %arg10[%add3A_819, %broadcast_in_dim3A_5] : memref<512x8xi32, #tpu.memory_space<vmem>>[vector<16xi32>, vector<16xi32>], vector<16xi32>,
      %gather3A_821 = tpu.vector_load_idx %arg10[%add3A_819, %broadcast_in_dim3A_7] : memref<512x8xi32, #tpu.memory_space<vmem>>[vector<16xi32>, vector<16xi32>], vector<16xi32>,
      %gather3A_822 = tpu.vector_load_idx %arg10[%add3A_819, %broadcast_in_dim3A_9] : memref<512x8xi32, #tpu.memory_space<vmem>>[vector<16xi32>, vector<16xi32>], vector<16xi32>,
      %add3A_823 = arith.constant 720 : i32
      %add3A_824 = vector.broadcast %add3A_823 : i32 to vector<16xi32>
      %add3A_825 = arith.addi %add3A_4, %add3A_824 : vector<16xi32>
      %gather3A_826 = tpu.vector_load_idx %arg8[%add3A_825] : memref<2048xi32, #tpu.memory_space<vmem>>[vector<16xi32>], vector<16xi32>,
      %bitcast3A_827 = vector.bitcast %gather3A_826 : vector<16xi32> to vector<16xf32>
      %add3A_828 = arith.constant 1 : i32
      %add3A_829 = vector.broadcast %add3A_828 : i32 to vector<16xi32>
      %add3A_830 = arith.addi %add3A_825, %add3A_829 : vector<16xi32>
      %gather3A_831 = tpu.vector_load_idx %arg8[%add3A_830] : memref<2048xi32, #tpu.memory_space<vmem>>[vector<16xi32>], vector<16xi32>,
      %bitcast3A_832 = vector.bitcast %gather3A_831 : vector<16xi32> to vector<16xf32>
      %add3A_833 = arith.constant 2 : i32
      %add3A_834 = vector.broadcast %add3A_833 : i32 to vector<16xi32>
      %add3A_835 = arith.addi %add3A_825, %add3A_834 : vector<16xi32>
      %gather3A_836 = tpu.vector_load_idx %arg8[%add3A_835] : memref<2048xi32, #tpu.memory_space<vmem>>[vector<16xi32>], vector<16xi32>,
      %bitcast3A_837 = vector.bitcast %gather3A_836 : vector<16xi32> to vector<16xf32>
      %gather3A_838 = tpu.vector_load_idx %arg6[%gather3A_820] : memref<50000xf32, #tpu.memory_space<vmem>>[vector<16xi32>], vector<16xf32>,
      %gather3A_839 = tpu.vector_load_idx %arg6[%gather3A_821] : memref<50000xf32, #tpu.memory_space<vmem>>[vector<16xi32>], vector<16xf32>,
      %gather3A_840 = tpu.vector_load_idx %arg6[%gather3A_822] : memref<50000xf32, #tpu.memory_space<vmem>>[vector<16xi32>], vector<16xf32>,
      %gather3A_841 = tpu.vector_load_idx %arg7[%gather3A_820] : memref<50000xf32, #tpu.memory_space<vmem>>[vector<16xi32>], vector<16xf32>,
      %gather3A_842 = tpu.vector_load_idx %arg7[%gather3A_821] : memref<50000xf32, #tpu.memory_space<vmem>>[vector<16xi32>], vector<16xf32>,
      %gather3A_843 = tpu.vector_load_idx %arg7[%gather3A_822] : memref<50000xf32, #tpu.memory_space<vmem>>[vector<16xi32>], vector<16xf32>,
      %mul3A_844 = arith.mulf %bitcast3A_827, %gather3A_838 : vector<16xf32>
      %mul3A_845 = arith.mulf %bitcast3A_832, %gather3A_839 : vector<16xf32>
      %add3A_846 = arith.addf %mul3A_844, %mul3A_845 : vector<16xf32>
      %mul3A_847 = arith.mulf %bitcast3A_837, %gather3A_840 : vector<16xf32>
      %add3A_848 = arith.addf %add3A_846, %mul3A_847 : vector<16xf32>
      %mul3A_849 = arith.mulf %bitcast3A_827, %gather3A_841 : vector<16xf32>
      %mul3A_850 = arith.mulf %bitcast3A_832, %gather3A_842 : vector<16xf32>
      %add3A_851 = arith.addf %mul3A_849, %mul3A_850 : vector<16xf32>
      %mul3A_852 = arith.mulf %bitcast3A_837, %gather3A_843 : vector<16xf32>
      %add3A_853 = arith.addf %add3A_851, %mul3A_852 : vector<16xf32>
      %add3A_854 = arith.addi %add3A_819, %add3A_819 : vector<16xi32>
      tpu.vector_store_idx %arg12[%add3A_854], %add3A_848 : memref<1024xf32, #tpu.memory_space<vmem>>[vector<16xi32>], vector<16xf32>,
      %add3A_855 = arith.constant 1 : i32
      %add3A_856 = vector.broadcast %add3A_855 : i32 to vector<16xi32>
      %add3A_857 = arith.addi %add3A_854, %add3A_856 : vector<16xi32>
      tpu.vector_store_idx %arg12[%add3A_857], %add3A_853 : memref<1024xf32, #tpu.memory_space<vmem>>[vector<16xi32>], vector<16xf32>,
      %add3A_858 = arith.constant 256 : i32
      %add3A_859 = vector.broadcast %add3A_858 : i32 to vector<16xi32>
      %add3A_860 = arith.addi %iota3A, %add3A_859 : vector<16xi32>
      %gather3A_861 = tpu.vector_load_idx %arg10[%add3A_860, %broadcast_in_dim3A_5] : memref<512x8xi32, #tpu.memory_space<vmem>>[vector<16xi32>, vector<16xi32>], vector<16xi32>,
      %gather3A_862 = tpu.vector_load_idx %arg10[%add3A_860, %broadcast_in_dim3A_7] : memref<512x8xi32, #tpu.memory_space<vmem>>[vector<16xi32>, vector<16xi32>], vector<16xi32>,
      %gather3A_863 = tpu.vector_load_idx %arg10[%add3A_860, %broadcast_in_dim3A_9] : memref<512x8xi32, #tpu.memory_space<vmem>>[vector<16xi32>, vector<16xi32>], vector<16xi32>,
      %add3A_864 = arith.constant 768 : i32
      %add3A_865 = vector.broadcast %add3A_864 : i32 to vector<16xi32>
      %add3A_866 = arith.addi %add3A_4, %add3A_865 : vector<16xi32>
      %gather3A_867 = tpu.vector_load_idx %arg8[%add3A_866] : memref<2048xi32, #tpu.memory_space<vmem>>[vector<16xi32>], vector<16xi32>,
      %bitcast3A_868 = vector.bitcast %gather3A_867 : vector<16xi32> to vector<16xf32>
      %add3A_869 = arith.constant 1 : i32
      %add3A_870 = vector.broadcast %add3A_869 : i32 to vector<16xi32>
      %add3A_871 = arith.addi %add3A_866, %add3A_870 : vector<16xi32>
      %gather3A_872 = tpu.vector_load_idx %arg8[%add3A_871] : memref<2048xi32, #tpu.memory_space<vmem>>[vector<16xi32>], vector<16xi32>,
      %bitcast3A_873 = vector.bitcast %gather3A_872 : vector<16xi32> to vector<16xf32>
      %add3A_874 = arith.constant 2 : i32
      %add3A_875 = vector.broadcast %add3A_874 : i32 to vector<16xi32>
      %add3A_876 = arith.addi %add3A_866, %add3A_875 : vector<16xi32>
      %gather3A_877 = tpu.vector_load_idx %arg8[%add3A_876] : memref<2048xi32, #tpu.memory_space<vmem>>[vector<16xi32>], vector<16xi32>,
      %bitcast3A_878 = vector.bitcast %gather3A_877 : vector<16xi32> to vector<16xf32>
      %gather3A_879 = tpu.vector_load_idx %arg6[%gather3A_861] : memref<50000xf32, #tpu.memory_space<vmem>>[vector<16xi32>], vector<16xf32>,
      %gather3A_880 = tpu.vector_load_idx %arg6[%gather3A_862] : memref<50000xf32, #tpu.memory_space<vmem>>[vector<16xi32>], vector<16xf32>,
      %gather3A_881 = tpu.vector_load_idx %arg6[%gather3A_863] : memref<50000xf32, #tpu.memory_space<vmem>>[vector<16xi32>], vector<16xf32>,
      %gather3A_882 = tpu.vector_load_idx %arg7[%gather3A_861] : memref<50000xf32, #tpu.memory_space<vmem>>[vector<16xi32>], vector<16xf32>,
      %gather3A_883 = tpu.vector_load_idx %arg7[%gather3A_862] : memref<50000xf32, #tpu.memory_space<vmem>>[vector<16xi32>], vector<16xf32>,
      %gather3A_884 = tpu.vector_load_idx %arg7[%gather3A_863] : memref<50000xf32, #tpu.memory_space<vmem>>[vector<16xi32>], vector<16xf32>,
      %mul3A_885 = arith.mulf %bitcast3A_868, %gather3A_879 : vector<16xf32>
      %mul3A_886 = arith.mulf %bitcast3A_873, %gather3A_880 : vector<16xf32>
      %add3A_887 = arith.addf %mul3A_885, %mul3A_886 : vector<16xf32>
      %mul3A_888 = arith.mulf %bitcast3A_878, %gather3A_881 : vector<16xf32>
      %add3A_889 = arith.addf %add3A_887, %mul3A_888 : vector<16xf32>
      %mul3A_890 = arith.mulf %bitcast3A_868, %gather3A_882 : vector<16xf32>
      %mul3A_891 = arith.mulf %bitcast3A_873, %gather3A_883 : vector<16xf32>
      %add3A_892 = arith.addf %mul3A_890, %mul3A_891 : vector<16xf32>
      %mul3A_893 = arith.mulf %bitcast3A_878, %gather3A_884 : vector<16xf32>
      %add3A_894 = arith.addf %add3A_892, %mul3A_893 : vector<16xf32>
      %add3A_895 = arith.addi %add3A_860, %add3A_860 : vector<16xi32>
      tpu.vector_store_idx %arg12[%add3A_895], %add3A_889 : memref<1024xf32, #tpu.memory_space<vmem>>[vector<16xi32>], vector<16xf32>,
      %add3A_896 = arith.constant 1 : i32
      %add3A_897 = vector.broadcast %add3A_896 : i32 to vector<16xi32>
      %add3A_898 = arith.addi %add3A_895, %add3A_897 : vector<16xi32>
      tpu.vector_store_idx %arg12[%add3A_898], %add3A_894 : memref<1024xf32, #tpu.memory_space<vmem>>[vector<16xi32>], vector<16xf32>,
      %add3A_899 = arith.constant 272 : i32
      %add3A_900 = vector.broadcast %add3A_899 : i32 to vector<16xi32>
      %add3A_901 = arith.addi %iota3A, %add3A_900 : vector<16xi32>
      %gather3A_902 = tpu.vector_load_idx %arg10[%add3A_901, %broadcast_in_dim3A_5] : memref<512x8xi32, #tpu.memory_space<vmem>>[vector<16xi32>, vector<16xi32>], vector<16xi32>,
      %gather3A_903 = tpu.vector_load_idx %arg10[%add3A_901, %broadcast_in_dim3A_7] : memref<512x8xi32, #tpu.memory_space<vmem>>[vector<16xi32>, vector<16xi32>], vector<16xi32>,
      %gather3A_904 = tpu.vector_load_idx %arg10[%add3A_901, %broadcast_in_dim3A_9] : memref<512x8xi32, #tpu.memory_space<vmem>>[vector<16xi32>, vector<16xi32>], vector<16xi32>,
      %add3A_905 = arith.constant 816 : i32
      %add3A_906 = vector.broadcast %add3A_905 : i32 to vector<16xi32>
      %add3A_907 = arith.addi %add3A_4, %add3A_906 : vector<16xi32>
      %gather3A_908 = tpu.vector_load_idx %arg8[%add3A_907] : memref<2048xi32, #tpu.memory_space<vmem>>[vector<16xi32>], vector<16xi32>,
      %bitcast3A_909 = vector.bitcast %gather3A_908 : vector<16xi32> to vector<16xf32>
      %add3A_910 = arith.constant 1 : i32
      %add3A_911 = vector.broadcast %add3A_910 : i32 to vector<16xi32>
      %add3A_912 = arith.addi %add3A_907, %add3A_911 : vector<16xi32>
      %gather3A_913 = tpu.vector_load_idx %arg8[%add3A_912] : memref<2048xi32, #tpu.memory_space<vmem>>[vector<16xi32>], vector<16xi32>,
      %bitcast3A_914 = vector.bitcast %gather3A_913 : vector<16xi32> to vector<16xf32>
      %add3A_915 = arith.constant 2 : i32
      %add3A_916 = vector.broadcast %add3A_915 : i32 to vector<16xi32>
      %add3A_917 = arith.addi %add3A_907, %add3A_916 : vector<16xi32>
      %gather3A_918 = tpu.vector_load_idx %arg8[%add3A_917] : memref<2048xi32, #tpu.memory_space<vmem>>[vector<16xi32>], vector<16xi32>,
      %bitcast3A_919 = vector.bitcast %gather3A_918 : vector<16xi32> to vector<16xf32>
      %gather3A_920 = tpu.vector_load_idx %arg6[%gather3A_902] : memref<50000xf32, #tpu.memory_space<vmem>>[vector<16xi32>], vector<16xf32>,
      %gather3A_921 = tpu.vector_load_idx %arg6[%gather3A_903] : memref<50000xf32, #tpu.memory_space<vmem>>[vector<16xi32>], vector<16xf32>,
      %gather3A_922 = tpu.vector_load_idx %arg6[%gather3A_904] : memref<50000xf32, #tpu.memory_space<vmem>>[vector<16xi32>], vector<16xf32>,
      %gather3A_923 = tpu.vector_load_idx %arg7[%gather3A_902] : memref<50000xf32, #tpu.memory_space<vmem>>[vector<16xi32>], vector<16xf32>,
      %gather3A_924 = tpu.vector_load_idx %arg7[%gather3A_903] : memref<50000xf32, #tpu.memory_space<vmem>>[vector<16xi32>], vector<16xf32>,
      %gather3A_925 = tpu.vector_load_idx %arg7[%gather3A_904] : memref<50000xf32, #tpu.memory_space<vmem>>[vector<16xi32>], vector<16xf32>,
      %mul3A_926 = arith.mulf %bitcast3A_909, %gather3A_920 : vector<16xf32>
      %mul3A_927 = arith.mulf %bitcast3A_914, %gather3A_921 : vector<16xf32>
      %add3A_928 = arith.addf %mul3A_926, %mul3A_927 : vector<16xf32>
      %mul3A_929 = arith.mulf %bitcast3A_919, %gather3A_922 : vector<16xf32>
      %add3A_930 = arith.addf %add3A_928, %mul3A_929 : vector<16xf32>
      %mul3A_931 = arith.mulf %bitcast3A_909, %gather3A_923 : vector<16xf32>
      %mul3A_932 = arith.mulf %bitcast3A_914, %gather3A_924 : vector<16xf32>
      %add3A_933 = arith.addf %mul3A_931, %mul3A_932 : vector<16xf32>
      %mul3A_934 = arith.mulf %bitcast3A_919, %gather3A_925 : vector<16xf32>
      %add3A_935 = arith.addf %add3A_933, %mul3A_934 : vector<16xf32>
      %add3A_936 = arith.addi %add3A_901, %add3A_901 : vector<16xi32>
      tpu.vector_store_idx %arg12[%add3A_936], %add3A_930 : memref<1024xf32, #tpu.memory_space<vmem>>[vector<16xi32>], vector<16xf32>,
      %add3A_937 = arith.constant 1 : i32
      %add3A_938 = vector.broadcast %add3A_937 : i32 to vector<16xi32>
      %add3A_939 = arith.addi %add3A_936, %add3A_938 : vector<16xi32>
      tpu.vector_store_idx %arg12[%add3A_939], %add3A_935 : memref<1024xf32, #tpu.memory_space<vmem>>[vector<16xi32>], vector<16xf32>,
      %add3A_940 = arith.constant 288 : i32
      %add3A_941 = vector.broadcast %add3A_940 : i32 to vector<16xi32>
      %add3A_942 = arith.addi %iota3A, %add3A_941 : vector<16xi32>
      %gather3A_943 = tpu.vector_load_idx %arg10[%add3A_942, %broadcast_in_dim3A_5] : memref<512x8xi32, #tpu.memory_space<vmem>>[vector<16xi32>, vector<16xi32>], vector<16xi32>,
      %gather3A_944 = tpu.vector_load_idx %arg10[%add3A_942, %broadcast_in_dim3A_7] : memref<512x8xi32, #tpu.memory_space<vmem>>[vector<16xi32>, vector<16xi32>], vector<16xi32>,
      %gather3A_945 = tpu.vector_load_idx %arg10[%add3A_942, %broadcast_in_dim3A_9] : memref<512x8xi32, #tpu.memory_space<vmem>>[vector<16xi32>, vector<16xi32>], vector<16xi32>,
      %add3A_946 = arith.constant 864 : i32
      %add3A_947 = vector.broadcast %add3A_946 : i32 to vector<16xi32>
      %add3A_948 = arith.addi %add3A_4, %add3A_947 : vector<16xi32>
      %gather3A_949 = tpu.vector_load_idx %arg8[%add3A_948] : memref<2048xi32, #tpu.memory_space<vmem>>[vector<16xi32>], vector<16xi32>,
      %bitcast3A_950 = vector.bitcast %gather3A_949 : vector<16xi32> to vector<16xf32>
      %add3A_951 = arith.constant 1 : i32
      %add3A_952 = vector.broadcast %add3A_951 : i32 to vector<16xi32>
      %add3A_953 = arith.addi %add3A_948, %add3A_952 : vector<16xi32>
      %gather3A_954 = tpu.vector_load_idx %arg8[%add3A_953] : memref<2048xi32, #tpu.memory_space<vmem>>[vector<16xi32>], vector<16xi32>,
      %bitcast3A_955 = vector.bitcast %gather3A_954 : vector<16xi32> to vector<16xf32>
      %add3A_956 = arith.constant 2 : i32
      %add3A_957 = vector.broadcast %add3A_956 : i32 to vector<16xi32>
      %add3A_958 = arith.addi %add3A_948, %add3A_957 : vector<16xi32>
      %gather3A_959 = tpu.vector_load_idx %arg8[%add3A_958] : memref<2048xi32, #tpu.memory_space<vmem>>[vector<16xi32>], vector<16xi32>,
      %bitcast3A_960 = vector.bitcast %gather3A_959 : vector<16xi32> to vector<16xf32>
      %gather3A_961 = tpu.vector_load_idx %arg6[%gather3A_943] : memref<50000xf32, #tpu.memory_space<vmem>>[vector<16xi32>], vector<16xf32>,
      %gather3A_962 = tpu.vector_load_idx %arg6[%gather3A_944] : memref<50000xf32, #tpu.memory_space<vmem>>[vector<16xi32>], vector<16xf32>,
      %gather3A_963 = tpu.vector_load_idx %arg6[%gather3A_945] : memref<50000xf32, #tpu.memory_space<vmem>>[vector<16xi32>], vector<16xf32>,
      %gather3A_964 = tpu.vector_load_idx %arg7[%gather3A_943] : memref<50000xf32, #tpu.memory_space<vmem>>[vector<16xi32>], vector<16xf32>,
      %gather3A_965 = tpu.vector_load_idx %arg7[%gather3A_944] : memref<50000xf32, #tpu.memory_space<vmem>>[vector<16xi32>], vector<16xf32>,
      %gather3A_966 = tpu.vector_load_idx %arg7[%gather3A_945] : memref<50000xf32, #tpu.memory_space<vmem>>[vector<16xi32>], vector<16xf32>,
      %mul3A_967 = arith.mulf %bitcast3A_950, %gather3A_961 : vector<16xf32>
      %mul3A_968 = arith.mulf %bitcast3A_955, %gather3A_962 : vector<16xf32>
      %add3A_969 = arith.addf %mul3A_967, %mul3A_968 : vector<16xf32>
      %mul3A_970 = arith.mulf %bitcast3A_960, %gather3A_963 : vector<16xf32>
      %add3A_971 = arith.addf %add3A_969, %mul3A_970 : vector<16xf32>
      %mul3A_972 = arith.mulf %bitcast3A_950, %gather3A_964 : vector<16xf32>
      %mul3A_973 = arith.mulf %bitcast3A_955, %gather3A_965 : vector<16xf32>
      %add3A_974 = arith.addf %mul3A_972, %mul3A_973 : vector<16xf32>
      %mul3A_975 = arith.mulf %bitcast3A_960, %gather3A_966 : vector<16xf32>
      %add3A_976 = arith.addf %add3A_974, %mul3A_975 : vector<16xf32>
      %add3A_977 = arith.addi %add3A_942, %add3A_942 : vector<16xi32>
      tpu.vector_store_idx %arg12[%add3A_977], %add3A_971 : memref<1024xf32, #tpu.memory_space<vmem>>[vector<16xi32>], vector<16xf32>,
      %add3A_978 = arith.constant 1 : i32
      %add3A_979 = vector.broadcast %add3A_978 : i32 to vector<16xi32>
      %add3A_980 = arith.addi %add3A_977, %add3A_979 : vector<16xi32>
      tpu.vector_store_idx %arg12[%add3A_980], %add3A_976 : memref<1024xf32, #tpu.memory_space<vmem>>[vector<16xi32>], vector<16xf32>,
      %add3A_981 = arith.constant 304 : i32
      %add3A_982 = vector.broadcast %add3A_981 : i32 to vector<16xi32>
      %add3A_983 = arith.addi %iota3A, %add3A_982 : vector<16xi32>
      %gather3A_984 = tpu.vector_load_idx %arg10[%add3A_983, %broadcast_in_dim3A_5] : memref<512x8xi32, #tpu.memory_space<vmem>>[vector<16xi32>, vector<16xi32>], vector<16xi32>,
      %gather3A_985 = tpu.vector_load_idx %arg10[%add3A_983, %broadcast_in_dim3A_7] : memref<512x8xi32, #tpu.memory_space<vmem>>[vector<16xi32>, vector<16xi32>], vector<16xi32>,
      %gather3A_986 = tpu.vector_load_idx %arg10[%add3A_983, %broadcast_in_dim3A_9] : memref<512x8xi32, #tpu.memory_space<vmem>>[vector<16xi32>, vector<16xi32>], vector<16xi32>,
      %add3A_987 = arith.constant 912 : i32
      %add3A_988 = vector.broadcast %add3A_987 : i32 to vector<16xi32>
      %add3A_989 = arith.addi %add3A_4, %add3A_988 : vector<16xi32>
      %gather3A_990 = tpu.vector_load_idx %arg8[%add3A_989] : memref<2048xi32, #tpu.memory_space<vmem>>[vector<16xi32>], vector<16xi32>,
      %bitcast3A_991 = vector.bitcast %gather3A_990 : vector<16xi32> to vector<16xf32>
      %add3A_992 = arith.constant 1 : i32
      %add3A_993 = vector.broadcast %add3A_992 : i32 to vector<16xi32>
      %add3A_994 = arith.addi %add3A_989, %add3A_993 : vector<16xi32>
      %gather3A_995 = tpu.vector_load_idx %arg8[%add3A_994] : memref<2048xi32, #tpu.memory_space<vmem>>[vector<16xi32>], vector<16xi32>,
      %bitcast3A_996 = vector.bitcast %gather3A_995 : vector<16xi32> to vector<16xf32>
      %add3A_997 = arith.constant 2 : i32
      %add3A_998 = vector.broadcast %add3A_997 : i32 to vector<16xi32>
      %add3A_999 = arith.addi %add3A_989, %add3A_998 : vector<16xi32>
      %gather3A_1000 = tpu.vector_load_idx %arg8[%add3A_999] : memref<2048xi32, #tpu.memory_space<vmem>>[vector<16xi32>], vector<16xi32>,
      %bitcast3A_1001 = vector.bitcast %gather3A_1000 : vector<16xi32> to vector<16xf32>
      %gather3A_1002 = tpu.vector_load_idx %arg6[%gather3A_984] : memref<50000xf32, #tpu.memory_space<vmem>>[vector<16xi32>], vector<16xf32>,
      %gather3A_1003 = tpu.vector_load_idx %arg6[%gather3A_985] : memref<50000xf32, #tpu.memory_space<vmem>>[vector<16xi32>], vector<16xf32>,
      %gather3A_1004 = tpu.vector_load_idx %arg6[%gather3A_986] : memref<50000xf32, #tpu.memory_space<vmem>>[vector<16xi32>], vector<16xf32>,
      %gather3A_1005 = tpu.vector_load_idx %arg7[%gather3A_984] : memref<50000xf32, #tpu.memory_space<vmem>>[vector<16xi32>], vector<16xf32>,
      %gather3A_1006 = tpu.vector_load_idx %arg7[%gather3A_985] : memref<50000xf32, #tpu.memory_space<vmem>>[vector<16xi32>], vector<16xf32>,
      %gather3A_1007 = tpu.vector_load_idx %arg7[%gather3A_986] : memref<50000xf32, #tpu.memory_space<vmem>>[vector<16xi32>], vector<16xf32>,
      %mul3A_1008 = arith.mulf %bitcast3A_991, %gather3A_1002 : vector<16xf32>
      %mul3A_1009 = arith.mulf %bitcast3A_996, %gather3A_1003 : vector<16xf32>
      %add3A_1010 = arith.addf %mul3A_1008, %mul3A_1009 : vector<16xf32>
      %mul3A_1011 = arith.mulf %bitcast3A_1001, %gather3A_1004 : vector<16xf32>
      %add3A_1012 = arith.addf %add3A_1010, %mul3A_1011 : vector<16xf32>
      %mul3A_1013 = arith.mulf %bitcast3A_991, %gather3A_1005 : vector<16xf32>
      %mul3A_1014 = arith.mulf %bitcast3A_996, %gather3A_1006 : vector<16xf32>
      %add3A_1015 = arith.addf %mul3A_1013, %mul3A_1014 : vector<16xf32>
      %mul3A_1016 = arith.mulf %bitcast3A_1001, %gather3A_1007 : vector<16xf32>
      %add3A_1017 = arith.addf %add3A_1015, %mul3A_1016 : vector<16xf32>
      %add3A_1018 = arith.addi %add3A_983, %add3A_983 : vector<16xi32>
      tpu.vector_store_idx %arg12[%add3A_1018], %add3A_1012 : memref<1024xf32, #tpu.memory_space<vmem>>[vector<16xi32>], vector<16xf32>,
      %add3A_1019 = arith.constant 1 : i32
      %add3A_1020 = vector.broadcast %add3A_1019 : i32 to vector<16xi32>
      %add3A_1021 = arith.addi %add3A_1018, %add3A_1020 : vector<16xi32>
      tpu.vector_store_idx %arg12[%add3A_1021], %add3A_1017 : memref<1024xf32, #tpu.memory_space<vmem>>[vector<16xi32>], vector<16xf32>,
      %add3A_1022 = arith.constant 320 : i32
      %add3A_1023 = vector.broadcast %add3A_1022 : i32 to vector<16xi32>
      %add3A_1024 = arith.addi %iota3A, %add3A_1023 : vector<16xi32>
      %gather3A_1025 = tpu.vector_load_idx %arg10[%add3A_1024, %broadcast_in_dim3A_5] : memref<512x8xi32, #tpu.memory_space<vmem>>[vector<16xi32>, vector<16xi32>], vector<16xi32>,
      %gather3A_1026 = tpu.vector_load_idx %arg10[%add3A_1024, %broadcast_in_dim3A_7] : memref<512x8xi32, #tpu.memory_space<vmem>>[vector<16xi32>, vector<16xi32>], vector<16xi32>,
      %gather3A_1027 = tpu.vector_load_idx %arg10[%add3A_1024, %broadcast_in_dim3A_9] : memref<512x8xi32, #tpu.memory_space<vmem>>[vector<16xi32>, vector<16xi32>], vector<16xi32>,
      %add3A_1028 = arith.constant 960 : i32
      %add3A_1029 = vector.broadcast %add3A_1028 : i32 to vector<16xi32>
      %add3A_1030 = arith.addi %add3A_4, %add3A_1029 : vector<16xi32>
      %gather3A_1031 = tpu.vector_load_idx %arg8[%add3A_1030] : memref<2048xi32, #tpu.memory_space<vmem>>[vector<16xi32>], vector<16xi32>,
      %bitcast3A_1032 = vector.bitcast %gather3A_1031 : vector<16xi32> to vector<16xf32>
      %add3A_1033 = arith.constant 1 : i32
      %add3A_1034 = vector.broadcast %add3A_1033 : i32 to vector<16xi32>
      %add3A_1035 = arith.addi %add3A_1030, %add3A_1034 : vector<16xi32>
      %gather3A_1036 = tpu.vector_load_idx %arg8[%add3A_1035] : memref<2048xi32, #tpu.memory_space<vmem>>[vector<16xi32>], vector<16xi32>,
      %bitcast3A_1037 = vector.bitcast %gather3A_1036 : vector<16xi32> to vector<16xf32>
      %add3A_1038 = arith.constant 2 : i32
      %add3A_1039 = vector.broadcast %add3A_1038 : i32 to vector<16xi32>
      %add3A_1040 = arith.addi %add3A_1030, %add3A_1039 : vector<16xi32>
      %gather3A_1041 = tpu.vector_load_idx %arg8[%add3A_1040] : memref<2048xi32, #tpu.memory_space<vmem>>[vector<16xi32>], vector<16xi32>,
      %bitcast3A_1042 = vector.bitcast %gather3A_1041 : vector<16xi32> to vector<16xf32>
      %gather3A_1043 = tpu.vector_load_idx %arg6[%gather3A_1025] : memref<50000xf32, #tpu.memory_space<vmem>>[vector<16xi32>], vector<16xf32>,
      %gather3A_1044 = tpu.vector_load_idx %arg6[%gather3A_1026] : memref<50000xf32, #tpu.memory_space<vmem>>[vector<16xi32>], vector<16xf32>,
      %gather3A_1045 = tpu.vector_load_idx %arg6[%gather3A_1027] : memref<50000xf32, #tpu.memory_space<vmem>>[vector<16xi32>], vector<16xf32>,
      %gather3A_1046 = tpu.vector_load_idx %arg7[%gather3A_1025] : memref<50000xf32, #tpu.memory_space<vmem>>[vector<16xi32>], vector<16xf32>,
      %gather3A_1047 = tpu.vector_load_idx %arg7[%gather3A_1026] : memref<50000xf32, #tpu.memory_space<vmem>>[vector<16xi32>], vector<16xf32>,
      %gather3A_1048 = tpu.vector_load_idx %arg7[%gather3A_1027] : memref<50000xf32, #tpu.memory_space<vmem>>[vector<16xi32>], vector<16xf32>,
      %mul3A_1049 = arith.mulf %bitcast3A_1032, %gather3A_1043 : vector<16xf32>
      %mul3A_1050 = arith.mulf %bitcast3A_1037, %gather3A_1044 : vector<16xf32>
      %add3A_1051 = arith.addf %mul3A_1049, %mul3A_1050 : vector<16xf32>
      %mul3A_1052 = arith.mulf %bitcast3A_1042, %gather3A_1045 : vector<16xf32>
      %add3A_1053 = arith.addf %add3A_1051, %mul3A_1052 : vector<16xf32>
      %mul3A_1054 = arith.mulf %bitcast3A_1032, %gather3A_1046 : vector<16xf32>
      %mul3A_1055 = arith.mulf %bitcast3A_1037, %gather3A_1047 : vector<16xf32>
      %add3A_1056 = arith.addf %mul3A_1054, %mul3A_1055 : vector<16xf32>
      %mul3A_1057 = arith.mulf %bitcast3A_1042, %gather3A_1048 : vector<16xf32>
      %add3A_1058 = arith.addf %add3A_1056, %mul3A_1057 : vector<16xf32>
      %add3A_1059 = arith.addi %add3A_1024, %add3A_1024 : vector<16xi32>
      tpu.vector_store_idx %arg12[%add3A_1059], %add3A_1053 : memref<1024xf32, #tpu.memory_space<vmem>>[vector<16xi32>], vector<16xf32>,
      %add3A_1060 = arith.constant 1 : i32
      %add3A_1061 = vector.broadcast %add3A_1060 : i32 to vector<16xi32>
      %add3A_1062 = arith.addi %add3A_1059, %add3A_1061 : vector<16xi32>
      tpu.vector_store_idx %arg12[%add3A_1062], %add3A_1058 : memref<1024xf32, #tpu.memory_space<vmem>>[vector<16xi32>], vector<16xf32>,
      %add3A_1063 = arith.constant 336 : i32
      %add3A_1064 = vector.broadcast %add3A_1063 : i32 to vector<16xi32>
      %add3A_1065 = arith.addi %iota3A, %add3A_1064 : vector<16xi32>
      %gather3A_1066 = tpu.vector_load_idx %arg10[%add3A_1065, %broadcast_in_dim3A_5] : memref<512x8xi32, #tpu.memory_space<vmem>>[vector<16xi32>, vector<16xi32>], vector<16xi32>,
      %gather3A_1067 = tpu.vector_load_idx %arg10[%add3A_1065, %broadcast_in_dim3A_7] : memref<512x8xi32, #tpu.memory_space<vmem>>[vector<16xi32>, vector<16xi32>], vector<16xi32>,
      %gather3A_1068 = tpu.vector_load_idx %arg10[%add3A_1065, %broadcast_in_dim3A_9] : memref<512x8xi32, #tpu.memory_space<vmem>>[vector<16xi32>, vector<16xi32>], vector<16xi32>,
      %add3A_1069 = arith.constant 1008 : i32
      %add3A_1070 = vector.broadcast %add3A_1069 : i32 to vector<16xi32>
      %add3A_1071 = arith.addi %add3A_4, %add3A_1070 : vector<16xi32>
      %gather3A_1072 = tpu.vector_load_idx %arg8[%add3A_1071] : memref<2048xi32, #tpu.memory_space<vmem>>[vector<16xi32>], vector<16xi32>,
      %bitcast3A_1073 = vector.bitcast %gather3A_1072 : vector<16xi32> to vector<16xf32>
      %add3A_1074 = arith.constant 1 : i32
      %add3A_1075 = vector.broadcast %add3A_1074 : i32 to vector<16xi32>
      %add3A_1076 = arith.addi %add3A_1071, %add3A_1075 : vector<16xi32>
      %gather3A_1077 = tpu.vector_load_idx %arg8[%add3A_1076] : memref<2048xi32, #tpu.memory_space<vmem>>[vector<16xi32>], vector<16xi32>,
      %bitcast3A_1078 = vector.bitcast %gather3A_1077 : vector<16xi32> to vector<16xf32>
      %add3A_1079 = arith.constant 2 : i32
      %add3A_1080 = vector.broadcast %add3A_1079 : i32 to vector<16xi32>
      %add3A_1081 = arith.addi %add3A_1071, %add3A_1080 : vector<16xi32>
      %gather3A_1082 = tpu.vector_load_idx %arg8[%add3A_1081] : memref<2048xi32, #tpu.memory_space<vmem>>[vector<16xi32>], vector<16xi32>,
      %bitcast3A_1083 = vector.bitcast %gather3A_1082 : vector<16xi32> to vector<16xf32>
      %gather3A_1084 = tpu.vector_load_idx %arg6[%gather3A_1066] : memref<50000xf32, #tpu.memory_space<vmem>>[vector<16xi32>], vector<16xf32>,
      %gather3A_1085 = tpu.vector_load_idx %arg6[%gather3A_1067] : memref<50000xf32, #tpu.memory_space<vmem>>[vector<16xi32>], vector<16xf32>,
      %gather3A_1086 = tpu.vector_load_idx %arg6[%gather3A_1068] : memref<50000xf32, #tpu.memory_space<vmem>>[vector<16xi32>], vector<16xf32>,
      %gather3A_1087 = tpu.vector_load_idx %arg7[%gather3A_1066] : memref<50000xf32, #tpu.memory_space<vmem>>[vector<16xi32>], vector<16xf32>,
      %gather3A_1088 = tpu.vector_load_idx %arg7[%gather3A_1067] : memref<50000xf32, #tpu.memory_space<vmem>>[vector<16xi32>], vector<16xf32>,
      %gather3A_1089 = tpu.vector_load_idx %arg7[%gather3A_1068] : memref<50000xf32, #tpu.memory_space<vmem>>[vector<16xi32>], vector<16xf32>,
      %mul3A_1090 = arith.mulf %bitcast3A_1073, %gather3A_1084 : vector<16xf32>
      %mul3A_1091 = arith.mulf %bitcast3A_1078, %gather3A_1085 : vector<16xf32>
      %add3A_1092 = arith.addf %mul3A_1090, %mul3A_1091 : vector<16xf32>
      %mul3A_1093 = arith.mulf %bitcast3A_1083, %gather3A_1086 : vector<16xf32>
      %add3A_1094 = arith.addf %add3A_1092, %mul3A_1093 : vector<16xf32>
      %mul3A_1095 = arith.mulf %bitcast3A_1073, %gather3A_1087 : vector<16xf32>
      %mul3A_1096 = arith.mulf %bitcast3A_1078, %gather3A_1088 : vector<16xf32>
      %add3A_1097 = arith.addf %mul3A_1095, %mul3A_1096 : vector<16xf32>
      %mul3A_1098 = arith.mulf %bitcast3A_1083, %gather3A_1089 : vector<16xf32>
      %add3A_1099 = arith.addf %add3A_1097, %mul3A_1098 : vector<16xf32>
      %add3A_1100 = arith.addi %add3A_1065, %add3A_1065 : vector<16xi32>
      tpu.vector_store_idx %arg12[%add3A_1100], %add3A_1094 : memref<1024xf32, #tpu.memory_space<vmem>>[vector<16xi32>], vector<16xf32>,
      %add3A_1101 = arith.constant 1 : i32
      %add3A_1102 = vector.broadcast %add3A_1101 : i32 to vector<16xi32>
      %add3A_1103 = arith.addi %add3A_1100, %add3A_1102 : vector<16xi32>
      tpu.vector_store_idx %arg12[%add3A_1103], %add3A_1099 : memref<1024xf32, #tpu.memory_space<vmem>>[vector<16xi32>], vector<16xf32>,
      %add3A_1104 = arith.constant 352 : i32
      %add3A_1105 = vector.broadcast %add3A_1104 : i32 to vector<16xi32>
      %add3A_1106 = arith.addi %iota3A, %add3A_1105 : vector<16xi32>
      %gather3A_1107 = tpu.vector_load_idx %arg10[%add3A_1106, %broadcast_in_dim3A_5] : memref<512x8xi32, #tpu.memory_space<vmem>>[vector<16xi32>, vector<16xi32>], vector<16xi32>,
      %gather3A_1108 = tpu.vector_load_idx %arg10[%add3A_1106, %broadcast_in_dim3A_7] : memref<512x8xi32, #tpu.memory_space<vmem>>[vector<16xi32>, vector<16xi32>], vector<16xi32>,
      %gather3A_1109 = tpu.vector_load_idx %arg10[%add3A_1106, %broadcast_in_dim3A_9] : memref<512x8xi32, #tpu.memory_space<vmem>>[vector<16xi32>, vector<16xi32>], vector<16xi32>,
      %add3A_1110 = arith.constant 1056 : i32
      %add3A_1111 = vector.broadcast %add3A_1110 : i32 to vector<16xi32>
      %add3A_1112 = arith.addi %add3A_4, %add3A_1111 : vector<16xi32>
      %gather3A_1113 = tpu.vector_load_idx %arg8[%add3A_1112] : memref<2048xi32, #tpu.memory_space<vmem>>[vector<16xi32>], vector<16xi32>,
      %bitcast3A_1114 = vector.bitcast %gather3A_1113 : vector<16xi32> to vector<16xf32>
      %add3A_1115 = arith.constant 1 : i32
      %add3A_1116 = vector.broadcast %add3A_1115 : i32 to vector<16xi32>
      %add3A_1117 = arith.addi %add3A_1112, %add3A_1116 : vector<16xi32>
      %gather3A_1118 = tpu.vector_load_idx %arg8[%add3A_1117] : memref<2048xi32, #tpu.memory_space<vmem>>[vector<16xi32>], vector<16xi32>,
      %bitcast3A_1119 = vector.bitcast %gather3A_1118 : vector<16xi32> to vector<16xf32>
      %add3A_1120 = arith.constant 2 : i32
      %add3A_1121 = vector.broadcast %add3A_1120 : i32 to vector<16xi32>
      %add3A_1122 = arith.addi %add3A_1112, %add3A_1121 : vector<16xi32>
      %gather3A_1123 = tpu.vector_load_idx %arg8[%add3A_1122] : memref<2048xi32, #tpu.memory_space<vmem>>[vector<16xi32>], vector<16xi32>,
      %bitcast3A_1124 = vector.bitcast %gather3A_1123 : vector<16xi32> to vector<16xf32>
      %gather3A_1125 = tpu.vector_load_idx %arg6[%gather3A_1107] : memref<50000xf32, #tpu.memory_space<vmem>>[vector<16xi32>], vector<16xf32>,
      %gather3A_1126 = tpu.vector_load_idx %arg6[%gather3A_1108] : memref<50000xf32, #tpu.memory_space<vmem>>[vector<16xi32>], vector<16xf32>,
      %gather3A_1127 = tpu.vector_load_idx %arg6[%gather3A_1109] : memref<50000xf32, #tpu.memory_space<vmem>>[vector<16xi32>], vector<16xf32>,
      %gather3A_1128 = tpu.vector_load_idx %arg7[%gather3A_1107] : memref<50000xf32, #tpu.memory_space<vmem>>[vector<16xi32>], vector<16xf32>,
      %gather3A_1129 = tpu.vector_load_idx %arg7[%gather3A_1108] : memref<50000xf32, #tpu.memory_space<vmem>>[vector<16xi32>], vector<16xf32>,
      %gather3A_1130 = tpu.vector_load_idx %arg7[%gather3A_1109] : memref<50000xf32, #tpu.memory_space<vmem>>[vector<16xi32>], vector<16xf32>,
      %mul3A_1131 = arith.mulf %bitcast3A_1114, %gather3A_1125 : vector<16xf32>
      %mul3A_1132 = arith.mulf %bitcast3A_1119, %gather3A_1126 : vector<16xf32>
      %add3A_1133 = arith.addf %mul3A_1131, %mul3A_1132 : vector<16xf32>
      %mul3A_1134 = arith.mulf %bitcast3A_1124, %gather3A_1127 : vector<16xf32>
      %add3A_1135 = arith.addf %add3A_1133, %mul3A_1134 : vector<16xf32>
      %mul3A_1136 = arith.mulf %bitcast3A_1114, %gather3A_1128 : vector<16xf32>
      %mul3A_1137 = arith.mulf %bitcast3A_1119, %gather3A_1129 : vector<16xf32>
      %add3A_1138 = arith.addf %mul3A_1136, %mul3A_1137 : vector<16xf32>
      %mul3A_1139 = arith.mulf %bitcast3A_1124, %gather3A_1130 : vector<16xf32>
      %add3A_1140 = arith.addf %add3A_1138, %mul3A_1139 : vector<16xf32>
      %add3A_1141 = arith.addi %add3A_1106, %add3A_1106 : vector<16xi32>
      tpu.vector_store_idx %arg12[%add3A_1141], %add3A_1135 : memref<1024xf32, #tpu.memory_space<vmem>>[vector<16xi32>], vector<16xf32>,
      %add3A_1142 = arith.constant 1 : i32
      %add3A_1143 = vector.broadcast %add3A_1142 : i32 to vector<16xi32>
      %add3A_1144 = arith.addi %add3A_1141, %add3A_1143 : vector<16xi32>
      tpu.vector_store_idx %arg12[%add3A_1144], %add3A_1140 : memref<1024xf32, #tpu.memory_space<vmem>>[vector<16xi32>], vector<16xf32>,
      %add3A_1145 = arith.constant 368 : i32
      %add3A_1146 = vector.broadcast %add3A_1145 : i32 to vector<16xi32>
      %add3A_1147 = arith.addi %iota3A, %add3A_1146 : vector<16xi32>
      %gather3A_1148 = tpu.vector_load_idx %arg10[%add3A_1147, %broadcast_in_dim3A_5] : memref<512x8xi32, #tpu.memory_space<vmem>>[vector<16xi32>, vector<16xi32>], vector<16xi32>,
      %gather3A_1149 = tpu.vector_load_idx %arg10[%add3A_1147, %broadcast_in_dim3A_7] : memref<512x8xi32, #tpu.memory_space<vmem>>[vector<16xi32>, vector<16xi32>], vector<16xi32>,
      %gather3A_1150 = tpu.vector_load_idx %arg10[%add3A_1147, %broadcast_in_dim3A_9] : memref<512x8xi32, #tpu.memory_space<vmem>>[vector<16xi32>, vector<16xi32>], vector<16xi32>,
      %add3A_1151 = arith.constant 1104 : i32
      %add3A_1152 = vector.broadcast %add3A_1151 : i32 to vector<16xi32>
      %add3A_1153 = arith.addi %add3A_4, %add3A_1152 : vector<16xi32>
      %gather3A_1154 = tpu.vector_load_idx %arg8[%add3A_1153] : memref<2048xi32, #tpu.memory_space<vmem>>[vector<16xi32>], vector<16xi32>,
      %bitcast3A_1155 = vector.bitcast %gather3A_1154 : vector<16xi32> to vector<16xf32>
      %add3A_1156 = arith.constant 1 : i32
      %add3A_1157 = vector.broadcast %add3A_1156 : i32 to vector<16xi32>
      %add3A_1158 = arith.addi %add3A_1153, %add3A_1157 : vector<16xi32>
      %gather3A_1159 = tpu.vector_load_idx %arg8[%add3A_1158] : memref<2048xi32, #tpu.memory_space<vmem>>[vector<16xi32>], vector<16xi32>,
      %bitcast3A_1160 = vector.bitcast %gather3A_1159 : vector<16xi32> to vector<16xf32>
      %add3A_1161 = arith.constant 2 : i32
      %add3A_1162 = vector.broadcast %add3A_1161 : i32 to vector<16xi32>
      %add3A_1163 = arith.addi %add3A_1153, %add3A_1162 : vector<16xi32>
      %gather3A_1164 = tpu.vector_load_idx %arg8[%add3A_1163] : memref<2048xi32, #tpu.memory_space<vmem>>[vector<16xi32>], vector<16xi32>,
      %bitcast3A_1165 = vector.bitcast %gather3A_1164 : vector<16xi32> to vector<16xf32>
      %gather3A_1166 = tpu.vector_load_idx %arg6[%gather3A_1148] : memref<50000xf32, #tpu.memory_space<vmem>>[vector<16xi32>], vector<16xf32>,
      %gather3A_1167 = tpu.vector_load_idx %arg6[%gather3A_1149] : memref<50000xf32, #tpu.memory_space<vmem>>[vector<16xi32>], vector<16xf32>,
      %gather3A_1168 = tpu.vector_load_idx %arg6[%gather3A_1150] : memref<50000xf32, #tpu.memory_space<vmem>>[vector<16xi32>], vector<16xf32>,
      %gather3A_1169 = tpu.vector_load_idx %arg7[%gather3A_1148] : memref<50000xf32, #tpu.memory_space<vmem>>[vector<16xi32>], vector<16xf32>,
      %gather3A_1170 = tpu.vector_load_idx %arg7[%gather3A_1149] : memref<50000xf32, #tpu.memory_space<vmem>>[vector<16xi32>], vector<16xf32>,
      %gather3A_1171 = tpu.vector_load_idx %arg7[%gather3A_1150] : memref<50000xf32, #tpu.memory_space<vmem>>[vector<16xi32>], vector<16xf32>,
      %mul3A_1172 = arith.mulf %bitcast3A_1155, %gather3A_1166 : vector<16xf32>
      %mul3A_1173 = arith.mulf %bitcast3A_1160, %gather3A_1167 : vector<16xf32>
      %add3A_1174 = arith.addf %mul3A_1172, %mul3A_1173 : vector<16xf32>
      %mul3A_1175 = arith.mulf %bitcast3A_1165, %gather3A_1168 : vector<16xf32>
      %add3A_1176 = arith.addf %add3A_1174, %mul3A_1175 : vector<16xf32>
      %mul3A_1177 = arith.mulf %bitcast3A_1155, %gather3A_1169 : vector<16xf32>
      %mul3A_1178 = arith.mulf %bitcast3A_1160, %gather3A_1170 : vector<16xf32>
      %add3A_1179 = arith.addf %mul3A_1177, %mul3A_1178 : vector<16xf32>
      %mul3A_1180 = arith.mulf %bitcast3A_1165, %gather3A_1171 : vector<16xf32>
      %add3A_1181 = arith.addf %add3A_1179, %mul3A_1180 : vector<16xf32>
      %add3A_1182 = arith.addi %add3A_1147, %add3A_1147 : vector<16xi32>
      tpu.vector_store_idx %arg12[%add3A_1182], %add3A_1176 : memref<1024xf32, #tpu.memory_space<vmem>>[vector<16xi32>], vector<16xf32>,
      %add3A_1183 = arith.constant 1 : i32
      %add3A_1184 = vector.broadcast %add3A_1183 : i32 to vector<16xi32>
      %add3A_1185 = arith.addi %add3A_1182, %add3A_1184 : vector<16xi32>
      tpu.vector_store_idx %arg12[%add3A_1185], %add3A_1181 : memref<1024xf32, #tpu.memory_space<vmem>>[vector<16xi32>], vector<16xf32>,
      %add3A_1186 = arith.constant 384 : i32
      %add3A_1187 = vector.broadcast %add3A_1186 : i32 to vector<16xi32>
      %add3A_1188 = arith.addi %iota3A, %add3A_1187 : vector<16xi32>
      %gather3A_1189 = tpu.vector_load_idx %arg10[%add3A_1188, %broadcast_in_dim3A_5] : memref<512x8xi32, #tpu.memory_space<vmem>>[vector<16xi32>, vector<16xi32>], vector<16xi32>,
      %gather3A_1190 = tpu.vector_load_idx %arg10[%add3A_1188, %broadcast_in_dim3A_7] : memref<512x8xi32, #tpu.memory_space<vmem>>[vector<16xi32>, vector<16xi32>], vector<16xi32>,
      %gather3A_1191 = tpu.vector_load_idx %arg10[%add3A_1188, %broadcast_in_dim3A_9] : memref<512x8xi32, #tpu.memory_space<vmem>>[vector<16xi32>, vector<16xi32>], vector<16xi32>,
      %add3A_1192 = arith.constant 1152 : i32
      %add3A_1193 = vector.broadcast %add3A_1192 : i32 to vector<16xi32>
      %add3A_1194 = arith.addi %add3A_4, %add3A_1193 : vector<16xi32>
      %gather3A_1195 = tpu.vector_load_idx %arg8[%add3A_1194] : memref<2048xi32, #tpu.memory_space<vmem>>[vector<16xi32>], vector<16xi32>,
      %bitcast3A_1196 = vector.bitcast %gather3A_1195 : vector<16xi32> to vector<16xf32>
      %add3A_1197 = arith.constant 1 : i32
      %add3A_1198 = vector.broadcast %add3A_1197 : i32 to vector<16xi32>
      %add3A_1199 = arith.addi %add3A_1194, %add3A_1198 : vector<16xi32>
      %gather3A_1200 = tpu.vector_load_idx %arg8[%add3A_1199] : memref<2048xi32, #tpu.memory_space<vmem>>[vector<16xi32>], vector<16xi32>,
      %bitcast3A_1201 = vector.bitcast %gather3A_1200 : vector<16xi32> to vector<16xf32>
      %add3A_1202 = arith.constant 2 : i32
      %add3A_1203 = vector.broadcast %add3A_1202 : i32 to vector<16xi32>
      %add3A_1204 = arith.addi %add3A_1194, %add3A_1203 : vector<16xi32>
      %gather3A_1205 = tpu.vector_load_idx %arg8[%add3A_1204] : memref<2048xi32, #tpu.memory_space<vmem>>[vector<16xi32>], vector<16xi32>,
      %bitcast3A_1206 = vector.bitcast %gather3A_1205 : vector<16xi32> to vector<16xf32>
      %gather3A_1207 = tpu.vector_load_idx %arg6[%gather3A_1189] : memref<50000xf32, #tpu.memory_space<vmem>>[vector<16xi32>], vector<16xf32>,
      %gather3A_1208 = tpu.vector_load_idx %arg6[%gather3A_1190] : memref<50000xf32, #tpu.memory_space<vmem>>[vector<16xi32>], vector<16xf32>,
      %gather3A_1209 = tpu.vector_load_idx %arg6[%gather3A_1191] : memref<50000xf32, #tpu.memory_space<vmem>>[vector<16xi32>], vector<16xf32>,
      %gather3A_1210 = tpu.vector_load_idx %arg7[%gather3A_1189] : memref<50000xf32, #tpu.memory_space<vmem>>[vector<16xi32>], vector<16xf32>,
      %gather3A_1211 = tpu.vector_load_idx %arg7[%gather3A_1190] : memref<50000xf32, #tpu.memory_space<vmem>>[vector<16xi32>], vector<16xf32>,
      %gather3A_1212 = tpu.vector_load_idx %arg7[%gather3A_1191] : memref<50000xf32, #tpu.memory_space<vmem>>[vector<16xi32>], vector<16xf32>,
      %mul3A_1213 = arith.mulf %bitcast3A_1196, %gather3A_1207 : vector<16xf32>
      %mul3A_1214 = arith.mulf %bitcast3A_1201, %gather3A_1208 : vector<16xf32>
      %add3A_1215 = arith.addf %mul3A_1213, %mul3A_1214 : vector<16xf32>
      %mul3A_1216 = arith.mulf %bitcast3A_1206, %gather3A_1209 : vector<16xf32>
      %add3A_1217 = arith.addf %add3A_1215, %mul3A_1216 : vector<16xf32>
      %mul3A_1218 = arith.mulf %bitcast3A_1196, %gather3A_1210 : vector<16xf32>
      %mul3A_1219 = arith.mulf %bitcast3A_1201, %gather3A_1211 : vector<16xf32>
      %add3A_1220 = arith.addf %mul3A_1218, %mul3A_1219 : vector<16xf32>
      %mul3A_1221 = arith.mulf %bitcast3A_1206, %gather3A_1212 : vector<16xf32>
      %add3A_1222 = arith.addf %add3A_1220, %mul3A_1221 : vector<16xf32>
      %add3A_1223 = arith.addi %add3A_1188, %add3A_1188 : vector<16xi32>
      tpu.vector_store_idx %arg12[%add3A_1223], %add3A_1217 : memref<1024xf32, #tpu.memory_space<vmem>>[vector<16xi32>], vector<16xf32>,
      %add3A_1224 = arith.constant 1 : i32
      %add3A_1225 = vector.broadcast %add3A_1224 : i32 to vector<16xi32>
      %add3A_1226 = arith.addi %add3A_1223, %add3A_1225 : vector<16xi32>
      tpu.vector_store_idx %arg12[%add3A_1226], %add3A_1222 : memref<1024xf32, #tpu.memory_space<vmem>>[vector<16xi32>], vector<16xf32>,
      %add3A_1227 = arith.constant 400 : i32
      %add3A_1228 = vector.broadcast %add3A_1227 : i32 to vector<16xi32>
      %add3A_1229 = arith.addi %iota3A, %add3A_1228 : vector<16xi32>
      %gather3A_1230 = tpu.vector_load_idx %arg10[%add3A_1229, %broadcast_in_dim3A_5] : memref<512x8xi32, #tpu.memory_space<vmem>>[vector<16xi32>, vector<16xi32>], vector<16xi32>,
      %gather3A_1231 = tpu.vector_load_idx %arg10[%add3A_1229, %broadcast_in_dim3A_7] : memref<512x8xi32, #tpu.memory_space<vmem>>[vector<16xi32>, vector<16xi32>], vector<16xi32>,
      %gather3A_1232 = tpu.vector_load_idx %arg10[%add3A_1229, %broadcast_in_dim3A_9] : memref<512x8xi32, #tpu.memory_space<vmem>>[vector<16xi32>, vector<16xi32>], vector<16xi32>,
      %add3A_1233 = arith.constant 1200 : i32
      %add3A_1234 = vector.broadcast %add3A_1233 : i32 to vector<16xi32>
      %add3A_1235 = arith.addi %add3A_4, %add3A_1234 : vector<16xi32>
      %gather3A_1236 = tpu.vector_load_idx %arg8[%add3A_1235] : memref<2048xi32, #tpu.memory_space<vmem>>[vector<16xi32>], vector<16xi32>,
      %bitcast3A_1237 = vector.bitcast %gather3A_1236 : vector<16xi32> to vector<16xf32>
      %add3A_1238 = arith.constant 1 : i32
      %add3A_1239 = vector.broadcast %add3A_1238 : i32 to vector<16xi32>
      %add3A_1240 = arith.addi %add3A_1235, %add3A_1239 : vector<16xi32>
      %gather3A_1241 = tpu.vector_load_idx %arg8[%add3A_1240] : memref<2048xi32, #tpu.memory_space<vmem>>[vector<16xi32>], vector<16xi32>,
      %bitcast3A_1242 = vector.bitcast %gather3A_1241 : vector<16xi32> to vector<16xf32>
      %add3A_1243 = arith.constant 2 : i32
      %add3A_1244 = vector.broadcast %add3A_1243 : i32 to vector<16xi32>
      %add3A_1245 = arith.addi %add3A_1235, %add3A_1244 : vector<16xi32>
      %gather3A_1246 = tpu.vector_load_idx %arg8[%add3A_1245] : memref<2048xi32, #tpu.memory_space<vmem>>[vector<16xi32>], vector<16xi32>,
      %bitcast3A_1247 = vector.bitcast %gather3A_1246 : vector<16xi32> to vector<16xf32>
      %gather3A_1248 = tpu.vector_load_idx %arg6[%gather3A_1230] : memref<50000xf32, #tpu.memory_space<vmem>>[vector<16xi32>], vector<16xf32>,
      %gather3A_1249 = tpu.vector_load_idx %arg6[%gather3A_1231] : memref<50000xf32, #tpu.memory_space<vmem>>[vector<16xi32>], vector<16xf32>,
      %gather3A_1250 = tpu.vector_load_idx %arg6[%gather3A_1232] : memref<50000xf32, #tpu.memory_space<vmem>>[vector<16xi32>], vector<16xf32>,
      %gather3A_1251 = tpu.vector_load_idx %arg7[%gather3A_1230] : memref<50000xf32, #tpu.memory_space<vmem>>[vector<16xi32>], vector<16xf32>,
      %gather3A_1252 = tpu.vector_load_idx %arg7[%gather3A_1231] : memref<50000xf32, #tpu.memory_space<vmem>>[vector<16xi32>], vector<16xf32>,
      %gather3A_1253 = tpu.vector_load_idx %arg7[%gather3A_1232] : memref<50000xf32, #tpu.memory_space<vmem>>[vector<16xi32>], vector<16xf32>,
      %mul3A_1254 = arith.mulf %bitcast3A_1237, %gather3A_1248 : vector<16xf32>
      %mul3A_1255 = arith.mulf %bitcast3A_1242, %gather3A_1249 : vector<16xf32>
      %add3A_1256 = arith.addf %mul3A_1254, %mul3A_1255 : vector<16xf32>
      %mul3A_1257 = arith.mulf %bitcast3A_1247, %gather3A_1250 : vector<16xf32>
      %add3A_1258 = arith.addf %add3A_1256, %mul3A_1257 : vector<16xf32>
      %mul3A_1259 = arith.mulf %bitcast3A_1237, %gather3A_1251 : vector<16xf32>
      %mul3A_1260 = arith.mulf %bitcast3A_1242, %gather3A_1252 : vector<16xf32>
      %add3A_1261 = arith.addf %mul3A_1259, %mul3A_1260 : vector<16xf32>
      %mul3A_1262 = arith.mulf %bitcast3A_1247, %gather3A_1253 : vector<16xf32>
      %add3A_1263 = arith.addf %add3A_1261, %mul3A_1262 : vector<16xf32>
      %add3A_1264 = arith.addi %add3A_1229, %add3A_1229 : vector<16xi32>
      tpu.vector_store_idx %arg12[%add3A_1264], %add3A_1258 : memref<1024xf32, #tpu.memory_space<vmem>>[vector<16xi32>], vector<16xf32>,
      %add3A_1265 = arith.constant 1 : i32
      %add3A_1266 = vector.broadcast %add3A_1265 : i32 to vector<16xi32>
      %add3A_1267 = arith.addi %add3A_1264, %add3A_1266 : vector<16xi32>
      tpu.vector_store_idx %arg12[%add3A_1267], %add3A_1263 : memref<1024xf32, #tpu.memory_space<vmem>>[vector<16xi32>], vector<16xf32>,
      %add3A_1268 = arith.constant 416 : i32
      %add3A_1269 = vector.broadcast %add3A_1268 : i32 to vector<16xi32>
      %add3A_1270 = arith.addi %iota3A, %add3A_1269 : vector<16xi32>
      %gather3A_1271 = tpu.vector_load_idx %arg10[%add3A_1270, %broadcast_in_dim3A_5] : memref<512x8xi32, #tpu.memory_space<vmem>>[vector<16xi32>, vector<16xi32>], vector<16xi32>,
      %gather3A_1272 = tpu.vector_load_idx %arg10[%add3A_1270, %broadcast_in_dim3A_7] : memref<512x8xi32, #tpu.memory_space<vmem>>[vector<16xi32>, vector<16xi32>], vector<16xi32>,
      %gather3A_1273 = tpu.vector_load_idx %arg10[%add3A_1270, %broadcast_in_dim3A_9] : memref<512x8xi32, #tpu.memory_space<vmem>>[vector<16xi32>, vector<16xi32>], vector<16xi32>,
      %add3A_1274 = arith.constant 1248 : i32
      %add3A_1275 = vector.broadcast %add3A_1274 : i32 to vector<16xi32>
      %add3A_1276 = arith.addi %add3A_4, %add3A_1275 : vector<16xi32>
      %gather3A_1277 = tpu.vector_load_idx %arg8[%add3A_1276] : memref<2048xi32, #tpu.memory_space<vmem>>[vector<16xi32>], vector<16xi32>,
      %bitcast3A_1278 = vector.bitcast %gather3A_1277 : vector<16xi32> to vector<16xf32>
      %add3A_1279 = arith.constant 1 : i32
      %add3A_1280 = vector.broadcast %add3A_1279 : i32 to vector<16xi32>
      %add3A_1281 = arith.addi %add3A_1276, %add3A_1280 : vector<16xi32>
      %gather3A_1282 = tpu.vector_load_idx %arg8[%add3A_1281] : memref<2048xi32, #tpu.memory_space<vmem>>[vector<16xi32>], vector<16xi32>,
      %bitcast3A_1283 = vector.bitcast %gather3A_1282 : vector<16xi32> to vector<16xf32>
      %add3A_1284 = arith.constant 2 : i32
      %add3A_1285 = vector.broadcast %add3A_1284 : i32 to vector<16xi32>
      %add3A_1286 = arith.addi %add3A_1276, %add3A_1285 : vector<16xi32>
      %gather3A_1287 = tpu.vector_load_idx %arg8[%add3A_1286] : memref<2048xi32, #tpu.memory_space<vmem>>[vector<16xi32>], vector<16xi32>,
      %bitcast3A_1288 = vector.bitcast %gather3A_1287 : vector<16xi32> to vector<16xf32>
      %gather3A_1289 = tpu.vector_load_idx %arg6[%gather3A_1271] : memref<50000xf32, #tpu.memory_space<vmem>>[vector<16xi32>], vector<16xf32>,
      %gather3A_1290 = tpu.vector_load_idx %arg6[%gather3A_1272] : memref<50000xf32, #tpu.memory_space<vmem>>[vector<16xi32>], vector<16xf32>,
      %gather3A_1291 = tpu.vector_load_idx %arg6[%gather3A_1273] : memref<50000xf32, #tpu.memory_space<vmem>>[vector<16xi32>], vector<16xf32>,
      %gather3A_1292 = tpu.vector_load_idx %arg7[%gather3A_1271] : memref<50000xf32, #tpu.memory_space<vmem>>[vector<16xi32>], vector<16xf32>,
      %gather3A_1293 = tpu.vector_load_idx %arg7[%gather3A_1272] : memref<50000xf32, #tpu.memory_space<vmem>>[vector<16xi32>], vector<16xf32>,
      %gather3A_1294 = tpu.vector_load_idx %arg7[%gather3A_1273] : memref<50000xf32, #tpu.memory_space<vmem>>[vector<16xi32>], vector<16xf32>,
      %mul3A_1295 = arith.mulf %bitcast3A_1278, %gather3A_1289 : vector<16xf32>
      %mul3A_1296 = arith.mulf %bitcast3A_1283, %gather3A_1290 : vector<16xf32>
      %add3A_1297 = arith.addf %mul3A_1295, %mul3A_1296 : vector<16xf32>
      %mul3A_1298 = arith.mulf %bitcast3A_1288, %gather3A_1291 : vector<16xf32>
      %add3A_1299 = arith.addf %add3A_1297, %mul3A_1298 : vector<16xf32>
      %mul3A_1300 = arith.mulf %bitcast3A_1278, %gather3A_1292 : vector<16xf32>
      %mul3A_1301 = arith.mulf %bitcast3A_1283, %gather3A_1293 : vector<16xf32>
      %add3A_1302 = arith.addf %mul3A_1300, %mul3A_1301 : vector<16xf32>
      %mul3A_1303 = arith.mulf %bitcast3A_1288, %gather3A_1294 : vector<16xf32>
      %add3A_1304 = arith.addf %add3A_1302, %mul3A_1303 : vector<16xf32>
      %add3A_1305 = arith.addi %add3A_1270, %add3A_1270 : vector<16xi32>
      tpu.vector_store_idx %arg12[%add3A_1305], %add3A_1299 : memref<1024xf32, #tpu.memory_space<vmem>>[vector<16xi32>], vector<16xf32>,
      %add3A_1306 = arith.constant 1 : i32
      %add3A_1307 = vector.broadcast %add3A_1306 : i32 to vector<16xi32>
      %add3A_1308 = arith.addi %add3A_1305, %add3A_1307 : vector<16xi32>
      tpu.vector_store_idx %arg12[%add3A_1308], %add3A_1304 : memref<1024xf32, #tpu.memory_space<vmem>>[vector<16xi32>], vector<16xf32>,
      %add3A_1309 = arith.constant 432 : i32
      %add3A_1310 = vector.broadcast %add3A_1309 : i32 to vector<16xi32>
      %add3A_1311 = arith.addi %iota3A, %add3A_1310 : vector<16xi32>
      %gather3A_1312 = tpu.vector_load_idx %arg10[%add3A_1311, %broadcast_in_dim3A_5] : memref<512x8xi32, #tpu.memory_space<vmem>>[vector<16xi32>, vector<16xi32>], vector<16xi32>,
      %gather3A_1313 = tpu.vector_load_idx %arg10[%add3A_1311, %broadcast_in_dim3A_7] : memref<512x8xi32, #tpu.memory_space<vmem>>[vector<16xi32>, vector<16xi32>], vector<16xi32>,
      %gather3A_1314 = tpu.vector_load_idx %arg10[%add3A_1311, %broadcast_in_dim3A_9] : memref<512x8xi32, #tpu.memory_space<vmem>>[vector<16xi32>, vector<16xi32>], vector<16xi32>,
      %add3A_1315 = arith.constant 1296 : i32
      %add3A_1316 = vector.broadcast %add3A_1315 : i32 to vector<16xi32>
      %add3A_1317 = arith.addi %add3A_4, %add3A_1316 : vector<16xi32>
      %gather3A_1318 = tpu.vector_load_idx %arg8[%add3A_1317] : memref<2048xi32, #tpu.memory_space<vmem>>[vector<16xi32>], vector<16xi32>,
      %bitcast3A_1319 = vector.bitcast %gather3A_1318 : vector<16xi32> to vector<16xf32>
      %add3A_1320 = arith.constant 1 : i32
      %add3A_1321 = vector.broadcast %add3A_1320 : i32 to vector<16xi32>
      %add3A_1322 = arith.addi %add3A_1317, %add3A_1321 : vector<16xi32>
      %gather3A_1323 = tpu.vector_load_idx %arg8[%add3A_1322] : memref<2048xi32, #tpu.memory_space<vmem>>[vector<16xi32>], vector<16xi32>,
      %bitcast3A_1324 = vector.bitcast %gather3A_1323 : vector<16xi32> to vector<16xf32>
      %add3A_1325 = arith.constant 2 : i32
      %add3A_1326 = vector.broadcast %add3A_1325 : i32 to vector<16xi32>
      %add3A_1327 = arith.addi %add3A_1317, %add3A_1326 : vector<16xi32>
      %gather3A_1328 = tpu.vector_load_idx %arg8[%add3A_1327] : memref<2048xi32, #tpu.memory_space<vmem>>[vector<16xi32>], vector<16xi32>,
      %bitcast3A_1329 = vector.bitcast %gather3A_1328 : vector<16xi32> to vector<16xf32>
      %gather3A_1330 = tpu.vector_load_idx %arg6[%gather3A_1312] : memref<50000xf32, #tpu.memory_space<vmem>>[vector<16xi32>], vector<16xf32>,
      %gather3A_1331 = tpu.vector_load_idx %arg6[%gather3A_1313] : memref<50000xf32, #tpu.memory_space<vmem>>[vector<16xi32>], vector<16xf32>,
      %gather3A_1332 = tpu.vector_load_idx %arg6[%gather3A_1314] : memref<50000xf32, #tpu.memory_space<vmem>>[vector<16xi32>], vector<16xf32>,
      %gather3A_1333 = tpu.vector_load_idx %arg7[%gather3A_1312] : memref<50000xf32, #tpu.memory_space<vmem>>[vector<16xi32>], vector<16xf32>,
      %gather3A_1334 = tpu.vector_load_idx %arg7[%gather3A_1313] : memref<50000xf32, #tpu.memory_space<vmem>>[vector<16xi32>], vector<16xf32>,
      %gather3A_1335 = tpu.vector_load_idx %arg7[%gather3A_1314] : memref<50000xf32, #tpu.memory_space<vmem>>[vector<16xi32>], vector<16xf32>,
      %mul3A_1336 = arith.mulf %bitcast3A_1319, %gather3A_1330 : vector<16xf32>
      %mul3A_1337 = arith.mulf %bitcast3A_1324, %gather3A_1331 : vector<16xf32>
      %add3A_1338 = arith.addf %mul3A_1336, %mul3A_1337 : vector<16xf32>
      %mul3A_1339 = arith.mulf %bitcast3A_1329, %gather3A_1332 : vector<16xf32>
      %add3A_1340 = arith.addf %add3A_1338, %mul3A_1339 : vector<16xf32>
      %mul3A_1341 = arith.mulf %bitcast3A_1319, %gather3A_1333 : vector<16xf32>
      %mul3A_1342 = arith.mulf %bitcast3A_1324, %gather3A_1334 : vector<16xf32>
      %add3A_1343 = arith.addf %mul3A_1341, %mul3A_1342 : vector<16xf32>
      %mul3A_1344 = arith.mulf %bitcast3A_1329, %gather3A_1335 : vector<16xf32>
      %add3A_1345 = arith.addf %add3A_1343, %mul3A_1344 : vector<16xf32>
      %add3A_1346 = arith.addi %add3A_1311, %add3A_1311 : vector<16xi32>
      tpu.vector_store_idx %arg12[%add3A_1346], %add3A_1340 : memref<1024xf32, #tpu.memory_space<vmem>>[vector<16xi32>], vector<16xf32>,
      %add3A_1347 = arith.constant 1 : i32
      %add3A_1348 = vector.broadcast %add3A_1347 : i32 to vector<16xi32>
      %add3A_1349 = arith.addi %add3A_1346, %add3A_1348 : vector<16xi32>
      tpu.vector_store_idx %arg12[%add3A_1349], %add3A_1345 : memref<1024xf32, #tpu.memory_space<vmem>>[vector<16xi32>], vector<16xf32>,
      %add3A_1350 = arith.constant 448 : i32
      %add3A_1351 = vector.broadcast %add3A_1350 : i32 to vector<16xi32>
      %add3A_1352 = arith.addi %iota3A, %add3A_1351 : vector<16xi32>
      %gather3A_1353 = tpu.vector_load_idx %arg10[%add3A_1352, %broadcast_in_dim3A_5] : memref<512x8xi32, #tpu.memory_space<vmem>>[vector<16xi32>, vector<16xi32>], vector<16xi32>,
      %gather3A_1354 = tpu.vector_load_idx %arg10[%add3A_1352, %broadcast_in_dim3A_7] : memref<512x8xi32, #tpu.memory_space<vmem>>[vector<16xi32>, vector<16xi32>], vector<16xi32>,
      %gather3A_1355 = tpu.vector_load_idx %arg10[%add3A_1352, %broadcast_in_dim3A_9] : memref<512x8xi32, #tpu.memory_space<vmem>>[vector<16xi32>, vector<16xi32>], vector<16xi32>,
      %add3A_1356 = arith.constant 1344 : i32
      %add3A_1357 = vector.broadcast %add3A_1356 : i32 to vector<16xi32>
      %add3A_1358 = arith.addi %add3A_4, %add3A_1357 : vector<16xi32>
      %gather3A_1359 = tpu.vector_load_idx %arg8[%add3A_1358] : memref<2048xi32, #tpu.memory_space<vmem>>[vector<16xi32>], vector<16xi32>,
      %bitcast3A_1360 = vector.bitcast %gather3A_1359 : vector<16xi32> to vector<16xf32>
      %add3A_1361 = arith.constant 1 : i32
      %add3A_1362 = vector.broadcast %add3A_1361 : i32 to vector<16xi32>
      %add3A_1363 = arith.addi %add3A_1358, %add3A_1362 : vector<16xi32>
      %gather3A_1364 = tpu.vector_load_idx %arg8[%add3A_1363] : memref<2048xi32, #tpu.memory_space<vmem>>[vector<16xi32>], vector<16xi32>,
      %bitcast3A_1365 = vector.bitcast %gather3A_1364 : vector<16xi32> to vector<16xf32>
      %add3A_1366 = arith.constant 2 : i32
      %add3A_1367 = vector.broadcast %add3A_1366 : i32 to vector<16xi32>
      %add3A_1368 = arith.addi %add3A_1358, %add3A_1367 : vector<16xi32>
      %gather3A_1369 = tpu.vector_load_idx %arg8[%add3A_1368] : memref<2048xi32, #tpu.memory_space<vmem>>[vector<16xi32>], vector<16xi32>,
      %bitcast3A_1370 = vector.bitcast %gather3A_1369 : vector<16xi32> to vector<16xf32>
      %gather3A_1371 = tpu.vector_load_idx %arg6[%gather3A_1353] : memref<50000xf32, #tpu.memory_space<vmem>>[vector<16xi32>], vector<16xf32>,
      %gather3A_1372 = tpu.vector_load_idx %arg6[%gather3A_1354] : memref<50000xf32, #tpu.memory_space<vmem>>[vector<16xi32>], vector<16xf32>,
      %gather3A_1373 = tpu.vector_load_idx %arg6[%gather3A_1355] : memref<50000xf32, #tpu.memory_space<vmem>>[vector<16xi32>], vector<16xf32>,
      %gather3A_1374 = tpu.vector_load_idx %arg7[%gather3A_1353] : memref<50000xf32, #tpu.memory_space<vmem>>[vector<16xi32>], vector<16xf32>,
      %gather3A_1375 = tpu.vector_load_idx %arg7[%gather3A_1354] : memref<50000xf32, #tpu.memory_space<vmem>>[vector<16xi32>], vector<16xf32>,
      %gather3A_1376 = tpu.vector_load_idx %arg7[%gather3A_1355] : memref<50000xf32, #tpu.memory_space<vmem>>[vector<16xi32>], vector<16xf32>,
      %mul3A_1377 = arith.mulf %bitcast3A_1360, %gather3A_1371 : vector<16xf32>
      %mul3A_1378 = arith.mulf %bitcast3A_1365, %gather3A_1372 : vector<16xf32>
      %add3A_1379 = arith.addf %mul3A_1377, %mul3A_1378 : vector<16xf32>
      %mul3A_1380 = arith.mulf %bitcast3A_1370, %gather3A_1373 : vector<16xf32>
      %add3A_1381 = arith.addf %add3A_1379, %mul3A_1380 : vector<16xf32>
      %mul3A_1382 = arith.mulf %bitcast3A_1360, %gather3A_1374 : vector<16xf32>
      %mul3A_1383 = arith.mulf %bitcast3A_1365, %gather3A_1375 : vector<16xf32>
      %add3A_1384 = arith.addf %mul3A_1382, %mul3A_1383 : vector<16xf32>
      %mul3A_1385 = arith.mulf %bitcast3A_1370, %gather3A_1376 : vector<16xf32>
      %add3A_1386 = arith.addf %add3A_1384, %mul3A_1385 : vector<16xf32>
      %add3A_1387 = arith.addi %add3A_1352, %add3A_1352 : vector<16xi32>
      tpu.vector_store_idx %arg12[%add3A_1387], %add3A_1381 : memref<1024xf32, #tpu.memory_space<vmem>>[vector<16xi32>], vector<16xf32>,
      %add3A_1388 = arith.constant 1 : i32
      %add3A_1389 = vector.broadcast %add3A_1388 : i32 to vector<16xi32>
      %add3A_1390 = arith.addi %add3A_1387, %add3A_1389 : vector<16xi32>
      tpu.vector_store_idx %arg12[%add3A_1390], %add3A_1386 : memref<1024xf32, #tpu.memory_space<vmem>>[vector<16xi32>], vector<16xf32>,
      %add3A_1391 = arith.constant 464 : i32
      %add3A_1392 = vector.broadcast %add3A_1391 : i32 to vector<16xi32>
      %add3A_1393 = arith.addi %iota3A, %add3A_1392 : vector<16xi32>
      %gather3A_1394 = tpu.vector_load_idx %arg10[%add3A_1393, %broadcast_in_dim3A_5] : memref<512x8xi32, #tpu.memory_space<vmem>>[vector<16xi32>, vector<16xi32>], vector<16xi32>,
      %gather3A_1395 = tpu.vector_load_idx %arg10[%add3A_1393, %broadcast_in_dim3A_7] : memref<512x8xi32, #tpu.memory_space<vmem>>[vector<16xi32>, vector<16xi32>], vector<16xi32>,
      %gather3A_1396 = tpu.vector_load_idx %arg10[%add3A_1393, %broadcast_in_dim3A_9] : memref<512x8xi32, #tpu.memory_space<vmem>>[vector<16xi32>, vector<16xi32>], vector<16xi32>,
      %add3A_1397 = arith.constant 1392 : i32
      %add3A_1398 = vector.broadcast %add3A_1397 : i32 to vector<16xi32>
      %add3A_1399 = arith.addi %add3A_4, %add3A_1398 : vector<16xi32>
      %gather3A_1400 = tpu.vector_load_idx %arg8[%add3A_1399] : memref<2048xi32, #tpu.memory_space<vmem>>[vector<16xi32>], vector<16xi32>,
      %bitcast3A_1401 = vector.bitcast %gather3A_1400 : vector<16xi32> to vector<16xf32>
      %add3A_1402 = arith.constant 1 : i32
      %add3A_1403 = vector.broadcast %add3A_1402 : i32 to vector<16xi32>
      %add3A_1404 = arith.addi %add3A_1399, %add3A_1403 : vector<16xi32>
      %gather3A_1405 = tpu.vector_load_idx %arg8[%add3A_1404] : memref<2048xi32, #tpu.memory_space<vmem>>[vector<16xi32>], vector<16xi32>,
      %bitcast3A_1406 = vector.bitcast %gather3A_1405 : vector<16xi32> to vector<16xf32>
      %add3A_1407 = arith.constant 2 : i32
      %add3A_1408 = vector.broadcast %add3A_1407 : i32 to vector<16xi32>
      %add3A_1409 = arith.addi %add3A_1399, %add3A_1408 : vector<16xi32>
      %gather3A_1410 = tpu.vector_load_idx %arg8[%add3A_1409] : memref<2048xi32, #tpu.memory_space<vmem>>[vector<16xi32>], vector<16xi32>,
      %bitcast3A_1411 = vector.bitcast %gather3A_1410 : vector<16xi32> to vector<16xf32>
      %gather3A_1412 = tpu.vector_load_idx %arg6[%gather3A_1394] : memref<50000xf32, #tpu.memory_space<vmem>>[vector<16xi32>], vector<16xf32>,
      %gather3A_1413 = tpu.vector_load_idx %arg6[%gather3A_1395] : memref<50000xf32, #tpu.memory_space<vmem>>[vector<16xi32>], vector<16xf32>,
      %gather3A_1414 = tpu.vector_load_idx %arg6[%gather3A_1396] : memref<50000xf32, #tpu.memory_space<vmem>>[vector<16xi32>], vector<16xf32>,
      %gather3A_1415 = tpu.vector_load_idx %arg7[%gather3A_1394] : memref<50000xf32, #tpu.memory_space<vmem>>[vector<16xi32>], vector<16xf32>,
      %gather3A_1416 = tpu.vector_load_idx %arg7[%gather3A_1395] : memref<50000xf32, #tpu.memory_space<vmem>>[vector<16xi32>], vector<16xf32>,
      %gather3A_1417 = tpu.vector_load_idx %arg7[%gather3A_1396] : memref<50000xf32, #tpu.memory_space<vmem>>[vector<16xi32>], vector<16xf32>,
      %mul3A_1418 = arith.mulf %bitcast3A_1401, %gather3A_1412 : vector<16xf32>
      %mul3A_1419 = arith.mulf %bitcast3A_1406, %gather3A_1413 : vector<16xf32>
      %add3A_1420 = arith.addf %mul3A_1418, %mul3A_1419 : vector<16xf32>
      %mul3A_1421 = arith.mulf %bitcast3A_1411, %gather3A_1414 : vector<16xf32>
      %add3A_1422 = arith.addf %add3A_1420, %mul3A_1421 : vector<16xf32>
      %mul3A_1423 = arith.mulf %bitcast3A_1401, %gather3A_1415 : vector<16xf32>
      %mul3A_1424 = arith.mulf %bitcast3A_1406, %gather3A_1416 : vector<16xf32>
      %add3A_1425 = arith.addf %mul3A_1423, %mul3A_1424 : vector<16xf32>
      %mul3A_1426 = arith.mulf %bitcast3A_1411, %gather3A_1417 : vector<16xf32>
      %add3A_1427 = arith.addf %add3A_1425, %mul3A_1426 : vector<16xf32>
      %add3A_1428 = arith.addi %add3A_1393, %add3A_1393 : vector<16xi32>
      tpu.vector_store_idx %arg12[%add3A_1428], %add3A_1422 : memref<1024xf32, #tpu.memory_space<vmem>>[vector<16xi32>], vector<16xf32>,
      %add3A_1429 = arith.constant 1 : i32
      %add3A_1430 = vector.broadcast %add3A_1429 : i32 to vector<16xi32>
      %add3A_1431 = arith.addi %add3A_1428, %add3A_1430 : vector<16xi32>
      tpu.vector_store_idx %arg12[%add3A_1431], %add3A_1427 : memref<1024xf32, #tpu.memory_space<vmem>>[vector<16xi32>], vector<16xf32>,
      %add3A_1432 = arith.constant 480 : i32
      %add3A_1433 = vector.broadcast %add3A_1432 : i32 to vector<16xi32>
      %add3A_1434 = arith.addi %iota3A, %add3A_1433 : vector<16xi32>
      %gather3A_1435 = tpu.vector_load_idx %arg10[%add3A_1434, %broadcast_in_dim3A_5] : memref<512x8xi32, #tpu.memory_space<vmem>>[vector<16xi32>, vector<16xi32>], vector<16xi32>,
      %gather3A_1436 = tpu.vector_load_idx %arg10[%add3A_1434, %broadcast_in_dim3A_7] : memref<512x8xi32, #tpu.memory_space<vmem>>[vector<16xi32>, vector<16xi32>], vector<16xi32>,
      %gather3A_1437 = tpu.vector_load_idx %arg10[%add3A_1434, %broadcast_in_dim3A_9] : memref<512x8xi32, #tpu.memory_space<vmem>>[vector<16xi32>, vector<16xi32>], vector<16xi32>,
      %add3A_1438 = arith.constant 1440 : i32
      %add3A_1439 = vector.broadcast %add3A_1438 : i32 to vector<16xi32>
      %add3A_1440 = arith.addi %add3A_4, %add3A_1439 : vector<16xi32>
      %gather3A_1441 = tpu.vector_load_idx %arg8[%add3A_1440] : memref<2048xi32, #tpu.memory_space<vmem>>[vector<16xi32>], vector<16xi32>,
      %bitcast3A_1442 = vector.bitcast %gather3A_1441 : vector<16xi32> to vector<16xf32>
      %add3A_1443 = arith.constant 1 : i32
      %add3A_1444 = vector.broadcast %add3A_1443 : i32 to vector<16xi32>
      %add3A_1445 = arith.addi %add3A_1440, %add3A_1444 : vector<16xi32>
      %gather3A_1446 = tpu.vector_load_idx %arg8[%add3A_1445] : memref<2048xi32, #tpu.memory_space<vmem>>[vector<16xi32>], vector<16xi32>,
      %bitcast3A_1447 = vector.bitcast %gather3A_1446 : vector<16xi32> to vector<16xf32>
      %add3A_1448 = arith.constant 2 : i32
      %add3A_1449 = vector.broadcast %add3A_1448 : i32 to vector<16xi32>
      %add3A_1450 = arith.addi %add3A_1440, %add3A_1449 : vector<16xi32>
      %gather3A_1451 = tpu.vector_load_idx %arg8[%add3A_1450] : memref<2048xi32, #tpu.memory_space<vmem>>[vector<16xi32>], vector<16xi32>,
      %bitcast3A_1452 = vector.bitcast %gather3A_1451 : vector<16xi32> to vector<16xf32>
      %gather3A_1453 = tpu.vector_load_idx %arg6[%gather3A_1435] : memref<50000xf32, #tpu.memory_space<vmem>>[vector<16xi32>], vector<16xf32>,
      %gather3A_1454 = tpu.vector_load_idx %arg6[%gather3A_1436] : memref<50000xf32, #tpu.memory_space<vmem>>[vector<16xi32>], vector<16xf32>,
      %gather3A_1455 = tpu.vector_load_idx %arg6[%gather3A_1437] : memref<50000xf32, #tpu.memory_space<vmem>>[vector<16xi32>], vector<16xf32>,
      %gather3A_1456 = tpu.vector_load_idx %arg7[%gather3A_1435] : memref<50000xf32, #tpu.memory_space<vmem>>[vector<16xi32>], vector<16xf32>,
      %gather3A_1457 = tpu.vector_load_idx %arg7[%gather3A_1436] : memref<50000xf32, #tpu.memory_space<vmem>>[vector<16xi32>], vector<16xf32>,
      %gather3A_1458 = tpu.vector_load_idx %arg7[%gather3A_1437] : memref<50000xf32, #tpu.memory_space<vmem>>[vector<16xi32>], vector<16xf32>,
      %mul3A_1459 = arith.mulf %bitcast3A_1442, %gather3A_1453 : vector<16xf32>
      %mul3A_1460 = arith.mulf %bitcast3A_1447, %gather3A_1454 : vector<16xf32>
      %add3A_1461 = arith.addf %mul3A_1459, %mul3A_1460 : vector<16xf32>
      %mul3A_1462 = arith.mulf %bitcast3A_1452, %gather3A_1455 : vector<16xf32>
      %add3A_1463 = arith.addf %add3A_1461, %mul3A_1462 : vector<16xf32>
      %mul3A_1464 = arith.mulf %bitcast3A_1442, %gather3A_1456 : vector<16xf32>
      %mul3A_1465 = arith.mulf %bitcast3A_1447, %gather3A_1457 : vector<16xf32>
      %add3A_1466 = arith.addf %mul3A_1464, %mul3A_1465 : vector<16xf32>
      %mul3A_1467 = arith.mulf %bitcast3A_1452, %gather3A_1458 : vector<16xf32>
      %add3A_1468 = arith.addf %add3A_1466, %mul3A_1467 : vector<16xf32>
      %add3A_1469 = arith.addi %add3A_1434, %add3A_1434 : vector<16xi32>
      tpu.vector_store_idx %arg12[%add3A_1469], %add3A_1463 : memref<1024xf32, #tpu.memory_space<vmem>>[vector<16xi32>], vector<16xf32>,
      %add3A_1470 = arith.constant 1 : i32
      %add3A_1471 = vector.broadcast %add3A_1470 : i32 to vector<16xi32>
      %add3A_1472 = arith.addi %add3A_1469, %add3A_1471 : vector<16xi32>
      tpu.vector_store_idx %arg12[%add3A_1472], %add3A_1468 : memref<1024xf32, #tpu.memory_space<vmem>>[vector<16xi32>], vector<16xf32>,
      %add3A_1473 = arith.constant 496 : i32
      %add3A_1474 = vector.broadcast %add3A_1473 : i32 to vector<16xi32>
      %add3A_1475 = arith.addi %iota3A, %add3A_1474 : vector<16xi32>
      %gather3A_1476 = tpu.vector_load_idx %arg10[%add3A_1475, %broadcast_in_dim3A_5] : memref<512x8xi32, #tpu.memory_space<vmem>>[vector<16xi32>, vector<16xi32>], vector<16xi32>,
      %gather3A_1477 = tpu.vector_load_idx %arg10[%add3A_1475, %broadcast_in_dim3A_7] : memref<512x8xi32, #tpu.memory_space<vmem>>[vector<16xi32>, vector<16xi32>], vector<16xi32>,
      %gather3A_1478 = tpu.vector_load_idx %arg10[%add3A_1475, %broadcast_in_dim3A_9] : memref<512x8xi32, #tpu.memory_space<vmem>>[vector<16xi32>, vector<16xi32>], vector<16xi32>,
      %add3A_1479 = arith.constant 1488 : i32
      %add3A_1480 = vector.broadcast %add3A_1479 : i32 to vector<16xi32>
      %add3A_1481 = arith.addi %add3A_4, %add3A_1480 : vector<16xi32>
      %gather3A_1482 = tpu.vector_load_idx %arg8[%add3A_1481] : memref<2048xi32, #tpu.memory_space<vmem>>[vector<16xi32>], vector<16xi32>,
      %bitcast3A_1483 = vector.bitcast %gather3A_1482 : vector<16xi32> to vector<16xf32>
      %add3A_1484 = arith.constant 1 : i32
      %add3A_1485 = vector.broadcast %add3A_1484 : i32 to vector<16xi32>
      %add3A_1486 = arith.addi %add3A_1481, %add3A_1485 : vector<16xi32>
      %gather3A_1487 = tpu.vector_load_idx %arg8[%add3A_1486] : memref<2048xi32, #tpu.memory_space<vmem>>[vector<16xi32>], vector<16xi32>,
      %bitcast3A_1488 = vector.bitcast %gather3A_1487 : vector<16xi32> to vector<16xf32>
      %add3A_1489 = arith.constant 2 : i32
      %add3A_1490 = vector.broadcast %add3A_1489 : i32 to vector<16xi32>
      %add3A_1491 = arith.addi %add3A_1481, %add3A_1490 : vector<16xi32>
      %gather3A_1492 = tpu.vector_load_idx %arg8[%add3A_1491] : memref<2048xi32, #tpu.memory_space<vmem>>[vector<16xi32>], vector<16xi32>,
      %bitcast3A_1493 = vector.bitcast %gather3A_1492 : vector<16xi32> to vector<16xf32>
      %gather3A_1494 = tpu.vector_load_idx %arg6[%gather3A_1476] : memref<50000xf32, #tpu.memory_space<vmem>>[vector<16xi32>], vector<16xf32>,
      %gather3A_1495 = tpu.vector_load_idx %arg6[%gather3A_1477] : memref<50000xf32, #tpu.memory_space<vmem>>[vector<16xi32>], vector<16xf32>,
      %gather3A_1496 = tpu.vector_load_idx %arg6[%gather3A_1478] : memref<50000xf32, #tpu.memory_space<vmem>>[vector<16xi32>], vector<16xf32>,
      %gather3A_1497 = tpu.vector_load_idx %arg7[%gather3A_1476] : memref<50000xf32, #tpu.memory_space<vmem>>[vector<16xi32>], vector<16xf32>,
      %gather3A_1498 = tpu.vector_load_idx %arg7[%gather3A_1477] : memref<50000xf32, #tpu.memory_space<vmem>>[vector<16xi32>], vector<16xf32>,
      %gather3A_1499 = tpu.vector_load_idx %arg7[%gather3A_1478] : memref<50000xf32, #tpu.memory_space<vmem>>[vector<16xi32>], vector<16xf32>,
      %mul3A_1500 = arith.mulf %bitcast3A_1483, %gather3A_1494 : vector<16xf32>
      %mul3A_1501 = arith.mulf %bitcast3A_1488, %gather3A_1495 : vector<16xf32>
      %add3A_1502 = arith.addf %mul3A_1500, %mul3A_1501 : vector<16xf32>
      %mul3A_1503 = arith.mulf %bitcast3A_1493, %gather3A_1496 : vector<16xf32>
      %add3A_1504 = arith.addf %add3A_1502, %mul3A_1503 : vector<16xf32>
      %mul3A_1505 = arith.mulf %bitcast3A_1483, %gather3A_1497 : vector<16xf32>
      %mul3A_1506 = arith.mulf %bitcast3A_1488, %gather3A_1498 : vector<16xf32>
      %add3A_1507 = arith.addf %mul3A_1505, %mul3A_1506 : vector<16xf32>
      %mul3A_1508 = arith.mulf %bitcast3A_1493, %gather3A_1499 : vector<16xf32>
      %add3A_1509 = arith.addf %add3A_1507, %mul3A_1508 : vector<16xf32>
      %add3A_1510 = arith.addi %add3A_1475, %add3A_1475 : vector<16xi32>
      tpu.vector_store_idx %arg12[%add3A_1510], %add3A_1504 : memref<1024xf32, #tpu.memory_space<vmem>>[vector<16xi32>], vector<16xf32>,
      %add3A_1511 = arith.constant 1 : i32
      %add3A_1512 = vector.broadcast %add3A_1511 : i32 to vector<16xi32>
      %add3A_1513 = arith.addi %add3A_1510, %add3A_1512 : vector<16xi32>
      tpu.vector_store_idx %arg12[%add3A_1513], %add3A_1509 : memref<1024xf32, #tpu.memory_space<vmem>>[vector<16xi32>], vector<16xf32>,
      %add3A_1514 = arith.addi %mul3A_2, %add3A_188 : i32
      %jit3A_1515 = arith.constant 512 : i32
      %div3A_1516 = arith.divsi %add3A_1514, %jit3A_1515 : i32
      %sign3A_1517 = arith.constant 0 : i32
      %sign3A_1518 = arith.cmpi sgt, %add3A_1514, %sign3A_1517 : i32
      %sign3A_1519 = arith.extui %sign3A_1518 : i1 to i32
      %sign3A_1520 = arith.constant 0 : i32
      %sign3A_1521 = arith.cmpi slt, %add3A_1514, %sign3A_1520 : i32
      %sign3A_1522 = arith.extui %sign3A_1521 : i1 to i32
      %sign3A_1523 = arith.subi %sign3A_1519, %sign3A_1522 : i32
      %sign3A_1524 = arith.constant 0 : i32
      %sign3A_1525 = arith.cmpi sgt, %jit3A_1515, %sign3A_1524 : i32
      %sign3A_1526 = arith.extui %sign3A_1525 : i1 to i32
      %sign3A_1527 = arith.constant 0 : i32
      %sign3A_1528 = arith.cmpi slt, %jit3A_1515, %sign3A_1527 : i32
      %sign3A_1529 = arith.extui %sign3A_1528 : i1 to i32
      %sign3A_1530 = arith.subi %sign3A_1526, %sign3A_1529 : i32
      %ne3A_1531 = arith.cmpi ne, %sign3A_1523, %sign3A_1530 : i32
      %rem3A_1532 = arith.remsi %add3A_1514, %jit3A_1515 : i32
      %ne3A_1533 = arith.constant 0 : i32
      %ne3A_1534 = arith.cmpi ne, %rem3A_1532, %ne3A_1533 : i32
      %and3A_1535 = arith.andi %ne3A_1531, %ne3A_1534 : i1
      %sub3A_1536 = arith.constant 1 : i32
      %sub3A_1537 = arith.subi %div3A_1516, %sub3A_1536 : i32
      %select_n3A_1538 = arith.select %and3A_1535, %sub3A_1537, %div3A_1516 : i32
      %jit3A_1539 = arith.constant 512 : i32
      %eq3A_1540 = arith.constant 0 : i32
      %eq3A_1541 = arith.cmpi eq, %jit3A_1539, %eq3A_1540 : i32
      %jit3A_1542 = arith.constant 1 : i32
      %select_n3A_1543 = arith.select %eq3A_1541, %jit3A_1542, %jit3A_1539 : i32
      %rem3A_1544 = arith.remsi %add3A_1514, %select_n3A_1543 : i32
      %ne3A_1545 = arith.constant 0 : i32
      %ne3A_1546 = arith.cmpi ne, %rem3A_1544, %ne3A_1545 : i32
      %lt3A_1547 = arith.constant 0 : i32
      %lt3A_1548 = arith.cmpi slt, %rem3A_1544, %lt3A_1547 : i32
      %lt3A_1549 = arith.constant 0 : i32
      %lt3A_1550 = arith.cmpi slt, %select_n3A_1543, %lt3A_1549 : i32
      %ne3A_1551 = arith.xori %lt3A_1548, %lt3A_1550 : i1
      %and3A_1552 = arith.andi %ne3A_1551, %ne3A_1546 : i1
      %add3A_1553 = arith.addi %rem3A_1544, %select_n3A_1543 : i32
      %select_n3A_1554 = arith.select %and3A_1552, %add3A_1553, %rem3A_1544 : i32
      %dma_start3A_1555 = arith.constant 0 : i32
      %dma_start3A_1556 = tpu.memref_slice %arg5[%select_n3A_1538, %select_n3A_1554, %dma_start3A_1555] : memref<4x512x1024xf32, #tpu.memory_space<hbm>> -> memref<1x1x1024xf32, #tpu.memory_space<hbm>>
      %dma_start3A_1557 = tpu.memref_squeeze %dma_start3A_1556 : memref<1x1x1024xf32, #tpu.memory_space<hbm>> -> memref<1024xf32, #tpu.memory_space<hbm>>
      %dma_start3A_1558 = arith.constant 0 : i32
      %dma_start3A_1559 = tpu.memref_slice %arg5[%select_n3A_1538, %select_n3A_1554, %dma_start3A_1558] : memref<4x512x1024xf32, #tpu.memory_space<hbm>> -> memref<1x1x1024xf32, #tpu.memory_space<hbm>>
      %dma_start3A_1560 = tpu.memref_squeeze %dma_start3A_1559 : memref<1x1x1024xf32, #tpu.memory_space<hbm>> -> memref<1024xf32, #tpu.memory_space<hbm>>
      tpu.enqueue_dma source(%arg12 : memref<1024xf32, #tpu.memory_space<vmem>>) target(%dma_start3A_1560 : memref<1024xf32, #tpu.memory_space<hbm>>) target_semaphore(%arg19 : memref<!tpu.dma_semaphore, #tpu.memory_space<semaphore_mem>>)
      %add3A_1561 = arith.constant 2 : i32
      %add3A_1562 = arith.addi %add3A_188, %add3A_1561 : i32
      %lt3A_1563 = arith.constant 64 : i32
      %lt3A_1564 = arith.cmpi slt, %add3A_1562, %lt3A_1563 : i32
      %convert_element_type3A_1565 = arith.extui %lt3A_1564 : i1 to i32
      %cond3A_1566 = arith.constant 0 : i32
      %cond3A_1567 = arith.cmpi ne, %convert_element_type3A_1565, %cond3A_1566 : i32
      scf.if %cond3A_1567 {
        %add3A_2954 = arith.constant 2 : i32
        %add3A_2955 = arith.addi %add3A_188, %add3A_2954 : i32
        %add3A_2956 = arith.addi %mul3A_2, %add3A_2955 : i32
        %jit3A_2957 = arith.constant 512 : i32
        %div3A_2958 = arith.divsi %add3A_2956, %jit3A_2957 : i32
        %sign3A_2959 = arith.constant 0 : i32
        %sign3A_2960 = arith.cmpi sgt, %add3A_2956, %sign3A_2959 : i32
        %sign3A_2961 = arith.extui %sign3A_2960 : i1 to i32
        %sign3A_2962 = arith.constant 0 : i32
        %sign3A_2963 = arith.cmpi slt, %add3A_2956, %sign3A_2962 : i32
        %sign3A_2964 = arith.extui %sign3A_2963 : i1 to i32
        %sign3A_2965 = arith.subi %sign3A_2961, %sign3A_2964 : i32
        %sign3A_2966 = arith.constant 0 : i32
        %sign3A_2967 = arith.cmpi sgt, %jit3A_2957, %sign3A_2966 : i32
        %sign3A_2968 = arith.extui %sign3A_2967 : i1 to i32
        %sign3A_2969 = arith.constant 0 : i32
        %sign3A_2970 = arith.cmpi slt, %jit3A_2957, %sign3A_2969 : i32
        %sign3A_2971 = arith.extui %sign3A_2970 : i1 to i32
        %sign3A_2972 = arith.subi %sign3A_2968, %sign3A_2971 : i32
        %ne3A_2973 = arith.cmpi ne, %sign3A_2965, %sign3A_2972 : i32
        %rem3A_2974 = arith.remsi %add3A_2956, %jit3A_2957 : i32
        %ne3A_2975 = arith.constant 0 : i32
        %ne3A_2976 = arith.cmpi ne, %rem3A_2974, %ne3A_2975 : i32
        %and3A_2977 = arith.andi %ne3A_2973, %ne3A_2976 : i1
        %sub3A_2978 = arith.constant 1 : i32
        %sub3A_2979 = arith.subi %div3A_2958, %sub3A_2978 : i32
        %select_n3A_2980 = arith.select %and3A_2977, %sub3A_2979, %div3A_2958 : i32
        %jit3A_2981 = arith.constant 512 : i32
        %eq3A_2982 = arith.constant 0 : i32
        %eq3A_2983 = arith.cmpi eq, %jit3A_2981, %eq3A_2982 : i32
        %jit3A_2984 = arith.constant 1 : i32
        %select_n3A_2985 = arith.select %eq3A_2983, %jit3A_2984, %jit3A_2981 : i32
        %rem3A_2986 = arith.remsi %add3A_2956, %select_n3A_2985 : i32
        %ne3A_2987 = arith.constant 0 : i32
        %ne3A_2988 = arith.cmpi ne, %rem3A_2986, %ne3A_2987 : i32
        %lt3A_2989 = arith.constant 0 : i32
        %lt3A_2990 = arith.cmpi slt, %rem3A_2986, %lt3A_2989 : i32
        %lt3A_2991 = arith.constant 0 : i32
        %lt3A_2992 = arith.cmpi slt, %select_n3A_2985, %lt3A_2991 : i32
        %ne3A_2993 = arith.xori %lt3A_2990, %lt3A_2992 : i1
        %and3A_2994 = arith.andi %ne3A_2993, %ne3A_2988 : i1
        %add3A_2995 = arith.addi %rem3A_2986, %select_n3A_2985 : i32
        %select_n3A_2996 = arith.select %and3A_2994, %add3A_2995, %rem3A_2986 : i32
        %dma_start3A_2997 = arith.constant 0 : i32
        %dma_start3A_2998 = tpu.memref_slice %arg2[%select_n3A_2980, %select_n3A_2996, %dma_start3A_2997] : memref<4x512x2048xi32, #tpu.memory_space<hbm>> -> memref<1x1x2048xi32, #tpu.memory_space<hbm>>
        %dma_start3A_2999 = tpu.memref_squeeze %dma_start3A_2998 : memref<1x1x2048xi32, #tpu.memory_space<hbm>> -> memref<2048xi32, #tpu.memory_space<hbm>>
        %dma_start3A_3000 = arith.constant 0 : i32
        %dma_start3A_3001 = tpu.memref_slice %arg2[%select_n3A_2980, %select_n3A_2996, %dma_start3A_3000] : memref<4x512x2048xi32, #tpu.memory_space<hbm>> -> memref<1x1x2048xi32, #tpu.memory_space<hbm>>
        %dma_start3A_3002 = tpu.memref_squeeze %dma_start3A_3001 : memref<1x1x2048xi32, #tpu.memory_space<hbm>> -> memref<2048xi32, #tpu.memory_space<hbm>>
        tpu.enqueue_dma source(%dma_start3A_3002 : memref<2048xi32, #tpu.memory_space<hbm>>) target(%arg8 : memref<2048xi32, #tpu.memory_space<vmem>>) target_semaphore(%arg15 : memref<!tpu.dma_semaphore, #tpu.memory_space<semaphore_mem>>)
      } else {
      }
      %add3A_1568 = arith.constant 1 : i32
      %add3A_1569 = arith.addi %add3A_186, %add3A_1568 : i32
      %add3A_1570 = arith.constant 1 : i32
      %add3A_1571 = arith.addi %add3A_1569, %add3A_1570 : i32
      %lt3A_1572 = arith.constant 64 : i32
      %lt3A_1573 = arith.cmpi slt, %add3A_1571, %lt3A_1572 : i32
      %convert_element_type3A_1574 = arith.extui %lt3A_1573 : i1 to i32
      %cond3A_1575 = arith.constant 0 : i32
      %cond3A_1576 = arith.cmpi ne, %convert_element_type3A_1574, %cond3A_1575 : i32
      scf.if %cond3A_1576 {
        %dma_wait3A_2954 = arith.constant 0 : i32
        %dma_wait3A_2955 = arith.constant 0 : i32
        %dma_wait3A_2956 = arith.constant 0 : i32
        %dma_wait3A_2957 = tpu.memref_slice %arg2[%dma_wait3A_2954, %dma_wait3A_2955, %dma_wait3A_2956] : memref<4x512x2048xi32, #tpu.memory_space<hbm>> -> memref<1x1x2048xi32, #tpu.memory_space<hbm>>
        %dma_wait3A_2958 = tpu.memref_squeeze %dma_wait3A_2957 : memref<1x1x2048xi32, #tpu.memory_space<hbm>> -> memref<2048xi32, #tpu.memory_space<hbm>>
        %dma_wait3A_2959 = arith.constant 0 : i32
        %dma_wait3A_2960 = tpu.memref_slice %arg2[%dma_wait3A_2954, %dma_wait3A_2955, %dma_wait3A_2959] : memref<4x512x2048xi32, #tpu.memory_space<hbm>> -> memref<1x1x2048xi32, #tpu.memory_space<hbm>>
        %dma_wait3A_2961 = tpu.memref_squeeze %dma_wait3A_2960 : memref<1x1x2048xi32, #tpu.memory_space<hbm>> -> memref<2048xi32, #tpu.memory_space<hbm>>
        tpu.wait_dma2 semaphore(%arg15 : memref<!tpu.dma_semaphore, #tpu.memory_space<semaphore_mem>>) src(%dma_wait3A_2961 : memref<2048xi32, #tpu.memory_space<hbm>>) dst(%arg8 : memref<2048xi32, #tpu.memory_space<vmem>>)
        %dma_start3A_2962 = arith.constant 0 : i32
        %dma_start3A_2963 = arith.constant 0 : i32
        %dma_start3A_2964 = tpu.memref_slice %arg10[%dma_start3A_2962, %dma_start3A_2963] : memref<512x8xi32, #tpu.memory_space<vmem>> -> memref<128x8xi32, #tpu.memory_space<vmem>>
        %dma_start3A_2965 = arith.constant 1536 : i32
        %dma_start3A_2966 = tpu.memref_slice %arg8[%dma_start3A_2965] : memref<2048xi32, #tpu.memory_space<vmem>> -> memref<128xi32, #tpu.memory_space<vmem>>
        %dma_start3A_2967 = arith.constant 0 : i32
        %dma_start3A_2968 = arith.constant 0 : i32
        %dma_start3A_2969 = tpu.memref_slice %arg4[%dma_start3A_2967, %dma_start3A_2968] : memref<100000x8xi32, #tpu.memory_space<hbm>> -> memref<100000x8xi32, #tpu.memory_space<hbm>>
        tpu.enqueue_indirect_dma source(%dma_start3A_2969 : memref<100000x8xi32, #tpu.memory_space<hbm>>) target(%dma_start3A_2964 : memref<128x8xi32, #tpu.memory_space<vmem>>) offsets(%dma_start3A_2966 : memref<128xi32, #tpu.memory_space<vmem>>) semaphore(%arg17 : memref<!tpu.dma_semaphore, #tpu.memory_space<semaphore_mem>>)
        %dma_start3A_2970 = arith.constant 128 : i32
        %dma_start3A_2971 = arith.constant 0 : i32
        %dma_start3A_2972 = tpu.memref_slice %arg10[%dma_start3A_2970, %dma_start3A_2971] : memref<512x8xi32, #tpu.memory_space<vmem>> -> memref<128x8xi32, #tpu.memory_space<vmem>>
        %dma_start3A_2973 = arith.constant 1664 : i32
        %dma_start3A_2974 = tpu.memref_slice %arg8[%dma_start3A_2973] : memref<2048xi32, #tpu.memory_space<vmem>> -> memref<128xi32, #tpu.memory_space<vmem>>
        %dma_start3A_2975 = arith.constant 0 : i32
        %dma_start3A_2976 = arith.constant 0 : i32
        %dma_start3A_2977 = tpu.memref_slice %arg4[%dma_start3A_2975, %dma_start3A_2976] : memref<100000x8xi32, #tpu.memory_space<hbm>> -> memref<100000x8xi32, #tpu.memory_space<hbm>>
        tpu.enqueue_indirect_dma source(%dma_start3A_2977 : memref<100000x8xi32, #tpu.memory_space<hbm>>) target(%dma_start3A_2972 : memref<128x8xi32, #tpu.memory_space<vmem>>) offsets(%dma_start3A_2974 : memref<128xi32, #tpu.memory_space<vmem>>) semaphore(%arg17 : memref<!tpu.dma_semaphore, #tpu.memory_space<semaphore_mem>>)
        %dma_start3A_2978 = arith.constant 256 : i32
        %dma_start3A_2979 = arith.constant 0 : i32
        %dma_start3A_2980 = tpu.memref_slice %arg10[%dma_start3A_2978, %dma_start3A_2979] : memref<512x8xi32, #tpu.memory_space<vmem>> -> memref<128x8xi32, #tpu.memory_space<vmem>>
        %dma_start3A_2981 = arith.constant 1792 : i32
        %dma_start3A_2982 = tpu.memref_slice %arg8[%dma_start3A_2981] : memref<2048xi32, #tpu.memory_space<vmem>> -> memref<128xi32, #tpu.memory_space<vmem>>
        %dma_start3A_2983 = arith.constant 0 : i32
        %dma_start3A_2984 = arith.constant 0 : i32
        %dma_start3A_2985 = tpu.memref_slice %arg4[%dma_start3A_2983, %dma_start3A_2984] : memref<100000x8xi32, #tpu.memory_space<hbm>> -> memref<100000x8xi32, #tpu.memory_space<hbm>>
        tpu.enqueue_indirect_dma source(%dma_start3A_2985 : memref<100000x8xi32, #tpu.memory_space<hbm>>) target(%dma_start3A_2980 : memref<128x8xi32, #tpu.memory_space<vmem>>) offsets(%dma_start3A_2982 : memref<128xi32, #tpu.memory_space<vmem>>) semaphore(%arg17 : memref<!tpu.dma_semaphore, #tpu.memory_space<semaphore_mem>>)
        %dma_start3A_2986 = arith.constant 384 : i32
        %dma_start3A_2987 = arith.constant 0 : i32
        %dma_start3A_2988 = tpu.memref_slice %arg10[%dma_start3A_2986, %dma_start3A_2987] : memref<512x8xi32, #tpu.memory_space<vmem>> -> memref<128x8xi32, #tpu.memory_space<vmem>>
        %dma_start3A_2989 = arith.constant 1920 : i32
        %dma_start3A_2990 = tpu.memref_slice %arg8[%dma_start3A_2989] : memref<2048xi32, #tpu.memory_space<vmem>> -> memref<128xi32, #tpu.memory_space<vmem>>
        %dma_start3A_2991 = arith.constant 0 : i32
        %dma_start3A_2992 = arith.constant 0 : i32
        %dma_start3A_2993 = tpu.memref_slice %arg4[%dma_start3A_2991, %dma_start3A_2992] : memref<100000x8xi32, #tpu.memory_space<hbm>> -> memref<100000x8xi32, #tpu.memory_space<hbm>>
        tpu.enqueue_indirect_dma source(%dma_start3A_2993 : memref<100000x8xi32, #tpu.memory_space<hbm>>) target(%dma_start3A_2988 : memref<128x8xi32, #tpu.memory_space<vmem>>) offsets(%dma_start3A_2990 : memref<128xi32, #tpu.memory_space<vmem>>) semaphore(%arg17 : memref<!tpu.dma_semaphore, #tpu.memory_space<semaphore_mem>>)
      } else {
      }
      %dma_wait3A_1577 = arith.constant 0 : i32
      %dma_wait3A_1578 = arith.constant 0 : i32
      %dma_wait3A_1579 = tpu.memref_slice %arg4[%dma_wait3A_1577, %dma_wait3A_1578] : memref<100000x8xi32, #tpu.memory_space<hbm>> -> memref<512x8xi32, #tpu.memory_space<hbm>>
      %dma_wait3A_1580 = arith.constant 0 : i32
      %dma_wait3A_1581 = arith.constant 0 : i32
      %dma_wait3A_1582 = tpu.memref_slice %arg4[%dma_wait3A_1580, %dma_wait3A_1581] : memref<100000x8xi32, #tpu.memory_space<hbm>> -> memref<512x8xi32, #tpu.memory_space<hbm>>
      tpu.wait_dma2 semaphore(%arg18 : memref<!tpu.dma_semaphore, #tpu.memory_space<semaphore_mem>>) src(%dma_wait3A_1582 : memref<512x8xi32, #tpu.memory_space<hbm>>) dst(%arg11 : memref<512x8xi32, #tpu.memory_space<vmem>>)
      %ge3A_1583 = arith.constant 2 : i32
      %ge3A_1584 = arith.cmpi sge, %add3A_1569, %ge3A_1583 : i32
      %convert_element_type3A_1585 = arith.extui %ge3A_1584 : i1 to i32
      %cond3A_1586 = arith.constant 0 : i32
      %cond3A_1587 = arith.cmpi ne, %convert_element_type3A_1585, %cond3A_1586 : i32
      scf.if %cond3A_1587 {
        %dma_wait3A_2954 = arith.constant 0 : i32
        %dma_wait3A_2955 = arith.constant 0 : i32
        %dma_wait3A_2956 = arith.constant 0 : i32
        %dma_wait3A_2957 = tpu.memref_slice %arg5[%dma_wait3A_2954, %dma_wait3A_2955, %dma_wait3A_2956] : memref<4x512x1024xf32, #tpu.memory_space<hbm>> -> memref<1x1x1024xf32, #tpu.memory_space<hbm>>
        %dma_wait3A_2958 = tpu.memref_squeeze %dma_wait3A_2957 : memref<1x1x1024xf32, #tpu.memory_space<hbm>> -> memref<1024xf32, #tpu.memory_space<hbm>>
        %dma_wait3A_2959 = arith.constant 0 : i32
        %dma_wait3A_2960 = tpu.memref_slice %arg5[%dma_wait3A_2954, %dma_wait3A_2955, %dma_wait3A_2959] : memref<4x512x1024xf32, #tpu.memory_space<hbm>> -> memref<1x1x1024xf32, #tpu.memory_space<hbm>>
        %dma_wait3A_2961 = tpu.memref_squeeze %dma_wait3A_2960 : memref<1x1x1024xf32, #tpu.memory_space<hbm>> -> memref<1024xf32, #tpu.memory_space<hbm>>
        tpu.wait_dma2 semaphore(%arg20 : memref<!tpu.dma_semaphore, #tpu.memory_space<semaphore_mem>>) src(%arg13 : memref<1024xf32, #tpu.memory_space<vmem>>) dst(%dma_wait3A_2961 : memref<1024xf32, #tpu.memory_space<hbm>>)
      } else {
      }
      %add3A_1588 = arith.constant 0 : i32
      %add3A_1589 = vector.broadcast %add3A_1588 : i32 to vector<16xi32>
      %add3A_1590 = arith.addi %iota3A, %add3A_1589 : vector<16xi32>
      %gather3A_1591 = tpu.vector_load_idx %arg11[%add3A_1590, %broadcast_in_dim3A_5] : memref<512x8xi32, #tpu.memory_space<vmem>>[vector<16xi32>, vector<16xi32>], vector<16xi32>,
      %gather3A_1592 = tpu.vector_load_idx %arg11[%add3A_1590, %broadcast_in_dim3A_7] : memref<512x8xi32, #tpu.memory_space<vmem>>[vector<16xi32>, vector<16xi32>], vector<16xi32>,
      %gather3A_1593 = tpu.vector_load_idx %arg11[%add3A_1590, %broadcast_in_dim3A_9] : memref<512x8xi32, #tpu.memory_space<vmem>>[vector<16xi32>, vector<16xi32>], vector<16xi32>,
      %add3A_1594 = arith.constant 0 : i32
      %add3A_1595 = vector.broadcast %add3A_1594 : i32 to vector<16xi32>
      %add3A_1596 = arith.addi %add3A_4, %add3A_1595 : vector<16xi32>
      %gather3A_1597 = tpu.vector_load_idx %arg9[%add3A_1596] : memref<2048xi32, #tpu.memory_space<vmem>>[vector<16xi32>], vector<16xi32>,
      %bitcast3A_1598 = vector.bitcast %gather3A_1597 : vector<16xi32> to vector<16xf32>
      %add3A_1599 = arith.constant 1 : i32
      %add3A_1600 = vector.broadcast %add3A_1599 : i32 to vector<16xi32>
      %add3A_1601 = arith.addi %add3A_1596, %add3A_1600 : vector<16xi32>
      %gather3A_1602 = tpu.vector_load_idx %arg9[%add3A_1601] : memref<2048xi32, #tpu.memory_space<vmem>>[vector<16xi32>], vector<16xi32>,
      %bitcast3A_1603 = vector.bitcast %gather3A_1602 : vector<16xi32> to vector<16xf32>
      %add3A_1604 = arith.constant 2 : i32
      %add3A_1605 = vector.broadcast %add3A_1604 : i32 to vector<16xi32>
      %add3A_1606 = arith.addi %add3A_1596, %add3A_1605 : vector<16xi32>
      %gather3A_1607 = tpu.vector_load_idx %arg9[%add3A_1606] : memref<2048xi32, #tpu.memory_space<vmem>>[vector<16xi32>], vector<16xi32>,
      %bitcast3A_1608 = vector.bitcast %gather3A_1607 : vector<16xi32> to vector<16xf32>
      %gather3A_1609 = tpu.vector_load_idx %arg6[%gather3A_1591] : memref<50000xf32, #tpu.memory_space<vmem>>[vector<16xi32>], vector<16xf32>,
      %gather3A_1610 = tpu.vector_load_idx %arg6[%gather3A_1592] : memref<50000xf32, #tpu.memory_space<vmem>>[vector<16xi32>], vector<16xf32>,
      %gather3A_1611 = tpu.vector_load_idx %arg6[%gather3A_1593] : memref<50000xf32, #tpu.memory_space<vmem>>[vector<16xi32>], vector<16xf32>,
      %gather3A_1612 = tpu.vector_load_idx %arg7[%gather3A_1591] : memref<50000xf32, #tpu.memory_space<vmem>>[vector<16xi32>], vector<16xf32>,
      %gather3A_1613 = tpu.vector_load_idx %arg7[%gather3A_1592] : memref<50000xf32, #tpu.memory_space<vmem>>[vector<16xi32>], vector<16xf32>,
      %gather3A_1614 = tpu.vector_load_idx %arg7[%gather3A_1593] : memref<50000xf32, #tpu.memory_space<vmem>>[vector<16xi32>], vector<16xf32>,
      %mul3A_1615 = arith.mulf %bitcast3A_1598, %gather3A_1609 : vector<16xf32>
      %mul3A_1616 = arith.mulf %bitcast3A_1603, %gather3A_1610 : vector<16xf32>
      %add3A_1617 = arith.addf %mul3A_1615, %mul3A_1616 : vector<16xf32>
      %mul3A_1618 = arith.mulf %bitcast3A_1608, %gather3A_1611 : vector<16xf32>
      %add3A_1619 = arith.addf %add3A_1617, %mul3A_1618 : vector<16xf32>
      %mul3A_1620 = arith.mulf %bitcast3A_1598, %gather3A_1612 : vector<16xf32>
      %mul3A_1621 = arith.mulf %bitcast3A_1603, %gather3A_1613 : vector<16xf32>
      %add3A_1622 = arith.addf %mul3A_1620, %mul3A_1621 : vector<16xf32>
      %mul3A_1623 = arith.mulf %bitcast3A_1608, %gather3A_1614 : vector<16xf32>
      %add3A_1624 = arith.addf %add3A_1622, %mul3A_1623 : vector<16xf32>
      %add3A_1625 = arith.addi %add3A_1590, %add3A_1590 : vector<16xi32>
      tpu.vector_store_idx %arg13[%add3A_1625], %add3A_1619 : memref<1024xf32, #tpu.memory_space<vmem>>[vector<16xi32>], vector<16xf32>,
      %add3A_1626 = arith.constant 1 : i32
      %add3A_1627 = vector.broadcast %add3A_1626 : i32 to vector<16xi32>
      %add3A_1628 = arith.addi %add3A_1625, %add3A_1627 : vector<16xi32>
      tpu.vector_store_idx %arg13[%add3A_1628], %add3A_1624 : memref<1024xf32, #tpu.memory_space<vmem>>[vector<16xi32>], vector<16xf32>,
      %add3A_1629 = arith.constant 16 : i32
      %add3A_1630 = vector.broadcast %add3A_1629 : i32 to vector<16xi32>
      %add3A_1631 = arith.addi %iota3A, %add3A_1630 : vector<16xi32>
      %gather3A_1632 = tpu.vector_load_idx %arg11[%add3A_1631, %broadcast_in_dim3A_5] : memref<512x8xi32, #tpu.memory_space<vmem>>[vector<16xi32>, vector<16xi32>], vector<16xi32>,
      %gather3A_1633 = tpu.vector_load_idx %arg11[%add3A_1631, %broadcast_in_dim3A_7] : memref<512x8xi32, #tpu.memory_space<vmem>>[vector<16xi32>, vector<16xi32>], vector<16xi32>,
      %gather3A_1634 = tpu.vector_load_idx %arg11[%add3A_1631, %broadcast_in_dim3A_9] : memref<512x8xi32, #tpu.memory_space<vmem>>[vector<16xi32>, vector<16xi32>], vector<16xi32>,
      %add3A_1635 = arith.constant 48 : i32
      %add3A_1636 = vector.broadcast %add3A_1635 : i32 to vector<16xi32>
      %add3A_1637 = arith.addi %add3A_4, %add3A_1636 : vector<16xi32>
      %gather3A_1638 = tpu.vector_load_idx %arg9[%add3A_1637] : memref<2048xi32, #tpu.memory_space<vmem>>[vector<16xi32>], vector<16xi32>,
      %bitcast3A_1639 = vector.bitcast %gather3A_1638 : vector<16xi32> to vector<16xf32>
      %add3A_1640 = arith.constant 1 : i32
      %add3A_1641 = vector.broadcast %add3A_1640 : i32 to vector<16xi32>
      %add3A_1642 = arith.addi %add3A_1637, %add3A_1641 : vector<16xi32>
      %gather3A_1643 = tpu.vector_load_idx %arg9[%add3A_1642] : memref<2048xi32, #tpu.memory_space<vmem>>[vector<16xi32>], vector<16xi32>,
      %bitcast3A_1644 = vector.bitcast %gather3A_1643 : vector<16xi32> to vector<16xf32>
      %add3A_1645 = arith.constant 2 : i32
      %add3A_1646 = vector.broadcast %add3A_1645 : i32 to vector<16xi32>
      %add3A_1647 = arith.addi %add3A_1637, %add3A_1646 : vector<16xi32>
      %gather3A_1648 = tpu.vector_load_idx %arg9[%add3A_1647] : memref<2048xi32, #tpu.memory_space<vmem>>[vector<16xi32>], vector<16xi32>,
      %bitcast3A_1649 = vector.bitcast %gather3A_1648 : vector<16xi32> to vector<16xf32>
      %gather3A_1650 = tpu.vector_load_idx %arg6[%gather3A_1632] : memref<50000xf32, #tpu.memory_space<vmem>>[vector<16xi32>], vector<16xf32>,
      %gather3A_1651 = tpu.vector_load_idx %arg6[%gather3A_1633] : memref<50000xf32, #tpu.memory_space<vmem>>[vector<16xi32>], vector<16xf32>,
      %gather3A_1652 = tpu.vector_load_idx %arg6[%gather3A_1634] : memref<50000xf32, #tpu.memory_space<vmem>>[vector<16xi32>], vector<16xf32>,
      %gather3A_1653 = tpu.vector_load_idx %arg7[%gather3A_1632] : memref<50000xf32, #tpu.memory_space<vmem>>[vector<16xi32>], vector<16xf32>,
      %gather3A_1654 = tpu.vector_load_idx %arg7[%gather3A_1633] : memref<50000xf32, #tpu.memory_space<vmem>>[vector<16xi32>], vector<16xf32>,
      %gather3A_1655 = tpu.vector_load_idx %arg7[%gather3A_1634] : memref<50000xf32, #tpu.memory_space<vmem>>[vector<16xi32>], vector<16xf32>,
      %mul3A_1656 = arith.mulf %bitcast3A_1639, %gather3A_1650 : vector<16xf32>
      %mul3A_1657 = arith.mulf %bitcast3A_1644, %gather3A_1651 : vector<16xf32>
      %add3A_1658 = arith.addf %mul3A_1656, %mul3A_1657 : vector<16xf32>
      %mul3A_1659 = arith.mulf %bitcast3A_1649, %gather3A_1652 : vector<16xf32>
      %add3A_1660 = arith.addf %add3A_1658, %mul3A_1659 : vector<16xf32>
      %mul3A_1661 = arith.mulf %bitcast3A_1639, %gather3A_1653 : vector<16xf32>
      %mul3A_1662 = arith.mulf %bitcast3A_1644, %gather3A_1654 : vector<16xf32>
      %add3A_1663 = arith.addf %mul3A_1661, %mul3A_1662 : vector<16xf32>
      %mul3A_1664 = arith.mulf %bitcast3A_1649, %gather3A_1655 : vector<16xf32>
      %add3A_1665 = arith.addf %add3A_1663, %mul3A_1664 : vector<16xf32>
      %add3A_1666 = arith.addi %add3A_1631, %add3A_1631 : vector<16xi32>
      tpu.vector_store_idx %arg13[%add3A_1666], %add3A_1660 : memref<1024xf32, #tpu.memory_space<vmem>>[vector<16xi32>], vector<16xf32>,
      %add3A_1667 = arith.constant 1 : i32
      %add3A_1668 = vector.broadcast %add3A_1667 : i32 to vector<16xi32>
      %add3A_1669 = arith.addi %add3A_1666, %add3A_1668 : vector<16xi32>
      tpu.vector_store_idx %arg13[%add3A_1669], %add3A_1665 : memref<1024xf32, #tpu.memory_space<vmem>>[vector<16xi32>], vector<16xf32>,
      %add3A_1670 = arith.constant 32 : i32
      %add3A_1671 = vector.broadcast %add3A_1670 : i32 to vector<16xi32>
      %add3A_1672 = arith.addi %iota3A, %add3A_1671 : vector<16xi32>
      %gather3A_1673 = tpu.vector_load_idx %arg11[%add3A_1672, %broadcast_in_dim3A_5] : memref<512x8xi32, #tpu.memory_space<vmem>>[vector<16xi32>, vector<16xi32>], vector<16xi32>,
      %gather3A_1674 = tpu.vector_load_idx %arg11[%add3A_1672, %broadcast_in_dim3A_7] : memref<512x8xi32, #tpu.memory_space<vmem>>[vector<16xi32>, vector<16xi32>], vector<16xi32>,
      %gather3A_1675 = tpu.vector_load_idx %arg11[%add3A_1672, %broadcast_in_dim3A_9] : memref<512x8xi32, #tpu.memory_space<vmem>>[vector<16xi32>, vector<16xi32>], vector<16xi32>,
      %add3A_1676 = arith.constant 96 : i32
      %add3A_1677 = vector.broadcast %add3A_1676 : i32 to vector<16xi32>
      %add3A_1678 = arith.addi %add3A_4, %add3A_1677 : vector<16xi32>
      %gather3A_1679 = tpu.vector_load_idx %arg9[%add3A_1678] : memref<2048xi32, #tpu.memory_space<vmem>>[vector<16xi32>], vector<16xi32>,
      %bitcast3A_1680 = vector.bitcast %gather3A_1679 : vector<16xi32> to vector<16xf32>
      %add3A_1681 = arith.constant 1 : i32
      %add3A_1682 = vector.broadcast %add3A_1681 : i32 to vector<16xi32>
      %add3A_1683 = arith.addi %add3A_1678, %add3A_1682 : vector<16xi32>
      %gather3A_1684 = tpu.vector_load_idx %arg9[%add3A_1683] : memref<2048xi32, #tpu.memory_space<vmem>>[vector<16xi32>], vector<16xi32>,
      %bitcast3A_1685 = vector.bitcast %gather3A_1684 : vector<16xi32> to vector<16xf32>
      %add3A_1686 = arith.constant 2 : i32
      %add3A_1687 = vector.broadcast %add3A_1686 : i32 to vector<16xi32>
      %add3A_1688 = arith.addi %add3A_1678, %add3A_1687 : vector<16xi32>
      %gather3A_1689 = tpu.vector_load_idx %arg9[%add3A_1688] : memref<2048xi32, #tpu.memory_space<vmem>>[vector<16xi32>], vector<16xi32>,
      %bitcast3A_1690 = vector.bitcast %gather3A_1689 : vector<16xi32> to vector<16xf32>
      %gather3A_1691 = tpu.vector_load_idx %arg6[%gather3A_1673] : memref<50000xf32, #tpu.memory_space<vmem>>[vector<16xi32>], vector<16xf32>,
      %gather3A_1692 = tpu.vector_load_idx %arg6[%gather3A_1674] : memref<50000xf32, #tpu.memory_space<vmem>>[vector<16xi32>], vector<16xf32>,
      %gather3A_1693 = tpu.vector_load_idx %arg6[%gather3A_1675] : memref<50000xf32, #tpu.memory_space<vmem>>[vector<16xi32>], vector<16xf32>,
      %gather3A_1694 = tpu.vector_load_idx %arg7[%gather3A_1673] : memref<50000xf32, #tpu.memory_space<vmem>>[vector<16xi32>], vector<16xf32>,
      %gather3A_1695 = tpu.vector_load_idx %arg7[%gather3A_1674] : memref<50000xf32, #tpu.memory_space<vmem>>[vector<16xi32>], vector<16xf32>,
      %gather3A_1696 = tpu.vector_load_idx %arg7[%gather3A_1675] : memref<50000xf32, #tpu.memory_space<vmem>>[vector<16xi32>], vector<16xf32>,
      %mul3A_1697 = arith.mulf %bitcast3A_1680, %gather3A_1691 : vector<16xf32>
      %mul3A_1698 = arith.mulf %bitcast3A_1685, %gather3A_1692 : vector<16xf32>
      %add3A_1699 = arith.addf %mul3A_1697, %mul3A_1698 : vector<16xf32>
      %mul3A_1700 = arith.mulf %bitcast3A_1690, %gather3A_1693 : vector<16xf32>
      %add3A_1701 = arith.addf %add3A_1699, %mul3A_1700 : vector<16xf32>
      %mul3A_1702 = arith.mulf %bitcast3A_1680, %gather3A_1694 : vector<16xf32>
      %mul3A_1703 = arith.mulf %bitcast3A_1685, %gather3A_1695 : vector<16xf32>
      %add3A_1704 = arith.addf %mul3A_1702, %mul3A_1703 : vector<16xf32>
      %mul3A_1705 = arith.mulf %bitcast3A_1690, %gather3A_1696 : vector<16xf32>
      %add3A_1706 = arith.addf %add3A_1704, %mul3A_1705 : vector<16xf32>
      %add3A_1707 = arith.addi %add3A_1672, %add3A_1672 : vector<16xi32>
      tpu.vector_store_idx %arg13[%add3A_1707], %add3A_1701 : memref<1024xf32, #tpu.memory_space<vmem>>[vector<16xi32>], vector<16xf32>,
      %add3A_1708 = arith.constant 1 : i32
      %add3A_1709 = vector.broadcast %add3A_1708 : i32 to vector<16xi32>
      %add3A_1710 = arith.addi %add3A_1707, %add3A_1709 : vector<16xi32>
      tpu.vector_store_idx %arg13[%add3A_1710], %add3A_1706 : memref<1024xf32, #tpu.memory_space<vmem>>[vector<16xi32>], vector<16xf32>,
      %add3A_1711 = arith.constant 48 : i32
      %add3A_1712 = vector.broadcast %add3A_1711 : i32 to vector<16xi32>
      %add3A_1713 = arith.addi %iota3A, %add3A_1712 : vector<16xi32>
      %gather3A_1714 = tpu.vector_load_idx %arg11[%add3A_1713, %broadcast_in_dim3A_5] : memref<512x8xi32, #tpu.memory_space<vmem>>[vector<16xi32>, vector<16xi32>], vector<16xi32>,
      %gather3A_1715 = tpu.vector_load_idx %arg11[%add3A_1713, %broadcast_in_dim3A_7] : memref<512x8xi32, #tpu.memory_space<vmem>>[vector<16xi32>, vector<16xi32>], vector<16xi32>,
      %gather3A_1716 = tpu.vector_load_idx %arg11[%add3A_1713, %broadcast_in_dim3A_9] : memref<512x8xi32, #tpu.memory_space<vmem>>[vector<16xi32>, vector<16xi32>], vector<16xi32>,
      %add3A_1717 = arith.constant 144 : i32
      %add3A_1718 = vector.broadcast %add3A_1717 : i32 to vector<16xi32>
      %add3A_1719 = arith.addi %add3A_4, %add3A_1718 : vector<16xi32>
      %gather3A_1720 = tpu.vector_load_idx %arg9[%add3A_1719] : memref<2048xi32, #tpu.memory_space<vmem>>[vector<16xi32>], vector<16xi32>,
      %bitcast3A_1721 = vector.bitcast %gather3A_1720 : vector<16xi32> to vector<16xf32>
      %add3A_1722 = arith.constant 1 : i32
      %add3A_1723 = vector.broadcast %add3A_1722 : i32 to vector<16xi32>
      %add3A_1724 = arith.addi %add3A_1719, %add3A_1723 : vector<16xi32>
      %gather3A_1725 = tpu.vector_load_idx %arg9[%add3A_1724] : memref<2048xi32, #tpu.memory_space<vmem>>[vector<16xi32>], vector<16xi32>,
      %bitcast3A_1726 = vector.bitcast %gather3A_1725 : vector<16xi32> to vector<16xf32>
      %add3A_1727 = arith.constant 2 : i32
      %add3A_1728 = vector.broadcast %add3A_1727 : i32 to vector<16xi32>
      %add3A_1729 = arith.addi %add3A_1719, %add3A_1728 : vector<16xi32>
      %gather3A_1730 = tpu.vector_load_idx %arg9[%add3A_1729] : memref<2048xi32, #tpu.memory_space<vmem>>[vector<16xi32>], vector<16xi32>,
      %bitcast3A_1731 = vector.bitcast %gather3A_1730 : vector<16xi32> to vector<16xf32>
      %gather3A_1732 = tpu.vector_load_idx %arg6[%gather3A_1714] : memref<50000xf32, #tpu.memory_space<vmem>>[vector<16xi32>], vector<16xf32>,
      %gather3A_1733 = tpu.vector_load_idx %arg6[%gather3A_1715] : memref<50000xf32, #tpu.memory_space<vmem>>[vector<16xi32>], vector<16xf32>,
      %gather3A_1734 = tpu.vector_load_idx %arg6[%gather3A_1716] : memref<50000xf32, #tpu.memory_space<vmem>>[vector<16xi32>], vector<16xf32>,
      %gather3A_1735 = tpu.vector_load_idx %arg7[%gather3A_1714] : memref<50000xf32, #tpu.memory_space<vmem>>[vector<16xi32>], vector<16xf32>,
      %gather3A_1736 = tpu.vector_load_idx %arg7[%gather3A_1715] : memref<50000xf32, #tpu.memory_space<vmem>>[vector<16xi32>], vector<16xf32>,
      %gather3A_1737 = tpu.vector_load_idx %arg7[%gather3A_1716] : memref<50000xf32, #tpu.memory_space<vmem>>[vector<16xi32>], vector<16xf32>,
      %mul3A_1738 = arith.mulf %bitcast3A_1721, %gather3A_1732 : vector<16xf32>
      %mul3A_1739 = arith.mulf %bitcast3A_1726, %gather3A_1733 : vector<16xf32>
      %add3A_1740 = arith.addf %mul3A_1738, %mul3A_1739 : vector<16xf32>
      %mul3A_1741 = arith.mulf %bitcast3A_1731, %gather3A_1734 : vector<16xf32>
      %add3A_1742 = arith.addf %add3A_1740, %mul3A_1741 : vector<16xf32>
      %mul3A_1743 = arith.mulf %bitcast3A_1721, %gather3A_1735 : vector<16xf32>
      %mul3A_1744 = arith.mulf %bitcast3A_1726, %gather3A_1736 : vector<16xf32>
      %add3A_1745 = arith.addf %mul3A_1743, %mul3A_1744 : vector<16xf32>
      %mul3A_1746 = arith.mulf %bitcast3A_1731, %gather3A_1737 : vector<16xf32>
      %add3A_1747 = arith.addf %add3A_1745, %mul3A_1746 : vector<16xf32>
      %add3A_1748 = arith.addi %add3A_1713, %add3A_1713 : vector<16xi32>
      tpu.vector_store_idx %arg13[%add3A_1748], %add3A_1742 : memref<1024xf32, #tpu.memory_space<vmem>>[vector<16xi32>], vector<16xf32>,
      %add3A_1749 = arith.constant 1 : i32
      %add3A_1750 = vector.broadcast %add3A_1749 : i32 to vector<16xi32>
      %add3A_1751 = arith.addi %add3A_1748, %add3A_1750 : vector<16xi32>
      tpu.vector_store_idx %arg13[%add3A_1751], %add3A_1747 : memref<1024xf32, #tpu.memory_space<vmem>>[vector<16xi32>], vector<16xf32>,
      %add3A_1752 = arith.constant 64 : i32
      %add3A_1753 = vector.broadcast %add3A_1752 : i32 to vector<16xi32>
      %add3A_1754 = arith.addi %iota3A, %add3A_1753 : vector<16xi32>
      %gather3A_1755 = tpu.vector_load_idx %arg11[%add3A_1754, %broadcast_in_dim3A_5] : memref<512x8xi32, #tpu.memory_space<vmem>>[vector<16xi32>, vector<16xi32>], vector<16xi32>,
      %gather3A_1756 = tpu.vector_load_idx %arg11[%add3A_1754, %broadcast_in_dim3A_7] : memref<512x8xi32, #tpu.memory_space<vmem>>[vector<16xi32>, vector<16xi32>], vector<16xi32>,
      %gather3A_1757 = tpu.vector_load_idx %arg11[%add3A_1754, %broadcast_in_dim3A_9] : memref<512x8xi32, #tpu.memory_space<vmem>>[vector<16xi32>, vector<16xi32>], vector<16xi32>,
      %add3A_1758 = arith.constant 192 : i32
      %add3A_1759 = vector.broadcast %add3A_1758 : i32 to vector<16xi32>
      %add3A_1760 = arith.addi %add3A_4, %add3A_1759 : vector<16xi32>
      %gather3A_1761 = tpu.vector_load_idx %arg9[%add3A_1760] : memref<2048xi32, #tpu.memory_space<vmem>>[vector<16xi32>], vector<16xi32>,
      %bitcast3A_1762 = vector.bitcast %gather3A_1761 : vector<16xi32> to vector<16xf32>
      %add3A_1763 = arith.constant 1 : i32
      %add3A_1764 = vector.broadcast %add3A_1763 : i32 to vector<16xi32>
      %add3A_1765 = arith.addi %add3A_1760, %add3A_1764 : vector<16xi32>
      %gather3A_1766 = tpu.vector_load_idx %arg9[%add3A_1765] : memref<2048xi32, #tpu.memory_space<vmem>>[vector<16xi32>], vector<16xi32>,
      %bitcast3A_1767 = vector.bitcast %gather3A_1766 : vector<16xi32> to vector<16xf32>
      %add3A_1768 = arith.constant 2 : i32
      %add3A_1769 = vector.broadcast %add3A_1768 : i32 to vector<16xi32>
      %add3A_1770 = arith.addi %add3A_1760, %add3A_1769 : vector<16xi32>
      %gather3A_1771 = tpu.vector_load_idx %arg9[%add3A_1770] : memref<2048xi32, #tpu.memory_space<vmem>>[vector<16xi32>], vector<16xi32>,
      %bitcast3A_1772 = vector.bitcast %gather3A_1771 : vector<16xi32> to vector<16xf32>
      %gather3A_1773 = tpu.vector_load_idx %arg6[%gather3A_1755] : memref<50000xf32, #tpu.memory_space<vmem>>[vector<16xi32>], vector<16xf32>,
      %gather3A_1774 = tpu.vector_load_idx %arg6[%gather3A_1756] : memref<50000xf32, #tpu.memory_space<vmem>>[vector<16xi32>], vector<16xf32>,
      %gather3A_1775 = tpu.vector_load_idx %arg6[%gather3A_1757] : memref<50000xf32, #tpu.memory_space<vmem>>[vector<16xi32>], vector<16xf32>,
      %gather3A_1776 = tpu.vector_load_idx %arg7[%gather3A_1755] : memref<50000xf32, #tpu.memory_space<vmem>>[vector<16xi32>], vector<16xf32>,
      %gather3A_1777 = tpu.vector_load_idx %arg7[%gather3A_1756] : memref<50000xf32, #tpu.memory_space<vmem>>[vector<16xi32>], vector<16xf32>,
      %gather3A_1778 = tpu.vector_load_idx %arg7[%gather3A_1757] : memref<50000xf32, #tpu.memory_space<vmem>>[vector<16xi32>], vector<16xf32>,
      %mul3A_1779 = arith.mulf %bitcast3A_1762, %gather3A_1773 : vector<16xf32>
      %mul3A_1780 = arith.mulf %bitcast3A_1767, %gather3A_1774 : vector<16xf32>
      %add3A_1781 = arith.addf %mul3A_1779, %mul3A_1780 : vector<16xf32>
      %mul3A_1782 = arith.mulf %bitcast3A_1772, %gather3A_1775 : vector<16xf32>
      %add3A_1783 = arith.addf %add3A_1781, %mul3A_1782 : vector<16xf32>
      %mul3A_1784 = arith.mulf %bitcast3A_1762, %gather3A_1776 : vector<16xf32>
      %mul3A_1785 = arith.mulf %bitcast3A_1767, %gather3A_1777 : vector<16xf32>
      %add3A_1786 = arith.addf %mul3A_1784, %mul3A_1785 : vector<16xf32>
      %mul3A_1787 = arith.mulf %bitcast3A_1772, %gather3A_1778 : vector<16xf32>
      %add3A_1788 = arith.addf %add3A_1786, %mul3A_1787 : vector<16xf32>
      %add3A_1789 = arith.addi %add3A_1754, %add3A_1754 : vector<16xi32>
      tpu.vector_store_idx %arg13[%add3A_1789], %add3A_1783 : memref<1024xf32, #tpu.memory_space<vmem>>[vector<16xi32>], vector<16xf32>,
      %add3A_1790 = arith.constant 1 : i32
      %add3A_1791 = vector.broadcast %add3A_1790 : i32 to vector<16xi32>
      %add3A_1792 = arith.addi %add3A_1789, %add3A_1791 : vector<16xi32>
      tpu.vector_store_idx %arg13[%add3A_1792], %add3A_1788 : memref<1024xf32, #tpu.memory_space<vmem>>[vector<16xi32>], vector<16xf32>,
      %add3A_1793 = arith.constant 80 : i32
      %add3A_1794 = vector.broadcast %add3A_1793 : i32 to vector<16xi32>
      %add3A_1795 = arith.addi %iota3A, %add3A_1794 : vector<16xi32>
      %gather3A_1796 = tpu.vector_load_idx %arg11[%add3A_1795, %broadcast_in_dim3A_5] : memref<512x8xi32, #tpu.memory_space<vmem>>[vector<16xi32>, vector<16xi32>], vector<16xi32>,
      %gather3A_1797 = tpu.vector_load_idx %arg11[%add3A_1795, %broadcast_in_dim3A_7] : memref<512x8xi32, #tpu.memory_space<vmem>>[vector<16xi32>, vector<16xi32>], vector<16xi32>,
      %gather3A_1798 = tpu.vector_load_idx %arg11[%add3A_1795, %broadcast_in_dim3A_9] : memref<512x8xi32, #tpu.memory_space<vmem>>[vector<16xi32>, vector<16xi32>], vector<16xi32>,
      %add3A_1799 = arith.constant 240 : i32
      %add3A_1800 = vector.broadcast %add3A_1799 : i32 to vector<16xi32>
      %add3A_1801 = arith.addi %add3A_4, %add3A_1800 : vector<16xi32>
      %gather3A_1802 = tpu.vector_load_idx %arg9[%add3A_1801] : memref<2048xi32, #tpu.memory_space<vmem>>[vector<16xi32>], vector<16xi32>,
      %bitcast3A_1803 = vector.bitcast %gather3A_1802 : vector<16xi32> to vector<16xf32>
      %add3A_1804 = arith.constant 1 : i32
      %add3A_1805 = vector.broadcast %add3A_1804 : i32 to vector<16xi32>
      %add3A_1806 = arith.addi %add3A_1801, %add3A_1805 : vector<16xi32>
      %gather3A_1807 = tpu.vector_load_idx %arg9[%add3A_1806] : memref<2048xi32, #tpu.memory_space<vmem>>[vector<16xi32>], vector<16xi32>,
      %bitcast3A_1808 = vector.bitcast %gather3A_1807 : vector<16xi32> to vector<16xf32>
      %add3A_1809 = arith.constant 2 : i32
      %add3A_1810 = vector.broadcast %add3A_1809 : i32 to vector<16xi32>
      %add3A_1811 = arith.addi %add3A_1801, %add3A_1810 : vector<16xi32>
      %gather3A_1812 = tpu.vector_load_idx %arg9[%add3A_1811] : memref<2048xi32, #tpu.memory_space<vmem>>[vector<16xi32>], vector<16xi32>,
      %bitcast3A_1813 = vector.bitcast %gather3A_1812 : vector<16xi32> to vector<16xf32>
      %gather3A_1814 = tpu.vector_load_idx %arg6[%gather3A_1796] : memref<50000xf32, #tpu.memory_space<vmem>>[vector<16xi32>], vector<16xf32>,
      %gather3A_1815 = tpu.vector_load_idx %arg6[%gather3A_1797] : memref<50000xf32, #tpu.memory_space<vmem>>[vector<16xi32>], vector<16xf32>,
      %gather3A_1816 = tpu.vector_load_idx %arg6[%gather3A_1798] : memref<50000xf32, #tpu.memory_space<vmem>>[vector<16xi32>], vector<16xf32>,
      %gather3A_1817 = tpu.vector_load_idx %arg7[%gather3A_1796] : memref<50000xf32, #tpu.memory_space<vmem>>[vector<16xi32>], vector<16xf32>,
      %gather3A_1818 = tpu.vector_load_idx %arg7[%gather3A_1797] : memref<50000xf32, #tpu.memory_space<vmem>>[vector<16xi32>], vector<16xf32>,
      %gather3A_1819 = tpu.vector_load_idx %arg7[%gather3A_1798] : memref<50000xf32, #tpu.memory_space<vmem>>[vector<16xi32>], vector<16xf32>,
      %mul3A_1820 = arith.mulf %bitcast3A_1803, %gather3A_1814 : vector<16xf32>
      %mul3A_1821 = arith.mulf %bitcast3A_1808, %gather3A_1815 : vector<16xf32>
      %add3A_1822 = arith.addf %mul3A_1820, %mul3A_1821 : vector<16xf32>
      %mul3A_1823 = arith.mulf %bitcast3A_1813, %gather3A_1816 : vector<16xf32>
      %add3A_1824 = arith.addf %add3A_1822, %mul3A_1823 : vector<16xf32>
      %mul3A_1825 = arith.mulf %bitcast3A_1803, %gather3A_1817 : vector<16xf32>
      %mul3A_1826 = arith.mulf %bitcast3A_1808, %gather3A_1818 : vector<16xf32>
      %add3A_1827 = arith.addf %mul3A_1825, %mul3A_1826 : vector<16xf32>
      %mul3A_1828 = arith.mulf %bitcast3A_1813, %gather3A_1819 : vector<16xf32>
      %add3A_1829 = arith.addf %add3A_1827, %mul3A_1828 : vector<16xf32>
      %add3A_1830 = arith.addi %add3A_1795, %add3A_1795 : vector<16xi32>
      tpu.vector_store_idx %arg13[%add3A_1830], %add3A_1824 : memref<1024xf32, #tpu.memory_space<vmem>>[vector<16xi32>], vector<16xf32>,
      %add3A_1831 = arith.constant 1 : i32
      %add3A_1832 = vector.broadcast %add3A_1831 : i32 to vector<16xi32>
      %add3A_1833 = arith.addi %add3A_1830, %add3A_1832 : vector<16xi32>
      tpu.vector_store_idx %arg13[%add3A_1833], %add3A_1829 : memref<1024xf32, #tpu.memory_space<vmem>>[vector<16xi32>], vector<16xf32>,
      %add3A_1834 = arith.constant 96 : i32
      %add3A_1835 = vector.broadcast %add3A_1834 : i32 to vector<16xi32>
      %add3A_1836 = arith.addi %iota3A, %add3A_1835 : vector<16xi32>
      %gather3A_1837 = tpu.vector_load_idx %arg11[%add3A_1836, %broadcast_in_dim3A_5] : memref<512x8xi32, #tpu.memory_space<vmem>>[vector<16xi32>, vector<16xi32>], vector<16xi32>,
      %gather3A_1838 = tpu.vector_load_idx %arg11[%add3A_1836, %broadcast_in_dim3A_7] : memref<512x8xi32, #tpu.memory_space<vmem>>[vector<16xi32>, vector<16xi32>], vector<16xi32>,
      %gather3A_1839 = tpu.vector_load_idx %arg11[%add3A_1836, %broadcast_in_dim3A_9] : memref<512x8xi32, #tpu.memory_space<vmem>>[vector<16xi32>, vector<16xi32>], vector<16xi32>,
      %add3A_1840 = arith.constant 288 : i32
      %add3A_1841 = vector.broadcast %add3A_1840 : i32 to vector<16xi32>
      %add3A_1842 = arith.addi %add3A_4, %add3A_1841 : vector<16xi32>
      %gather3A_1843 = tpu.vector_load_idx %arg9[%add3A_1842] : memref<2048xi32, #tpu.memory_space<vmem>>[vector<16xi32>], vector<16xi32>,
      %bitcast3A_1844 = vector.bitcast %gather3A_1843 : vector<16xi32> to vector<16xf32>
      %add3A_1845 = arith.constant 1 : i32
      %add3A_1846 = vector.broadcast %add3A_1845 : i32 to vector<16xi32>
      %add3A_1847 = arith.addi %add3A_1842, %add3A_1846 : vector<16xi32>
      %gather3A_1848 = tpu.vector_load_idx %arg9[%add3A_1847] : memref<2048xi32, #tpu.memory_space<vmem>>[vector<16xi32>], vector<16xi32>,
      %bitcast3A_1849 = vector.bitcast %gather3A_1848 : vector<16xi32> to vector<16xf32>
      %add3A_1850 = arith.constant 2 : i32
      %add3A_1851 = vector.broadcast %add3A_1850 : i32 to vector<16xi32>
      %add3A_1852 = arith.addi %add3A_1842, %add3A_1851 : vector<16xi32>
      %gather3A_1853 = tpu.vector_load_idx %arg9[%add3A_1852] : memref<2048xi32, #tpu.memory_space<vmem>>[vector<16xi32>], vector<16xi32>,
      %bitcast3A_1854 = vector.bitcast %gather3A_1853 : vector<16xi32> to vector<16xf32>
      %gather3A_1855 = tpu.vector_load_idx %arg6[%gather3A_1837] : memref<50000xf32, #tpu.memory_space<vmem>>[vector<16xi32>], vector<16xf32>,
      %gather3A_1856 = tpu.vector_load_idx %arg6[%gather3A_1838] : memref<50000xf32, #tpu.memory_space<vmem>>[vector<16xi32>], vector<16xf32>,
      %gather3A_1857 = tpu.vector_load_idx %arg6[%gather3A_1839] : memref<50000xf32, #tpu.memory_space<vmem>>[vector<16xi32>], vector<16xf32>,
      %gather3A_1858 = tpu.vector_load_idx %arg7[%gather3A_1837] : memref<50000xf32, #tpu.memory_space<vmem>>[vector<16xi32>], vector<16xf32>,
      %gather3A_1859 = tpu.vector_load_idx %arg7[%gather3A_1838] : memref<50000xf32, #tpu.memory_space<vmem>>[vector<16xi32>], vector<16xf32>,
      %gather3A_1860 = tpu.vector_load_idx %arg7[%gather3A_1839] : memref<50000xf32, #tpu.memory_space<vmem>>[vector<16xi32>], vector<16xf32>,
      %mul3A_1861 = arith.mulf %bitcast3A_1844, %gather3A_1855 : vector<16xf32>
      %mul3A_1862 = arith.mulf %bitcast3A_1849, %gather3A_1856 : vector<16xf32>
      %add3A_1863 = arith.addf %mul3A_1861, %mul3A_1862 : vector<16xf32>
      %mul3A_1864 = arith.mulf %bitcast3A_1854, %gather3A_1857 : vector<16xf32>
      %add3A_1865 = arith.addf %add3A_1863, %mul3A_1864 : vector<16xf32>
      %mul3A_1866 = arith.mulf %bitcast3A_1844, %gather3A_1858 : vector<16xf32>
      %mul3A_1867 = arith.mulf %bitcast3A_1849, %gather3A_1859 : vector<16xf32>
      %add3A_1868 = arith.addf %mul3A_1866, %mul3A_1867 : vector<16xf32>
      %mul3A_1869 = arith.mulf %bitcast3A_1854, %gather3A_1860 : vector<16xf32>
      %add3A_1870 = arith.addf %add3A_1868, %mul3A_1869 : vector<16xf32>
      %add3A_1871 = arith.addi %add3A_1836, %add3A_1836 : vector<16xi32>
      tpu.vector_store_idx %arg13[%add3A_1871], %add3A_1865 : memref<1024xf32, #tpu.memory_space<vmem>>[vector<16xi32>], vector<16xf32>,
      %add3A_1872 = arith.constant 1 : i32
      %add3A_1873 = vector.broadcast %add3A_1872 : i32 to vector<16xi32>
      %add3A_1874 = arith.addi %add3A_1871, %add3A_1873 : vector<16xi32>
      tpu.vector_store_idx %arg13[%add3A_1874], %add3A_1870 : memref<1024xf32, #tpu.memory_space<vmem>>[vector<16xi32>], vector<16xf32>,
      %add3A_1875 = arith.constant 112 : i32
      %add3A_1876 = vector.broadcast %add3A_1875 : i32 to vector<16xi32>
      %add3A_1877 = arith.addi %iota3A, %add3A_1876 : vector<16xi32>
      %gather3A_1878 = tpu.vector_load_idx %arg11[%add3A_1877, %broadcast_in_dim3A_5] : memref<512x8xi32, #tpu.memory_space<vmem>>[vector<16xi32>, vector<16xi32>], vector<16xi32>,
      %gather3A_1879 = tpu.vector_load_idx %arg11[%add3A_1877, %broadcast_in_dim3A_7] : memref<512x8xi32, #tpu.memory_space<vmem>>[vector<16xi32>, vector<16xi32>], vector<16xi32>,
      %gather3A_1880 = tpu.vector_load_idx %arg11[%add3A_1877, %broadcast_in_dim3A_9] : memref<512x8xi32, #tpu.memory_space<vmem>>[vector<16xi32>, vector<16xi32>], vector<16xi32>,
      %add3A_1881 = arith.constant 336 : i32
      %add3A_1882 = vector.broadcast %add3A_1881 : i32 to vector<16xi32>
      %add3A_1883 = arith.addi %add3A_4, %add3A_1882 : vector<16xi32>
      %gather3A_1884 = tpu.vector_load_idx %arg9[%add3A_1883] : memref<2048xi32, #tpu.memory_space<vmem>>[vector<16xi32>], vector<16xi32>,
      %bitcast3A_1885 = vector.bitcast %gather3A_1884 : vector<16xi32> to vector<16xf32>
      %add3A_1886 = arith.constant 1 : i32
      %add3A_1887 = vector.broadcast %add3A_1886 : i32 to vector<16xi32>
      %add3A_1888 = arith.addi %add3A_1883, %add3A_1887 : vector<16xi32>
      %gather3A_1889 = tpu.vector_load_idx %arg9[%add3A_1888] : memref<2048xi32, #tpu.memory_space<vmem>>[vector<16xi32>], vector<16xi32>,
      %bitcast3A_1890 = vector.bitcast %gather3A_1889 : vector<16xi32> to vector<16xf32>
      %add3A_1891 = arith.constant 2 : i32
      %add3A_1892 = vector.broadcast %add3A_1891 : i32 to vector<16xi32>
      %add3A_1893 = arith.addi %add3A_1883, %add3A_1892 : vector<16xi32>
      %gather3A_1894 = tpu.vector_load_idx %arg9[%add3A_1893] : memref<2048xi32, #tpu.memory_space<vmem>>[vector<16xi32>], vector<16xi32>,
      %bitcast3A_1895 = vector.bitcast %gather3A_1894 : vector<16xi32> to vector<16xf32>
      %gather3A_1896 = tpu.vector_load_idx %arg6[%gather3A_1878] : memref<50000xf32, #tpu.memory_space<vmem>>[vector<16xi32>], vector<16xf32>,
      %gather3A_1897 = tpu.vector_load_idx %arg6[%gather3A_1879] : memref<50000xf32, #tpu.memory_space<vmem>>[vector<16xi32>], vector<16xf32>,
      %gather3A_1898 = tpu.vector_load_idx %arg6[%gather3A_1880] : memref<50000xf32, #tpu.memory_space<vmem>>[vector<16xi32>], vector<16xf32>,
      %gather3A_1899 = tpu.vector_load_idx %arg7[%gather3A_1878] : memref<50000xf32, #tpu.memory_space<vmem>>[vector<16xi32>], vector<16xf32>,
      %gather3A_1900 = tpu.vector_load_idx %arg7[%gather3A_1879] : memref<50000xf32, #tpu.memory_space<vmem>>[vector<16xi32>], vector<16xf32>,
      %gather3A_1901 = tpu.vector_load_idx %arg7[%gather3A_1880] : memref<50000xf32, #tpu.memory_space<vmem>>[vector<16xi32>], vector<16xf32>,
      %mul3A_1902 = arith.mulf %bitcast3A_1885, %gather3A_1896 : vector<16xf32>
      %mul3A_1903 = arith.mulf %bitcast3A_1890, %gather3A_1897 : vector<16xf32>
      %add3A_1904 = arith.addf %mul3A_1902, %mul3A_1903 : vector<16xf32>
      %mul3A_1905 = arith.mulf %bitcast3A_1895, %gather3A_1898 : vector<16xf32>
      %add3A_1906 = arith.addf %add3A_1904, %mul3A_1905 : vector<16xf32>
      %mul3A_1907 = arith.mulf %bitcast3A_1885, %gather3A_1899 : vector<16xf32>
      %mul3A_1908 = arith.mulf %bitcast3A_1890, %gather3A_1900 : vector<16xf32>
      %add3A_1909 = arith.addf %mul3A_1907, %mul3A_1908 : vector<16xf32>
      %mul3A_1910 = arith.mulf %bitcast3A_1895, %gather3A_1901 : vector<16xf32>
      %add3A_1911 = arith.addf %add3A_1909, %mul3A_1910 : vector<16xf32>
      %add3A_1912 = arith.addi %add3A_1877, %add3A_1877 : vector<16xi32>
      tpu.vector_store_idx %arg13[%add3A_1912], %add3A_1906 : memref<1024xf32, #tpu.memory_space<vmem>>[vector<16xi32>], vector<16xf32>,
      %add3A_1913 = arith.constant 1 : i32
      %add3A_1914 = vector.broadcast %add3A_1913 : i32 to vector<16xi32>
      %add3A_1915 = arith.addi %add3A_1912, %add3A_1914 : vector<16xi32>
      tpu.vector_store_idx %arg13[%add3A_1915], %add3A_1911 : memref<1024xf32, #tpu.memory_space<vmem>>[vector<16xi32>], vector<16xf32>,
      %add3A_1916 = arith.constant 128 : i32
      %add3A_1917 = vector.broadcast %add3A_1916 : i32 to vector<16xi32>
      %add3A_1918 = arith.addi %iota3A, %add3A_1917 : vector<16xi32>
      %gather3A_1919 = tpu.vector_load_idx %arg11[%add3A_1918, %broadcast_in_dim3A_5] : memref<512x8xi32, #tpu.memory_space<vmem>>[vector<16xi32>, vector<16xi32>], vector<16xi32>,
      %gather3A_1920 = tpu.vector_load_idx %arg11[%add3A_1918, %broadcast_in_dim3A_7] : memref<512x8xi32, #tpu.memory_space<vmem>>[vector<16xi32>, vector<16xi32>], vector<16xi32>,
      %gather3A_1921 = tpu.vector_load_idx %arg11[%add3A_1918, %broadcast_in_dim3A_9] : memref<512x8xi32, #tpu.memory_space<vmem>>[vector<16xi32>, vector<16xi32>], vector<16xi32>,
      %add3A_1922 = arith.constant 384 : i32
      %add3A_1923 = vector.broadcast %add3A_1922 : i32 to vector<16xi32>
      %add3A_1924 = arith.addi %add3A_4, %add3A_1923 : vector<16xi32>
      %gather3A_1925 = tpu.vector_load_idx %arg9[%add3A_1924] : memref<2048xi32, #tpu.memory_space<vmem>>[vector<16xi32>], vector<16xi32>,
      %bitcast3A_1926 = vector.bitcast %gather3A_1925 : vector<16xi32> to vector<16xf32>
      %add3A_1927 = arith.constant 1 : i32
      %add3A_1928 = vector.broadcast %add3A_1927 : i32 to vector<16xi32>
      %add3A_1929 = arith.addi %add3A_1924, %add3A_1928 : vector<16xi32>
      %gather3A_1930 = tpu.vector_load_idx %arg9[%add3A_1929] : memref<2048xi32, #tpu.memory_space<vmem>>[vector<16xi32>], vector<16xi32>,
      %bitcast3A_1931 = vector.bitcast %gather3A_1930 : vector<16xi32> to vector<16xf32>
      %add3A_1932 = arith.constant 2 : i32
      %add3A_1933 = vector.broadcast %add3A_1932 : i32 to vector<16xi32>
      %add3A_1934 = arith.addi %add3A_1924, %add3A_1933 : vector<16xi32>
      %gather3A_1935 = tpu.vector_load_idx %arg9[%add3A_1934] : memref<2048xi32, #tpu.memory_space<vmem>>[vector<16xi32>], vector<16xi32>,
      %bitcast3A_1936 = vector.bitcast %gather3A_1935 : vector<16xi32> to vector<16xf32>
      %gather3A_1937 = tpu.vector_load_idx %arg6[%gather3A_1919] : memref<50000xf32, #tpu.memory_space<vmem>>[vector<16xi32>], vector<16xf32>,
      %gather3A_1938 = tpu.vector_load_idx %arg6[%gather3A_1920] : memref<50000xf32, #tpu.memory_space<vmem>>[vector<16xi32>], vector<16xf32>,
      %gather3A_1939 = tpu.vector_load_idx %arg6[%gather3A_1921] : memref<50000xf32, #tpu.memory_space<vmem>>[vector<16xi32>], vector<16xf32>,
      %gather3A_1940 = tpu.vector_load_idx %arg7[%gather3A_1919] : memref<50000xf32, #tpu.memory_space<vmem>>[vector<16xi32>], vector<16xf32>,
      %gather3A_1941 = tpu.vector_load_idx %arg7[%gather3A_1920] : memref<50000xf32, #tpu.memory_space<vmem>>[vector<16xi32>], vector<16xf32>,
      %gather3A_1942 = tpu.vector_load_idx %arg7[%gather3A_1921] : memref<50000xf32, #tpu.memory_space<vmem>>[vector<16xi32>], vector<16xf32>,
      %mul3A_1943 = arith.mulf %bitcast3A_1926, %gather3A_1937 : vector<16xf32>
      %mul3A_1944 = arith.mulf %bitcast3A_1931, %gather3A_1938 : vector<16xf32>
      %add3A_1945 = arith.addf %mul3A_1943, %mul3A_1944 : vector<16xf32>
      %mul3A_1946 = arith.mulf %bitcast3A_1936, %gather3A_1939 : vector<16xf32>
      %add3A_1947 = arith.addf %add3A_1945, %mul3A_1946 : vector<16xf32>
      %mul3A_1948 = arith.mulf %bitcast3A_1926, %gather3A_1940 : vector<16xf32>
      %mul3A_1949 = arith.mulf %bitcast3A_1931, %gather3A_1941 : vector<16xf32>
      %add3A_1950 = arith.addf %mul3A_1948, %mul3A_1949 : vector<16xf32>
      %mul3A_1951 = arith.mulf %bitcast3A_1936, %gather3A_1942 : vector<16xf32>
      %add3A_1952 = arith.addf %add3A_1950, %mul3A_1951 : vector<16xf32>
      %add3A_1953 = arith.addi %add3A_1918, %add3A_1918 : vector<16xi32>
      tpu.vector_store_idx %arg13[%add3A_1953], %add3A_1947 : memref<1024xf32, #tpu.memory_space<vmem>>[vector<16xi32>], vector<16xf32>,
      %add3A_1954 = arith.constant 1 : i32
      %add3A_1955 = vector.broadcast %add3A_1954 : i32 to vector<16xi32>
      %add3A_1956 = arith.addi %add3A_1953, %add3A_1955 : vector<16xi32>
      tpu.vector_store_idx %arg13[%add3A_1956], %add3A_1952 : memref<1024xf32, #tpu.memory_space<vmem>>[vector<16xi32>], vector<16xf32>,
      %add3A_1957 = arith.constant 144 : i32
      %add3A_1958 = vector.broadcast %add3A_1957 : i32 to vector<16xi32>
      %add3A_1959 = arith.addi %iota3A, %add3A_1958 : vector<16xi32>
      %gather3A_1960 = tpu.vector_load_idx %arg11[%add3A_1959, %broadcast_in_dim3A_5] : memref<512x8xi32, #tpu.memory_space<vmem>>[vector<16xi32>, vector<16xi32>], vector<16xi32>,
      %gather3A_1961 = tpu.vector_load_idx %arg11[%add3A_1959, %broadcast_in_dim3A_7] : memref<512x8xi32, #tpu.memory_space<vmem>>[vector<16xi32>, vector<16xi32>], vector<16xi32>,
      %gather3A_1962 = tpu.vector_load_idx %arg11[%add3A_1959, %broadcast_in_dim3A_9] : memref<512x8xi32, #tpu.memory_space<vmem>>[vector<16xi32>, vector<16xi32>], vector<16xi32>,
      %add3A_1963 = arith.constant 432 : i32
      %add3A_1964 = vector.broadcast %add3A_1963 : i32 to vector<16xi32>
      %add3A_1965 = arith.addi %add3A_4, %add3A_1964 : vector<16xi32>
      %gather3A_1966 = tpu.vector_load_idx %arg9[%add3A_1965] : memref<2048xi32, #tpu.memory_space<vmem>>[vector<16xi32>], vector<16xi32>,
      %bitcast3A_1967 = vector.bitcast %gather3A_1966 : vector<16xi32> to vector<16xf32>
      %add3A_1968 = arith.constant 1 : i32
      %add3A_1969 = vector.broadcast %add3A_1968 : i32 to vector<16xi32>
      %add3A_1970 = arith.addi %add3A_1965, %add3A_1969 : vector<16xi32>
      %gather3A_1971 = tpu.vector_load_idx %arg9[%add3A_1970] : memref<2048xi32, #tpu.memory_space<vmem>>[vector<16xi32>], vector<16xi32>,
      %bitcast3A_1972 = vector.bitcast %gather3A_1971 : vector<16xi32> to vector<16xf32>
      %add3A_1973 = arith.constant 2 : i32
      %add3A_1974 = vector.broadcast %add3A_1973 : i32 to vector<16xi32>
      %add3A_1975 = arith.addi %add3A_1965, %add3A_1974 : vector<16xi32>
      %gather3A_1976 = tpu.vector_load_idx %arg9[%add3A_1975] : memref<2048xi32, #tpu.memory_space<vmem>>[vector<16xi32>], vector<16xi32>,
      %bitcast3A_1977 = vector.bitcast %gather3A_1976 : vector<16xi32> to vector<16xf32>
      %gather3A_1978 = tpu.vector_load_idx %arg6[%gather3A_1960] : memref<50000xf32, #tpu.memory_space<vmem>>[vector<16xi32>], vector<16xf32>,
      %gather3A_1979 = tpu.vector_load_idx %arg6[%gather3A_1961] : memref<50000xf32, #tpu.memory_space<vmem>>[vector<16xi32>], vector<16xf32>,
      %gather3A_1980 = tpu.vector_load_idx %arg6[%gather3A_1962] : memref<50000xf32, #tpu.memory_space<vmem>>[vector<16xi32>], vector<16xf32>,
      %gather3A_1981 = tpu.vector_load_idx %arg7[%gather3A_1960] : memref<50000xf32, #tpu.memory_space<vmem>>[vector<16xi32>], vector<16xf32>,
      %gather3A_1982 = tpu.vector_load_idx %arg7[%gather3A_1961] : memref<50000xf32, #tpu.memory_space<vmem>>[vector<16xi32>], vector<16xf32>,
      %gather3A_1983 = tpu.vector_load_idx %arg7[%gather3A_1962] : memref<50000xf32, #tpu.memory_space<vmem>>[vector<16xi32>], vector<16xf32>,
      %mul3A_1984 = arith.mulf %bitcast3A_1967, %gather3A_1978 : vector<16xf32>
      %mul3A_1985 = arith.mulf %bitcast3A_1972, %gather3A_1979 : vector<16xf32>
      %add3A_1986 = arith.addf %mul3A_1984, %mul3A_1985 : vector<16xf32>
      %mul3A_1987 = arith.mulf %bitcast3A_1977, %gather3A_1980 : vector<16xf32>
      %add3A_1988 = arith.addf %add3A_1986, %mul3A_1987 : vector<16xf32>
      %mul3A_1989 = arith.mulf %bitcast3A_1967, %gather3A_1981 : vector<16xf32>
      %mul3A_1990 = arith.mulf %bitcast3A_1972, %gather3A_1982 : vector<16xf32>
      %add3A_1991 = arith.addf %mul3A_1989, %mul3A_1990 : vector<16xf32>
      %mul3A_1992 = arith.mulf %bitcast3A_1977, %gather3A_1983 : vector<16xf32>
      %add3A_1993 = arith.addf %add3A_1991, %mul3A_1992 : vector<16xf32>
      %add3A_1994 = arith.addi %add3A_1959, %add3A_1959 : vector<16xi32>
      tpu.vector_store_idx %arg13[%add3A_1994], %add3A_1988 : memref<1024xf32, #tpu.memory_space<vmem>>[vector<16xi32>], vector<16xf32>,
      %add3A_1995 = arith.constant 1 : i32
      %add3A_1996 = vector.broadcast %add3A_1995 : i32 to vector<16xi32>
      %add3A_1997 = arith.addi %add3A_1994, %add3A_1996 : vector<16xi32>
      tpu.vector_store_idx %arg13[%add3A_1997], %add3A_1993 : memref<1024xf32, #tpu.memory_space<vmem>>[vector<16xi32>], vector<16xf32>,
      %add3A_1998 = arith.constant 160 : i32
      %add3A_1999 = vector.broadcast %add3A_1998 : i32 to vector<16xi32>
      %add3A_2000 = arith.addi %iota3A, %add3A_1999 : vector<16xi32>
      %gather3A_2001 = tpu.vector_load_idx %arg11[%add3A_2000, %broadcast_in_dim3A_5] : memref<512x8xi32, #tpu.memory_space<vmem>>[vector<16xi32>, vector<16xi32>], vector<16xi32>,
      %gather3A_2002 = tpu.vector_load_idx %arg11[%add3A_2000, %broadcast_in_dim3A_7] : memref<512x8xi32, #tpu.memory_space<vmem>>[vector<16xi32>, vector<16xi32>], vector<16xi32>,
      %gather3A_2003 = tpu.vector_load_idx %arg11[%add3A_2000, %broadcast_in_dim3A_9] : memref<512x8xi32, #tpu.memory_space<vmem>>[vector<16xi32>, vector<16xi32>], vector<16xi32>,
      %add3A_2004 = arith.constant 480 : i32
      %add3A_2005 = vector.broadcast %add3A_2004 : i32 to vector<16xi32>
      %add3A_2006 = arith.addi %add3A_4, %add3A_2005 : vector<16xi32>
      %gather3A_2007 = tpu.vector_load_idx %arg9[%add3A_2006] : memref<2048xi32, #tpu.memory_space<vmem>>[vector<16xi32>], vector<16xi32>,
      %bitcast3A_2008 = vector.bitcast %gather3A_2007 : vector<16xi32> to vector<16xf32>
      %add3A_2009 = arith.constant 1 : i32
      %add3A_2010 = vector.broadcast %add3A_2009 : i32 to vector<16xi32>
      %add3A_2011 = arith.addi %add3A_2006, %add3A_2010 : vector<16xi32>
      %gather3A_2012 = tpu.vector_load_idx %arg9[%add3A_2011] : memref<2048xi32, #tpu.memory_space<vmem>>[vector<16xi32>], vector<16xi32>,
      %bitcast3A_2013 = vector.bitcast %gather3A_2012 : vector<16xi32> to vector<16xf32>
      %add3A_2014 = arith.constant 2 : i32
      %add3A_2015 = vector.broadcast %add3A_2014 : i32 to vector<16xi32>
      %add3A_2016 = arith.addi %add3A_2006, %add3A_2015 : vector<16xi32>
      %gather3A_2017 = tpu.vector_load_idx %arg9[%add3A_2016] : memref<2048xi32, #tpu.memory_space<vmem>>[vector<16xi32>], vector<16xi32>,
      %bitcast3A_2018 = vector.bitcast %gather3A_2017 : vector<16xi32> to vector<16xf32>
      %gather3A_2019 = tpu.vector_load_idx %arg6[%gather3A_2001] : memref<50000xf32, #tpu.memory_space<vmem>>[vector<16xi32>], vector<16xf32>,
      %gather3A_2020 = tpu.vector_load_idx %arg6[%gather3A_2002] : memref<50000xf32, #tpu.memory_space<vmem>>[vector<16xi32>], vector<16xf32>,
      %gather3A_2021 = tpu.vector_load_idx %arg6[%gather3A_2003] : memref<50000xf32, #tpu.memory_space<vmem>>[vector<16xi32>], vector<16xf32>,
      %gather3A_2022 = tpu.vector_load_idx %arg7[%gather3A_2001] : memref<50000xf32, #tpu.memory_space<vmem>>[vector<16xi32>], vector<16xf32>,
      %gather3A_2023 = tpu.vector_load_idx %arg7[%gather3A_2002] : memref<50000xf32, #tpu.memory_space<vmem>>[vector<16xi32>], vector<16xf32>,
      %gather3A_2024 = tpu.vector_load_idx %arg7[%gather3A_2003] : memref<50000xf32, #tpu.memory_space<vmem>>[vector<16xi32>], vector<16xf32>,
      %mul3A_2025 = arith.mulf %bitcast3A_2008, %gather3A_2019 : vector<16xf32>
      %mul3A_2026 = arith.mulf %bitcast3A_2013, %gather3A_2020 : vector<16xf32>
      %add3A_2027 = arith.addf %mul3A_2025, %mul3A_2026 : vector<16xf32>
      %mul3A_2028 = arith.mulf %bitcast3A_2018, %gather3A_2021 : vector<16xf32>
      %add3A_2029 = arith.addf %add3A_2027, %mul3A_2028 : vector<16xf32>
      %mul3A_2030 = arith.mulf %bitcast3A_2008, %gather3A_2022 : vector<16xf32>
      %mul3A_2031 = arith.mulf %bitcast3A_2013, %gather3A_2023 : vector<16xf32>
      %add3A_2032 = arith.addf %mul3A_2030, %mul3A_2031 : vector<16xf32>
      %mul3A_2033 = arith.mulf %bitcast3A_2018, %gather3A_2024 : vector<16xf32>
      %add3A_2034 = arith.addf %add3A_2032, %mul3A_2033 : vector<16xf32>
      %add3A_2035 = arith.addi %add3A_2000, %add3A_2000 : vector<16xi32>
      tpu.vector_store_idx %arg13[%add3A_2035], %add3A_2029 : memref<1024xf32, #tpu.memory_space<vmem>>[vector<16xi32>], vector<16xf32>,
      %add3A_2036 = arith.constant 1 : i32
      %add3A_2037 = vector.broadcast %add3A_2036 : i32 to vector<16xi32>
      %add3A_2038 = arith.addi %add3A_2035, %add3A_2037 : vector<16xi32>
      tpu.vector_store_idx %arg13[%add3A_2038], %add3A_2034 : memref<1024xf32, #tpu.memory_space<vmem>>[vector<16xi32>], vector<16xf32>,
      %add3A_2039 = arith.constant 176 : i32
      %add3A_2040 = vector.broadcast %add3A_2039 : i32 to vector<16xi32>
      %add3A_2041 = arith.addi %iota3A, %add3A_2040 : vector<16xi32>
      %gather3A_2042 = tpu.vector_load_idx %arg11[%add3A_2041, %broadcast_in_dim3A_5] : memref<512x8xi32, #tpu.memory_space<vmem>>[vector<16xi32>, vector<16xi32>], vector<16xi32>,
      %gather3A_2043 = tpu.vector_load_idx %arg11[%add3A_2041, %broadcast_in_dim3A_7] : memref<512x8xi32, #tpu.memory_space<vmem>>[vector<16xi32>, vector<16xi32>], vector<16xi32>,
      %gather3A_2044 = tpu.vector_load_idx %arg11[%add3A_2041, %broadcast_in_dim3A_9] : memref<512x8xi32, #tpu.memory_space<vmem>>[vector<16xi32>, vector<16xi32>], vector<16xi32>,
      %add3A_2045 = arith.constant 528 : i32
      %add3A_2046 = vector.broadcast %add3A_2045 : i32 to vector<16xi32>
      %add3A_2047 = arith.addi %add3A_4, %add3A_2046 : vector<16xi32>
      %gather3A_2048 = tpu.vector_load_idx %arg9[%add3A_2047] : memref<2048xi32, #tpu.memory_space<vmem>>[vector<16xi32>], vector<16xi32>,
      %bitcast3A_2049 = vector.bitcast %gather3A_2048 : vector<16xi32> to vector<16xf32>
      %add3A_2050 = arith.constant 1 : i32
      %add3A_2051 = vector.broadcast %add3A_2050 : i32 to vector<16xi32>
      %add3A_2052 = arith.addi %add3A_2047, %add3A_2051 : vector<16xi32>
      %gather3A_2053 = tpu.vector_load_idx %arg9[%add3A_2052] : memref<2048xi32, #tpu.memory_space<vmem>>[vector<16xi32>], vector<16xi32>,
      %bitcast3A_2054 = vector.bitcast %gather3A_2053 : vector<16xi32> to vector<16xf32>
      %add3A_2055 = arith.constant 2 : i32
      %add3A_2056 = vector.broadcast %add3A_2055 : i32 to vector<16xi32>
      %add3A_2057 = arith.addi %add3A_2047, %add3A_2056 : vector<16xi32>
      %gather3A_2058 = tpu.vector_load_idx %arg9[%add3A_2057] : memref<2048xi32, #tpu.memory_space<vmem>>[vector<16xi32>], vector<16xi32>,
      %bitcast3A_2059 = vector.bitcast %gather3A_2058 : vector<16xi32> to vector<16xf32>
      %gather3A_2060 = tpu.vector_load_idx %arg6[%gather3A_2042] : memref<50000xf32, #tpu.memory_space<vmem>>[vector<16xi32>], vector<16xf32>,
      %gather3A_2061 = tpu.vector_load_idx %arg6[%gather3A_2043] : memref<50000xf32, #tpu.memory_space<vmem>>[vector<16xi32>], vector<16xf32>,
      %gather3A_2062 = tpu.vector_load_idx %arg6[%gather3A_2044] : memref<50000xf32, #tpu.memory_space<vmem>>[vector<16xi32>], vector<16xf32>,
      %gather3A_2063 = tpu.vector_load_idx %arg7[%gather3A_2042] : memref<50000xf32, #tpu.memory_space<vmem>>[vector<16xi32>], vector<16xf32>,
      %gather3A_2064 = tpu.vector_load_idx %arg7[%gather3A_2043] : memref<50000xf32, #tpu.memory_space<vmem>>[vector<16xi32>], vector<16xf32>,
      %gather3A_2065 = tpu.vector_load_idx %arg7[%gather3A_2044] : memref<50000xf32, #tpu.memory_space<vmem>>[vector<16xi32>], vector<16xf32>,
      %mul3A_2066 = arith.mulf %bitcast3A_2049, %gather3A_2060 : vector<16xf32>
      %mul3A_2067 = arith.mulf %bitcast3A_2054, %gather3A_2061 : vector<16xf32>
      %add3A_2068 = arith.addf %mul3A_2066, %mul3A_2067 : vector<16xf32>
      %mul3A_2069 = arith.mulf %bitcast3A_2059, %gather3A_2062 : vector<16xf32>
      %add3A_2070 = arith.addf %add3A_2068, %mul3A_2069 : vector<16xf32>
      %mul3A_2071 = arith.mulf %bitcast3A_2049, %gather3A_2063 : vector<16xf32>
      %mul3A_2072 = arith.mulf %bitcast3A_2054, %gather3A_2064 : vector<16xf32>
      %add3A_2073 = arith.addf %mul3A_2071, %mul3A_2072 : vector<16xf32>
      %mul3A_2074 = arith.mulf %bitcast3A_2059, %gather3A_2065 : vector<16xf32>
      %add3A_2075 = arith.addf %add3A_2073, %mul3A_2074 : vector<16xf32>
      %add3A_2076 = arith.addi %add3A_2041, %add3A_2041 : vector<16xi32>
      tpu.vector_store_idx %arg13[%add3A_2076], %add3A_2070 : memref<1024xf32, #tpu.memory_space<vmem>>[vector<16xi32>], vector<16xf32>,
      %add3A_2077 = arith.constant 1 : i32
      %add3A_2078 = vector.broadcast %add3A_2077 : i32 to vector<16xi32>
      %add3A_2079 = arith.addi %add3A_2076, %add3A_2078 : vector<16xi32>
      tpu.vector_store_idx %arg13[%add3A_2079], %add3A_2075 : memref<1024xf32, #tpu.memory_space<vmem>>[vector<16xi32>], vector<16xf32>,
      %add3A_2080 = arith.constant 192 : i32
      %add3A_2081 = vector.broadcast %add3A_2080 : i32 to vector<16xi32>
      %add3A_2082 = arith.addi %iota3A, %add3A_2081 : vector<16xi32>
      %gather3A_2083 = tpu.vector_load_idx %arg11[%add3A_2082, %broadcast_in_dim3A_5] : memref<512x8xi32, #tpu.memory_space<vmem>>[vector<16xi32>, vector<16xi32>], vector<16xi32>,
      %gather3A_2084 = tpu.vector_load_idx %arg11[%add3A_2082, %broadcast_in_dim3A_7] : memref<512x8xi32, #tpu.memory_space<vmem>>[vector<16xi32>, vector<16xi32>], vector<16xi32>,
      %gather3A_2085 = tpu.vector_load_idx %arg11[%add3A_2082, %broadcast_in_dim3A_9] : memref<512x8xi32, #tpu.memory_space<vmem>>[vector<16xi32>, vector<16xi32>], vector<16xi32>,
      %add3A_2086 = arith.constant 576 : i32
      %add3A_2087 = vector.broadcast %add3A_2086 : i32 to vector<16xi32>
      %add3A_2088 = arith.addi %add3A_4, %add3A_2087 : vector<16xi32>
      %gather3A_2089 = tpu.vector_load_idx %arg9[%add3A_2088] : memref<2048xi32, #tpu.memory_space<vmem>>[vector<16xi32>], vector<16xi32>,
      %bitcast3A_2090 = vector.bitcast %gather3A_2089 : vector<16xi32> to vector<16xf32>
      %add3A_2091 = arith.constant 1 : i32
      %add3A_2092 = vector.broadcast %add3A_2091 : i32 to vector<16xi32>
      %add3A_2093 = arith.addi %add3A_2088, %add3A_2092 : vector<16xi32>
      %gather3A_2094 = tpu.vector_load_idx %arg9[%add3A_2093] : memref<2048xi32, #tpu.memory_space<vmem>>[vector<16xi32>], vector<16xi32>,
      %bitcast3A_2095 = vector.bitcast %gather3A_2094 : vector<16xi32> to vector<16xf32>
      %add3A_2096 = arith.constant 2 : i32
      %add3A_2097 = vector.broadcast %add3A_2096 : i32 to vector<16xi32>
      %add3A_2098 = arith.addi %add3A_2088, %add3A_2097 : vector<16xi32>
      %gather3A_2099 = tpu.vector_load_idx %arg9[%add3A_2098] : memref<2048xi32, #tpu.memory_space<vmem>>[vector<16xi32>], vector<16xi32>,
      %bitcast3A_2100 = vector.bitcast %gather3A_2099 : vector<16xi32> to vector<16xf32>
      %gather3A_2101 = tpu.vector_load_idx %arg6[%gather3A_2083] : memref<50000xf32, #tpu.memory_space<vmem>>[vector<16xi32>], vector<16xf32>,
      %gather3A_2102 = tpu.vector_load_idx %arg6[%gather3A_2084] : memref<50000xf32, #tpu.memory_space<vmem>>[vector<16xi32>], vector<16xf32>,
      %gather3A_2103 = tpu.vector_load_idx %arg6[%gather3A_2085] : memref<50000xf32, #tpu.memory_space<vmem>>[vector<16xi32>], vector<16xf32>,
      %gather3A_2104 = tpu.vector_load_idx %arg7[%gather3A_2083] : memref<50000xf32, #tpu.memory_space<vmem>>[vector<16xi32>], vector<16xf32>,
      %gather3A_2105 = tpu.vector_load_idx %arg7[%gather3A_2084] : memref<50000xf32, #tpu.memory_space<vmem>>[vector<16xi32>], vector<16xf32>,
      %gather3A_2106 = tpu.vector_load_idx %arg7[%gather3A_2085] : memref<50000xf32, #tpu.memory_space<vmem>>[vector<16xi32>], vector<16xf32>,
      %mul3A_2107 = arith.mulf %bitcast3A_2090, %gather3A_2101 : vector<16xf32>
      %mul3A_2108 = arith.mulf %bitcast3A_2095, %gather3A_2102 : vector<16xf32>
      %add3A_2109 = arith.addf %mul3A_2107, %mul3A_2108 : vector<16xf32>
      %mul3A_2110 = arith.mulf %bitcast3A_2100, %gather3A_2103 : vector<16xf32>
      %add3A_2111 = arith.addf %add3A_2109, %mul3A_2110 : vector<16xf32>
      %mul3A_2112 = arith.mulf %bitcast3A_2090, %gather3A_2104 : vector<16xf32>
      %mul3A_2113 = arith.mulf %bitcast3A_2095, %gather3A_2105 : vector<16xf32>
      %add3A_2114 = arith.addf %mul3A_2112, %mul3A_2113 : vector<16xf32>
      %mul3A_2115 = arith.mulf %bitcast3A_2100, %gather3A_2106 : vector<16xf32>
      %add3A_2116 = arith.addf %add3A_2114, %mul3A_2115 : vector<16xf32>
      %add3A_2117 = arith.addi %add3A_2082, %add3A_2082 : vector<16xi32>
      tpu.vector_store_idx %arg13[%add3A_2117], %add3A_2111 : memref<1024xf32, #tpu.memory_space<vmem>>[vector<16xi32>], vector<16xf32>,
      %add3A_2118 = arith.constant 1 : i32
      %add3A_2119 = vector.broadcast %add3A_2118 : i32 to vector<16xi32>
      %add3A_2120 = arith.addi %add3A_2117, %add3A_2119 : vector<16xi32>
      tpu.vector_store_idx %arg13[%add3A_2120], %add3A_2116 : memref<1024xf32, #tpu.memory_space<vmem>>[vector<16xi32>], vector<16xf32>,
      %add3A_2121 = arith.constant 208 : i32
      %add3A_2122 = vector.broadcast %add3A_2121 : i32 to vector<16xi32>
      %add3A_2123 = arith.addi %iota3A, %add3A_2122 : vector<16xi32>
      %gather3A_2124 = tpu.vector_load_idx %arg11[%add3A_2123, %broadcast_in_dim3A_5] : memref<512x8xi32, #tpu.memory_space<vmem>>[vector<16xi32>, vector<16xi32>], vector<16xi32>,
      %gather3A_2125 = tpu.vector_load_idx %arg11[%add3A_2123, %broadcast_in_dim3A_7] : memref<512x8xi32, #tpu.memory_space<vmem>>[vector<16xi32>, vector<16xi32>], vector<16xi32>,
      %gather3A_2126 = tpu.vector_load_idx %arg11[%add3A_2123, %broadcast_in_dim3A_9] : memref<512x8xi32, #tpu.memory_space<vmem>>[vector<16xi32>, vector<16xi32>], vector<16xi32>,
      %add3A_2127 = arith.constant 624 : i32
      %add3A_2128 = vector.broadcast %add3A_2127 : i32 to vector<16xi32>
      %add3A_2129 = arith.addi %add3A_4, %add3A_2128 : vector<16xi32>
      %gather3A_2130 = tpu.vector_load_idx %arg9[%add3A_2129] : memref<2048xi32, #tpu.memory_space<vmem>>[vector<16xi32>], vector<16xi32>,
      %bitcast3A_2131 = vector.bitcast %gather3A_2130 : vector<16xi32> to vector<16xf32>
      %add3A_2132 = arith.constant 1 : i32
      %add3A_2133 = vector.broadcast %add3A_2132 : i32 to vector<16xi32>
      %add3A_2134 = arith.addi %add3A_2129, %add3A_2133 : vector<16xi32>
      %gather3A_2135 = tpu.vector_load_idx %arg9[%add3A_2134] : memref<2048xi32, #tpu.memory_space<vmem>>[vector<16xi32>], vector<16xi32>,
      %bitcast3A_2136 = vector.bitcast %gather3A_2135 : vector<16xi32> to vector<16xf32>
      %add3A_2137 = arith.constant 2 : i32
      %add3A_2138 = vector.broadcast %add3A_2137 : i32 to vector<16xi32>
      %add3A_2139 = arith.addi %add3A_2129, %add3A_2138 : vector<16xi32>
      %gather3A_2140 = tpu.vector_load_idx %arg9[%add3A_2139] : memref<2048xi32, #tpu.memory_space<vmem>>[vector<16xi32>], vector<16xi32>,
      %bitcast3A_2141 = vector.bitcast %gather3A_2140 : vector<16xi32> to vector<16xf32>
      %gather3A_2142 = tpu.vector_load_idx %arg6[%gather3A_2124] : memref<50000xf32, #tpu.memory_space<vmem>>[vector<16xi32>], vector<16xf32>,
      %gather3A_2143 = tpu.vector_load_idx %arg6[%gather3A_2125] : memref<50000xf32, #tpu.memory_space<vmem>>[vector<16xi32>], vector<16xf32>,
      %gather3A_2144 = tpu.vector_load_idx %arg6[%gather3A_2126] : memref<50000xf32, #tpu.memory_space<vmem>>[vector<16xi32>], vector<16xf32>,
      %gather3A_2145 = tpu.vector_load_idx %arg7[%gather3A_2124] : memref<50000xf32, #tpu.memory_space<vmem>>[vector<16xi32>], vector<16xf32>,
      %gather3A_2146 = tpu.vector_load_idx %arg7[%gather3A_2125] : memref<50000xf32, #tpu.memory_space<vmem>>[vector<16xi32>], vector<16xf32>,
      %gather3A_2147 = tpu.vector_load_idx %arg7[%gather3A_2126] : memref<50000xf32, #tpu.memory_space<vmem>>[vector<16xi32>], vector<16xf32>,
      %mul3A_2148 = arith.mulf %bitcast3A_2131, %gather3A_2142 : vector<16xf32>
      %mul3A_2149 = arith.mulf %bitcast3A_2136, %gather3A_2143 : vector<16xf32>
      %add3A_2150 = arith.addf %mul3A_2148, %mul3A_2149 : vector<16xf32>
      %mul3A_2151 = arith.mulf %bitcast3A_2141, %gather3A_2144 : vector<16xf32>
      %add3A_2152 = arith.addf %add3A_2150, %mul3A_2151 : vector<16xf32>
      %mul3A_2153 = arith.mulf %bitcast3A_2131, %gather3A_2145 : vector<16xf32>
      %mul3A_2154 = arith.mulf %bitcast3A_2136, %gather3A_2146 : vector<16xf32>
      %add3A_2155 = arith.addf %mul3A_2153, %mul3A_2154 : vector<16xf32>
      %mul3A_2156 = arith.mulf %bitcast3A_2141, %gather3A_2147 : vector<16xf32>
      %add3A_2157 = arith.addf %add3A_2155, %mul3A_2156 : vector<16xf32>
      %add3A_2158 = arith.addi %add3A_2123, %add3A_2123 : vector<16xi32>
      tpu.vector_store_idx %arg13[%add3A_2158], %add3A_2152 : memref<1024xf32, #tpu.memory_space<vmem>>[vector<16xi32>], vector<16xf32>,
      %add3A_2159 = arith.constant 1 : i32
      %add3A_2160 = vector.broadcast %add3A_2159 : i32 to vector<16xi32>
      %add3A_2161 = arith.addi %add3A_2158, %add3A_2160 : vector<16xi32>
      tpu.vector_store_idx %arg13[%add3A_2161], %add3A_2157 : memref<1024xf32, #tpu.memory_space<vmem>>[vector<16xi32>], vector<16xf32>,
      %add3A_2162 = arith.constant 224 : i32
      %add3A_2163 = vector.broadcast %add3A_2162 : i32 to vector<16xi32>
      %add3A_2164 = arith.addi %iota3A, %add3A_2163 : vector<16xi32>
      %gather3A_2165 = tpu.vector_load_idx %arg11[%add3A_2164, %broadcast_in_dim3A_5] : memref<512x8xi32, #tpu.memory_space<vmem>>[vector<16xi32>, vector<16xi32>], vector<16xi32>,
      %gather3A_2166 = tpu.vector_load_idx %arg11[%add3A_2164, %broadcast_in_dim3A_7] : memref<512x8xi32, #tpu.memory_space<vmem>>[vector<16xi32>, vector<16xi32>], vector<16xi32>,
      %gather3A_2167 = tpu.vector_load_idx %arg11[%add3A_2164, %broadcast_in_dim3A_9] : memref<512x8xi32, #tpu.memory_space<vmem>>[vector<16xi32>, vector<16xi32>], vector<16xi32>,
      %add3A_2168 = arith.constant 672 : i32
      %add3A_2169 = vector.broadcast %add3A_2168 : i32 to vector<16xi32>
      %add3A_2170 = arith.addi %add3A_4, %add3A_2169 : vector<16xi32>
      %gather3A_2171 = tpu.vector_load_idx %arg9[%add3A_2170] : memref<2048xi32, #tpu.memory_space<vmem>>[vector<16xi32>], vector<16xi32>,
      %bitcast3A_2172 = vector.bitcast %gather3A_2171 : vector<16xi32> to vector<16xf32>
      %add3A_2173 = arith.constant 1 : i32
      %add3A_2174 = vector.broadcast %add3A_2173 : i32 to vector<16xi32>
      %add3A_2175 = arith.addi %add3A_2170, %add3A_2174 : vector<16xi32>
      %gather3A_2176 = tpu.vector_load_idx %arg9[%add3A_2175] : memref<2048xi32, #tpu.memory_space<vmem>>[vector<16xi32>], vector<16xi32>,
      %bitcast3A_2177 = vector.bitcast %gather3A_2176 : vector<16xi32> to vector<16xf32>
      %add3A_2178 = arith.constant 2 : i32
      %add3A_2179 = vector.broadcast %add3A_2178 : i32 to vector<16xi32>
      %add3A_2180 = arith.addi %add3A_2170, %add3A_2179 : vector<16xi32>
      %gather3A_2181 = tpu.vector_load_idx %arg9[%add3A_2180] : memref<2048xi32, #tpu.memory_space<vmem>>[vector<16xi32>], vector<16xi32>,
      %bitcast3A_2182 = vector.bitcast %gather3A_2181 : vector<16xi32> to vector<16xf32>
      %gather3A_2183 = tpu.vector_load_idx %arg6[%gather3A_2165] : memref<50000xf32, #tpu.memory_space<vmem>>[vector<16xi32>], vector<16xf32>,
      %gather3A_2184 = tpu.vector_load_idx %arg6[%gather3A_2166] : memref<50000xf32, #tpu.memory_space<vmem>>[vector<16xi32>], vector<16xf32>,
      %gather3A_2185 = tpu.vector_load_idx %arg6[%gather3A_2167] : memref<50000xf32, #tpu.memory_space<vmem>>[vector<16xi32>], vector<16xf32>,
      %gather3A_2186 = tpu.vector_load_idx %arg7[%gather3A_2165] : memref<50000xf32, #tpu.memory_space<vmem>>[vector<16xi32>], vector<16xf32>,
      %gather3A_2187 = tpu.vector_load_idx %arg7[%gather3A_2166] : memref<50000xf32, #tpu.memory_space<vmem>>[vector<16xi32>], vector<16xf32>,
      %gather3A_2188 = tpu.vector_load_idx %arg7[%gather3A_2167] : memref<50000xf32, #tpu.memory_space<vmem>>[vector<16xi32>], vector<16xf32>,
      %mul3A_2189 = arith.mulf %bitcast3A_2172, %gather3A_2183 : vector<16xf32>
      %mul3A_2190 = arith.mulf %bitcast3A_2177, %gather3A_2184 : vector<16xf32>
      %add3A_2191 = arith.addf %mul3A_2189, %mul3A_2190 : vector<16xf32>
      %mul3A_2192 = arith.mulf %bitcast3A_2182, %gather3A_2185 : vector<16xf32>
      %add3A_2193 = arith.addf %add3A_2191, %mul3A_2192 : vector<16xf32>
      %mul3A_2194 = arith.mulf %bitcast3A_2172, %gather3A_2186 : vector<16xf32>
      %mul3A_2195 = arith.mulf %bitcast3A_2177, %gather3A_2187 : vector<16xf32>
      %add3A_2196 = arith.addf %mul3A_2194, %mul3A_2195 : vector<16xf32>
      %mul3A_2197 = arith.mulf %bitcast3A_2182, %gather3A_2188 : vector<16xf32>
      %add3A_2198 = arith.addf %add3A_2196, %mul3A_2197 : vector<16xf32>
      %add3A_2199 = arith.addi %add3A_2164, %add3A_2164 : vector<16xi32>
      tpu.vector_store_idx %arg13[%add3A_2199], %add3A_2193 : memref<1024xf32, #tpu.memory_space<vmem>>[vector<16xi32>], vector<16xf32>,
      %add3A_2200 = arith.constant 1 : i32
      %add3A_2201 = vector.broadcast %add3A_2200 : i32 to vector<16xi32>
      %add3A_2202 = arith.addi %add3A_2199, %add3A_2201 : vector<16xi32>
      tpu.vector_store_idx %arg13[%add3A_2202], %add3A_2198 : memref<1024xf32, #tpu.memory_space<vmem>>[vector<16xi32>], vector<16xf32>,
      %add3A_2203 = arith.constant 240 : i32
      %add3A_2204 = vector.broadcast %add3A_2203 : i32 to vector<16xi32>
      %add3A_2205 = arith.addi %iota3A, %add3A_2204 : vector<16xi32>
      %gather3A_2206 = tpu.vector_load_idx %arg11[%add3A_2205, %broadcast_in_dim3A_5] : memref<512x8xi32, #tpu.memory_space<vmem>>[vector<16xi32>, vector<16xi32>], vector<16xi32>,
      %gather3A_2207 = tpu.vector_load_idx %arg11[%add3A_2205, %broadcast_in_dim3A_7] : memref<512x8xi32, #tpu.memory_space<vmem>>[vector<16xi32>, vector<16xi32>], vector<16xi32>,
      %gather3A_2208 = tpu.vector_load_idx %arg11[%add3A_2205, %broadcast_in_dim3A_9] : memref<512x8xi32, #tpu.memory_space<vmem>>[vector<16xi32>, vector<16xi32>], vector<16xi32>,
      %add3A_2209 = arith.constant 720 : i32
      %add3A_2210 = vector.broadcast %add3A_2209 : i32 to vector<16xi32>
      %add3A_2211 = arith.addi %add3A_4, %add3A_2210 : vector<16xi32>
      %gather3A_2212 = tpu.vector_load_idx %arg9[%add3A_2211] : memref<2048xi32, #tpu.memory_space<vmem>>[vector<16xi32>], vector<16xi32>,
      %bitcast3A_2213 = vector.bitcast %gather3A_2212 : vector<16xi32> to vector<16xf32>
      %add3A_2214 = arith.constant 1 : i32
      %add3A_2215 = vector.broadcast %add3A_2214 : i32 to vector<16xi32>
      %add3A_2216 = arith.addi %add3A_2211, %add3A_2215 : vector<16xi32>
      %gather3A_2217 = tpu.vector_load_idx %arg9[%add3A_2216] : memref<2048xi32, #tpu.memory_space<vmem>>[vector<16xi32>], vector<16xi32>,
      %bitcast3A_2218 = vector.bitcast %gather3A_2217 : vector<16xi32> to vector<16xf32>
      %add3A_2219 = arith.constant 2 : i32
      %add3A_2220 = vector.broadcast %add3A_2219 : i32 to vector<16xi32>
      %add3A_2221 = arith.addi %add3A_2211, %add3A_2220 : vector<16xi32>
      %gather3A_2222 = tpu.vector_load_idx %arg9[%add3A_2221] : memref<2048xi32, #tpu.memory_space<vmem>>[vector<16xi32>], vector<16xi32>,
      %bitcast3A_2223 = vector.bitcast %gather3A_2222 : vector<16xi32> to vector<16xf32>
      %gather3A_2224 = tpu.vector_load_idx %arg6[%gather3A_2206] : memref<50000xf32, #tpu.memory_space<vmem>>[vector<16xi32>], vector<16xf32>,
      %gather3A_2225 = tpu.vector_load_idx %arg6[%gather3A_2207] : memref<50000xf32, #tpu.memory_space<vmem>>[vector<16xi32>], vector<16xf32>,
      %gather3A_2226 = tpu.vector_load_idx %arg6[%gather3A_2208] : memref<50000xf32, #tpu.memory_space<vmem>>[vector<16xi32>], vector<16xf32>,
      %gather3A_2227 = tpu.vector_load_idx %arg7[%gather3A_2206] : memref<50000xf32, #tpu.memory_space<vmem>>[vector<16xi32>], vector<16xf32>,
      %gather3A_2228 = tpu.vector_load_idx %arg7[%gather3A_2207] : memref<50000xf32, #tpu.memory_space<vmem>>[vector<16xi32>], vector<16xf32>,
      %gather3A_2229 = tpu.vector_load_idx %arg7[%gather3A_2208] : memref<50000xf32, #tpu.memory_space<vmem>>[vector<16xi32>], vector<16xf32>,
      %mul3A_2230 = arith.mulf %bitcast3A_2213, %gather3A_2224 : vector<16xf32>
      %mul3A_2231 = arith.mulf %bitcast3A_2218, %gather3A_2225 : vector<16xf32>
      %add3A_2232 = arith.addf %mul3A_2230, %mul3A_2231 : vector<16xf32>
      %mul3A_2233 = arith.mulf %bitcast3A_2223, %gather3A_2226 : vector<16xf32>
      %add3A_2234 = arith.addf %add3A_2232, %mul3A_2233 : vector<16xf32>
      %mul3A_2235 = arith.mulf %bitcast3A_2213, %gather3A_2227 : vector<16xf32>
      %mul3A_2236 = arith.mulf %bitcast3A_2218, %gather3A_2228 : vector<16xf32>
      %add3A_2237 = arith.addf %mul3A_2235, %mul3A_2236 : vector<16xf32>
      %mul3A_2238 = arith.mulf %bitcast3A_2223, %gather3A_2229 : vector<16xf32>
      %add3A_2239 = arith.addf %add3A_2237, %mul3A_2238 : vector<16xf32>
      %add3A_2240 = arith.addi %add3A_2205, %add3A_2205 : vector<16xi32>
      tpu.vector_store_idx %arg13[%add3A_2240], %add3A_2234 : memref<1024xf32, #tpu.memory_space<vmem>>[vector<16xi32>], vector<16xf32>,
      %add3A_2241 = arith.constant 1 : i32
      %add3A_2242 = vector.broadcast %add3A_2241 : i32 to vector<16xi32>
      %add3A_2243 = arith.addi %add3A_2240, %add3A_2242 : vector<16xi32>
      tpu.vector_store_idx %arg13[%add3A_2243], %add3A_2239 : memref<1024xf32, #tpu.memory_space<vmem>>[vector<16xi32>], vector<16xf32>,
      %add3A_2244 = arith.constant 256 : i32
      %add3A_2245 = vector.broadcast %add3A_2244 : i32 to vector<16xi32>
      %add3A_2246 = arith.addi %iota3A, %add3A_2245 : vector<16xi32>
      %gather3A_2247 = tpu.vector_load_idx %arg11[%add3A_2246, %broadcast_in_dim3A_5] : memref<512x8xi32, #tpu.memory_space<vmem>>[vector<16xi32>, vector<16xi32>], vector<16xi32>,
      %gather3A_2248 = tpu.vector_load_idx %arg11[%add3A_2246, %broadcast_in_dim3A_7] : memref<512x8xi32, #tpu.memory_space<vmem>>[vector<16xi32>, vector<16xi32>], vector<16xi32>,
      %gather3A_2249 = tpu.vector_load_idx %arg11[%add3A_2246, %broadcast_in_dim3A_9] : memref<512x8xi32, #tpu.memory_space<vmem>>[vector<16xi32>, vector<16xi32>], vector<16xi32>,
      %add3A_2250 = arith.constant 768 : i32
      %add3A_2251 = vector.broadcast %add3A_2250 : i32 to vector<16xi32>
      %add3A_2252 = arith.addi %add3A_4, %add3A_2251 : vector<16xi32>
      %gather3A_2253 = tpu.vector_load_idx %arg9[%add3A_2252] : memref<2048xi32, #tpu.memory_space<vmem>>[vector<16xi32>], vector<16xi32>,
      %bitcast3A_2254 = vector.bitcast %gather3A_2253 : vector<16xi32> to vector<16xf32>
      %add3A_2255 = arith.constant 1 : i32
      %add3A_2256 = vector.broadcast %add3A_2255 : i32 to vector<16xi32>
      %add3A_2257 = arith.addi %add3A_2252, %add3A_2256 : vector<16xi32>
      %gather3A_2258 = tpu.vector_load_idx %arg9[%add3A_2257] : memref<2048xi32, #tpu.memory_space<vmem>>[vector<16xi32>], vector<16xi32>,
      %bitcast3A_2259 = vector.bitcast %gather3A_2258 : vector<16xi32> to vector<16xf32>
      %add3A_2260 = arith.constant 2 : i32
      %add3A_2261 = vector.broadcast %add3A_2260 : i32 to vector<16xi32>
      %add3A_2262 = arith.addi %add3A_2252, %add3A_2261 : vector<16xi32>
      %gather3A_2263 = tpu.vector_load_idx %arg9[%add3A_2262] : memref<2048xi32, #tpu.memory_space<vmem>>[vector<16xi32>], vector<16xi32>,
      %bitcast3A_2264 = vector.bitcast %gather3A_2263 : vector<16xi32> to vector<16xf32>
      %gather3A_2265 = tpu.vector_load_idx %arg6[%gather3A_2247] : memref<50000xf32, #tpu.memory_space<vmem>>[vector<16xi32>], vector<16xf32>,
      %gather3A_2266 = tpu.vector_load_idx %arg6[%gather3A_2248] : memref<50000xf32, #tpu.memory_space<vmem>>[vector<16xi32>], vector<16xf32>,
      %gather3A_2267 = tpu.vector_load_idx %arg6[%gather3A_2249] : memref<50000xf32, #tpu.memory_space<vmem>>[vector<16xi32>], vector<16xf32>,
      %gather3A_2268 = tpu.vector_load_idx %arg7[%gather3A_2247] : memref<50000xf32, #tpu.memory_space<vmem>>[vector<16xi32>], vector<16xf32>,
      %gather3A_2269 = tpu.vector_load_idx %arg7[%gather3A_2248] : memref<50000xf32, #tpu.memory_space<vmem>>[vector<16xi32>], vector<16xf32>,
      %gather3A_2270 = tpu.vector_load_idx %arg7[%gather3A_2249] : memref<50000xf32, #tpu.memory_space<vmem>>[vector<16xi32>], vector<16xf32>,
      %mul3A_2271 = arith.mulf %bitcast3A_2254, %gather3A_2265 : vector<16xf32>
      %mul3A_2272 = arith.mulf %bitcast3A_2259, %gather3A_2266 : vector<16xf32>
      %add3A_2273 = arith.addf %mul3A_2271, %mul3A_2272 : vector<16xf32>
      %mul3A_2274 = arith.mulf %bitcast3A_2264, %gather3A_2267 : vector<16xf32>
      %add3A_2275 = arith.addf %add3A_2273, %mul3A_2274 : vector<16xf32>
      %mul3A_2276 = arith.mulf %bitcast3A_2254, %gather3A_2268 : vector<16xf32>
      %mul3A_2277 = arith.mulf %bitcast3A_2259, %gather3A_2269 : vector<16xf32>
      %add3A_2278 = arith.addf %mul3A_2276, %mul3A_2277 : vector<16xf32>
      %mul3A_2279 = arith.mulf %bitcast3A_2264, %gather3A_2270 : vector<16xf32>
      %add3A_2280 = arith.addf %add3A_2278, %mul3A_2279 : vector<16xf32>
      %add3A_2281 = arith.addi %add3A_2246, %add3A_2246 : vector<16xi32>
      tpu.vector_store_idx %arg13[%add3A_2281], %add3A_2275 : memref<1024xf32, #tpu.memory_space<vmem>>[vector<16xi32>], vector<16xf32>,
      %add3A_2282 = arith.constant 1 : i32
      %add3A_2283 = vector.broadcast %add3A_2282 : i32 to vector<16xi32>
      %add3A_2284 = arith.addi %add3A_2281, %add3A_2283 : vector<16xi32>
      tpu.vector_store_idx %arg13[%add3A_2284], %add3A_2280 : memref<1024xf32, #tpu.memory_space<vmem>>[vector<16xi32>], vector<16xf32>,
      %add3A_2285 = arith.constant 272 : i32
      %add3A_2286 = vector.broadcast %add3A_2285 : i32 to vector<16xi32>
      %add3A_2287 = arith.addi %iota3A, %add3A_2286 : vector<16xi32>
      %gather3A_2288 = tpu.vector_load_idx %arg11[%add3A_2287, %broadcast_in_dim3A_5] : memref<512x8xi32, #tpu.memory_space<vmem>>[vector<16xi32>, vector<16xi32>], vector<16xi32>,
      %gather3A_2289 = tpu.vector_load_idx %arg11[%add3A_2287, %broadcast_in_dim3A_7] : memref<512x8xi32, #tpu.memory_space<vmem>>[vector<16xi32>, vector<16xi32>], vector<16xi32>,
      %gather3A_2290 = tpu.vector_load_idx %arg11[%add3A_2287, %broadcast_in_dim3A_9] : memref<512x8xi32, #tpu.memory_space<vmem>>[vector<16xi32>, vector<16xi32>], vector<16xi32>,
      %add3A_2291 = arith.constant 816 : i32
      %add3A_2292 = vector.broadcast %add3A_2291 : i32 to vector<16xi32>
      %add3A_2293 = arith.addi %add3A_4, %add3A_2292 : vector<16xi32>
      %gather3A_2294 = tpu.vector_load_idx %arg9[%add3A_2293] : memref<2048xi32, #tpu.memory_space<vmem>>[vector<16xi32>], vector<16xi32>,
      %bitcast3A_2295 = vector.bitcast %gather3A_2294 : vector<16xi32> to vector<16xf32>
      %add3A_2296 = arith.constant 1 : i32
      %add3A_2297 = vector.broadcast %add3A_2296 : i32 to vector<16xi32>
      %add3A_2298 = arith.addi %add3A_2293, %add3A_2297 : vector<16xi32>
      %gather3A_2299 = tpu.vector_load_idx %arg9[%add3A_2298] : memref<2048xi32, #tpu.memory_space<vmem>>[vector<16xi32>], vector<16xi32>,
      %bitcast3A_2300 = vector.bitcast %gather3A_2299 : vector<16xi32> to vector<16xf32>
      %add3A_2301 = arith.constant 2 : i32
      %add3A_2302 = vector.broadcast %add3A_2301 : i32 to vector<16xi32>
      %add3A_2303 = arith.addi %add3A_2293, %add3A_2302 : vector<16xi32>
      %gather3A_2304 = tpu.vector_load_idx %arg9[%add3A_2303] : memref<2048xi32, #tpu.memory_space<vmem>>[vector<16xi32>], vector<16xi32>,
      %bitcast3A_2305 = vector.bitcast %gather3A_2304 : vector<16xi32> to vector<16xf32>
      %gather3A_2306 = tpu.vector_load_idx %arg6[%gather3A_2288] : memref<50000xf32, #tpu.memory_space<vmem>>[vector<16xi32>], vector<16xf32>,
      %gather3A_2307 = tpu.vector_load_idx %arg6[%gather3A_2289] : memref<50000xf32, #tpu.memory_space<vmem>>[vector<16xi32>], vector<16xf32>,
      %gather3A_2308 = tpu.vector_load_idx %arg6[%gather3A_2290] : memref<50000xf32, #tpu.memory_space<vmem>>[vector<16xi32>], vector<16xf32>,
      %gather3A_2309 = tpu.vector_load_idx %arg7[%gather3A_2288] : memref<50000xf32, #tpu.memory_space<vmem>>[vector<16xi32>], vector<16xf32>,
      %gather3A_2310 = tpu.vector_load_idx %arg7[%gather3A_2289] : memref<50000xf32, #tpu.memory_space<vmem>>[vector<16xi32>], vector<16xf32>,
      %gather3A_2311 = tpu.vector_load_idx %arg7[%gather3A_2290] : memref<50000xf32, #tpu.memory_space<vmem>>[vector<16xi32>], vector<16xf32>,
      %mul3A_2312 = arith.mulf %bitcast3A_2295, %gather3A_2306 : vector<16xf32>
      %mul3A_2313 = arith.mulf %bitcast3A_2300, %gather3A_2307 : vector<16xf32>
      %add3A_2314 = arith.addf %mul3A_2312, %mul3A_2313 : vector<16xf32>
      %mul3A_2315 = arith.mulf %bitcast3A_2305, %gather3A_2308 : vector<16xf32>
      %add3A_2316 = arith.addf %add3A_2314, %mul3A_2315 : vector<16xf32>
      %mul3A_2317 = arith.mulf %bitcast3A_2295, %gather3A_2309 : vector<16xf32>
      %mul3A_2318 = arith.mulf %bitcast3A_2300, %gather3A_2310 : vector<16xf32>
      %add3A_2319 = arith.addf %mul3A_2317, %mul3A_2318 : vector<16xf32>
      %mul3A_2320 = arith.mulf %bitcast3A_2305, %gather3A_2311 : vector<16xf32>
      %add3A_2321 = arith.addf %add3A_2319, %mul3A_2320 : vector<16xf32>
      %add3A_2322 = arith.addi %add3A_2287, %add3A_2287 : vector<16xi32>
      tpu.vector_store_idx %arg13[%add3A_2322], %add3A_2316 : memref<1024xf32, #tpu.memory_space<vmem>>[vector<16xi32>], vector<16xf32>,
      %add3A_2323 = arith.constant 1 : i32
      %add3A_2324 = vector.broadcast %add3A_2323 : i32 to vector<16xi32>
      %add3A_2325 = arith.addi %add3A_2322, %add3A_2324 : vector<16xi32>
      tpu.vector_store_idx %arg13[%add3A_2325], %add3A_2321 : memref<1024xf32, #tpu.memory_space<vmem>>[vector<16xi32>], vector<16xf32>,
      %add3A_2326 = arith.constant 288 : i32
      %add3A_2327 = vector.broadcast %add3A_2326 : i32 to vector<16xi32>
      %add3A_2328 = arith.addi %iota3A, %add3A_2327 : vector<16xi32>
      %gather3A_2329 = tpu.vector_load_idx %arg11[%add3A_2328, %broadcast_in_dim3A_5] : memref<512x8xi32, #tpu.memory_space<vmem>>[vector<16xi32>, vector<16xi32>], vector<16xi32>,
      %gather3A_2330 = tpu.vector_load_idx %arg11[%add3A_2328, %broadcast_in_dim3A_7] : memref<512x8xi32, #tpu.memory_space<vmem>>[vector<16xi32>, vector<16xi32>], vector<16xi32>,
      %gather3A_2331 = tpu.vector_load_idx %arg11[%add3A_2328, %broadcast_in_dim3A_9] : memref<512x8xi32, #tpu.memory_space<vmem>>[vector<16xi32>, vector<16xi32>], vector<16xi32>,
      %add3A_2332 = arith.constant 864 : i32
      %add3A_2333 = vector.broadcast %add3A_2332 : i32 to vector<16xi32>
      %add3A_2334 = arith.addi %add3A_4, %add3A_2333 : vector<16xi32>
      %gather3A_2335 = tpu.vector_load_idx %arg9[%add3A_2334] : memref<2048xi32, #tpu.memory_space<vmem>>[vector<16xi32>], vector<16xi32>,
      %bitcast3A_2336 = vector.bitcast %gather3A_2335 : vector<16xi32> to vector<16xf32>
      %add3A_2337 = arith.constant 1 : i32
      %add3A_2338 = vector.broadcast %add3A_2337 : i32 to vector<16xi32>
      %add3A_2339 = arith.addi %add3A_2334, %add3A_2338 : vector<16xi32>
      %gather3A_2340 = tpu.vector_load_idx %arg9[%add3A_2339] : memref<2048xi32, #tpu.memory_space<vmem>>[vector<16xi32>], vector<16xi32>,
      %bitcast3A_2341 = vector.bitcast %gather3A_2340 : vector<16xi32> to vector<16xf32>
      %add3A_2342 = arith.constant 2 : i32
      %add3A_2343 = vector.broadcast %add3A_2342 : i32 to vector<16xi32>
      %add3A_2344 = arith.addi %add3A_2334, %add3A_2343 : vector<16xi32>
      %gather3A_2345 = tpu.vector_load_idx %arg9[%add3A_2344] : memref<2048xi32, #tpu.memory_space<vmem>>[vector<16xi32>], vector<16xi32>,
      %bitcast3A_2346 = vector.bitcast %gather3A_2345 : vector<16xi32> to vector<16xf32>
      %gather3A_2347 = tpu.vector_load_idx %arg6[%gather3A_2329] : memref<50000xf32, #tpu.memory_space<vmem>>[vector<16xi32>], vector<16xf32>,
      %gather3A_2348 = tpu.vector_load_idx %arg6[%gather3A_2330] : memref<50000xf32, #tpu.memory_space<vmem>>[vector<16xi32>], vector<16xf32>,
      %gather3A_2349 = tpu.vector_load_idx %arg6[%gather3A_2331] : memref<50000xf32, #tpu.memory_space<vmem>>[vector<16xi32>], vector<16xf32>,
      %gather3A_2350 = tpu.vector_load_idx %arg7[%gather3A_2329] : memref<50000xf32, #tpu.memory_space<vmem>>[vector<16xi32>], vector<16xf32>,
      %gather3A_2351 = tpu.vector_load_idx %arg7[%gather3A_2330] : memref<50000xf32, #tpu.memory_space<vmem>>[vector<16xi32>], vector<16xf32>,
      %gather3A_2352 = tpu.vector_load_idx %arg7[%gather3A_2331] : memref<50000xf32, #tpu.memory_space<vmem>>[vector<16xi32>], vector<16xf32>,
      %mul3A_2353 = arith.mulf %bitcast3A_2336, %gather3A_2347 : vector<16xf32>
      %mul3A_2354 = arith.mulf %bitcast3A_2341, %gather3A_2348 : vector<16xf32>
      %add3A_2355 = arith.addf %mul3A_2353, %mul3A_2354 : vector<16xf32>
      %mul3A_2356 = arith.mulf %bitcast3A_2346, %gather3A_2349 : vector<16xf32>
      %add3A_2357 = arith.addf %add3A_2355, %mul3A_2356 : vector<16xf32>
      %mul3A_2358 = arith.mulf %bitcast3A_2336, %gather3A_2350 : vector<16xf32>
      %mul3A_2359 = arith.mulf %bitcast3A_2341, %gather3A_2351 : vector<16xf32>
      %add3A_2360 = arith.addf %mul3A_2358, %mul3A_2359 : vector<16xf32>
      %mul3A_2361 = arith.mulf %bitcast3A_2346, %gather3A_2352 : vector<16xf32>
      %add3A_2362 = arith.addf %add3A_2360, %mul3A_2361 : vector<16xf32>
      %add3A_2363 = arith.addi %add3A_2328, %add3A_2328 : vector<16xi32>
      tpu.vector_store_idx %arg13[%add3A_2363], %add3A_2357 : memref<1024xf32, #tpu.memory_space<vmem>>[vector<16xi32>], vector<16xf32>,
      %add3A_2364 = arith.constant 1 : i32
      %add3A_2365 = vector.broadcast %add3A_2364 : i32 to vector<16xi32>
      %add3A_2366 = arith.addi %add3A_2363, %add3A_2365 : vector<16xi32>
      tpu.vector_store_idx %arg13[%add3A_2366], %add3A_2362 : memref<1024xf32, #tpu.memory_space<vmem>>[vector<16xi32>], vector<16xf32>,
      %add3A_2367 = arith.constant 304 : i32
      %add3A_2368 = vector.broadcast %add3A_2367 : i32 to vector<16xi32>
      %add3A_2369 = arith.addi %iota3A, %add3A_2368 : vector<16xi32>
      %gather3A_2370 = tpu.vector_load_idx %arg11[%add3A_2369, %broadcast_in_dim3A_5] : memref<512x8xi32, #tpu.memory_space<vmem>>[vector<16xi32>, vector<16xi32>], vector<16xi32>,
      %gather3A_2371 = tpu.vector_load_idx %arg11[%add3A_2369, %broadcast_in_dim3A_7] : memref<512x8xi32, #tpu.memory_space<vmem>>[vector<16xi32>, vector<16xi32>], vector<16xi32>,
      %gather3A_2372 = tpu.vector_load_idx %arg11[%add3A_2369, %broadcast_in_dim3A_9] : memref<512x8xi32, #tpu.memory_space<vmem>>[vector<16xi32>, vector<16xi32>], vector<16xi32>,
      %add3A_2373 = arith.constant 912 : i32
      %add3A_2374 = vector.broadcast %add3A_2373 : i32 to vector<16xi32>
      %add3A_2375 = arith.addi %add3A_4, %add3A_2374 : vector<16xi32>
      %gather3A_2376 = tpu.vector_load_idx %arg9[%add3A_2375] : memref<2048xi32, #tpu.memory_space<vmem>>[vector<16xi32>], vector<16xi32>,
      %bitcast3A_2377 = vector.bitcast %gather3A_2376 : vector<16xi32> to vector<16xf32>
      %add3A_2378 = arith.constant 1 : i32
      %add3A_2379 = vector.broadcast %add3A_2378 : i32 to vector<16xi32>
      %add3A_2380 = arith.addi %add3A_2375, %add3A_2379 : vector<16xi32>
      %gather3A_2381 = tpu.vector_load_idx %arg9[%add3A_2380] : memref<2048xi32, #tpu.memory_space<vmem>>[vector<16xi32>], vector<16xi32>,
      %bitcast3A_2382 = vector.bitcast %gather3A_2381 : vector<16xi32> to vector<16xf32>
      %add3A_2383 = arith.constant 2 : i32
      %add3A_2384 = vector.broadcast %add3A_2383 : i32 to vector<16xi32>
      %add3A_2385 = arith.addi %add3A_2375, %add3A_2384 : vector<16xi32>
      %gather3A_2386 = tpu.vector_load_idx %arg9[%add3A_2385] : memref<2048xi32, #tpu.memory_space<vmem>>[vector<16xi32>], vector<16xi32>,
      %bitcast3A_2387 = vector.bitcast %gather3A_2386 : vector<16xi32> to vector<16xf32>
      %gather3A_2388 = tpu.vector_load_idx %arg6[%gather3A_2370] : memref<50000xf32, #tpu.memory_space<vmem>>[vector<16xi32>], vector<16xf32>,
      %gather3A_2389 = tpu.vector_load_idx %arg6[%gather3A_2371] : memref<50000xf32, #tpu.memory_space<vmem>>[vector<16xi32>], vector<16xf32>,
      %gather3A_2390 = tpu.vector_load_idx %arg6[%gather3A_2372] : memref<50000xf32, #tpu.memory_space<vmem>>[vector<16xi32>], vector<16xf32>,
      %gather3A_2391 = tpu.vector_load_idx %arg7[%gather3A_2370] : memref<50000xf32, #tpu.memory_space<vmem>>[vector<16xi32>], vector<16xf32>,
      %gather3A_2392 = tpu.vector_load_idx %arg7[%gather3A_2371] : memref<50000xf32, #tpu.memory_space<vmem>>[vector<16xi32>], vector<16xf32>,
      %gather3A_2393 = tpu.vector_load_idx %arg7[%gather3A_2372] : memref<50000xf32, #tpu.memory_space<vmem>>[vector<16xi32>], vector<16xf32>,
      %mul3A_2394 = arith.mulf %bitcast3A_2377, %gather3A_2388 : vector<16xf32>
      %mul3A_2395 = arith.mulf %bitcast3A_2382, %gather3A_2389 : vector<16xf32>
      %add3A_2396 = arith.addf %mul3A_2394, %mul3A_2395 : vector<16xf32>
      %mul3A_2397 = arith.mulf %bitcast3A_2387, %gather3A_2390 : vector<16xf32>
      %add3A_2398 = arith.addf %add3A_2396, %mul3A_2397 : vector<16xf32>
      %mul3A_2399 = arith.mulf %bitcast3A_2377, %gather3A_2391 : vector<16xf32>
      %mul3A_2400 = arith.mulf %bitcast3A_2382, %gather3A_2392 : vector<16xf32>
      %add3A_2401 = arith.addf %mul3A_2399, %mul3A_2400 : vector<16xf32>
      %mul3A_2402 = arith.mulf %bitcast3A_2387, %gather3A_2393 : vector<16xf32>
      %add3A_2403 = arith.addf %add3A_2401, %mul3A_2402 : vector<16xf32>
      %add3A_2404 = arith.addi %add3A_2369, %add3A_2369 : vector<16xi32>
      tpu.vector_store_idx %arg13[%add3A_2404], %add3A_2398 : memref<1024xf32, #tpu.memory_space<vmem>>[vector<16xi32>], vector<16xf32>,
      %add3A_2405 = arith.constant 1 : i32
      %add3A_2406 = vector.broadcast %add3A_2405 : i32 to vector<16xi32>
      %add3A_2407 = arith.addi %add3A_2404, %add3A_2406 : vector<16xi32>
      tpu.vector_store_idx %arg13[%add3A_2407], %add3A_2403 : memref<1024xf32, #tpu.memory_space<vmem>>[vector<16xi32>], vector<16xf32>,
      %add3A_2408 = arith.constant 320 : i32
      %add3A_2409 = vector.broadcast %add3A_2408 : i32 to vector<16xi32>
      %add3A_2410 = arith.addi %iota3A, %add3A_2409 : vector<16xi32>
      %gather3A_2411 = tpu.vector_load_idx %arg11[%add3A_2410, %broadcast_in_dim3A_5] : memref<512x8xi32, #tpu.memory_space<vmem>>[vector<16xi32>, vector<16xi32>], vector<16xi32>,
      %gather3A_2412 = tpu.vector_load_idx %arg11[%add3A_2410, %broadcast_in_dim3A_7] : memref<512x8xi32, #tpu.memory_space<vmem>>[vector<16xi32>, vector<16xi32>], vector<16xi32>,
      %gather3A_2413 = tpu.vector_load_idx %arg11[%add3A_2410, %broadcast_in_dim3A_9] : memref<512x8xi32, #tpu.memory_space<vmem>>[vector<16xi32>, vector<16xi32>], vector<16xi32>,
      %add3A_2414 = arith.constant 960 : i32
      %add3A_2415 = vector.broadcast %add3A_2414 : i32 to vector<16xi32>
      %add3A_2416 = arith.addi %add3A_4, %add3A_2415 : vector<16xi32>
      %gather3A_2417 = tpu.vector_load_idx %arg9[%add3A_2416] : memref<2048xi32, #tpu.memory_space<vmem>>[vector<16xi32>], vector<16xi32>,
      %bitcast3A_2418 = vector.bitcast %gather3A_2417 : vector<16xi32> to vector<16xf32>
      %add3A_2419 = arith.constant 1 : i32
      %add3A_2420 = vector.broadcast %add3A_2419 : i32 to vector<16xi32>
      %add3A_2421 = arith.addi %add3A_2416, %add3A_2420 : vector<16xi32>
      %gather3A_2422 = tpu.vector_load_idx %arg9[%add3A_2421] : memref<2048xi32, #tpu.memory_space<vmem>>[vector<16xi32>], vector<16xi32>,
      %bitcast3A_2423 = vector.bitcast %gather3A_2422 : vector<16xi32> to vector<16xf32>
      %add3A_2424 = arith.constant 2 : i32
      %add3A_2425 = vector.broadcast %add3A_2424 : i32 to vector<16xi32>
      %add3A_2426 = arith.addi %add3A_2416, %add3A_2425 : vector<16xi32>
      %gather3A_2427 = tpu.vector_load_idx %arg9[%add3A_2426] : memref<2048xi32, #tpu.memory_space<vmem>>[vector<16xi32>], vector<16xi32>,
      %bitcast3A_2428 = vector.bitcast %gather3A_2427 : vector<16xi32> to vector<16xf32>
      %gather3A_2429 = tpu.vector_load_idx %arg6[%gather3A_2411] : memref<50000xf32, #tpu.memory_space<vmem>>[vector<16xi32>], vector<16xf32>,
      %gather3A_2430 = tpu.vector_load_idx %arg6[%gather3A_2412] : memref<50000xf32, #tpu.memory_space<vmem>>[vector<16xi32>], vector<16xf32>,
      %gather3A_2431 = tpu.vector_load_idx %arg6[%gather3A_2413] : memref<50000xf32, #tpu.memory_space<vmem>>[vector<16xi32>], vector<16xf32>,
      %gather3A_2432 = tpu.vector_load_idx %arg7[%gather3A_2411] : memref<50000xf32, #tpu.memory_space<vmem>>[vector<16xi32>], vector<16xf32>,
      %gather3A_2433 = tpu.vector_load_idx %arg7[%gather3A_2412] : memref<50000xf32, #tpu.memory_space<vmem>>[vector<16xi32>], vector<16xf32>,
      %gather3A_2434 = tpu.vector_load_idx %arg7[%gather3A_2413] : memref<50000xf32, #tpu.memory_space<vmem>>[vector<16xi32>], vector<16xf32>,
      %mul3A_2435 = arith.mulf %bitcast3A_2418, %gather3A_2429 : vector<16xf32>
      %mul3A_2436 = arith.mulf %bitcast3A_2423, %gather3A_2430 : vector<16xf32>
      %add3A_2437 = arith.addf %mul3A_2435, %mul3A_2436 : vector<16xf32>
      %mul3A_2438 = arith.mulf %bitcast3A_2428, %gather3A_2431 : vector<16xf32>
      %add3A_2439 = arith.addf %add3A_2437, %mul3A_2438 : vector<16xf32>
      %mul3A_2440 = arith.mulf %bitcast3A_2418, %gather3A_2432 : vector<16xf32>
      %mul3A_2441 = arith.mulf %bitcast3A_2423, %gather3A_2433 : vector<16xf32>
      %add3A_2442 = arith.addf %mul3A_2440, %mul3A_2441 : vector<16xf32>
      %mul3A_2443 = arith.mulf %bitcast3A_2428, %gather3A_2434 : vector<16xf32>
      %add3A_2444 = arith.addf %add3A_2442, %mul3A_2443 : vector<16xf32>
      %add3A_2445 = arith.addi %add3A_2410, %add3A_2410 : vector<16xi32>
      tpu.vector_store_idx %arg13[%add3A_2445], %add3A_2439 : memref<1024xf32, #tpu.memory_space<vmem>>[vector<16xi32>], vector<16xf32>,
      %add3A_2446 = arith.constant 1 : i32
      %add3A_2447 = vector.broadcast %add3A_2446 : i32 to vector<16xi32>
      %add3A_2448 = arith.addi %add3A_2445, %add3A_2447 : vector<16xi32>
      tpu.vector_store_idx %arg13[%add3A_2448], %add3A_2444 : memref<1024xf32, #tpu.memory_space<vmem>>[vector<16xi32>], vector<16xf32>,
      %add3A_2449 = arith.constant 336 : i32
      %add3A_2450 = vector.broadcast %add3A_2449 : i32 to vector<16xi32>
      %add3A_2451 = arith.addi %iota3A, %add3A_2450 : vector<16xi32>
      %gather3A_2452 = tpu.vector_load_idx %arg11[%add3A_2451, %broadcast_in_dim3A_5] : memref<512x8xi32, #tpu.memory_space<vmem>>[vector<16xi32>, vector<16xi32>], vector<16xi32>,
      %gather3A_2453 = tpu.vector_load_idx %arg11[%add3A_2451, %broadcast_in_dim3A_7] : memref<512x8xi32, #tpu.memory_space<vmem>>[vector<16xi32>, vector<16xi32>], vector<16xi32>,
      %gather3A_2454 = tpu.vector_load_idx %arg11[%add3A_2451, %broadcast_in_dim3A_9] : memref<512x8xi32, #tpu.memory_space<vmem>>[vector<16xi32>, vector<16xi32>], vector<16xi32>,
      %add3A_2455 = arith.constant 1008 : i32
      %add3A_2456 = vector.broadcast %add3A_2455 : i32 to vector<16xi32>
      %add3A_2457 = arith.addi %add3A_4, %add3A_2456 : vector<16xi32>
      %gather3A_2458 = tpu.vector_load_idx %arg9[%add3A_2457] : memref<2048xi32, #tpu.memory_space<vmem>>[vector<16xi32>], vector<16xi32>,
      %bitcast3A_2459 = vector.bitcast %gather3A_2458 : vector<16xi32> to vector<16xf32>
      %add3A_2460 = arith.constant 1 : i32
      %add3A_2461 = vector.broadcast %add3A_2460 : i32 to vector<16xi32>
      %add3A_2462 = arith.addi %add3A_2457, %add3A_2461 : vector<16xi32>
      %gather3A_2463 = tpu.vector_load_idx %arg9[%add3A_2462] : memref<2048xi32, #tpu.memory_space<vmem>>[vector<16xi32>], vector<16xi32>,
      %bitcast3A_2464 = vector.bitcast %gather3A_2463 : vector<16xi32> to vector<16xf32>
      %add3A_2465 = arith.constant 2 : i32
      %add3A_2466 = vector.broadcast %add3A_2465 : i32 to vector<16xi32>
      %add3A_2467 = arith.addi %add3A_2457, %add3A_2466 : vector<16xi32>
      %gather3A_2468 = tpu.vector_load_idx %arg9[%add3A_2467] : memref<2048xi32, #tpu.memory_space<vmem>>[vector<16xi32>], vector<16xi32>,
      %bitcast3A_2469 = vector.bitcast %gather3A_2468 : vector<16xi32> to vector<16xf32>
      %gather3A_2470 = tpu.vector_load_idx %arg6[%gather3A_2452] : memref<50000xf32, #tpu.memory_space<vmem>>[vector<16xi32>], vector<16xf32>,
      %gather3A_2471 = tpu.vector_load_idx %arg6[%gather3A_2453] : memref<50000xf32, #tpu.memory_space<vmem>>[vector<16xi32>], vector<16xf32>,
      %gather3A_2472 = tpu.vector_load_idx %arg6[%gather3A_2454] : memref<50000xf32, #tpu.memory_space<vmem>>[vector<16xi32>], vector<16xf32>,
      %gather3A_2473 = tpu.vector_load_idx %arg7[%gather3A_2452] : memref<50000xf32, #tpu.memory_space<vmem>>[vector<16xi32>], vector<16xf32>,
      %gather3A_2474 = tpu.vector_load_idx %arg7[%gather3A_2453] : memref<50000xf32, #tpu.memory_space<vmem>>[vector<16xi32>], vector<16xf32>,
      %gather3A_2475 = tpu.vector_load_idx %arg7[%gather3A_2454] : memref<50000xf32, #tpu.memory_space<vmem>>[vector<16xi32>], vector<16xf32>,
      %mul3A_2476 = arith.mulf %bitcast3A_2459, %gather3A_2470 : vector<16xf32>
      %mul3A_2477 = arith.mulf %bitcast3A_2464, %gather3A_2471 : vector<16xf32>
      %add3A_2478 = arith.addf %mul3A_2476, %mul3A_2477 : vector<16xf32>
      %mul3A_2479 = arith.mulf %bitcast3A_2469, %gather3A_2472 : vector<16xf32>
      %add3A_2480 = arith.addf %add3A_2478, %mul3A_2479 : vector<16xf32>
      %mul3A_2481 = arith.mulf %bitcast3A_2459, %gather3A_2473 : vector<16xf32>
      %mul3A_2482 = arith.mulf %bitcast3A_2464, %gather3A_2474 : vector<16xf32>
      %add3A_2483 = arith.addf %mul3A_2481, %mul3A_2482 : vector<16xf32>
      %mul3A_2484 = arith.mulf %bitcast3A_2469, %gather3A_2475 : vector<16xf32>
      %add3A_2485 = arith.addf %add3A_2483, %mul3A_2484 : vector<16xf32>
      %add3A_2486 = arith.addi %add3A_2451, %add3A_2451 : vector<16xi32>
      tpu.vector_store_idx %arg13[%add3A_2486], %add3A_2480 : memref<1024xf32, #tpu.memory_space<vmem>>[vector<16xi32>], vector<16xf32>,
      %add3A_2487 = arith.constant 1 : i32
      %add3A_2488 = vector.broadcast %add3A_2487 : i32 to vector<16xi32>
      %add3A_2489 = arith.addi %add3A_2486, %add3A_2488 : vector<16xi32>
      tpu.vector_store_idx %arg13[%add3A_2489], %add3A_2485 : memref<1024xf32, #tpu.memory_space<vmem>>[vector<16xi32>], vector<16xf32>,
      %add3A_2490 = arith.constant 352 : i32
      %add3A_2491 = vector.broadcast %add3A_2490 : i32 to vector<16xi32>
      %add3A_2492 = arith.addi %iota3A, %add3A_2491 : vector<16xi32>
      %gather3A_2493 = tpu.vector_load_idx %arg11[%add3A_2492, %broadcast_in_dim3A_5] : memref<512x8xi32, #tpu.memory_space<vmem>>[vector<16xi32>, vector<16xi32>], vector<16xi32>,
      %gather3A_2494 = tpu.vector_load_idx %arg11[%add3A_2492, %broadcast_in_dim3A_7] : memref<512x8xi32, #tpu.memory_space<vmem>>[vector<16xi32>, vector<16xi32>], vector<16xi32>,
      %gather3A_2495 = tpu.vector_load_idx %arg11[%add3A_2492, %broadcast_in_dim3A_9] : memref<512x8xi32, #tpu.memory_space<vmem>>[vector<16xi32>, vector<16xi32>], vector<16xi32>,
      %add3A_2496 = arith.constant 1056 : i32
      %add3A_2497 = vector.broadcast %add3A_2496 : i32 to vector<16xi32>
      %add3A_2498 = arith.addi %add3A_4, %add3A_2497 : vector<16xi32>
      %gather3A_2499 = tpu.vector_load_idx %arg9[%add3A_2498] : memref<2048xi32, #tpu.memory_space<vmem>>[vector<16xi32>], vector<16xi32>,
      %bitcast3A_2500 = vector.bitcast %gather3A_2499 : vector<16xi32> to vector<16xf32>
      %add3A_2501 = arith.constant 1 : i32
      %add3A_2502 = vector.broadcast %add3A_2501 : i32 to vector<16xi32>
      %add3A_2503 = arith.addi %add3A_2498, %add3A_2502 : vector<16xi32>
      %gather3A_2504 = tpu.vector_load_idx %arg9[%add3A_2503] : memref<2048xi32, #tpu.memory_space<vmem>>[vector<16xi32>], vector<16xi32>,
      %bitcast3A_2505 = vector.bitcast %gather3A_2504 : vector<16xi32> to vector<16xf32>
      %add3A_2506 = arith.constant 2 : i32
      %add3A_2507 = vector.broadcast %add3A_2506 : i32 to vector<16xi32>
      %add3A_2508 = arith.addi %add3A_2498, %add3A_2507 : vector<16xi32>
      %gather3A_2509 = tpu.vector_load_idx %arg9[%add3A_2508] : memref<2048xi32, #tpu.memory_space<vmem>>[vector<16xi32>], vector<16xi32>,
      %bitcast3A_2510 = vector.bitcast %gather3A_2509 : vector<16xi32> to vector<16xf32>
      %gather3A_2511 = tpu.vector_load_idx %arg6[%gather3A_2493] : memref<50000xf32, #tpu.memory_space<vmem>>[vector<16xi32>], vector<16xf32>,
      %gather3A_2512 = tpu.vector_load_idx %arg6[%gather3A_2494] : memref<50000xf32, #tpu.memory_space<vmem>>[vector<16xi32>], vector<16xf32>,
      %gather3A_2513 = tpu.vector_load_idx %arg6[%gather3A_2495] : memref<50000xf32, #tpu.memory_space<vmem>>[vector<16xi32>], vector<16xf32>,
      %gather3A_2514 = tpu.vector_load_idx %arg7[%gather3A_2493] : memref<50000xf32, #tpu.memory_space<vmem>>[vector<16xi32>], vector<16xf32>,
      %gather3A_2515 = tpu.vector_load_idx %arg7[%gather3A_2494] : memref<50000xf32, #tpu.memory_space<vmem>>[vector<16xi32>], vector<16xf32>,
      %gather3A_2516 = tpu.vector_load_idx %arg7[%gather3A_2495] : memref<50000xf32, #tpu.memory_space<vmem>>[vector<16xi32>], vector<16xf32>,
      %mul3A_2517 = arith.mulf %bitcast3A_2500, %gather3A_2511 : vector<16xf32>
      %mul3A_2518 = arith.mulf %bitcast3A_2505, %gather3A_2512 : vector<16xf32>
      %add3A_2519 = arith.addf %mul3A_2517, %mul3A_2518 : vector<16xf32>
      %mul3A_2520 = arith.mulf %bitcast3A_2510, %gather3A_2513 : vector<16xf32>
      %add3A_2521 = arith.addf %add3A_2519, %mul3A_2520 : vector<16xf32>
      %mul3A_2522 = arith.mulf %bitcast3A_2500, %gather3A_2514 : vector<16xf32>
      %mul3A_2523 = arith.mulf %bitcast3A_2505, %gather3A_2515 : vector<16xf32>
      %add3A_2524 = arith.addf %mul3A_2522, %mul3A_2523 : vector<16xf32>
      %mul3A_2525 = arith.mulf %bitcast3A_2510, %gather3A_2516 : vector<16xf32>
      %add3A_2526 = arith.addf %add3A_2524, %mul3A_2525 : vector<16xf32>
      %add3A_2527 = arith.addi %add3A_2492, %add3A_2492 : vector<16xi32>
      tpu.vector_store_idx %arg13[%add3A_2527], %add3A_2521 : memref<1024xf32, #tpu.memory_space<vmem>>[vector<16xi32>], vector<16xf32>,
      %add3A_2528 = arith.constant 1 : i32
      %add3A_2529 = vector.broadcast %add3A_2528 : i32 to vector<16xi32>
      %add3A_2530 = arith.addi %add3A_2527, %add3A_2529 : vector<16xi32>
      tpu.vector_store_idx %arg13[%add3A_2530], %add3A_2526 : memref<1024xf32, #tpu.memory_space<vmem>>[vector<16xi32>], vector<16xf32>,
      %add3A_2531 = arith.constant 368 : i32
      %add3A_2532 = vector.broadcast %add3A_2531 : i32 to vector<16xi32>
      %add3A_2533 = arith.addi %iota3A, %add3A_2532 : vector<16xi32>
      %gather3A_2534 = tpu.vector_load_idx %arg11[%add3A_2533, %broadcast_in_dim3A_5] : memref<512x8xi32, #tpu.memory_space<vmem>>[vector<16xi32>, vector<16xi32>], vector<16xi32>,
      %gather3A_2535 = tpu.vector_load_idx %arg11[%add3A_2533, %broadcast_in_dim3A_7] : memref<512x8xi32, #tpu.memory_space<vmem>>[vector<16xi32>, vector<16xi32>], vector<16xi32>,
      %gather3A_2536 = tpu.vector_load_idx %arg11[%add3A_2533, %broadcast_in_dim3A_9] : memref<512x8xi32, #tpu.memory_space<vmem>>[vector<16xi32>, vector<16xi32>], vector<16xi32>,
      %add3A_2537 = arith.constant 1104 : i32
      %add3A_2538 = vector.broadcast %add3A_2537 : i32 to vector<16xi32>
      %add3A_2539 = arith.addi %add3A_4, %add3A_2538 : vector<16xi32>
      %gather3A_2540 = tpu.vector_load_idx %arg9[%add3A_2539] : memref<2048xi32, #tpu.memory_space<vmem>>[vector<16xi32>], vector<16xi32>,
      %bitcast3A_2541 = vector.bitcast %gather3A_2540 : vector<16xi32> to vector<16xf32>
      %add3A_2542 = arith.constant 1 : i32
      %add3A_2543 = vector.broadcast %add3A_2542 : i32 to vector<16xi32>
      %add3A_2544 = arith.addi %add3A_2539, %add3A_2543 : vector<16xi32>
      %gather3A_2545 = tpu.vector_load_idx %arg9[%add3A_2544] : memref<2048xi32, #tpu.memory_space<vmem>>[vector<16xi32>], vector<16xi32>,
      %bitcast3A_2546 = vector.bitcast %gather3A_2545 : vector<16xi32> to vector<16xf32>
      %add3A_2547 = arith.constant 2 : i32
      %add3A_2548 = vector.broadcast %add3A_2547 : i32 to vector<16xi32>
      %add3A_2549 = arith.addi %add3A_2539, %add3A_2548 : vector<16xi32>
      %gather3A_2550 = tpu.vector_load_idx %arg9[%add3A_2549] : memref<2048xi32, #tpu.memory_space<vmem>>[vector<16xi32>], vector<16xi32>,
      %bitcast3A_2551 = vector.bitcast %gather3A_2550 : vector<16xi32> to vector<16xf32>
      %gather3A_2552 = tpu.vector_load_idx %arg6[%gather3A_2534] : memref<50000xf32, #tpu.memory_space<vmem>>[vector<16xi32>], vector<16xf32>,
      %gather3A_2553 = tpu.vector_load_idx %arg6[%gather3A_2535] : memref<50000xf32, #tpu.memory_space<vmem>>[vector<16xi32>], vector<16xf32>,
      %gather3A_2554 = tpu.vector_load_idx %arg6[%gather3A_2536] : memref<50000xf32, #tpu.memory_space<vmem>>[vector<16xi32>], vector<16xf32>,
      %gather3A_2555 = tpu.vector_load_idx %arg7[%gather3A_2534] : memref<50000xf32, #tpu.memory_space<vmem>>[vector<16xi32>], vector<16xf32>,
      %gather3A_2556 = tpu.vector_load_idx %arg7[%gather3A_2535] : memref<50000xf32, #tpu.memory_space<vmem>>[vector<16xi32>], vector<16xf32>,
      %gather3A_2557 = tpu.vector_load_idx %arg7[%gather3A_2536] : memref<50000xf32, #tpu.memory_space<vmem>>[vector<16xi32>], vector<16xf32>,
      %mul3A_2558 = arith.mulf %bitcast3A_2541, %gather3A_2552 : vector<16xf32>
      %mul3A_2559 = arith.mulf %bitcast3A_2546, %gather3A_2553 : vector<16xf32>
      %add3A_2560 = arith.addf %mul3A_2558, %mul3A_2559 : vector<16xf32>
      %mul3A_2561 = arith.mulf %bitcast3A_2551, %gather3A_2554 : vector<16xf32>
      %add3A_2562 = arith.addf %add3A_2560, %mul3A_2561 : vector<16xf32>
      %mul3A_2563 = arith.mulf %bitcast3A_2541, %gather3A_2555 : vector<16xf32>
      %mul3A_2564 = arith.mulf %bitcast3A_2546, %gather3A_2556 : vector<16xf32>
      %add3A_2565 = arith.addf %mul3A_2563, %mul3A_2564 : vector<16xf32>
      %mul3A_2566 = arith.mulf %bitcast3A_2551, %gather3A_2557 : vector<16xf32>
      %add3A_2567 = arith.addf %add3A_2565, %mul3A_2566 : vector<16xf32>
      %add3A_2568 = arith.addi %add3A_2533, %add3A_2533 : vector<16xi32>
      tpu.vector_store_idx %arg13[%add3A_2568], %add3A_2562 : memref<1024xf32, #tpu.memory_space<vmem>>[vector<16xi32>], vector<16xf32>,
      %add3A_2569 = arith.constant 1 : i32
      %add3A_2570 = vector.broadcast %add3A_2569 : i32 to vector<16xi32>
      %add3A_2571 = arith.addi %add3A_2568, %add3A_2570 : vector<16xi32>
      tpu.vector_store_idx %arg13[%add3A_2571], %add3A_2567 : memref<1024xf32, #tpu.memory_space<vmem>>[vector<16xi32>], vector<16xf32>,
      %add3A_2572 = arith.constant 384 : i32
      %add3A_2573 = vector.broadcast %add3A_2572 : i32 to vector<16xi32>
      %add3A_2574 = arith.addi %iota3A, %add3A_2573 : vector<16xi32>
      %gather3A_2575 = tpu.vector_load_idx %arg11[%add3A_2574, %broadcast_in_dim3A_5] : memref<512x8xi32, #tpu.memory_space<vmem>>[vector<16xi32>, vector<16xi32>], vector<16xi32>,
      %gather3A_2576 = tpu.vector_load_idx %arg11[%add3A_2574, %broadcast_in_dim3A_7] : memref<512x8xi32, #tpu.memory_space<vmem>>[vector<16xi32>, vector<16xi32>], vector<16xi32>,
      %gather3A_2577 = tpu.vector_load_idx %arg11[%add3A_2574, %broadcast_in_dim3A_9] : memref<512x8xi32, #tpu.memory_space<vmem>>[vector<16xi32>, vector<16xi32>], vector<16xi32>,
      %add3A_2578 = arith.constant 1152 : i32
      %add3A_2579 = vector.broadcast %add3A_2578 : i32 to vector<16xi32>
      %add3A_2580 = arith.addi %add3A_4, %add3A_2579 : vector<16xi32>
      %gather3A_2581 = tpu.vector_load_idx %arg9[%add3A_2580] : memref<2048xi32, #tpu.memory_space<vmem>>[vector<16xi32>], vector<16xi32>,
      %bitcast3A_2582 = vector.bitcast %gather3A_2581 : vector<16xi32> to vector<16xf32>
      %add3A_2583 = arith.constant 1 : i32
      %add3A_2584 = vector.broadcast %add3A_2583 : i32 to vector<16xi32>
      %add3A_2585 = arith.addi %add3A_2580, %add3A_2584 : vector<16xi32>
      %gather3A_2586 = tpu.vector_load_idx %arg9[%add3A_2585] : memref<2048xi32, #tpu.memory_space<vmem>>[vector<16xi32>], vector<16xi32>,
      %bitcast3A_2587 = vector.bitcast %gather3A_2586 : vector<16xi32> to vector<16xf32>
      %add3A_2588 = arith.constant 2 : i32
      %add3A_2589 = vector.broadcast %add3A_2588 : i32 to vector<16xi32>
      %add3A_2590 = arith.addi %add3A_2580, %add3A_2589 : vector<16xi32>
      %gather3A_2591 = tpu.vector_load_idx %arg9[%add3A_2590] : memref<2048xi32, #tpu.memory_space<vmem>>[vector<16xi32>], vector<16xi32>,
      %bitcast3A_2592 = vector.bitcast %gather3A_2591 : vector<16xi32> to vector<16xf32>
      %gather3A_2593 = tpu.vector_load_idx %arg6[%gather3A_2575] : memref<50000xf32, #tpu.memory_space<vmem>>[vector<16xi32>], vector<16xf32>,
      %gather3A_2594 = tpu.vector_load_idx %arg6[%gather3A_2576] : memref<50000xf32, #tpu.memory_space<vmem>>[vector<16xi32>], vector<16xf32>,
      %gather3A_2595 = tpu.vector_load_idx %arg6[%gather3A_2577] : memref<50000xf32, #tpu.memory_space<vmem>>[vector<16xi32>], vector<16xf32>,
      %gather3A_2596 = tpu.vector_load_idx %arg7[%gather3A_2575] : memref<50000xf32, #tpu.memory_space<vmem>>[vector<16xi32>], vector<16xf32>,
      %gather3A_2597 = tpu.vector_load_idx %arg7[%gather3A_2576] : memref<50000xf32, #tpu.memory_space<vmem>>[vector<16xi32>], vector<16xf32>,
      %gather3A_2598 = tpu.vector_load_idx %arg7[%gather3A_2577] : memref<50000xf32, #tpu.memory_space<vmem>>[vector<16xi32>], vector<16xf32>,
      %mul3A_2599 = arith.mulf %bitcast3A_2582, %gather3A_2593 : vector<16xf32>
      %mul3A_2600 = arith.mulf %bitcast3A_2587, %gather3A_2594 : vector<16xf32>
      %add3A_2601 = arith.addf %mul3A_2599, %mul3A_2600 : vector<16xf32>
      %mul3A_2602 = arith.mulf %bitcast3A_2592, %gather3A_2595 : vector<16xf32>
      %add3A_2603 = arith.addf %add3A_2601, %mul3A_2602 : vector<16xf32>
      %mul3A_2604 = arith.mulf %bitcast3A_2582, %gather3A_2596 : vector<16xf32>
      %mul3A_2605 = arith.mulf %bitcast3A_2587, %gather3A_2597 : vector<16xf32>
      %add3A_2606 = arith.addf %mul3A_2604, %mul3A_2605 : vector<16xf32>
      %mul3A_2607 = arith.mulf %bitcast3A_2592, %gather3A_2598 : vector<16xf32>
      %add3A_2608 = arith.addf %add3A_2606, %mul3A_2607 : vector<16xf32>
      %add3A_2609 = arith.addi %add3A_2574, %add3A_2574 : vector<16xi32>
      tpu.vector_store_idx %arg13[%add3A_2609], %add3A_2603 : memref<1024xf32, #tpu.memory_space<vmem>>[vector<16xi32>], vector<16xf32>,
      %add3A_2610 = arith.constant 1 : i32
      %add3A_2611 = vector.broadcast %add3A_2610 : i32 to vector<16xi32>
      %add3A_2612 = arith.addi %add3A_2609, %add3A_2611 : vector<16xi32>
      tpu.vector_store_idx %arg13[%add3A_2612], %add3A_2608 : memref<1024xf32, #tpu.memory_space<vmem>>[vector<16xi32>], vector<16xf32>,
      %add3A_2613 = arith.constant 400 : i32
      %add3A_2614 = vector.broadcast %add3A_2613 : i32 to vector<16xi32>
      %add3A_2615 = arith.addi %iota3A, %add3A_2614 : vector<16xi32>
      %gather3A_2616 = tpu.vector_load_idx %arg11[%add3A_2615, %broadcast_in_dim3A_5] : memref<512x8xi32, #tpu.memory_space<vmem>>[vector<16xi32>, vector<16xi32>], vector<16xi32>,
      %gather3A_2617 = tpu.vector_load_idx %arg11[%add3A_2615, %broadcast_in_dim3A_7] : memref<512x8xi32, #tpu.memory_space<vmem>>[vector<16xi32>, vector<16xi32>], vector<16xi32>,
      %gather3A_2618 = tpu.vector_load_idx %arg11[%add3A_2615, %broadcast_in_dim3A_9] : memref<512x8xi32, #tpu.memory_space<vmem>>[vector<16xi32>, vector<16xi32>], vector<16xi32>,
      %add3A_2619 = arith.constant 1200 : i32
      %add3A_2620 = vector.broadcast %add3A_2619 : i32 to vector<16xi32>
      %add3A_2621 = arith.addi %add3A_4, %add3A_2620 : vector<16xi32>
      %gather3A_2622 = tpu.vector_load_idx %arg9[%add3A_2621] : memref<2048xi32, #tpu.memory_space<vmem>>[vector<16xi32>], vector<16xi32>,
      %bitcast3A_2623 = vector.bitcast %gather3A_2622 : vector<16xi32> to vector<16xf32>
      %add3A_2624 = arith.constant 1 : i32
      %add3A_2625 = vector.broadcast %add3A_2624 : i32 to vector<16xi32>
      %add3A_2626 = arith.addi %add3A_2621, %add3A_2625 : vector<16xi32>
      %gather3A_2627 = tpu.vector_load_idx %arg9[%add3A_2626] : memref<2048xi32, #tpu.memory_space<vmem>>[vector<16xi32>], vector<16xi32>,
      %bitcast3A_2628 = vector.bitcast %gather3A_2627 : vector<16xi32> to vector<16xf32>
      %add3A_2629 = arith.constant 2 : i32
      %add3A_2630 = vector.broadcast %add3A_2629 : i32 to vector<16xi32>
      %add3A_2631 = arith.addi %add3A_2621, %add3A_2630 : vector<16xi32>
      %gather3A_2632 = tpu.vector_load_idx %arg9[%add3A_2631] : memref<2048xi32, #tpu.memory_space<vmem>>[vector<16xi32>], vector<16xi32>,
      %bitcast3A_2633 = vector.bitcast %gather3A_2632 : vector<16xi32> to vector<16xf32>
      %gather3A_2634 = tpu.vector_load_idx %arg6[%gather3A_2616] : memref<50000xf32, #tpu.memory_space<vmem>>[vector<16xi32>], vector<16xf32>,
      %gather3A_2635 = tpu.vector_load_idx %arg6[%gather3A_2617] : memref<50000xf32, #tpu.memory_space<vmem>>[vector<16xi32>], vector<16xf32>,
      %gather3A_2636 = tpu.vector_load_idx %arg6[%gather3A_2618] : memref<50000xf32, #tpu.memory_space<vmem>>[vector<16xi32>], vector<16xf32>,
      %gather3A_2637 = tpu.vector_load_idx %arg7[%gather3A_2616] : memref<50000xf32, #tpu.memory_space<vmem>>[vector<16xi32>], vector<16xf32>,
      %gather3A_2638 = tpu.vector_load_idx %arg7[%gather3A_2617] : memref<50000xf32, #tpu.memory_space<vmem>>[vector<16xi32>], vector<16xf32>,
      %gather3A_2639 = tpu.vector_load_idx %arg7[%gather3A_2618] : memref<50000xf32, #tpu.memory_space<vmem>>[vector<16xi32>], vector<16xf32>,
      %mul3A_2640 = arith.mulf %bitcast3A_2623, %gather3A_2634 : vector<16xf32>
      %mul3A_2641 = arith.mulf %bitcast3A_2628, %gather3A_2635 : vector<16xf32>
      %add3A_2642 = arith.addf %mul3A_2640, %mul3A_2641 : vector<16xf32>
      %mul3A_2643 = arith.mulf %bitcast3A_2633, %gather3A_2636 : vector<16xf32>
      %add3A_2644 = arith.addf %add3A_2642, %mul3A_2643 : vector<16xf32>
      %mul3A_2645 = arith.mulf %bitcast3A_2623, %gather3A_2637 : vector<16xf32>
      %mul3A_2646 = arith.mulf %bitcast3A_2628, %gather3A_2638 : vector<16xf32>
      %add3A_2647 = arith.addf %mul3A_2645, %mul3A_2646 : vector<16xf32>
      %mul3A_2648 = arith.mulf %bitcast3A_2633, %gather3A_2639 : vector<16xf32>
      %add3A_2649 = arith.addf %add3A_2647, %mul3A_2648 : vector<16xf32>
      %add3A_2650 = arith.addi %add3A_2615, %add3A_2615 : vector<16xi32>
      tpu.vector_store_idx %arg13[%add3A_2650], %add3A_2644 : memref<1024xf32, #tpu.memory_space<vmem>>[vector<16xi32>], vector<16xf32>,
      %add3A_2651 = arith.constant 1 : i32
      %add3A_2652 = vector.broadcast %add3A_2651 : i32 to vector<16xi32>
      %add3A_2653 = arith.addi %add3A_2650, %add3A_2652 : vector<16xi32>
      tpu.vector_store_idx %arg13[%add3A_2653], %add3A_2649 : memref<1024xf32, #tpu.memory_space<vmem>>[vector<16xi32>], vector<16xf32>,
      %add3A_2654 = arith.constant 416 : i32
      %add3A_2655 = vector.broadcast %add3A_2654 : i32 to vector<16xi32>
      %add3A_2656 = arith.addi %iota3A, %add3A_2655 : vector<16xi32>
      %gather3A_2657 = tpu.vector_load_idx %arg11[%add3A_2656, %broadcast_in_dim3A_5] : memref<512x8xi32, #tpu.memory_space<vmem>>[vector<16xi32>, vector<16xi32>], vector<16xi32>,
      %gather3A_2658 = tpu.vector_load_idx %arg11[%add3A_2656, %broadcast_in_dim3A_7] : memref<512x8xi32, #tpu.memory_space<vmem>>[vector<16xi32>, vector<16xi32>], vector<16xi32>,
      %gather3A_2659 = tpu.vector_load_idx %arg11[%add3A_2656, %broadcast_in_dim3A_9] : memref<512x8xi32, #tpu.memory_space<vmem>>[vector<16xi32>, vector<16xi32>], vector<16xi32>,
      %add3A_2660 = arith.constant 1248 : i32
      %add3A_2661 = vector.broadcast %add3A_2660 : i32 to vector<16xi32>
      %add3A_2662 = arith.addi %add3A_4, %add3A_2661 : vector<16xi32>
      %gather3A_2663 = tpu.vector_load_idx %arg9[%add3A_2662] : memref<2048xi32, #tpu.memory_space<vmem>>[vector<16xi32>], vector<16xi32>,
      %bitcast3A_2664 = vector.bitcast %gather3A_2663 : vector<16xi32> to vector<16xf32>
      %add3A_2665 = arith.constant 1 : i32
      %add3A_2666 = vector.broadcast %add3A_2665 : i32 to vector<16xi32>
      %add3A_2667 = arith.addi %add3A_2662, %add3A_2666 : vector<16xi32>
      %gather3A_2668 = tpu.vector_load_idx %arg9[%add3A_2667] : memref<2048xi32, #tpu.memory_space<vmem>>[vector<16xi32>], vector<16xi32>,
      %bitcast3A_2669 = vector.bitcast %gather3A_2668 : vector<16xi32> to vector<16xf32>
      %add3A_2670 = arith.constant 2 : i32
      %add3A_2671 = vector.broadcast %add3A_2670 : i32 to vector<16xi32>
      %add3A_2672 = arith.addi %add3A_2662, %add3A_2671 : vector<16xi32>
      %gather3A_2673 = tpu.vector_load_idx %arg9[%add3A_2672] : memref<2048xi32, #tpu.memory_space<vmem>>[vector<16xi32>], vector<16xi32>,
      %bitcast3A_2674 = vector.bitcast %gather3A_2673 : vector<16xi32> to vector<16xf32>
      %gather3A_2675 = tpu.vector_load_idx %arg6[%gather3A_2657] : memref<50000xf32, #tpu.memory_space<vmem>>[vector<16xi32>], vector<16xf32>,
      %gather3A_2676 = tpu.vector_load_idx %arg6[%gather3A_2658] : memref<50000xf32, #tpu.memory_space<vmem>>[vector<16xi32>], vector<16xf32>,
      %gather3A_2677 = tpu.vector_load_idx %arg6[%gather3A_2659] : memref<50000xf32, #tpu.memory_space<vmem>>[vector<16xi32>], vector<16xf32>,
      %gather3A_2678 = tpu.vector_load_idx %arg7[%gather3A_2657] : memref<50000xf32, #tpu.memory_space<vmem>>[vector<16xi32>], vector<16xf32>,
      %gather3A_2679 = tpu.vector_load_idx %arg7[%gather3A_2658] : memref<50000xf32, #tpu.memory_space<vmem>>[vector<16xi32>], vector<16xf32>,
      %gather3A_2680 = tpu.vector_load_idx %arg7[%gather3A_2659] : memref<50000xf32, #tpu.memory_space<vmem>>[vector<16xi32>], vector<16xf32>,
      %mul3A_2681 = arith.mulf %bitcast3A_2664, %gather3A_2675 : vector<16xf32>
      %mul3A_2682 = arith.mulf %bitcast3A_2669, %gather3A_2676 : vector<16xf32>
      %add3A_2683 = arith.addf %mul3A_2681, %mul3A_2682 : vector<16xf32>
      %mul3A_2684 = arith.mulf %bitcast3A_2674, %gather3A_2677 : vector<16xf32>
      %add3A_2685 = arith.addf %add3A_2683, %mul3A_2684 : vector<16xf32>
      %mul3A_2686 = arith.mulf %bitcast3A_2664, %gather3A_2678 : vector<16xf32>
      %mul3A_2687 = arith.mulf %bitcast3A_2669, %gather3A_2679 : vector<16xf32>
      %add3A_2688 = arith.addf %mul3A_2686, %mul3A_2687 : vector<16xf32>
      %mul3A_2689 = arith.mulf %bitcast3A_2674, %gather3A_2680 : vector<16xf32>
      %add3A_2690 = arith.addf %add3A_2688, %mul3A_2689 : vector<16xf32>
      %add3A_2691 = arith.addi %add3A_2656, %add3A_2656 : vector<16xi32>
      tpu.vector_store_idx %arg13[%add3A_2691], %add3A_2685 : memref<1024xf32, #tpu.memory_space<vmem>>[vector<16xi32>], vector<16xf32>,
      %add3A_2692 = arith.constant 1 : i32
      %add3A_2693 = vector.broadcast %add3A_2692 : i32 to vector<16xi32>
      %add3A_2694 = arith.addi %add3A_2691, %add3A_2693 : vector<16xi32>
      tpu.vector_store_idx %arg13[%add3A_2694], %add3A_2690 : memref<1024xf32, #tpu.memory_space<vmem>>[vector<16xi32>], vector<16xf32>,
      %add3A_2695 = arith.constant 432 : i32
      %add3A_2696 = vector.broadcast %add3A_2695 : i32 to vector<16xi32>
      %add3A_2697 = arith.addi %iota3A, %add3A_2696 : vector<16xi32>
      %gather3A_2698 = tpu.vector_load_idx %arg11[%add3A_2697, %broadcast_in_dim3A_5] : memref<512x8xi32, #tpu.memory_space<vmem>>[vector<16xi32>, vector<16xi32>], vector<16xi32>,
      %gather3A_2699 = tpu.vector_load_idx %arg11[%add3A_2697, %broadcast_in_dim3A_7] : memref<512x8xi32, #tpu.memory_space<vmem>>[vector<16xi32>, vector<16xi32>], vector<16xi32>,
      %gather3A_2700 = tpu.vector_load_idx %arg11[%add3A_2697, %broadcast_in_dim3A_9] : memref<512x8xi32, #tpu.memory_space<vmem>>[vector<16xi32>, vector<16xi32>], vector<16xi32>,
      %add3A_2701 = arith.constant 1296 : i32
      %add3A_2702 = vector.broadcast %add3A_2701 : i32 to vector<16xi32>
      %add3A_2703 = arith.addi %add3A_4, %add3A_2702 : vector<16xi32>
      %gather3A_2704 = tpu.vector_load_idx %arg9[%add3A_2703] : memref<2048xi32, #tpu.memory_space<vmem>>[vector<16xi32>], vector<16xi32>,
      %bitcast3A_2705 = vector.bitcast %gather3A_2704 : vector<16xi32> to vector<16xf32>
      %add3A_2706 = arith.constant 1 : i32
      %add3A_2707 = vector.broadcast %add3A_2706 : i32 to vector<16xi32>
      %add3A_2708 = arith.addi %add3A_2703, %add3A_2707 : vector<16xi32>
      %gather3A_2709 = tpu.vector_load_idx %arg9[%add3A_2708] : memref<2048xi32, #tpu.memory_space<vmem>>[vector<16xi32>], vector<16xi32>,
      %bitcast3A_2710 = vector.bitcast %gather3A_2709 : vector<16xi32> to vector<16xf32>
      %add3A_2711 = arith.constant 2 : i32
      %add3A_2712 = vector.broadcast %add3A_2711 : i32 to vector<16xi32>
      %add3A_2713 = arith.addi %add3A_2703, %add3A_2712 : vector<16xi32>
      %gather3A_2714 = tpu.vector_load_idx %arg9[%add3A_2713] : memref<2048xi32, #tpu.memory_space<vmem>>[vector<16xi32>], vector<16xi32>,
      %bitcast3A_2715 = vector.bitcast %gather3A_2714 : vector<16xi32> to vector<16xf32>
      %gather3A_2716 = tpu.vector_load_idx %arg6[%gather3A_2698] : memref<50000xf32, #tpu.memory_space<vmem>>[vector<16xi32>], vector<16xf32>,
      %gather3A_2717 = tpu.vector_load_idx %arg6[%gather3A_2699] : memref<50000xf32, #tpu.memory_space<vmem>>[vector<16xi32>], vector<16xf32>,
      %gather3A_2718 = tpu.vector_load_idx %arg6[%gather3A_2700] : memref<50000xf32, #tpu.memory_space<vmem>>[vector<16xi32>], vector<16xf32>,
      %gather3A_2719 = tpu.vector_load_idx %arg7[%gather3A_2698] : memref<50000xf32, #tpu.memory_space<vmem>>[vector<16xi32>], vector<16xf32>,
      %gather3A_2720 = tpu.vector_load_idx %arg7[%gather3A_2699] : memref<50000xf32, #tpu.memory_space<vmem>>[vector<16xi32>], vector<16xf32>,
      %gather3A_2721 = tpu.vector_load_idx %arg7[%gather3A_2700] : memref<50000xf32, #tpu.memory_space<vmem>>[vector<16xi32>], vector<16xf32>,
      %mul3A_2722 = arith.mulf %bitcast3A_2705, %gather3A_2716 : vector<16xf32>
      %mul3A_2723 = arith.mulf %bitcast3A_2710, %gather3A_2717 : vector<16xf32>
      %add3A_2724 = arith.addf %mul3A_2722, %mul3A_2723 : vector<16xf32>
      %mul3A_2725 = arith.mulf %bitcast3A_2715, %gather3A_2718 : vector<16xf32>
      %add3A_2726 = arith.addf %add3A_2724, %mul3A_2725 : vector<16xf32>
      %mul3A_2727 = arith.mulf %bitcast3A_2705, %gather3A_2719 : vector<16xf32>
      %mul3A_2728 = arith.mulf %bitcast3A_2710, %gather3A_2720 : vector<16xf32>
      %add3A_2729 = arith.addf %mul3A_2727, %mul3A_2728 : vector<16xf32>
      %mul3A_2730 = arith.mulf %bitcast3A_2715, %gather3A_2721 : vector<16xf32>
      %add3A_2731 = arith.addf %add3A_2729, %mul3A_2730 : vector<16xf32>
      %add3A_2732 = arith.addi %add3A_2697, %add3A_2697 : vector<16xi32>
      tpu.vector_store_idx %arg13[%add3A_2732], %add3A_2726 : memref<1024xf32, #tpu.memory_space<vmem>>[vector<16xi32>], vector<16xf32>,
      %add3A_2733 = arith.constant 1 : i32
      %add3A_2734 = vector.broadcast %add3A_2733 : i32 to vector<16xi32>
      %add3A_2735 = arith.addi %add3A_2732, %add3A_2734 : vector<16xi32>
      tpu.vector_store_idx %arg13[%add3A_2735], %add3A_2731 : memref<1024xf32, #tpu.memory_space<vmem>>[vector<16xi32>], vector<16xf32>,
      %add3A_2736 = arith.constant 448 : i32
      %add3A_2737 = vector.broadcast %add3A_2736 : i32 to vector<16xi32>
      %add3A_2738 = arith.addi %iota3A, %add3A_2737 : vector<16xi32>
      %gather3A_2739 = tpu.vector_load_idx %arg11[%add3A_2738, %broadcast_in_dim3A_5] : memref<512x8xi32, #tpu.memory_space<vmem>>[vector<16xi32>, vector<16xi32>], vector<16xi32>,
      %gather3A_2740 = tpu.vector_load_idx %arg11[%add3A_2738, %broadcast_in_dim3A_7] : memref<512x8xi32, #tpu.memory_space<vmem>>[vector<16xi32>, vector<16xi32>], vector<16xi32>,
      %gather3A_2741 = tpu.vector_load_idx %arg11[%add3A_2738, %broadcast_in_dim3A_9] : memref<512x8xi32, #tpu.memory_space<vmem>>[vector<16xi32>, vector<16xi32>], vector<16xi32>,
      %add3A_2742 = arith.constant 1344 : i32
      %add3A_2743 = vector.broadcast %add3A_2742 : i32 to vector<16xi32>
      %add3A_2744 = arith.addi %add3A_4, %add3A_2743 : vector<16xi32>
      %gather3A_2745 = tpu.vector_load_idx %arg9[%add3A_2744] : memref<2048xi32, #tpu.memory_space<vmem>>[vector<16xi32>], vector<16xi32>,
      %bitcast3A_2746 = vector.bitcast %gather3A_2745 : vector<16xi32> to vector<16xf32>
      %add3A_2747 = arith.constant 1 : i32
      %add3A_2748 = vector.broadcast %add3A_2747 : i32 to vector<16xi32>
      %add3A_2749 = arith.addi %add3A_2744, %add3A_2748 : vector<16xi32>
      %gather3A_2750 = tpu.vector_load_idx %arg9[%add3A_2749] : memref<2048xi32, #tpu.memory_space<vmem>>[vector<16xi32>], vector<16xi32>,
      %bitcast3A_2751 = vector.bitcast %gather3A_2750 : vector<16xi32> to vector<16xf32>
      %add3A_2752 = arith.constant 2 : i32
      %add3A_2753 = vector.broadcast %add3A_2752 : i32 to vector<16xi32>
      %add3A_2754 = arith.addi %add3A_2744, %add3A_2753 : vector<16xi32>
      %gather3A_2755 = tpu.vector_load_idx %arg9[%add3A_2754] : memref<2048xi32, #tpu.memory_space<vmem>>[vector<16xi32>], vector<16xi32>,
      %bitcast3A_2756 = vector.bitcast %gather3A_2755 : vector<16xi32> to vector<16xf32>
      %gather3A_2757 = tpu.vector_load_idx %arg6[%gather3A_2739] : memref<50000xf32, #tpu.memory_space<vmem>>[vector<16xi32>], vector<16xf32>,
      %gather3A_2758 = tpu.vector_load_idx %arg6[%gather3A_2740] : memref<50000xf32, #tpu.memory_space<vmem>>[vector<16xi32>], vector<16xf32>,
      %gather3A_2759 = tpu.vector_load_idx %arg6[%gather3A_2741] : memref<50000xf32, #tpu.memory_space<vmem>>[vector<16xi32>], vector<16xf32>,
      %gather3A_2760 = tpu.vector_load_idx %arg7[%gather3A_2739] : memref<50000xf32, #tpu.memory_space<vmem>>[vector<16xi32>], vector<16xf32>,
      %gather3A_2761 = tpu.vector_load_idx %arg7[%gather3A_2740] : memref<50000xf32, #tpu.memory_space<vmem>>[vector<16xi32>], vector<16xf32>,
      %gather3A_2762 = tpu.vector_load_idx %arg7[%gather3A_2741] : memref<50000xf32, #tpu.memory_space<vmem>>[vector<16xi32>], vector<16xf32>,
      %mul3A_2763 = arith.mulf %bitcast3A_2746, %gather3A_2757 : vector<16xf32>
      %mul3A_2764 = arith.mulf %bitcast3A_2751, %gather3A_2758 : vector<16xf32>
      %add3A_2765 = arith.addf %mul3A_2763, %mul3A_2764 : vector<16xf32>
      %mul3A_2766 = arith.mulf %bitcast3A_2756, %gather3A_2759 : vector<16xf32>
      %add3A_2767 = arith.addf %add3A_2765, %mul3A_2766 : vector<16xf32>
      %mul3A_2768 = arith.mulf %bitcast3A_2746, %gather3A_2760 : vector<16xf32>
      %mul3A_2769 = arith.mulf %bitcast3A_2751, %gather3A_2761 : vector<16xf32>
      %add3A_2770 = arith.addf %mul3A_2768, %mul3A_2769 : vector<16xf32>
      %mul3A_2771 = arith.mulf %bitcast3A_2756, %gather3A_2762 : vector<16xf32>
      %add3A_2772 = arith.addf %add3A_2770, %mul3A_2771 : vector<16xf32>
      %add3A_2773 = arith.addi %add3A_2738, %add3A_2738 : vector<16xi32>
      tpu.vector_store_idx %arg13[%add3A_2773], %add3A_2767 : memref<1024xf32, #tpu.memory_space<vmem>>[vector<16xi32>], vector<16xf32>,
      %add3A_2774 = arith.constant 1 : i32
      %add3A_2775 = vector.broadcast %add3A_2774 : i32 to vector<16xi32>
      %add3A_2776 = arith.addi %add3A_2773, %add3A_2775 : vector<16xi32>
      tpu.vector_store_idx %arg13[%add3A_2776], %add3A_2772 : memref<1024xf32, #tpu.memory_space<vmem>>[vector<16xi32>], vector<16xf32>,
      %add3A_2777 = arith.constant 464 : i32
      %add3A_2778 = vector.broadcast %add3A_2777 : i32 to vector<16xi32>
      %add3A_2779 = arith.addi %iota3A, %add3A_2778 : vector<16xi32>
      %gather3A_2780 = tpu.vector_load_idx %arg11[%add3A_2779, %broadcast_in_dim3A_5] : memref<512x8xi32, #tpu.memory_space<vmem>>[vector<16xi32>, vector<16xi32>], vector<16xi32>,
      %gather3A_2781 = tpu.vector_load_idx %arg11[%add3A_2779, %broadcast_in_dim3A_7] : memref<512x8xi32, #tpu.memory_space<vmem>>[vector<16xi32>, vector<16xi32>], vector<16xi32>,
      %gather3A_2782 = tpu.vector_load_idx %arg11[%add3A_2779, %broadcast_in_dim3A_9] : memref<512x8xi32, #tpu.memory_space<vmem>>[vector<16xi32>, vector<16xi32>], vector<16xi32>,
      %add3A_2783 = arith.constant 1392 : i32
      %add3A_2784 = vector.broadcast %add3A_2783 : i32 to vector<16xi32>
      %add3A_2785 = arith.addi %add3A_4, %add3A_2784 : vector<16xi32>
      %gather3A_2786 = tpu.vector_load_idx %arg9[%add3A_2785] : memref<2048xi32, #tpu.memory_space<vmem>>[vector<16xi32>], vector<16xi32>,
      %bitcast3A_2787 = vector.bitcast %gather3A_2786 : vector<16xi32> to vector<16xf32>
      %add3A_2788 = arith.constant 1 : i32
      %add3A_2789 = vector.broadcast %add3A_2788 : i32 to vector<16xi32>
      %add3A_2790 = arith.addi %add3A_2785, %add3A_2789 : vector<16xi32>
      %gather3A_2791 = tpu.vector_load_idx %arg9[%add3A_2790] : memref<2048xi32, #tpu.memory_space<vmem>>[vector<16xi32>], vector<16xi32>,
      %bitcast3A_2792 = vector.bitcast %gather3A_2791 : vector<16xi32> to vector<16xf32>
      %add3A_2793 = arith.constant 2 : i32
      %add3A_2794 = vector.broadcast %add3A_2793 : i32 to vector<16xi32>
      %add3A_2795 = arith.addi %add3A_2785, %add3A_2794 : vector<16xi32>
      %gather3A_2796 = tpu.vector_load_idx %arg9[%add3A_2795] : memref<2048xi32, #tpu.memory_space<vmem>>[vector<16xi32>], vector<16xi32>,
      %bitcast3A_2797 = vector.bitcast %gather3A_2796 : vector<16xi32> to vector<16xf32>
      %gather3A_2798 = tpu.vector_load_idx %arg6[%gather3A_2780] : memref<50000xf32, #tpu.memory_space<vmem>>[vector<16xi32>], vector<16xf32>,
      %gather3A_2799 = tpu.vector_load_idx %arg6[%gather3A_2781] : memref<50000xf32, #tpu.memory_space<vmem>>[vector<16xi32>], vector<16xf32>,
      %gather3A_2800 = tpu.vector_load_idx %arg6[%gather3A_2782] : memref<50000xf32, #tpu.memory_space<vmem>>[vector<16xi32>], vector<16xf32>,
      %gather3A_2801 = tpu.vector_load_idx %arg7[%gather3A_2780] : memref<50000xf32, #tpu.memory_space<vmem>>[vector<16xi32>], vector<16xf32>,
      %gather3A_2802 = tpu.vector_load_idx %arg7[%gather3A_2781] : memref<50000xf32, #tpu.memory_space<vmem>>[vector<16xi32>], vector<16xf32>,
      %gather3A_2803 = tpu.vector_load_idx %arg7[%gather3A_2782] : memref<50000xf32, #tpu.memory_space<vmem>>[vector<16xi32>], vector<16xf32>,
      %mul3A_2804 = arith.mulf %bitcast3A_2787, %gather3A_2798 : vector<16xf32>
      %mul3A_2805 = arith.mulf %bitcast3A_2792, %gather3A_2799 : vector<16xf32>
      %add3A_2806 = arith.addf %mul3A_2804, %mul3A_2805 : vector<16xf32>
      %mul3A_2807 = arith.mulf %bitcast3A_2797, %gather3A_2800 : vector<16xf32>
      %add3A_2808 = arith.addf %add3A_2806, %mul3A_2807 : vector<16xf32>
      %mul3A_2809 = arith.mulf %bitcast3A_2787, %gather3A_2801 : vector<16xf32>
      %mul3A_2810 = arith.mulf %bitcast3A_2792, %gather3A_2802 : vector<16xf32>
      %add3A_2811 = arith.addf %mul3A_2809, %mul3A_2810 : vector<16xf32>
      %mul3A_2812 = arith.mulf %bitcast3A_2797, %gather3A_2803 : vector<16xf32>
      %add3A_2813 = arith.addf %add3A_2811, %mul3A_2812 : vector<16xf32>
      %add3A_2814 = arith.addi %add3A_2779, %add3A_2779 : vector<16xi32>
      tpu.vector_store_idx %arg13[%add3A_2814], %add3A_2808 : memref<1024xf32, #tpu.memory_space<vmem>>[vector<16xi32>], vector<16xf32>,
      %add3A_2815 = arith.constant 1 : i32
      %add3A_2816 = vector.broadcast %add3A_2815 : i32 to vector<16xi32>
      %add3A_2817 = arith.addi %add3A_2814, %add3A_2816 : vector<16xi32>
      tpu.vector_store_idx %arg13[%add3A_2817], %add3A_2813 : memref<1024xf32, #tpu.memory_space<vmem>>[vector<16xi32>], vector<16xf32>,
      %add3A_2818 = arith.constant 480 : i32
      %add3A_2819 = vector.broadcast %add3A_2818 : i32 to vector<16xi32>
      %add3A_2820 = arith.addi %iota3A, %add3A_2819 : vector<16xi32>
      %gather3A_2821 = tpu.vector_load_idx %arg11[%add3A_2820, %broadcast_in_dim3A_5] : memref<512x8xi32, #tpu.memory_space<vmem>>[vector<16xi32>, vector<16xi32>], vector<16xi32>,
      %gather3A_2822 = tpu.vector_load_idx %arg11[%add3A_2820, %broadcast_in_dim3A_7] : memref<512x8xi32, #tpu.memory_space<vmem>>[vector<16xi32>, vector<16xi32>], vector<16xi32>,
      %gather3A_2823 = tpu.vector_load_idx %arg11[%add3A_2820, %broadcast_in_dim3A_9] : memref<512x8xi32, #tpu.memory_space<vmem>>[vector<16xi32>, vector<16xi32>], vector<16xi32>,
      %add3A_2824 = arith.constant 1440 : i32
      %add3A_2825 = vector.broadcast %add3A_2824 : i32 to vector<16xi32>
      %add3A_2826 = arith.addi %add3A_4, %add3A_2825 : vector<16xi32>
      %gather3A_2827 = tpu.vector_load_idx %arg9[%add3A_2826] : memref<2048xi32, #tpu.memory_space<vmem>>[vector<16xi32>], vector<16xi32>,
      %bitcast3A_2828 = vector.bitcast %gather3A_2827 : vector<16xi32> to vector<16xf32>
      %add3A_2829 = arith.constant 1 : i32
      %add3A_2830 = vector.broadcast %add3A_2829 : i32 to vector<16xi32>
      %add3A_2831 = arith.addi %add3A_2826, %add3A_2830 : vector<16xi32>
      %gather3A_2832 = tpu.vector_load_idx %arg9[%add3A_2831] : memref<2048xi32, #tpu.memory_space<vmem>>[vector<16xi32>], vector<16xi32>,
      %bitcast3A_2833 = vector.bitcast %gather3A_2832 : vector<16xi32> to vector<16xf32>
      %add3A_2834 = arith.constant 2 : i32
      %add3A_2835 = vector.broadcast %add3A_2834 : i32 to vector<16xi32>
      %add3A_2836 = arith.addi %add3A_2826, %add3A_2835 : vector<16xi32>
      %gather3A_2837 = tpu.vector_load_idx %arg9[%add3A_2836] : memref<2048xi32, #tpu.memory_space<vmem>>[vector<16xi32>], vector<16xi32>,
      %bitcast3A_2838 = vector.bitcast %gather3A_2837 : vector<16xi32> to vector<16xf32>
      %gather3A_2839 = tpu.vector_load_idx %arg6[%gather3A_2821] : memref<50000xf32, #tpu.memory_space<vmem>>[vector<16xi32>], vector<16xf32>,
      %gather3A_2840 = tpu.vector_load_idx %arg6[%gather3A_2822] : memref<50000xf32, #tpu.memory_space<vmem>>[vector<16xi32>], vector<16xf32>,
      %gather3A_2841 = tpu.vector_load_idx %arg6[%gather3A_2823] : memref<50000xf32, #tpu.memory_space<vmem>>[vector<16xi32>], vector<16xf32>,
      %gather3A_2842 = tpu.vector_load_idx %arg7[%gather3A_2821] : memref<50000xf32, #tpu.memory_space<vmem>>[vector<16xi32>], vector<16xf32>,
      %gather3A_2843 = tpu.vector_load_idx %arg7[%gather3A_2822] : memref<50000xf32, #tpu.memory_space<vmem>>[vector<16xi32>], vector<16xf32>,
      %gather3A_2844 = tpu.vector_load_idx %arg7[%gather3A_2823] : memref<50000xf32, #tpu.memory_space<vmem>>[vector<16xi32>], vector<16xf32>,
      %mul3A_2845 = arith.mulf %bitcast3A_2828, %gather3A_2839 : vector<16xf32>
      %mul3A_2846 = arith.mulf %bitcast3A_2833, %gather3A_2840 : vector<16xf32>
      %add3A_2847 = arith.addf %mul3A_2845, %mul3A_2846 : vector<16xf32>
      %mul3A_2848 = arith.mulf %bitcast3A_2838, %gather3A_2841 : vector<16xf32>
      %add3A_2849 = arith.addf %add3A_2847, %mul3A_2848 : vector<16xf32>
      %mul3A_2850 = arith.mulf %bitcast3A_2828, %gather3A_2842 : vector<16xf32>
      %mul3A_2851 = arith.mulf %bitcast3A_2833, %gather3A_2843 : vector<16xf32>
      %add3A_2852 = arith.addf %mul3A_2850, %mul3A_2851 : vector<16xf32>
      %mul3A_2853 = arith.mulf %bitcast3A_2838, %gather3A_2844 : vector<16xf32>
      %add3A_2854 = arith.addf %add3A_2852, %mul3A_2853 : vector<16xf32>
      %add3A_2855 = arith.addi %add3A_2820, %add3A_2820 : vector<16xi32>
      tpu.vector_store_idx %arg13[%add3A_2855], %add3A_2849 : memref<1024xf32, #tpu.memory_space<vmem>>[vector<16xi32>], vector<16xf32>,
      %add3A_2856 = arith.constant 1 : i32
      %add3A_2857 = vector.broadcast %add3A_2856 : i32 to vector<16xi32>
      %add3A_2858 = arith.addi %add3A_2855, %add3A_2857 : vector<16xi32>
      tpu.vector_store_idx %arg13[%add3A_2858], %add3A_2854 : memref<1024xf32, #tpu.memory_space<vmem>>[vector<16xi32>], vector<16xf32>,
      %add3A_2859 = arith.constant 496 : i32
      %add3A_2860 = vector.broadcast %add3A_2859 : i32 to vector<16xi32>
      %add3A_2861 = arith.addi %iota3A, %add3A_2860 : vector<16xi32>
      %gather3A_2862 = tpu.vector_load_idx %arg11[%add3A_2861, %broadcast_in_dim3A_5] : memref<512x8xi32, #tpu.memory_space<vmem>>[vector<16xi32>, vector<16xi32>], vector<16xi32>,
      %gather3A_2863 = tpu.vector_load_idx %arg11[%add3A_2861, %broadcast_in_dim3A_7] : memref<512x8xi32, #tpu.memory_space<vmem>>[vector<16xi32>, vector<16xi32>], vector<16xi32>,
      %gather3A_2864 = tpu.vector_load_idx %arg11[%add3A_2861, %broadcast_in_dim3A_9] : memref<512x8xi32, #tpu.memory_space<vmem>>[vector<16xi32>, vector<16xi32>], vector<16xi32>,
      %add3A_2865 = arith.constant 1488 : i32
      %add3A_2866 = vector.broadcast %add3A_2865 : i32 to vector<16xi32>
      %add3A_2867 = arith.addi %add3A_4, %add3A_2866 : vector<16xi32>
      %gather3A_2868 = tpu.vector_load_idx %arg9[%add3A_2867] : memref<2048xi32, #tpu.memory_space<vmem>>[vector<16xi32>], vector<16xi32>,
      %bitcast3A_2869 = vector.bitcast %gather3A_2868 : vector<16xi32> to vector<16xf32>
      %add3A_2870 = arith.constant 1 : i32
      %add3A_2871 = vector.broadcast %add3A_2870 : i32 to vector<16xi32>
      %add3A_2872 = arith.addi %add3A_2867, %add3A_2871 : vector<16xi32>
      %gather3A_2873 = tpu.vector_load_idx %arg9[%add3A_2872] : memref<2048xi32, #tpu.memory_space<vmem>>[vector<16xi32>], vector<16xi32>,
      %bitcast3A_2874 = vector.bitcast %gather3A_2873 : vector<16xi32> to vector<16xf32>
      %add3A_2875 = arith.constant 2 : i32
      %add3A_2876 = vector.broadcast %add3A_2875 : i32 to vector<16xi32>
      %add3A_2877 = arith.addi %add3A_2867, %add3A_2876 : vector<16xi32>
      %gather3A_2878 = tpu.vector_load_idx %arg9[%add3A_2877] : memref<2048xi32, #tpu.memory_space<vmem>>[vector<16xi32>], vector<16xi32>,
      %bitcast3A_2879 = vector.bitcast %gather3A_2878 : vector<16xi32> to vector<16xf32>
      %gather3A_2880 = tpu.vector_load_idx %arg6[%gather3A_2862] : memref<50000xf32, #tpu.memory_space<vmem>>[vector<16xi32>], vector<16xf32>,
      %gather3A_2881 = tpu.vector_load_idx %arg6[%gather3A_2863] : memref<50000xf32, #tpu.memory_space<vmem>>[vector<16xi32>], vector<16xf32>,
      %gather3A_2882 = tpu.vector_load_idx %arg6[%gather3A_2864] : memref<50000xf32, #tpu.memory_space<vmem>>[vector<16xi32>], vector<16xf32>,
      %gather3A_2883 = tpu.vector_load_idx %arg7[%gather3A_2862] : memref<50000xf32, #tpu.memory_space<vmem>>[vector<16xi32>], vector<16xf32>,
      %gather3A_2884 = tpu.vector_load_idx %arg7[%gather3A_2863] : memref<50000xf32, #tpu.memory_space<vmem>>[vector<16xi32>], vector<16xf32>,
      %gather3A_2885 = tpu.vector_load_idx %arg7[%gather3A_2864] : memref<50000xf32, #tpu.memory_space<vmem>>[vector<16xi32>], vector<16xf32>,
      %mul3A_2886 = arith.mulf %bitcast3A_2869, %gather3A_2880 : vector<16xf32>
      %mul3A_2887 = arith.mulf %bitcast3A_2874, %gather3A_2881 : vector<16xf32>
      %add3A_2888 = arith.addf %mul3A_2886, %mul3A_2887 : vector<16xf32>
      %mul3A_2889 = arith.mulf %bitcast3A_2879, %gather3A_2882 : vector<16xf32>
      %add3A_2890 = arith.addf %add3A_2888, %mul3A_2889 : vector<16xf32>
      %mul3A_2891 = arith.mulf %bitcast3A_2869, %gather3A_2883 : vector<16xf32>
      %mul3A_2892 = arith.mulf %bitcast3A_2874, %gather3A_2884 : vector<16xf32>
      %add3A_2893 = arith.addf %mul3A_2891, %mul3A_2892 : vector<16xf32>
      %mul3A_2894 = arith.mulf %bitcast3A_2879, %gather3A_2885 : vector<16xf32>
      %add3A_2895 = arith.addf %add3A_2893, %mul3A_2894 : vector<16xf32>
      %add3A_2896 = arith.addi %add3A_2861, %add3A_2861 : vector<16xi32>
      tpu.vector_store_idx %arg13[%add3A_2896], %add3A_2890 : memref<1024xf32, #tpu.memory_space<vmem>>[vector<16xi32>], vector<16xf32>,
      %add3A_2897 = arith.constant 1 : i32
      %add3A_2898 = vector.broadcast %add3A_2897 : i32 to vector<16xi32>
      %add3A_2899 = arith.addi %add3A_2896, %add3A_2898 : vector<16xi32>
      tpu.vector_store_idx %arg13[%add3A_2899], %add3A_2895 : memref<1024xf32, #tpu.memory_space<vmem>>[vector<16xi32>], vector<16xf32>,
      %add3A_2900 = arith.addi %mul3A_2, %add3A_1569 : i32
      %jit3A_2901 = arith.constant 512 : i32
      %div3A_2902 = arith.divsi %add3A_2900, %jit3A_2901 : i32
      %sign3A_2903 = arith.constant 0 : i32
      %sign3A_2904 = arith.cmpi sgt, %add3A_2900, %sign3A_2903 : i32
      %sign3A_2905 = arith.extui %sign3A_2904 : i1 to i32
      %sign3A_2906 = arith.constant 0 : i32
      %sign3A_2907 = arith.cmpi slt, %add3A_2900, %sign3A_2906 : i32
      %sign3A_2908 = arith.extui %sign3A_2907 : i1 to i32
      %sign3A_2909 = arith.subi %sign3A_2905, %sign3A_2908 : i32
      %sign3A_2910 = arith.constant 0 : i32
      %sign3A_2911 = arith.cmpi sgt, %jit3A_2901, %sign3A_2910 : i32
      %sign3A_2912 = arith.extui %sign3A_2911 : i1 to i32
      %sign3A_2913 = arith.constant 0 : i32
      %sign3A_2914 = arith.cmpi slt, %jit3A_2901, %sign3A_2913 : i32
      %sign3A_2915 = arith.extui %sign3A_2914 : i1 to i32
      %sign3A_2916 = arith.subi %sign3A_2912, %sign3A_2915 : i32
      %ne3A_2917 = arith.cmpi ne, %sign3A_2909, %sign3A_2916 : i32
      %rem3A_2918 = arith.remsi %add3A_2900, %jit3A_2901 : i32
      %ne3A_2919 = arith.constant 0 : i32
      %ne3A_2920 = arith.cmpi ne, %rem3A_2918, %ne3A_2919 : i32
      %and3A_2921 = arith.andi %ne3A_2917, %ne3A_2920 : i1
      %sub3A_2922 = arith.constant 1 : i32
      %sub3A_2923 = arith.subi %div3A_2902, %sub3A_2922 : i32
      %select_n3A_2924 = arith.select %and3A_2921, %sub3A_2923, %div3A_2902 : i32
      %jit3A_2925 = arith.constant 512 : i32
      %eq3A_2926 = arith.constant 0 : i32
      %eq3A_2927 = arith.cmpi eq, %jit3A_2925, %eq3A_2926 : i32
      %jit3A_2928 = arith.constant 1 : i32
      %select_n3A_2929 = arith.select %eq3A_2927, %jit3A_2928, %jit3A_2925 : i32
      %rem3A_2930 = arith.remsi %add3A_2900, %select_n3A_2929 : i32
      %ne3A_2931 = arith.constant 0 : i32
      %ne3A_2932 = arith.cmpi ne, %rem3A_2930, %ne3A_2931 : i32
      %lt3A_2933 = arith.constant 0 : i32
      %lt3A_2934 = arith.cmpi slt, %rem3A_2930, %lt3A_2933 : i32
      %lt3A_2935 = arith.constant 0 : i32
      %lt3A_2936 = arith.cmpi slt, %select_n3A_2929, %lt3A_2935 : i32
      %ne3A_2937 = arith.xori %lt3A_2934, %lt3A_2936 : i1
      %and3A_2938 = arith.andi %ne3A_2937, %ne3A_2932 : i1
      %add3A_2939 = arith.addi %rem3A_2930, %select_n3A_2929 : i32
      %select_n3A_2940 = arith.select %and3A_2938, %add3A_2939, %rem3A_2930 : i32
      %dma_start3A_2941 = arith.constant 0 : i32
      %dma_start3A_2942 = tpu.memref_slice %arg5[%select_n3A_2924, %select_n3A_2940, %dma_start3A_2941] : memref<4x512x1024xf32, #tpu.memory_space<hbm>> -> memref<1x1x1024xf32, #tpu.memory_space<hbm>>
      %dma_start3A_2943 = tpu.memref_squeeze %dma_start3A_2942 : memref<1x1x1024xf32, #tpu.memory_space<hbm>> -> memref<1024xf32, #tpu.memory_space<hbm>>
      %dma_start3A_2944 = arith.constant 0 : i32
      %dma_start3A_2945 = tpu.memref_slice %arg5[%select_n3A_2924, %select_n3A_2940, %dma_start3A_2944] : memref<4x512x1024xf32, #tpu.memory_space<hbm>> -> memref<1x1x1024xf32, #tpu.memory_space<hbm>>
      %dma_start3A_2946 = tpu.memref_squeeze %dma_start3A_2945 : memref<1x1x1024xf32, #tpu.memory_space<hbm>> -> memref<1024xf32, #tpu.memory_space<hbm>>
      tpu.enqueue_dma source(%arg13 : memref<1024xf32, #tpu.memory_space<vmem>>) target(%dma_start3A_2946 : memref<1024xf32, #tpu.memory_space<hbm>>) target_semaphore(%arg20 : memref<!tpu.dma_semaphore, #tpu.memory_space<semaphore_mem>>)
      %add3A_2947 = arith.constant 2 : i32
      %add3A_2948 = arith.addi %add3A_1569, %add3A_2947 : i32
      %lt3A_2949 = arith.constant 64 : i32
      %lt3A_2950 = arith.cmpi slt, %add3A_2948, %lt3A_2949 : i32
      %convert_element_type3A_2951 = arith.extui %lt3A_2950 : i1 to i32
      %cond3A_2952 = arith.constant 0 : i32
      %cond3A_2953 = arith.cmpi ne, %convert_element_type3A_2951, %cond3A_2952 : i32
      scf.if %cond3A_2953 {
        %add3A_2954 = arith.constant 2 : i32
        %add3A_2955 = arith.addi %add3A_1569, %add3A_2954 : i32
        %add3A_2956 = arith.addi %mul3A_2, %add3A_2955 : i32
        %jit3A_2957 = arith.constant 512 : i32
        %div3A_2958 = arith.divsi %add3A_2956, %jit3A_2957 : i32
        %sign3A_2959 = arith.constant 0 : i32
        %sign3A_2960 = arith.cmpi sgt, %add3A_2956, %sign3A_2959 : i32
        %sign3A_2961 = arith.extui %sign3A_2960 : i1 to i32
        %sign3A_2962 = arith.constant 0 : i32
        %sign3A_2963 = arith.cmpi slt, %add3A_2956, %sign3A_2962 : i32
        %sign3A_2964 = arith.extui %sign3A_2963 : i1 to i32
        %sign3A_2965 = arith.subi %sign3A_2961, %sign3A_2964 : i32
        %sign3A_2966 = arith.constant 0 : i32
        %sign3A_2967 = arith.cmpi sgt, %jit3A_2957, %sign3A_2966 : i32
        %sign3A_2968 = arith.extui %sign3A_2967 : i1 to i32
        %sign3A_2969 = arith.constant 0 : i32
        %sign3A_2970 = arith.cmpi slt, %jit3A_2957, %sign3A_2969 : i32
        %sign3A_2971 = arith.extui %sign3A_2970 : i1 to i32
        %sign3A_2972 = arith.subi %sign3A_2968, %sign3A_2971 : i32
        %ne3A_2973 = arith.cmpi ne, %sign3A_2965, %sign3A_2972 : i32
        %rem3A_2974 = arith.remsi %add3A_2956, %jit3A_2957 : i32
        %ne3A_2975 = arith.constant 0 : i32
        %ne3A_2976 = arith.cmpi ne, %rem3A_2974, %ne3A_2975 : i32
        %and3A_2977 = arith.andi %ne3A_2973, %ne3A_2976 : i1
        %sub3A_2978 = arith.constant 1 : i32
        %sub3A_2979 = arith.subi %div3A_2958, %sub3A_2978 : i32
        %select_n3A_2980 = arith.select %and3A_2977, %sub3A_2979, %div3A_2958 : i32
        %jit3A_2981 = arith.constant 512 : i32
        %eq3A_2982 = arith.constant 0 : i32
        %eq3A_2983 = arith.cmpi eq, %jit3A_2981, %eq3A_2982 : i32
        %jit3A_2984 = arith.constant 1 : i32
        %select_n3A_2985 = arith.select %eq3A_2983, %jit3A_2984, %jit3A_2981 : i32
        %rem3A_2986 = arith.remsi %add3A_2956, %select_n3A_2985 : i32
        %ne3A_2987 = arith.constant 0 : i32
        %ne3A_2988 = arith.cmpi ne, %rem3A_2986, %ne3A_2987 : i32
        %lt3A_2989 = arith.constant 0 : i32
        %lt3A_2990 = arith.cmpi slt, %rem3A_2986, %lt3A_2989 : i32
        %lt3A_2991 = arith.constant 0 : i32
        %lt3A_2992 = arith.cmpi slt, %select_n3A_2985, %lt3A_2991 : i32
        %ne3A_2993 = arith.xori %lt3A_2990, %lt3A_2992 : i1
        %and3A_2994 = arith.andi %ne3A_2993, %ne3A_2988 : i1
        %add3A_2995 = arith.addi %rem3A_2986, %select_n3A_2985 : i32
        %select_n3A_2996 = arith.select %and3A_2994, %add3A_2995, %rem3A_2986 : i32
        %dma_start3A_2997 = arith.constant 0 : i32
        %dma_start3A_2998 = tpu.memref_slice %arg2[%select_n3A_2980, %select_n3A_2996, %dma_start3A_2997] : memref<4x512x2048xi32, #tpu.memory_space<hbm>> -> memref<1x1x2048xi32, #tpu.memory_space<hbm>>
        %dma_start3A_2999 = tpu.memref_squeeze %dma_start3A_2998 : memref<1x1x2048xi32, #tpu.memory_space<hbm>> -> memref<2048xi32, #tpu.memory_space<hbm>>
        %dma_start3A_3000 = arith.constant 0 : i32
        %dma_start3A_3001 = tpu.memref_slice %arg2[%select_n3A_2980, %select_n3A_2996, %dma_start3A_3000] : memref<4x512x2048xi32, #tpu.memory_space<hbm>> -> memref<1x1x2048xi32, #tpu.memory_space<hbm>>
        %dma_start3A_3002 = tpu.memref_squeeze %dma_start3A_3001 : memref<1x1x2048xi32, #tpu.memory_space<hbm>> -> memref<2048xi32, #tpu.memory_space<hbm>>
        tpu.enqueue_dma source(%dma_start3A_3002 : memref<2048xi32, #tpu.memory_space<hbm>>) target(%arg9 : memref<2048xi32, #tpu.memory_space<vmem>>) target_semaphore(%arg16 : memref<!tpu.dma_semaphore, #tpu.memory_space<semaphore_mem>>)
      } else {
      }
    }
    %scan3A_165 = arith.constant 32 : i32
    %dma_wait3A_166 = arith.constant 0 : i32
    %dma_wait3A_167 = arith.constant 0 : i32
    %dma_wait3A_168 = arith.constant 0 : i32
    %dma_wait3A_169 = tpu.memref_slice %arg5[%dma_wait3A_166, %dma_wait3A_167, %dma_wait3A_168] : memref<4x512x1024xf32, #tpu.memory_space<hbm>> -> memref<1x1x1024xf32, #tpu.memory_space<hbm>>
    %dma_wait3A_170 = tpu.memref_squeeze %dma_wait3A_169 : memref<1x1x1024xf32, #tpu.memory_space<hbm>> -> memref<1024xf32, #tpu.memory_space<hbm>>
    %dma_wait3A_171 = arith.constant 0 : i32
    %dma_wait3A_172 = tpu.memref_slice %arg5[%dma_wait3A_166, %dma_wait3A_167, %dma_wait3A_171] : memref<4x512x1024xf32, #tpu.memory_space<hbm>> -> memref<1x1x1024xf32, #tpu.memory_space<hbm>>
    %dma_wait3A_173 = tpu.memref_squeeze %dma_wait3A_172 : memref<1x1x1024xf32, #tpu.memory_space<hbm>> -> memref<1024xf32, #tpu.memory_space<hbm>>
    tpu.wait_dma2 semaphore(%arg19 : memref<!tpu.dma_semaphore, #tpu.memory_space<semaphore_mem>>) src(%arg12 : memref<1024xf32, #tpu.memory_space<vmem>>) dst(%dma_wait3A_173 : memref<1024xf32, #tpu.memory_space<hbm>>)
    %dma_wait3A_174 = arith.constant 0 : i32
    %dma_wait3A_175 = arith.constant 0 : i32
    %dma_wait3A_176 = arith.constant 0 : i32
    %dma_wait3A_177 = tpu.memref_slice %arg5[%dma_wait3A_174, %dma_wait3A_175, %dma_wait3A_176] : memref<4x512x1024xf32, #tpu.memory_space<hbm>> -> memref<1x1x1024xf32, #tpu.memory_space<hbm>>
    %dma_wait3A_178 = tpu.memref_squeeze %dma_wait3A_177 : memref<1x1x1024xf32, #tpu.memory_space<hbm>> -> memref<1024xf32, #tpu.memory_space<hbm>>
    %dma_wait3A_179 = arith.constant 0 : i32
    %dma_wait3A_180 = tpu.memref_slice %arg5[%dma_wait3A_174, %dma_wait3A_175, %dma_wait3A_179] : memref<4x512x1024xf32, #tpu.memory_space<hbm>> -> memref<1x1x1024xf32, #tpu.memory_space<hbm>>
    %dma_wait3A_181 = tpu.memref_squeeze %dma_wait3A_180 : memref<1x1x1024xf32, #tpu.memory_space<hbm>> -> memref<1024xf32, #tpu.memory_space<hbm>>
    tpu.wait_dma2 semaphore(%arg20 : memref<!tpu.dma_semaphore, #tpu.memory_space<semaphore_mem>>) src(%arg13 : memref<1024xf32, #tpu.memory_space<vmem>>) dst(%dma_wait3A_181 : memref<1024xf32, #tpu.memory_space<hbm>>)
    return
  }
}

</mosaic_0001>

<sc_bundles>
// kernel: kernel.3.cloned.1.call-start
scs
__scs_entry_jumppad:
0x0: {  	(pc) =	sbr.rel $0x88, $3  }
0x1: {  	(tag) =	ssettag $0x0;
	lr =	simm.s32 $0x1  }
0x2: {  	[smem:$0x3F9D] =	sst lr;
	_ =	strace $0xD0000000  }
0x3: {  	_ = 	snop  }
0x4: {  	_ = 	snop  }
0x5: {  	_ = 	snop  }
0x6: {  	_ = 	snop  }
0x7: {  	_ = 	snop  }
__scs_overlays_trampoline_lowered:
0x8: {  	[smem:$0x3FAC] =	sst s0  }
0x9: {  	[smem:$0x3FAD] =	sst s1  }
0xa: {  	[smem:$0x3FAE] =	sst s2  }
0xb: {  	[smem:$0x3FAF] =	sst s3  }
0xc: {  	[smem:$0x3FB0] =	sst s4  }
0xd: {  	[smem:$0x3FB1] =	sst s5  }
0xe: {  	[smem:$0x3FB2] =	sst s6  }
0xf: {  	[smem:$0x3FB3] =	sst s7  }
0x10: {  	[smem:$0x3FB4] =	sst s8  }
0x11: {  	[smem:$0x3FB5] =	sst s9;
	s0 =	simm.s32 @!p0 $0x0  }
0x12: {  	s1 =	sld [smem:$0x3F9B];
	s0 =	simm.s32 @p0 $0x1  }
0x13: {  	[smem:$0x3FB6] =	sst s0;
	s0 =	simm.s32 @!p1 $0x0  }
0x14: {  	s2 =	sld [smem:$0x3F9A];
	s0 =	simm.s32 @p1 $0x1  }
0x15: {  	[smem:$0x3FB7] =	sst s0;
	s0 =	simm.s32 @!p2 $0x0  }
0x16: {  	s3 =	sld [smem:$0x3FDB];
	s0 =	simm.s32 @p2 $0x1  }
0x17: {  	s4 =	simm.s32 $0x1BF5;
	[smem:$0x3FB9] =	sst s0  }
0x18: {  	s0 =	sld [smem:$0x3F9C];
	_ =	swait.ge [sflag:s4], $0x0  }
0x19: {  	s7 =	sld [smem:$0x3F9D]  }
0x1a: {  	s8 =	sadd.s32 $0xFFFFE003, lr  }
0x1b: {  	s9 =	sadd.s32 $0xFFFFFEF7, lr;
	s5 =	simm.s32 $0xFFFFFFFF;
	p2 =	slt.u32 s8, $0xFFFFF086  }
0x1c: {  	p1 =	slt.u32 s9, $0xF7A;
	s5 =	simm.s32 @!p2 $0x0  }
0x1d: {  	s5 =	simm.s32 @p1 $0x1;
	p0 =	seq.s32 s7, s2  }
0x1e: {  	s7 =	smul.u32 @!p0 $0xF7A, s2;
	p2 =	seq.s32 @!p0 s5, $0x0  }
0x1f: {  	s9 =	smul.u32 $0xF7A, s1;
	s8 =	simm.s32 @!p0 $0x1BF5;
	p2 =	por !p2, p0  }
0x20: {  	[sflag:s8] =	ssyncset.s32 @!p0 $0xFFFFF086;
	s6 =	sadd.s32 @!p0 s3, s7;
	s7 =	simm.s32 @!p0 $0x108  }
0x21: {  	s3 =	sadd.s32 s3, s9;
	s6 =	sadd.s32 @!p0 $0x88, s6;
	s7 =	simm.s32 @p2 $0x1082  }
0x22: {  	[simem:s7], [sflag:s8] =	dma.local @!p0 [hbm:s6], $0xF7A  }
0x23: {  	s9 =	sor.u32 $0xD0000000, s2;
	s6 =	simm.s32 $0x108;
	_ =	swait.ge @!p0 [sflag:s8], $0x0  }
0x24: {  	s3 =	sadd.s32 $0x88, s3;
	s6 =	simm.s32 @!p1 $0x1082;
	[sflag:s4] =	ssyncset.s32 $0xFFFFF086  }
0x25: {  	[simem:s6], [sflag:s4] =	dma.local [hbm:s3], $0xF7A  }
0x26: {  	[smem:$0x3F9D] =	sst s1;
	(tag) =	ssettag s2;
	_ =	strace s9  }
0x27: {  	s1 =	sld [smem:$0x3FAD]  }
0x28: {  	s2 =	sld [smem:$0x3FAE]  }
0x29: {  	s4 =	sld [smem:$0x3FB0]  }
0x2a: {  	p0 =	seq.s32 s5, $0x0;
	s5 =	sld [smem:$0x3FB1]  }
0x2b: {  	s6 =	sld [smem:$0x3FB2]  }
0x2c: {  	s7 =	sld [smem:$0x3FB3]  }
0x2d: {  	s3 =	simm.s32 $0x108;
	s8 =	sld [smem:$0x3FB4]  }
0x2e: {  	s3 =	simm.s32 @!p0 $0x1082;
	s9 =	sld [smem:$0x3FB5]  }
0x2f: {  	lr =	sadd.s32 s0, s3;
	s0 =	sld [smem:$0x3FAC]  }
0x30: {  	s3 =	sld [smem:$0x3FAF]  }
0x31: {  	[smem:$0x3FB8] =	sst s10  }
0x32: {  	s10 =	sld [smem:$0x3FB6];
	_ =	sdelay $0x3  }
0x33: {  	p0 =	seq.s32 s10, $0x1;
	s10 =	sld [smem:$0x3FB8];
	_ =	sdelay $0x3  }
0x34: {  	[smem:$0x3FB8] =	sst s10  }
0x35: {  	s10 =	sld [smem:$0x3FB7];
	_ =	sdelay $0x3  }
0x36: {  	p1 =	seq.s32 s10, $0x1;
	s10 =	sld [smem:$0x3FB8];
	_ =	sdelay $0x3  }
0x37: {  	[smem:$0x3FB8] =	sst s10  }
0x38: {  	s10 =	sld [smem:$0x3FB9]  }
0x39: {  	_ = 	snop;
	(pc) =	sbr.ind lr, $3  }
0x3a: {  	_ = 	snop  }
0x3b: {  	_ = 	snop  }
0x3c: {  	p2 =	seq.s32 s10, $0x1;
	s10 =	sld [smem:$0x3FB8]  }
0x3d: {  	_ =	shalt  }
0x3e: {  	_ =	shalt  }
0x3f: {  	_ =	shalt  }
0x40: {  	_ =	shalt  }
0x41: {  	_ =	shalt  }
0x42: {  	_ =	shalt  }
0x43: {  	_ =	shalt  }
0x44: {  	_ =	shalt  }
0x45: {  	_ =	shalt  }
0x46: {  	_ =	shalt  }
0x47: {  	_ =	shalt  }
0x48: {  	_ =	shalt  }
0x49: {  	_ =	shalt  }
0x4a: {  	_ =	shalt  }
0x4b: {  	_ =	shalt  }
0x4c: {  	_ =	shalt  }
0x4d: {  	_ =	shalt  }
0x4e: {  	_ =	shalt  }
0x4f: {  	_ =	shalt  }
0x50: {  	_ =	shalt  }
0x51: {  	_ =	shalt  }
0x52: {  	_ =	shalt  }
0x53: {  	_ =	shalt  }
0x54: {  	_ =	shalt  }
0x55: {  	_ =	shalt  }
0x56: {  	_ =	shalt  }
0x57: {  	_ =	shalt  }
0x58: {  	_ =	shalt  }
0x59: {  	_ =	shalt  }
0x5a: {  	_ =	shalt  }
0x5b: {  	_ =	shalt  }
0x5c: {  	_ =	shalt  }
0x5d: {  	_ =	shalt  }
0x5e: {  	_ =	shalt  }
0x5f: {  	_ =	shalt  }
0x60: {  	_ =	shalt  }
0x61: {  	_ =	shalt  }
0x62: {  	_ =	shalt  }
0x63: {  	_ =	shalt  }
0x64: {  	_ =	shalt  }
0x65: {  	_ =	shalt  }
0x66: {  	_ =	shalt  }
0x67: {  	_ =	shalt  }
0x68: {  	_ =	shalt  }
0x69: {  	_ =	shalt  }
0x6a: {  	_ =	shalt  }
0x6b: {  	_ =	shalt  }
0x6c: {  	_ =	shalt  }
0x6d: {  	_ =	shalt  }
0x6e: {  	_ =	shalt  }
0x6f: {  	_ =	shalt  }
0x70: {  	_ =	shalt  }
0x71: {  	_ =	shalt  }
0x72: {  	_ =	shalt  }
0x73: {  	_ =	shalt  }
0x74: {  	_ =	shalt  }
0x75: {  	_ =	shalt  }
0x76: {  	_ =	shalt  }
0x77: {  	_ =	shalt  }
0x78: {  	_ =	shalt  }
0x79: {  	_ =	shalt  }
0x7a: {  	_ =	shalt  }
0x7b: {  	_ =	shalt  }
0x7c: {  	_ =	shalt  }
0x7d: {  	_ =	shalt  }
0x7e: {  	_ =	shalt  }
0x7f: {  	_ =	shalt  }
0x80: {  	_ =	shalt  }
0x81: {  	_ =	shalt  }
0x82: {  	_ =	shalt  }
0x83: {  	_ =	shalt  }
0x84: {  	_ =	shalt  }
0x85: {  	_ =	shalt  }
0x86: {  	_ =	shalt  }
0x87: {  	_ =	shalt  }
.Lfunc_end0:
.L_simem_size_0:
called_computation_lowered:
.L_overlay_start_0:
0x88: {  	s2 =	sld [smem:$0x3FD9]  }
0x89: {  	s3 =	sld [smem:$0x3FFE];
	_ =	sdelay $0x1  }
0x8a: {  	s1 =	srdreg.scid  }
0x8b: {  	s0 =	sand.u32 $0x1, s1  }
0x8c: {  	s17 =	sshll.u32 s0, $0xA;
	s2 =	sadd.s32 s3, s2  }
0x8d: {  	s2 =	sadd.s32 s2, s17  }
0x8e: {  	[smem:$0x3FC4] =	sst s2  }
0x8f: {  	_ = 	snop  }
0x90: {  	s2 =	sld [smem:$0x3FD0];
	(tm) =	ssettm $0x1  }
0x91: {  	s18 =	sld [smem:$0x3FFB];
	_ =	sdelay $0x3  }
0x92: {  	_ =	strace s18  }
0x93: {  	s3 =	sld [smem:$0x3FFC];
	_ =	sdelay $0x3  }
0x94: {  	_ =	strace s3  }
0x95: {  	s3 =	sld [smem:$0x3FFD];
	_ =	sdelay $0x3  }
0x96: {  	_ =	strace s3  }
0x97: {  	_ =	strace $0x8FFFFFFF  }
0x98: {  	s19 =	sld [smem:$0x3FDB];
	_ =	sdelay $0x1  }
0x99: {  	s4 =	simm.s32 $_scs_section_size  }
0x9a: {  	s5 =	simm.s32 $_size__tile_overlayer_lowered;
	s6 =	simm.s32 $_tile_overlayer_lowered  }
0x9b: {  	s22 =	simm.s32 $0x1BFF;
	s21 =	sshll.u32 s6, $0x1;
	s3 =	sadd.s32 s4, s19  }
0x9c: {  	s7 =	simm.s32 $0x0;
	s20 =	sshll.u32 s5, $0x1;
	s5 =	sadd.s32 s21, s3  }
0x9d: {  	[timem:s7], [sflag:s22] =	dma.local [hbm:s5], s20  }
0x9e: {  	_ =	swait.ge [sflag:s22], s20  }
0x9f: {  	s4 =	ssub.s32 $0x0, s20;
	[sflag:s22] =	ssyncset.done $0x0  }
0xa0: {  	[sflag:s22] =	ssyncadd.s32 s4;
	_ =	sdelay $0x1  }
0xa1: {  	s23 =	simm.s32 $0x1B8B  }
0xa2: {  	_ =	swait.ge [sflag:s23], $0x1  }
0xa3: {  	[sflag:s23] =	ssyncset.done $0x0  }
0xa4: {  	s25 =	simm.s32 $0x1B8E;
	s24 =	sld [smem:$0x3FFE];
	[sflag:s23] =	ssyncadd.s32 $0xFFFFFFFF  }
0xa5: {  	s26 =	simm.s32 $execute0_lowered;
	[smem:$0x3FD2] =	sst s25  }
0xa6: {  	s5 =	sshll.u32 s26, $0x1;
	_ =	strace $0x80000046;
	[dreg:$0x1] =	wrdreg $0xFFFFFFFF  }
0xa7: {  	s28 =	simm.s32 $_size_execute0_lowered;
	s3 =	sadd.s32 s3, s5;
	[dreg:$0x0] =	wrdreg $0x0  }
0xa8: {  	s5 =	sshll.u32 s28, $0x1;
	[dreg:$0x2] =	wrdreg s3  }
0xa9: {  	[dreg:$0x3] =	wrdreg s5  }
0xaa: {  	[dreg:$0x4] =	wrdreg $0xC0  }
0xab: {  	_ =	task [dreg:s7], $0x5FFFF  }
0xac: {  	[dreg:$0x1] =	wrdreg $0xFFFFFFFF  }
0xad: {  	[dreg:$0x0] =	wrdreg $0x60  }
0xae: {  	[dreg:$0x2] =	wrdreg s24  }
0xaf: {  	[dreg:$0x3] =	wrdreg s2  }
0xb0: {  	[dreg:$0x4] =	wrdreg $0x9  }
0xb1: {  	_ =	task.clear_ibuf [dreg:s7], $0x5FFFF;
	_ =	strace $0x90000046  }
0xb2: {  	s29 =	simm.s32 $0x9;
	_ =	strace $0x80000048  }
0xb3: {  	_ =	swait.ge [sflag:s29], $0x1  }
0xb4: {  	[sflag:s29] =	ssyncadd.s32 $0xFFFFFFFF  }
0xb5: {  	_ =	strace $0x90000048  }
0xb6: {  	_ =	sfence  }
0xb7: {  	s30 =	sld [smem:$0x0];
	_ =	sdelay $0x2  }
0xb8: {  	s31 =	sshll.u32 s1, $0xD;
	s1 =	sshrl.u32 s1, $0x2  }
0xb9: {  	s3 =	sand.u32 $0x4000, s31;
	s1 =	sadd.s32 s1, s30  }
0xba: {  	s0 =	sor.u32 s3, s0;
	s1 =	sshll.u32 s1, $0x11  }
0xbb: {  	s0 =	sor.u32 s1, s0  }
0xbc: {  	s0 =	sadd.s32 $0x8F2B, s0  }
0xbd: {  	[sflag:s0] =	ssyncadd.remote.s32 $0x1  }
0xbe: {  	_ =	sfence.sel $0xFFFF  }
0xbf: {  	[dreg:$0x0] =	wrdreg $0xFFFFFFFF;
	(pc) =	sbr.abs _section_cstart, $3  }
0xc0: {  	[dreg:$0x1] =	wrdreg $0xFFFFFFFF  }
0xc1: {  	_ =	task.clear_ibuf [dreg:s7], $0x2FFFF;
	_ =	strace $0x9FFFFFFF  }
0xc2: {  	(tm) =	ssettm $0x7FFFFFFF  }
0xc3: {  	_ =	shalt  }
tec
execute0_lowered:
.L_overlay_start_1:
0x0: {  	(tag) =	ssettag $0x1  }
0x1: {  	v2 =	vlaneseq.u32  }
0x2: {  	v1 =	vmul.u32 $0x3, v2  }
0x3: {  	s0 =	rddreg [dreg:$0x0];
	s1 =	simm.s32 $0x0  }
0x4: {  	[smem:$0x7FF] =	sst s1;
	v0 =	vmul.u32 $0x8, v2;
	v2 =	vmul.u32 $0x2, v2;
	v3 =	vadd.s32 $0x1, v1  }
0x5: {  	s2 =	rddreg [dreg:$0x1];
	_ =	strace $0x80000047;
	[tilespmem:$0x1FC60] =	vst v3;
	v3 =	vadd.s32 $0x2, v1  }
0x6: {  	[tilespmem:$0x1FC70] =	vst v3;
	v3 =	vor.u32 $0x1, v2  }
0x7: {  	[tilespmem:$0x1FC80] =	vst v3;
	v3 =	vor.u32 $0x80, v0  }
0x8: {  	[tilespmem:$0x1FC90] =	vst v3;
	v3 =	vor.u32 $0x81, v0  }
0x9: {  	[tilespmem:$0x1FCA0] =	vst v3;
	v3 =	vor.u32 $0x82, v0  }
0xa: {  	[tilespmem:$0x1FCB0] =	vst v3;
	v3 =	vadd.s32 $0x30, v1  }
0xb: {  	[tilespmem:$0x1FCC0] =	vst v3;
	v3 =	vadd.s32 $0x31, v1  }
0xc: {  	[tilespmem:$0x1FCD0] =	vst v3;
	v3 =	vadd.s32 $0x32, v1  }
0xd: {  	[tilespmem:$0x1FCE0] =	vst v3;
	v3 =	vor.u32 $0x20, v2  }
0xe: {  	[tilespmem:$0x1FCF0] =	vst v3;
	v3 =	vor.u32 $0x21, v2  }
0xf: {  	[tilespmem:$0x1FD00] =	vst v3;
	v3 =	vor.u32 $0x100, v0  }
0x10: {  	[tilespmem:$0x1FD10] =	vst v3;
	v3 =	vor.u32 $0x101, v0  }
0x11: {  	[tilespmem:$0x1FD20] =	vst v3;
	v3 =	vor.u32 $0x102, v0  }
0x12: {  	[tilespmem:$0x1FD30] =	vst v3;
	v3 =	vadd.s32 $0x60, v1  }
0x13: {  	[tilespmem:$0x1FD40] =	vst v3;
	v3 =	vadd.s32 $0x61, v1  }
0x14: {  	[tilespmem:$0x1FD50] =	vst v3;
	v3 =	vadd.s32 $0x62, v1  }
0x15: {  	[tilespmem:$0x1FD60] =	vst v3;
	v3 =	vor.u32 $0x40, v2  }
0x16: {  	[tilespmem:$0x1FD70] =	vst v3;
	v3 =	vor.u32 $0x41, v2  }
0x17: {  	[tilespmem:$0x1FD80] =	vst v3;
	v3 =	vor.u32 $0x180, v0  }
0x18: {  	[tilespmem:$0x1FD90] =	vst v3;
	v3 =	vor.u32 $0x181, v0  }
0x19: {  	[tilespmem:$0x1FDA0] =	vst v3;
	v3 =	vor.u32 $0x182, v0  }
0x1a: {  	[tilespmem:$0x1FDB0] =	vst v3;
	v3 =	vadd.s32 $0x90, v1  }
0x1b: {  	[tilespmem:$0x1FDC0] =	vst v3;
	v3 =	vadd.s32 $0x91, v1  }
0x1c: {  	[tilespmem:$0x1FDD0] =	vst v3;
	v3 =	vadd.s32 $0x92, v1  }
0x1d: {  	[tilespmem:$0x1FDE0] =	vst v3;
	v3 =	vor.u32 $0x60, v2  }
0x1e: {  	[tilespmem:$0x1FDF0] =	vst v3;
	v3 =	vor.u32 $0x61, v2  }
0x1f: {  	[tilespmem:$0x1FE00] =	vst v3;
	v3 =	vor.u32 $0x200, v0  }
0x20: {  	[tilespmem:$0x1FE10] =	vst v3;
	v3 =	vor.u32 $0x201, v0  }
0x21: {  	[tilespmem:$0x1FE20] =	vst v3;
	v3 =	vor.u32 $0x202, v0  }
0x22: {  	[tilespmem:$0x1FE30] =	vst v3;
	v3 =	vor.u32 $0xC0, v1  }
0x23: {  	[tilespmem:$0x1FE40] =	vst v3;
	v3 =	vadd.s32 $0xC1, v1  }
0x24: {  	[tilespmem:$0x1FE50] =	vst v3;
	v3 =	vadd.s32 $0xC2, v1  }
0x25: {  	[tilespmem:$0x1FE60] =	vst v3;
	v3 =	vor.u32 $0x80, v2  }
0x26: {  	[tilespmem:$0x1FE70] =	vst v3;
	v3 =	vor.u32 $0x81, v2  }
0x27: {  	[tilespmem:$0x1FE80] =	vst v3;
	v3 =	vor.u32 $0x280, v0  }
0x28: {  	[tilespmem:$0x1FE90] =	vst v3;
	v3 =	vor.u32 $0x281, v0  }
0x29: {  	s3 =	srdreg.scid;
	[tilespmem:$0x1FEA0] =	vst v3;
	v3 =	vor.u32 $0x282, v0  }
0x2a: {  	s9 =	stileid.u32;
	s12 =	simm.s32 $0xC350;
	s13 =	simm.s32 $0x186A0;
	[tilespmem:$0x1FEB0] =	vst v3;
	v3 =	vadd.s32 $0xF0, v1  }
0x2b: {  	s14 =	simm.s32 $0x18EA0;
	s15 =	simm.s32 $0x2;
	s16 =	simm.s32 $0x80;
	[tilespmem:$0x1FEC0] =	vst v3;
	v3 =	vadd.s32 $0xF1, v1  }
0x2c: {  	s18 =	simm.s32 $0x196A0;
	s28 =	simm.s32 $0x194A0;
	s29 =	simm.s32 $0x1A6A0;
	[tilespmem:$0x1FED0] =	vst v3;
	v3 =	vadd.s32 $0xF2, v1  }
0x2d: {  	s30 =	simm.s32 $0x19520;
	s31 =	simm.s32 $0x1AAA0;
	s10 =	simm.s32 $0x5;
	[tilespmem:$0x1FEE0] =	vst v3;
	v3 =	vor.u32 $0xA0, v2  }
0x2e: {  	s11 =	simm.s32 $0x7;
	s19 =	simm.s32 $0x0;
	s5 =	sadd.s32 $0x19A00, s0;
	[tilespmem:$0x1FEF0] =	vst v3;
	v3 =	vor.u32 $0xA1, v2  }
0x2f: {  	s3 =	sand.u32 $0x1, s3;
	s4 =	sshll.u32 s9, $0x7;
	s8 =	sadd.s32 $0x99A00, s0;
	[tilespmem:$0x1FF00] =	vst v3;
	v3 =	vor.u32 $0x300, v0  }
0x30: {  	s22 =	sshll.u32 s9, $0xE;
	s23 =	sshll.u32 s9, $0xF;
	s6 =	ssub.s32 $0x2, s3;
	[tilespmem:$0x1FF10] =	vst v3;
	v3 =	vor.u32 $0x301, v0  }
0x31: {  	s7 =	sshll.u32 s3, $0x6;
	[dreg:$0x3] =	wrdreg s8;
	s3 =	sshll.u32 s3, $0xE;
	[tilespmem:$0x1FF20] =	vst v3;
	v3 =	vor.u32 $0x302, v0  }
0x32: {  	s20 =	sshrl.u32 s6, $0x1;
	s7 =	sor.u32 s7, s4;
	s4 =	sadd.s32 $0x1200, s0;
	[tilespmem:$0x1FF30] =	vst v3;
	v3 =	vadd.s32 $0x120, v1  }
0x33: {  	s0 =	sadd.s32 $0x9B26A, s0;
	s6 =	ssub.s32 s6, s20;
	s21 =	sshll.u32 s7, $0x8;
	[tilespmem:$0x1FF40] =	vst v3;
	v3 =	vadd.s32 $0x121, v1  }
0x34: {  	[dreg:$0x4] =	wrdreg s0;
	s0 =	sand.u32 $0x30000, s22;
	s24 =	sand.u32 $0x1C0, s7;
	[tilespmem:$0x1FF50] =	vst v3;
	v3 =	vadd.s32 $0x122, v1  }
0x35: {  	s25 =	sshll.u32 s7, $0x7;
	s22 =	simm.s32 $0x19EA0;
	s7 =	simm.s32 $0x4;
	[tilespmem:$0x1FF60] =	vst v3;
	v3 =	vor.u32 $0xC0, v2  }
0x36: {  	s8 =	sadd.s32 s5, s21;
	s6 =	smax.u32 s6, $0x1;
	s5 =	sadd.s32 s23, s5;
	[tilespmem:$0x1FF70] =	vst v3;
	v3 =	vor.u32 $0xC1, v2  }
0x37: {  	s0 =	sadd.s32 s0, s2;
	s2 =	sand.u32 $0xE000, s25;
	s23 =	simm.s32 $0x18E20;
	[tilespmem:$0x1FF80] =	vst v3;
	v3 =	vor.u32 $0x380, v0  }
0x38: {  	s21 =	simm.s32 $0x19AA0;
	[dreg:$0x5] =	wrdreg s8;
	s8 =	sadd.s32 $0x100, s8;
	[tilespmem:$0x1FF90] =	vst v3;
	v3 =	vor.u32 $0x381, v0  }
0x39: {  	[dreg:$0x7] =	wrdreg s6;
	s6 =	sshll.u32 s24, $0x7;
	s9 =	sadd.s32 s3, s5;
	[tilespmem:$0x1FFA0] =	vst v3;
	v3 =	vor.u32 $0x382, v0  }
.Ltmp0:
0x3a: {  	s24 =	simm.s32 $0x1A2A0;
	s3 =	simm.s32 $0x19620;
	[tilespmem:$0x1FFB0] =	vst v3;
	v3 =	vadd.s32 $0x150, v1;
	(pc) =	sbr.rel .LBB2_1-.Ltmp0, $4  }
0x3b: {  	s5 =	simm.s32 $0x1B2A0;
	[dreg:$0x6] =	wrdreg s8;
	s6 =	sadd.s32 s6, s0;
	[tilespmem:$0x1FFC0] =	vst v3;
	v3 =	vadd.s32 $0x151, v1  }
0x3c: {  	s0 =	sadd.s32 s2, s0;
	s2 =	simm.s32 $0x1AEA0;
	s8 =	simm.s32 $0x1B6A0;
	[tilespmem:$0x1FFD0] =	vst v3;
	v3 =	vadd.s32 $0x152, v1  }
0x3d: {  	[dreg:$0x8] =	wrdreg s0;
	s26 =	sadd.s32 $0x80, s6;
	s0 =	simm.s32 $0x195A0;
	[tilespmem:$0x1FFE0] =	vst v3;
	v3 =	vor.u32 $0xE0, v2  }
0x3e: {  	v19 =	vor.u32 $0x1, v0;
	v20 =	vor.u32 $0x2, v0;
	s6 =	simm.s32 $0x1BAA0;
	[dreg:$0x9] =	wrdreg s26;
	s26 =	simm.s32 $0x3;
	[tilespmem:$0x1FFF0] =	vst v3  }
.LBB2_8:
0x3f: {  	s17 =	simm.s32 $0x6  }
0x40: {  	_ =	swait.ge [sflag:s17], $0x400  }
0x41: {  	[sflag:s17] =	ssyncset.done $0x0  }
0x42: {  	[sflag:s17] =	ssyncadd.s32 $0xFFFFFC00  }
0x43: {  	_ =	swait.ge [sflag:s11], $0x400  }
0x44: {  	s19 =	rddreg [dreg:$0xa]  }
0x45: {  	s25 =	rddreg [dreg:$0x7];
	s19 =	sadd.s32 $0x1, s19  }
0x46: {  	p0 =	sne.s32 s19, s25  }
.Ltmp1:
0x47: {  	_ = 	snop;
	(pc) =	sbr.rel @!p0 .LBB2_9-.Ltmp1, $3  }
0x48: {  	_ =	sdelay $0x1  }
0x49: {  	[sflag:s11] =	ssyncset.done $0x0  }
0x4a: {  	v19 =	vmov v21;
	v20 =	vmov v22;
	[sflag:s11] =	ssyncadd.s32 $0xFFFFFC00  }
.LBB2_1:
0x4b: {  	[dreg:$0xa] =	wrdreg s19  }
0x4c: {  	s17 =	rddreg [dreg:$0x3]  }
0x4d: {  	[tilespmem:s1], [sflag:$0x1] =	stream.linear.gather [hbm4b:s17+s1], $0xC350, $0x38;
	[tilespmem:$0x1BEA0] =	vst v63  }
0x4e: {  	s19 =	rddreg [dreg:$0x4]  }
0x4f: {  	[tilespmem:s12], [sflag:$0x1] =	stream.linear.gather [hbm4b:s19+s1], $0xC350, $0x38;
	[tilespmem:$0x1BEA0] =	vst v63  }
0x50: {  	s20 =	rddreg [dreg:$0x5]  }
0x51: {  	[tilespmem:s13], [sflag:$0x2] =	stream.linear.gather [hbm4b:s20+s1], $0x800, $0x38;
	[tilespmem:$0x1BEA0] =	vst v63  }
0x52: {  	s25 =	rddreg [dreg:$0x6]  }
0x53: {  	[tilespmem:s14], [sflag:$0x3] =	stream.linear.gather [hbm4b:s25+s1], $0x800, $0x38;
	[tilespmem:$0x1BEA0] =	vst v63  }
0x54: {  	_ =	swait.ge [sflag:s15], $0x800  }
0x55: {  	[sflag:s15] =	ssyncset.done $0x0  }
0x56: {  	s19 =	simm.s32 $0x18CA0;
	[sflag:s15] =	ssyncadd.s32 $0xFFFFF800  }
0x57: {  	[tilespmem:s18], [sflag:$0x4] =	stream.indirect.gather [hbm4b:s4+s16], $0x8, s19, s16, $0xb8;
	[tilespmem:$0x1BEA0] =	vst v63  }
0x58: {  	s20 =	simm.s32 $0x18D20;
	s25 =	simm.s32 $0x19AA0  }
0x59: {  	[tilespmem:s25], [sflag:$0x4] =	stream.indirect.gather [hbm4b:s4+s16], $0x8, s20, s16, $0xb8;
	[tilespmem:$0x1BEA0] =	vst v63  }
0x5a: {  	s20 =	simm.s32 $0x18DA0  }
0x5b: {  	[tilespmem:s22], [sflag:$0x4] =	stream.indirect.gather [hbm4b:s4+s16], $0x8, s20, s16, $0xb8;
	[tilespmem:$0x1BEA0] =	vst v63  }
0x5c: {  	s25 =	simm.s32 $0x1  }
0x5d: {  	[tilespmem:s24], [sflag:$0x4] =	stream.indirect.gather [hbm4b:s4+s16], $0x8, s23, s16, $0xb8;
	[tilespmem:$0x1BEA0] =	vst v63  }
0x5e: {  	_ =	swait.ge [sflag:s25], $0xC350  }
0x5f: {  	[sflag:s25] =	ssyncset.done $0x0  }
0x60: {  	[sflag:s25] =	ssyncadd.s32 $0xFFFF3CB0  }
0x61: {  	_ =	swait.ge [sflag:s25], $0xC350  }
0x62: {  	[sflag:s25] =	ssyncset.done $0x0;
	s17 =	rddreg [dreg:$0x8]  }
0x63: {  	s19 =	simm.s32 $0x0;
	[sflag:s25] =	ssyncadd.s32 $0xFFFF3CB0;
	s25 =	rddreg [dreg:$0x9]  }
.LBB2_2:
0x64: {  	_ =	swait.ge [sflag:s26], $0x800  }
0x65: {  	[sflag:s26] =	ssyncset.done $0x0  }
0x66: {  	[sflag:s26] =	ssyncadd.s32 $0xFFFFF800  }
0x67: {  	[tilespmem:s29], [sflag:$0x5] =	stream.indirect.gather [hbm4b:s4+s16], $0x8, s28, s16, $0xb8;
	[tilespmem:$0x1BEA0] =	vst v63  }
0x68: {  	_ = 	snop  }
0x69: {  	[tilespmem:s31], [sflag:$0x5] =	stream.indirect.gather [hbm4b:s4+s16], $0x8, s30, s16, $0xb8;
	[tilespmem:$0x1BEA0] =	vst v63  }
0x6a: {  	_ = 	snop  }
0x6b: {  	[tilespmem:s2], [sflag:$0x5] =	stream.indirect.gather [hbm4b:s4+s16], $0x8, s0, s16, $0xb8;
	[tilespmem:$0x1BEA0] =	vst v63  }
0x6c: {  	_ = 	snop  }
0x6d: {  	[tilespmem:s5], [sflag:$0x5] =	stream.indirect.gather [hbm4b:s4+s16], $0x8, s3, s16, $0xb8;
	[tilespmem:$0x1BEA0] =	vst v63  }
0x6e: {  	_ =	swait.ge [sflag:s7], $0x1000  }
0x6f: {  	p0 =	seq.s32 s19, $0x0;
	[sflag:s7] =	ssyncset.done $0x0  }
0x70: {  	s20 =	simm.s32 @!p0 $0x6;
	[sflag:s7] =	ssyncadd.s32 $0xFFFFF000  }
0x71: {  	_ =	swait.ge @!p0 [sflag:s20], $0x400  }
0x72: {  	[sflag:s20] =	ssyncset.done @!p0 $0x0;
	v7 =	vld [tilespmem:$0x1FC60]  }
0x73: {  	v8 =	vld [tilespmem:$0x1FC70];
	[sflag:s20] =	ssyncadd.s32 @!p0 $0xFFFFFC00  }
0x74: {  	v3 =	vld.idx.msk [tilespmem:v0+s18+$0x0], $0xffff  }
0x75: {  	v4 =	vld.idx.msk [tilespmem:v19+s18+$0x0], $0xffff;
	_ =	sdelay $0x2  }
0x76: {  	v5 =	vld.idx.msk [tilespmem:v20+s18+$0x0], $0xffff  }
0x77: {  	v6 =	vld.idx.msk [tilespmem:v1+s13+$0x0], $0xffff  }
0x78: {  	v7 =	vld.idx.msk [tilespmem:v7+s13+$0x0], $0xffff  }
0x79: {  	v8 =	vld.idx.msk [tilespmem:v8+s13+$0x0], $0xffff  }
0x7a: {  	v9 =	vld.idx.msk [tilespmem:v3+s1+$0x0], $0xffff  }
0x7b: {  	v10 =	vld.idx.msk [tilespmem:v4+s1+$0x0], $0xffff  }
0x7c: {  	v3 =	vld.idx.msk [tilespmem:v3+s12+$0x0], $0xffff  }
0x7d: {  	v4 =	vld.idx.msk [tilespmem:v4+s12+$0x0], $0xffff  }
0x7e: {  	v11 =	vld.idx.msk [tilespmem:v5+s1+$0x0], $0xffff  }
0x7f: {  	v5 =	vld.idx.msk [tilespmem:v5+s12+$0x0], $0xffff;
	_ =	sdelay $0x2  }
0x80: {  	v3 =	vmul.f32 v6, v3;
	v4 =	vmul.f32 v7, v4;
	_ =	sdelay $0x1  }
0x81: {  	v3 =	vadd.f32 v4, v3;
	v4 =	vmul.f32 v8, v5;
	_ =	sdelay $0x1  }
0x82: {  	v3 =	vadd.f32 v4, v3;
	v4 =	vld [tilespmem:$0x1FC80]  }
0x83: {  	v9 =	vmul.f32 v6, v9;
	v10 =	vmul.f32 v7, v10;
	_ =	sdelay $0x1  }
0x84: {  	v7 =	vmul.f32 v8, v11;
	v6 =	vadd.f32 v10, v9;
	_ =	sdelay $0x1  }
0x85: {  	v5 =	vadd.f32 v7, v6;
	_ =	sdelay $0x1  }
0x86: {  	[tilespmem:v2+s8+$0x0] =	vst.idx.msk $0xffff, v5  }
0x87: {  	[tilespmem:v4+s8+$0x0] =	vst.idx.msk $0xffff, v3;
	v3 =	vld [tilespmem:$0x1FC90]  }
0x88: {  	v4 =	vld [tilespmem:$0x1FCA0];
	_ =	sdelay $0x2  }
0x89: {  	v5 =	vld [tilespmem:$0x1FCB0]  }
0x8a: {  	v6 =	vld [tilespmem:$0x1FCC0]  }
0x8b: {  	v7 =	vld [tilespmem:$0x1FCD0]  }
0x8c: {  	v8 =	vld [tilespmem:$0x1FCE0]  }
0x8d: {  	v3 =	vld.idx.msk [tilespmem:v3+s18+$0x0], $0xffff  }
0x8e: {  	v4 =	vld.idx.msk [tilespmem:v4+s18+$0x0], $0xffff;
	_ =	sdelay $0x2  }
0x8f: {  	v5 =	vld.idx.msk [tilespmem:v5+s18+$0x0], $0xffff  }
0x90: {  	v6 =	vld.idx.msk [tilespmem:v6+s13+$0x0], $0xffff  }
0x91: {  	v7 =	vld.idx.msk [tilespmem:v7+s13+$0x0], $0xffff  }
0x92: {  	v8 =	vld.idx.msk [tilespmem:v8+s13+$0x0], $0xffff  }
0x93: {  	v9 =	vld.idx.msk [tilespmem:v3+s1+$0x0], $0xffff  }
0x94: {  	v10 =	vld.idx.msk [tilespmem:v4+s1+$0x0], $0xffff  }
0x95: {  	v3 =	vld.idx.msk [tilespmem:v3+s12+$0x0], $0xffff  }
0x96: {  	v4 =	vld.idx.msk [tilespmem:v4+s12+$0x0], $0xffff  }
0x97: {  	v11 =	vld.idx.msk [tilespmem:v5+s1+$0x0], $0xffff  }
0x98: {  	v5 =	vld.idx.msk [tilespmem:v5+s12+$0x0], $0xffff;
	_ =	sdelay $0x2  }
0x99: {  	v3 =	vmul.f32 v6, v3;
	v4 =	vmul.f32 v7, v4;
	_ =	sdelay $0x1  }
0x9a: {  	v3 =	vadd.f32 v4, v3;
	v4 =	vmul.f32 v8, v5;
	_ =	sdelay $0x1  }
0x9b: {  	v3 =	vadd.f32 v4, v3;
	v4 =	vld [tilespmem:$0x1FCF0];
	_ =	sdelay $0x1  }
0x9c: {  	v9 =	vmul.f32 v6, v9;
	v10 =	vmul.f32 v7, v10;
	_ =	sdelay $0x1  }
0x9d: {  	v7 =	vmul.f32 v8, v11;
	v6 =	vadd.f32 v10, v9;
	_ =	sdelay $0x1  }
0x9e: {  	v5 =	vadd.f32 v7, v6;
	_ =	sdelay $0x1  }
0x9f: {  	[tilespmem:v4+s8+$0x0] =	vst.idx.msk $0xffff, v5;
	v4 =	vld [tilespmem:$0x1FD00];
	_ =	sdelay $0x7  }
0xa0: {  	[tilespmem:v4+s8+$0x0] =	vst.idx.msk $0xffff, v3;
	v3 =	vld [tilespmem:$0x1FD10]  }
0xa1: {  	v4 =	vld [tilespmem:$0x1FD20];
	_ =	sdelay $0x2  }
0xa2: {  	v5 =	vld [tilespmem:$0x1FD30]  }
0xa3: {  	v6 =	vld [tilespmem:$0x1FD40]  }
0xa4: {  	v7 =	vld [tilespmem:$0x1FD50]  }
0xa5: {  	v8 =	vld [tilespmem:$0x1FD60]  }
0xa6: {  	v3 =	vld.idx.msk [tilespmem:v3+s18+$0x0], $0xffff  }
0xa7: {  	v4 =	vld.idx.msk [tilespmem:v4+s18+$0x0], $0xffff;
	_ =	sdelay $0x2  }
0xa8: {  	v5 =	vld.idx.msk [tilespmem:v5+s18+$0x0], $0xffff  }
0xa9: {  	v6 =	vld.idx.msk [tilespmem:v6+s13+$0x0], $0xffff  }
0xaa: {  	v7 =	vld.idx.msk [tilespmem:v7+s13+$0x0], $0xffff  }
0xab: {  	v8 =	vld.idx.msk [tilespmem:v8+s13+$0x0], $0xffff  }
0xac: {  	v9 =	vld.idx.msk [tilespmem:v3+s1+$0x0], $0xffff  }
0xad: {  	v10 =	vld.idx.msk [tilespmem:v4+s1+$0x0], $0xffff  }
0xae: {  	v3 =	vld.idx.msk [tilespmem:v3+s12+$0x0], $0xffff  }
0xaf: {  	v4 =	vld.idx.msk [tilespmem:v4+s12+$0x0], $0xffff  }
0xb0: {  	v11 =	vld.idx.msk [tilespmem:v5+s1+$0x0], $0xffff  }
0xb1: {  	v5 =	vld.idx.msk [tilespmem:v5+s12+$0x0], $0xffff;
	_ =	sdelay $0x2  }
0xb2: {  	v3 =	vmul.f32 v6, v3;
	v4 =	vmul.f32 v7, v4;
	_ =	sdelay $0x1  }
0xb3: {  	v3 =	vadd.f32 v4, v3;
	v4 =	vmul.f32 v8, v5;
	_ =	sdelay $0x1  }
0xb4: {  	v3 =	vadd.f32 v4, v3;
	v4 =	vld [tilespmem:$0x1FD70];
	_ =	sdelay $0x1  }
0xb5: {  	v9 =	vmul.f32 v6, v9;
	v10 =	vmul.f32 v7, v10;
	_ =	sdelay $0x1  }
0xb6: {  	v7 =	vmul.f32 v8, v11;
	v6 =	vadd.f32 v10, v9;
	_ =	sdelay $0x1  }
0xb7: {  	v5 =	vadd.f32 v7, v6;
	_ =	sdelay $0x1  }
0xb8: {  	[tilespmem:v4+s8+$0x0] =	vst.idx.msk $0xffff, v5;
	v4 =	vld [tilespmem:$0x1FD80];
	_ =	sdelay $0x7  }
0xb9: {  	[tilespmem:v4+s8+$0x0] =	vst.idx.msk $0xffff, v3;
	v3 =	vld [tilespmem:$0x1FD90]  }
0xba: {  	v4 =	vld [tilespmem:$0x1FDA0];
	_ =	sdelay $0x2  }
0xbb: {  	v5 =	vld [tilespmem:$0x1FDB0]  }
0xbc: {  	v6 =	vld [tilespmem:$0x1FDC0]  }
0xbd: {  	v7 =	vld [tilespmem:$0x1FDD0]  }
0xbe: {  	v8 =	vld [tilespmem:$0x1FDE0]  }
0xbf: {  	v3 =	vld.idx.msk [tilespmem:v3+s18+$0x0], $0xffff  }
0xc0: {  	v4 =	vld.idx.msk [tilespmem:v4+s18+$0x0], $0xffff;
	_ =	sdelay $0x2  }
0xc1: {  	v5 =	vld.idx.msk [tilespmem:v5+s18+$0x0], $0xffff  }
0xc2: {  	v6 =	vld.idx.msk [tilespmem:v6+s13+$0x0], $0xffff  }
0xc3: {  	v7 =	vld.idx.msk [tilespmem:v7+s13+$0x0], $0xffff  }
0xc4: {  	v8 =	vld.idx.msk [tilespmem:v8+s13+$0x0], $0xffff  }
0xc5: {  	v9 =	vld.idx.msk [tilespmem:v3+s1+$0x0], $0xffff  }
0xc6: {  	v10 =	vld.idx.msk [tilespmem:v4+s1+$0x0], $0xffff  }
0xc7: {  	v3 =	vld.idx.msk [tilespmem:v3+s12+$0x0], $0xffff  }
0xc8: {  	v4 =	vld.idx.msk [tilespmem:v4+s12+$0x0], $0xffff  }
0xc9: {  	v11 =	vld.idx.msk [tilespmem:v5+s1+$0x0], $0xffff  }
0xca: {  	v5 =	vld.idx.msk [tilespmem:v5+s12+$0x0], $0xffff;
	_ =	sdelay $0x2  }
0xcb: {  	v3 =	vmul.f32 v6, v3;
	v4 =	vmul.f32 v7, v4;
	_ =	sdelay $0x1  }
0xcc: {  	v3 =	vadd.f32 v4, v3;
	v4 =	vmul.f32 v8, v5;
	_ =	sdelay $0x1  }
0xcd: {  	v3 =	vadd.f32 v4, v3;
	v4 =	vld [tilespmem:$0x1FDF0];
	_ =	sdelay $0x1  }
0xce: {  	v9 =	vmul.f32 v6, v9;
	v10 =	vmul.f32 v7, v10;
	_ =	sdelay $0x1  }
0xcf: {  	v7 =	vmul.f32 v8, v11;
	v6 =	vadd.f32 v10, v9;
	_ =	sdelay $0x1  }
0xd0: {  	v5 =	vadd.f32 v7, v6;
	_ =	sdelay $0x1  }
0xd1: {  	[tilespmem:v4+s8+$0x0] =	vst.idx.msk $0xffff, v5;
	v4 =	vld [tilespmem:$0x1FE00];
	_ =	sdelay $0x7  }
0xd2: {  	[tilespmem:v4+s8+$0x0] =	vst.idx.msk $0xffff, v3;
	v3 =	vld [tilespmem:$0x1FE10]  }
0xd3: {  	v4 =	vld [tilespmem:$0x1FE20];
	_ =	sdelay $0x2  }
0xd4: {  	v5 =	vld [tilespmem:$0x1FE30]  }
0xd5: {  	v6 =	vld [tilespmem:$0x1FE40]  }
0xd6: {  	v7 =	vld [tilespmem:$0x1FE50]  }
0xd7: {  	v8 =	vld [tilespmem:$0x1FE60]  }
0xd8: {  	v3 =	vld.idx.msk [tilespmem:v3+s18+$0x0], $0xffff  }
0xd9: {  	v4 =	vld.idx.msk [tilespmem:v4+s18+$0x0], $0xffff;
	_ =	sdelay $0x2  }
0xda: {  	v5 =	vld.idx.msk [tilespmem:v5+s18+$0x0], $0xffff  }
0xdb: {  	v6 =	vld.idx.msk [tilespmem:v6+s13+$0x0], $0xffff  }
0xdc: {  	v7 =	vld.idx.msk [tilespmem:v7+s13+$0x0], $0xffff  }
0xdd: {  	v8 =	vld.idx.msk [tilespmem:v8+s13+$0x0], $0xffff  }
0xde: {  	v9 =	vld.idx.msk [tilespmem:v3+s1+$0x0], $0xffff  }
0xdf: {  	v10 =	vld.idx.msk [tilespmem:v4+s1+$0x0], $0xffff  }
0xe0: {  	v3 =	vld.idx.msk [tilespmem:v3+s12+$0x0], $0xffff  }
0xe1: {  	v4 =	vld.idx.msk [tilespmem:v4+s12+$0x0], $0xffff  }
0xe2: {  	v11 =	vld.idx.msk [tilespmem:v5+s1+$0x0], $0xffff  }
0xe3: {  	v5 =	vld.idx.msk [tilespmem:v5+s12+$0x0], $0xffff;
	_ =	sdelay $0x2  }
0xe4: {  	v3 =	vmul.f32 v6, v3;
	v4 =	vmul.f32 v7, v4;
	_ =	sdelay $0x1  }
0xe5: {  	v3 =	vadd.f32 v4, v3;
	v4 =	vmul.f32 v8, v5;
	_ =	sdelay $0x1  }
0xe6: {  	v3 =	vadd.f32 v4, v3;
	v4 =	vld [tilespmem:$0x1FE70];
	_ =	sdelay $0x1  }
0xe7: {  	v9 =	vmul.f32 v6, v9;
	v10 =	vmul.f32 v7, v10;
	_ =	sdelay $0x1  }
0xe8: {  	v7 =	vmul.f32 v8, v11;
	v6 =	vadd.f32 v10, v9;
	_ =	sdelay $0x1  }
0xe9: {  	v5 =	vadd.f32 v7, v6;
	_ =	sdelay $0x1  }
0xea: {  	[tilespmem:v4+s8+$0x0] =	vst.idx.msk $0xffff, v5;
	v4 =	vld [tilespmem:$0x1FE80];
	_ =	sdelay $0x7  }
0xeb: {  	[tilespmem:v4+s8+$0x0] =	vst.idx.msk $0xffff, v3;
	v3 =	vld [tilespmem:$0x1FE90]  }
0xec: {  	v4 =	vld [tilespmem:$0x1FEA0];
	_ =	sdelay $0x2  }
0xed: {  	v5 =	vld [tilespmem:$0x1FEB0]  }
0xee: {  	v6 =	vld [tilespmem:$0x1FEC0]  }
0xef: {  	v7 =	vld [tilespmem:$0x1FED0]  }
0xf0: {  	v8 =	vld [tilespmem:$0x1FEE0]  }
0xf1: {  	v3 =	vld.idx.msk [tilespmem:v3+s18+$0x0], $0xffff  }
0xf2: {  	v4 =	vld.idx.msk [tilespmem:v4+s18+$0x0], $0xffff;
	_ =	sdelay $0x2  }
0xf3: {  	v5 =	vld.idx.msk [tilespmem:v5+s18+$0x0], $0xffff  }
0xf4: {  	v6 =	vld.idx.msk [tilespmem:v6+s13+$0x0], $0xffff  }
0xf5: {  	v7 =	vld.idx.msk [tilespmem:v7+s13+$0x0], $0xffff  }
0xf6: {  	v8 =	vld.idx.msk [tilespmem:v8+s13+$0x0], $0xffff  }
0xf7: {  	v9 =	vld.idx.msk [tilespmem:v3+s1+$0x0], $0xffff  }
0xf8: {  	v10 =	vld.idx.msk [tilespmem:v4+s1+$0x0], $0xffff  }
0xf9: {  	v3 =	vld.idx.msk [tilespmem:v3+s12+$0x0], $0xffff  }
0xfa: {  	v4 =	vld.idx.msk [tilespmem:v4+s12+$0x0], $0xffff  }
0xfb: {  	v11 =	vld.idx.msk [tilespmem:v5+s1+$0x0], $0xffff  }
0xfc: {  	v5 =	vld.idx.msk [tilespmem:v5+s12+$0x0], $0xffff;
	_ =	sdelay $0x2  }
0xfd: {  	v3 =	vmul.f32 v6, v3;
	v4 =	vmul.f32 v7, v4;
	_ =	sdelay $0x1  }
0xfe: {  	v3 =	vadd.f32 v4, v3;
	v4 =	vmul.f32 v8, v5;
	_ =	sdelay $0x1  }
0xff: {  	v3 =	vadd.f32 v4, v3;
	v4 =	vld [tilespmem:$0x1FEF0];
	_ =	sdelay $0x1  }
0x100: {  	v9 =	vmul.f32 v6, v9;
	v10 =	vmul.f32 v7, v10;
	_ =	sdelay $0x1  }
0x101: {  	v7 =	vmul.f32 v8, v11;
	v6 =	vadd.f32 v10, v9;
	_ =	sdelay $0x1  }
0x102: {  	v5 =	vadd.f32 v7, v6;
	_ =	sdelay $0x1  }
0x103: {  	[tilespmem:v4+s8+$0x0] =	vst.idx.msk $0xffff, v5;
	v4 =	vld [tilespmem:$0x1FF00];
	_ =	sdelay $0x7  }
0x104: {  	[tilespmem:v4+s8+$0x0] =	vst.idx.msk $0xffff, v3;
	v3 =	vld [tilespmem:$0x1FF10]  }
0x105: {  	v4 =	vld [tilespmem:$0x1FF20];
	_ =	sdelay $0x2  }
0x106: {  	v5 =	vld [tilespmem:$0x1FF30]  }
0x107: {  	v6 =	vld [tilespmem:$0x1FF40]  }
0x108: {  	v7 =	vld [tilespmem:$0x1FF50]  }
0x109: {  	v8 =	vld [tilespmem:$0x1FF60]  }
0x10a: {  	v3 =	vld.idx.msk [tilespmem:v3+s18+$0x0], $0xffff  }
0x10b: {  	v4 =	vld.idx.msk [tilespmem:v4+s18+$0x0], $0xffff;
	_ =	sdelay $0x2  }
0x10c: {  	v5 =	vld.idx.msk [tilespmem:v5+s18+$0x0], $0xffff  }
0x10d: {  	v6 =	vld.idx.msk [tilespmem:v6+s13+$0x0], $0xffff  }
0x10e: {  	v7 =	vld.idx.msk [tilespmem:v7+s13+$0x0], $0xffff  }
0x10f: {  	v8 =	vld.idx.msk [tilespmem:v8+s13+$0x0], $0xffff  }
0x110: {  	v9 =	vld.idx.msk [tilespmem:v3+s1+$0x0], $0xffff  }
0x111: {  	v10 =	vld.idx.msk [tilespmem:v4+s1+$0x0], $0xffff  }
0x112: {  	v3 =	vld.idx.msk [tilespmem:v3+s12+$0x0], $0xffff  }
0x113: {  	v4 =	vld.idx.msk [tilespmem:v4+s12+$0x0], $0xffff  }
0x114: {  	v11 =	vld.idx.msk [tilespmem:v5+s1+$0x0], $0xffff  }
0x115: {  	v5 =	vld.idx.msk [tilespmem:v5+s12+$0x0], $0xffff;
	_ =	sdelay $0x2  }
0x116: {  	v3 =	vmul.f32 v6, v3;
	v4 =	vmul.f32 v7, v4;
	_ =	sdelay $0x1  }
0x117: {  	v3 =	vadd.f32 v4, v3;
	v4 =	vmul.f32 v8, v5;
	_ =	sdelay $0x1  }
0x118: {  	v3 =	vadd.f32 v4, v3;
	v4 =	vld [tilespmem:$0x1FF70];
	_ =	sdelay $0x1  }
0x119: {  	v9 =	vmul.f32 v6, v9;
	v10 =	vmul.f32 v7, v10;
	_ =	sdelay $0x1  }
0x11a: {  	v7 =	vmul.f32 v8, v11;
	v6 =	vadd.f32 v10, v9;
	_ =	sdelay $0x1  }
0x11b: {  	v5 =	vadd.f32 v7, v6;
	_ =	sdelay $0x1  }
0x11c: {  	[tilespmem:v4+s8+$0x0] =	vst.idx.msk $0xffff, v5;
	v4 =	vld [tilespmem:$0x1FF80];
	_ =	sdelay $0x7  }
0x11d: {  	[tilespmem:v4+s8+$0x0] =	vst.idx.msk $0xffff, v3;
	v3 =	vld [tilespmem:$0x1FF90];
	_ =	sdelay $0x7  }
0x11e: {  	v3 =	vld.idx.msk [tilespmem:v3+s18+$0x0], $0xffff  }
0x11f: {  	v4 =	vld [tilespmem:$0x1FFA0];
	_ =	sdelay $0x1  }
0x120: {  	v5 =	vld [tilespmem:$0x1FFB0]  }
0x121: {  	v6 =	vld [tilespmem:$0x1FFC0]  }
0x122: {  	v7 =	vld [tilespmem:$0x1FFD0]  }
0x123: {  	v8 =	vld [tilespmem:$0x1FFE0];
	_ =	sdelay $0x2  }
0x124: {  	v4 =	vld.idx.msk [tilespmem:v4+s18+$0x0], $0xffff;
	_ =	sdelay $0x1  }
0x125: {  	v5 =	vld.idx.msk [tilespmem:v5+s18+$0x0], $0xffff  }
0x126: {  	v6 =	vld.idx.msk [tilespmem:v6+s13+$0x0], $0xffff  }
0x127: {  	v7 =	vld.idx.msk [tilespmem:v7+s13+$0x0], $0xffff  }
0x128: {  	v8 =	vld.idx.msk [tilespmem:v8+s13+$0x0], $0xffff  }
0x129: {  	v9 =	vld.idx.msk [tilespmem:v3+s1+$0x0], $0xffff  }
0x12a: {  	v3 =	vld.idx.msk [tilespmem:v3+s12+$0x0], $0xffff  }
0x12b: {  	v10 =	vld.idx.msk [tilespmem:v4+s1+$0x0], $0xffff  }
0x12c: {  	v4 =	vld.idx.msk [tilespmem:v4+s12+$0x0], $0xffff  }
0x12d: {  	v11 =	vld.idx.msk [tilespmem:v5+s1+$0x0], $0xffff  }
0x12e: {  	v5 =	vld.idx.msk [tilespmem:v5+s12+$0x0], $0xffff;
	_ =	sdelay $0x2  }
0x12f: {  	v3 =	vmul.f32 v6, v3;
	v4 =	vmul.f32 v7, v4;
	_ =	sdelay $0x1  }
0x130: {  	v3 =	vadd.f32 v4, v3;
	v4 =	vmul.f32 v8, v5;
	_ =	sdelay $0x1  }
0x131: {  	v3 =	vadd.f32 v4, v3;
	v4 =	vld [tilespmem:$0x1FFF0];
	_ =	sdelay $0x1  }
0x132: {  	v9 =	vmul.f32 v6, v9;
	v10 =	vmul.f32 v7, v10;
	_ =	sdelay $0x1  }
0x133: {  	v7 =	vmul.f32 v8, v11;
	v6 =	vadd.f32 v10, v9;
	v9 =	vor.u32 $0xE1, v2  }
0x134: {  	v8 =	vor.u32 $0x400, v0  }
0x135: {  	v5 =	vadd.f32 v7, v6;
	v6 =	vor.u32 $0x401, v0;
	_ =	sdelay $0x1  }
0x136: {  	[tilespmem:v4+s8+$0x0] =	vst.idx.msk $0xffff, v5  }
0x137: {  	v5 =	vor.u32 $0x402, v0;
	[tilespmem:v9+s8+$0x0] =	vst.idx.msk $0xffff, v3  }
0x138: {  	v7 =	vor.u32 $0x180, v1;
	v3 =	vld.idx.msk [tilespmem:v8+s18+$0x0], $0xffff  }
0x139: {  	[tilespmem:$0x1F380] =	vst v8;
	v4 =	vld.idx.msk [tilespmem:v6+s18+$0x0], $0xffff;
	v8 =	vadd.s32 $0x181, v1  }
0x13a: {  	[tilespmem:$0x1F370] =	vst v9;
	v9 =	vadd.s32 $0x182, v1;
	_ =	sdelay $0x1  }
0x13b: {  	[tilespmem:$0x1F3A0] =	vst v5;
	v5 =	vld.idx.msk [tilespmem:v5+s18+$0x0], $0xffff  }
0x13c: {  	[tilespmem:$0x1F390] =	vst v6;
	v6 =	vld.idx.msk [tilespmem:v7+s13+$0x0], $0xffff  }
0x13d: {  	[tilespmem:$0x1F3B0] =	vst v7;
	v7 =	vld.idx.msk [tilespmem:v8+s13+$0x0], $0xffff  }
0x13e: {  	[tilespmem:$0x1F3C0] =	vst v8;
	v8 =	vld.idx.msk [tilespmem:v9+s13+$0x0], $0xffff  }
0x13f: {  	[tilespmem:$0x1F3D0] =	vst v9;
	v9 =	vld.idx.msk [tilespmem:v3+s1+$0x0], $0xffff  }
0x140: {  	v10 =	vld.idx.msk [tilespmem:v4+s1+$0x0], $0xffff  }
0x141: {  	v3 =	vld.idx.msk [tilespmem:v3+s12+$0x0], $0xffff  }
0x142: {  	v4 =	vld.idx.msk [tilespmem:v4+s12+$0x0], $0xffff  }
0x143: {  	v11 =	vld.idx.msk [tilespmem:v5+s1+$0x0], $0xffff  }
0x144: {  	v5 =	vld.idx.msk [tilespmem:v5+s12+$0x0], $0xffff;
	_ =	sdelay $0x1  }
0x145: {  	v9 =	vmul.f32 v6, v9;
	v10 =	vmul.f32 v7, v10  }
0x146: {  	v12 =	vor.u32 $0x100, v2;
	v3 =	vmul.f32 v6, v3;
	v4 =	vmul.f32 v7, v4  }
0x147: {  	v6 =	vadd.f32 v10, v9;
	v9 =	vor.u32 $0x101, v2;
	v7 =	vmul.f32 v8, v11  }
0x148: {  	v3 =	vadd.f32 v4, v3;
	v4 =	vmul.f32 v8, v5;
	v8 =	vor.u32 $0x480, v0  }
0x149: {  	v5 =	vadd.f32 v7, v6  }
0x14a: {  	v6 =	vor.u32 $0x481, v0;
	v3 =	vadd.f32 v4, v3  }
0x14b: {  	[tilespmem:v12+s8+$0x0] =	vst.idx.msk $0xffff, v5  }
0x14c: {  	v5 =	vor.u32 $0x482, v0;
	[tilespmem:v9+s8+$0x0] =	vst.idx.msk $0xffff, v3  }
0x14d: {  	v7 =	vadd.s32 $0x1B0, v1;
	v3 =	vld.idx.msk [tilespmem:v8+s18+$0x0], $0xffff  }
0x14e: {  	[tilespmem:$0x1F400] =	vst v8;
	v8 =	vadd.s32 $0x1B1, v1  }
0x14f: {  	[tilespmem:$0x1F3F0] =	vst v9;
	v9 =	vadd.s32 $0x1B2, v1;
	v4 =	vld.idx.msk [tilespmem:v6+s18+$0x0], $0xffff;
	_ =	sdelay $0x1  }
0x150: {  	[tilespmem:$0x1F420] =	vst v5;
	v5 =	vld.idx.msk [tilespmem:v5+s18+$0x0], $0xffff  }
0x151: {  	[tilespmem:$0x1F410] =	vst v6;
	v6 =	vld.idx.msk [tilespmem:v7+s13+$0x0], $0xffff  }
0x152: {  	[tilespmem:$0x1F430] =	vst v7;
	v7 =	vld.idx.msk [tilespmem:v8+s13+$0x0], $0xffff  }
0x153: {  	[tilespmem:$0x1F440] =	vst v8;
	v8 =	vld.idx.msk [tilespmem:v9+s13+$0x0], $0xffff  }
0x154: {  	[tilespmem:$0x1F450] =	vst v9;
	v9 =	vld.idx.msk [tilespmem:v3+s1+$0x0], $0xffff  }
0x155: {  	v3 =	vld.idx.msk [tilespmem:v3+s12+$0x0], $0xffff  }
0x156: {  	v10 =	vld.idx.msk [tilespmem:v4+s1+$0x0], $0xffff  }
0x157: {  	v4 =	vld.idx.msk [tilespmem:v4+s12+$0x0], $0xffff  }
0x158: {  	v11 =	vld.idx.msk [tilespmem:v5+s1+$0x0], $0xffff  }
0x159: {  	v5 =	vld.idx.msk [tilespmem:v5+s12+$0x0], $0xffff;
	_ =	sdelay $0x1  }
0x15a: {  	v9 =	vmul.f32 v6, v9;
	v10 =	vmul.f32 v7, v10  }
0x15b: {  	v58 =	vor.u32 $0x120, v2;
	v3 =	vmul.f32 v6, v3;
	v4 =	vmul.f32 v7, v4  }
0x15c: {  	v6 =	vadd.f32 v10, v9;
	v7 =	vmul.f32 v8, v11;
	v9 =	vor.u32 $0x121, v2  }
0x15d: {  	v3 =	vadd.f32 v4, v3;
	v4 =	vmul.f32 v8, v5;
	v8 =	vor.u32 $0x500, v0  }
0x15e: {  	v5 =	vadd.f32 v7, v6  }
0x15f: {  	v6 =	vor.u32 $0x501, v0;
	v3 =	vadd.f32 v4, v3  }
0x160: {  	[tilespmem:v58+s8+$0x0] =	vst.idx.msk $0xffff, v5  }
0x161: {  	v5 =	vor.u32 $0x502, v0;
	[tilespmem:v9+s8+$0x0] =	vst.idx.msk $0xffff, v3  }
0x162: {  	v7 =	vadd.s32 $0x1E0, v1;
	v3 =	vld.idx.msk [tilespmem:v8+s18+$0x0], $0xffff  }
0x163: {  	[tilespmem:$0x1F480] =	vst v8;
	v8 =	vadd.s32 $0x1E1, v1  }
0x164: {  	[tilespmem:$0x1F470] =	vst v9;
	v9 =	vadd.s32 $0x1E2, v1;
	v4 =	vld.idx.msk [tilespmem:v6+s18+$0x0], $0xffff;
	_ =	sdelay $0x1  }
0x165: {  	[tilespmem:$0x1F4A0] =	vst v5;
	v5 =	vld.idx.msk [tilespmem:v5+s18+$0x0], $0xffff  }
0x166: {  	[tilespmem:$0x1F490] =	vst v6;
	v6 =	vld.idx.msk [tilespmem:v7+s13+$0x0], $0xffff  }
0x167: {  	[tilespmem:$0x1F4B0] =	vst v7;
	v7 =	vld.idx.msk [tilespmem:v8+s13+$0x0], $0xffff  }
0x168: {  	[tilespmem:$0x1F4C0] =	vst v8;
	v8 =	vld.idx.msk [tilespmem:v9+s13+$0x0], $0xffff  }
0x169: {  	[tilespmem:$0x1F4D0] =	vst v9;
	v9 =	vld.idx.msk [tilespmem:v3+s1+$0x0], $0xffff  }
0x16a: {  	v3 =	vld.idx.msk [tilespmem:v3+s12+$0x0], $0xffff  }
0x16b: {  	v10 =	vld.idx.msk [tilespmem:v4+s1+$0x0], $0xffff  }
0x16c: {  	v4 =	vld.idx.msk [tilespmem:v4+s12+$0x0], $0xffff  }
0x16d: {  	v11 =	vld.idx.msk [tilespmem:v5+s1+$0x0], $0xffff  }
0x16e: {  	v5 =	vld.idx.msk [tilespmem:v5+s12+$0x0], $0xffff;
	_ =	sdelay $0x1  }
0x16f: {  	v9 =	vmul.f32 v6, v9;
	v10 =	vmul.f32 v7, v10  }
0x170: {  	v59 =	vor.u32 $0x140, v2;
	v3 =	vmul.f32 v6, v3;
	v4 =	vmul.f32 v7, v4  }
0x171: {  	v6 =	vadd.f32 v10, v9;
	v7 =	vmul.f32 v8, v11;
	v9 =	vor.u32 $0x141, v2  }
0x172: {  	v3 =	vadd.f32 v4, v3;
	v4 =	vmul.f32 v8, v5;
	v8 =	vor.u32 $0x580, v0  }
0x173: {  	v5 =	vadd.f32 v7, v6  }
0x174: {  	v6 =	vor.u32 $0x581, v0;
	v3 =	vadd.f32 v4, v3  }
0x175: {  	[tilespmem:v59+s8+$0x0] =	vst.idx.msk $0xffff, v5  }
0x176: {  	v5 =	vor.u32 $0x582, v0;
	[tilespmem:v9+s8+$0x0] =	vst.idx.msk $0xffff, v3  }
0x177: {  	v7 =	vadd.s32 $0x210, v1;
	v3 =	vld.idx.msk [tilespmem:v8+s18+$0x0], $0xffff  }
0x178: {  	[tilespmem:$0x1F500] =	vst v8;
	v8 =	vadd.s32 $0x211, v1  }
0x179: {  	[tilespmem:$0x1F4F0] =	vst v9;
	v9 =	vadd.s32 $0x212, v1;
	v4 =	vld.idx.msk [tilespmem:v6+s18+$0x0], $0xffff;
	_ =	sdelay $0x1  }
0x17a: {  	[tilespmem:$0x1F520] =	vst v5;
	v5 =	vld.idx.msk [tilespmem:v5+s18+$0x0], $0xffff  }
0x17b: {  	[tilespmem:$0x1F510] =	vst v6;
	v6 =	vld.idx.msk [tilespmem:v7+s13+$0x0], $0xffff  }
0x17c: {  	[tilespmem:$0x1F530] =	vst v7;
	v7 =	vld.idx.msk [tilespmem:v8+s13+$0x0], $0xffff  }
0x17d: {  	[tilespmem:$0x1F540] =	vst v8;
	v8 =	vld.idx.msk [tilespmem:v9+s13+$0x0], $0xffff  }
0x17e: {  	[tilespmem:$0x1F550] =	vst v9;
	v9 =	vld.idx.msk [tilespmem:v3+s1+$0x0], $0xffff  }
0x17f: {  	v3 =	vld.idx.msk [tilespmem:v3+s12+$0x0], $0xffff  }
0x180: {  	v10 =	vld.idx.msk [tilespmem:v4+s1+$0x0], $0xffff  }
0x181: {  	v4 =	vld.idx.msk [tilespmem:v4+s12+$0x0], $0xffff  }
0x182: {  	v11 =	vld.idx.msk [tilespmem:v5+s1+$0x0], $0xffff  }
0x183: {  	v5 =	vld.idx.msk [tilespmem:v5+s12+$0x0], $0xffff;
	_ =	sdelay $0x1  }
0x184: {  	v9 =	vmul.f32 v6, v9;
	v10 =	vmul.f32 v7, v10  }
0x185: {  	v60 =	vor.u32 $0x160, v2;
	v3 =	vmul.f32 v6, v3;
	v4 =	vmul.f32 v7, v4  }
0x186: {  	v6 =	vadd.f32 v10, v9;
	v7 =	vmul.f32 v8, v11;
	v9 =	vor.u32 $0x161, v2  }
0x187: {  	v3 =	vadd.f32 v4, v3;
	v4 =	vmul.f32 v8, v5;
	v8 =	vor.u32 $0x600, v0  }
0x188: {  	v5 =	vadd.f32 v7, v6  }
0x189: {  	v6 =	vor.u32 $0x601, v0;
	v3 =	vadd.f32 v4, v3  }
0x18a: {  	[tilespmem:v60+s8+$0x0] =	vst.idx.msk $0xffff, v5  }
0x18b: {  	v5 =	vor.u32 $0x602, v0;
	[tilespmem:v9+s8+$0x0] =	vst.idx.msk $0xffff, v3  }
0x18c: {  	v7 =	vor.u32 $0x240, v1;
	v3 =	vld.idx.msk [tilespmem:v8+s18+$0x0], $0xffff  }
0x18d: {  	[tilespmem:$0x1F580] =	vst v8;
	v8 =	vadd.s32 $0x241, v1  }
0x18e: {  	[tilespmem:$0x1F570] =	vst v9;
	v9 =	vadd.s32 $0x242, v1;
	v4 =	vld.idx.msk [tilespmem:v6+s18+$0x0], $0xffff;
	_ =	sdelay $0x1  }
0x18f: {  	[tilespmem:$0x1F5A0] =	vst v5;
	v5 =	vld.idx.msk [tilespmem:v5+s18+$0x0], $0xffff  }
0x190: {  	[tilespmem:$0x1F590] =	vst v6;
	v6 =	vld.idx.msk [tilespmem:v7+s13+$0x0], $0xffff  }
0x191: {  	[tilespmem:$0x1F5B0] =	vst v7;
	v7 =	vld.idx.msk [tilespmem:v8+s13+$0x0], $0xffff  }
0x192: {  	[tilespmem:$0x1F5C0] =	vst v8;
	v8 =	vld.idx.msk [tilespmem:v9+s13+$0x0], $0xffff  }
0x193: {  	[tilespmem:$0x1F5D0] =	vst v9;
	v9 =	vld.idx.msk [tilespmem:v3+s1+$0x0], $0xffff  }
0x194: {  	v3 =	vld.idx.msk [tilespmem:v3+s12+$0x0], $0xffff  }
0x195: {  	v10 =	vld.idx.msk [tilespmem:v4+s1+$0x0], $0xffff  }
0x196: {  	v4 =	vld.idx.msk [tilespmem:v4+s12+$0x0], $0xffff  }
0x197: {  	v11 =	vld.idx.msk [tilespmem:v5+s1+$0x0], $0xffff  }
0x198: {  	v5 =	vld.idx.msk [tilespmem:v5+s12+$0x0], $0xffff;
	_ =	sdelay $0x1  }
0x199: {  	v9 =	vmul.f32 v6, v9;
	v10 =	vmul.f32 v7, v10  }
0x19a: {  	v61 =	vor.u32 $0x180, v2;
	v3 =	vmul.f32 v6, v3;
	v4 =	vmul.f32 v7, v4  }
0x19b: {  	v6 =	vadd.f32 v10, v9;
	v7 =	vmul.f32 v8, v11;
	v9 =	vor.u32 $0x181, v2  }
0x19c: {  	v3 =	vadd.f32 v4, v3;
	v4 =	vmul.f32 v8, v5;
	v8 =	vor.u32 $0x680, v0  }
0x19d: {  	v5 =	vadd.f32 v7, v6  }
0x19e: {  	v6 =	vor.u32 $0x681, v0;
	v3 =	vadd.f32 v4, v3  }
0x19f: {  	[tilespmem:v61+s8+$0x0] =	vst.idx.msk $0xffff, v5  }
0x1a0: {  	v5 =	vor.u32 $0x682, v0;
	[tilespmem:v9+s8+$0x0] =	vst.idx.msk $0xffff, v3  }
0x1a1: {  	v7 =	vadd.s32 $0x270, v1;
	v3 =	vld.idx.msk [tilespmem:v8+s18+$0x0], $0xffff  }
0x1a2: {  	[tilespmem:$0x1F600] =	vst v8;
	v8 =	vadd.s32 $0x271, v1  }
0x1a3: {  	[tilespmem:$0x1F5F0] =	vst v9;
	v9 =	vadd.s32 $0x272, v1;
	v4 =	vld.idx.msk [tilespmem:v6+s18+$0x0], $0xffff;
	_ =	sdelay $0x1  }
0x1a4: {  	[tilespmem:$0x1F620] =	vst v5;
	v5 =	vld.idx.msk [tilespmem:v5+s18+$0x0], $0xffff  }
0x1a5: {  	[tilespmem:$0x1F610] =	vst v6;
	v6 =	vld.idx.msk [tilespmem:v7+s13+$0x0], $0xffff  }
0x1a6: {  	[tilespmem:$0x1F630] =	vst v7;
	v7 =	vld.idx.msk [tilespmem:v8+s13+$0x0], $0xffff  }
0x1a7: {  	[tilespmem:$0x1F640] =	vst v8;
	v8 =	vld.idx.msk [tilespmem:v9+s13+$0x0], $0xffff  }
0x1a8: {  	[tilespmem:$0x1F650] =	vst v9;
	v9 =	vld.idx.msk [tilespmem:v3+s1+$0x0], $0xffff  }
0x1a9: {  	v3 =	vld.idx.msk [tilespmem:v3+s12+$0x0], $0xffff  }
0x1aa: {  	v10 =	vld.idx.msk [tilespmem:v4+s1+$0x0], $0xffff  }
0x1ab: {  	v4 =	vld.idx.msk [tilespmem:v4+s12+$0x0], $0xffff  }
0x1ac: {  	v11 =	vld.idx.msk [tilespmem:v5+s1+$0x0], $0xffff  }
0x1ad: {  	v5 =	vld.idx.msk [tilespmem:v5+s12+$0x0], $0xffff;
	_ =	sdelay $0x1  }
0x1ae: {  	v9 =	vmul.f32 v6, v9;
	v10 =	vmul.f32 v7, v10  }
0x1af: {  	v62 =	vor.u32 $0x1A0, v2;
	v3 =	vmul.f32 v6, v3;
	v4 =	vmul.f32 v7, v4  }
0x1b0: {  	v6 =	vadd.f32 v10, v9;
	v7 =	vmul.f32 v8, v11;
	v9 =	vor.u32 $0x1A1, v2  }
0x1b1: {  	v3 =	vadd.f32 v4, v3;
	v4 =	vmul.f32 v8, v5;
	v8 =	vor.u32 $0x700, v0  }
0x1b2: {  	v5 =	vadd.f32 v7, v6  }
0x1b3: {  	v6 =	vor.u32 $0x701, v0;
	v3 =	vadd.f32 v4, v3  }
0x1b4: {  	[tilespmem:v62+s8+$0x0] =	vst.idx.msk $0xffff, v5  }
0x1b5: {  	v5 =	vor.u32 $0x702, v0;
	[tilespmem:v9+s8+$0x0] =	vst.idx.msk $0xffff, v3  }
0x1b6: {  	v7 =	vadd.s32 $0x2A0, v1;
	v3 =	vld.idx.msk [tilespmem:v8+s18+$0x0], $0xffff  }
0x1b7: {  	[tilespmem:$0x1F680] =	vst v8;
	v8 =	vadd.s32 $0x2A1, v1  }
0x1b8: {  	[tilespmem:$0x1F670] =	vst v9;
	v9 =	vadd.s32 $0x2A2, v1;
	v4 =	vld.idx.msk [tilespmem:v6+s18+$0x0], $0xffff;
	_ =	sdelay $0x1  }
0x1b9: {  	[tilespmem:$0x1F6A0] =	vst v5;
	v5 =	vld.idx.msk [tilespmem:v5+s18+$0x0], $0xffff  }
0x1ba: {  	[tilespmem:$0x1F690] =	vst v6;
	v6 =	vld.idx.msk [tilespmem:v7+s13+$0x0], $0xffff  }
0x1bb: {  	[tilespmem:$0x1F6B0] =	vst v7;
	v7 =	vld.idx.msk [tilespmem:v8+s13+$0x0], $0xffff  }
0x1bc: {  	[tilespmem:$0x1F6C0] =	vst v8;
	v8 =	vld.idx.msk [tilespmem:v9+s13+$0x0], $0xffff  }
0x1bd: {  	[tilespmem:$0x1F6D0] =	vst v9;
	v9 =	vld.idx.msk [tilespmem:v3+s1+$0x0], $0xffff  }
0x1be: {  	v3 =	vld.idx.msk [tilespmem:v3+s12+$0x0], $0xffff  }
0x1bf: {  	v10 =	vld.idx.msk [tilespmem:v4+s1+$0x0], $0xffff  }
0x1c0: {  	v4 =	vld.idx.msk [tilespmem:v4+s12+$0x0], $0xffff  }
0x1c1: {  	v11 =	vld.idx.msk [tilespmem:v5+s1+$0x0], $0xffff  }
0x1c2: {  	v5 =	vld.idx.msk [tilespmem:v5+s12+$0x0], $0xffff;
	_ =	sdelay $0x1  }
0x1c3: {  	v9 =	vmul.f32 v6, v9;
	v10 =	vmul.f32 v7, v10  }
0x1c4: {  	v63 =	vor.u32 $0x1C0, v2;
	v3 =	vmul.f32 v6, v3;
	v4 =	vmul.f32 v7, v4  }
0x1c5: {  	v6 =	vadd.f32 v10, v9;
	v7 =	vmul.f32 v8, v11;
	v9 =	vor.u32 $0x1C1, v2  }
0x1c6: {  	v3 =	vadd.f32 v4, v3;
	v4 =	vmul.f32 v8, v5;
	v8 =	vor.u32 $0x780, v0  }
0x1c7: {  	v5 =	vadd.f32 v7, v6  }
0x1c8: {  	v3 =	vadd.f32 v4, v3;
	v4 =	vor.u32 $0x781, v0  }
0x1c9: {  	[tilespmem:v63+s8+$0x0] =	vst.idx.msk $0xffff, v5  }
0x1ca: {  	v5 =	vor.u32 $0x782, v0;
	[tilespmem:v9+s8+$0x0] =	vst.idx.msk $0xffff, v3  }
0x1cb: {  	v10 =	vadd.s32 $0x2D2, v1;
	[tilespmem:$0x1F6F0] =	vst v9;
	v3 =	vld.idx.msk [tilespmem:v8+s18+$0x0], $0xffff  }
0x1cc: {  	[tilespmem:$0x1F700] =	vst v8;
	v9 =	vadd.s32 $0x2D1, v1  }
0x1cd: {  	[tilespmem:$0x1F710] =	vst v4;
	v8 =	vadd.s32 $0x2D0, v1;
	v4 =	vld.idx.msk [tilespmem:v4+s18+$0x0], $0xffff;
	_ =	sdelay $0x1  }
0x1ce: {  	[tilespmem:$0x1F720] =	vst v5;
	v5 =	vld.idx.msk [tilespmem:v5+s18+$0x0], $0xffff  }
0x1cf: {  	[tilespmem:$0x1F750] =	vst v10;
	v10 =	vld.idx.msk [tilespmem:v10+s13+$0x0], $0xffff  }
0x1d0: {  	[tilespmem:$0x1F740] =	vst v9;
	v9 =	vld.idx.msk [tilespmem:v9+s13+$0x0], $0xffff  }
0x1d1: {  	[tilespmem:$0x1F730] =	vst v8;
	v8 =	vld.idx.msk [tilespmem:v8+s13+$0x0], $0xffff  }
0x1d2: {  	v6 =	vld.idx.msk [tilespmem:v3+s1+$0x0], $0xffff  }
0x1d3: {  	v3 =	vld.idx.msk [tilespmem:v3+s12+$0x0], $0xffff  }
0x1d4: {  	v7 =	vld.idx.msk [tilespmem:v4+s1+$0x0], $0xffff  }
0x1d5: {  	v4 =	vld.idx.msk [tilespmem:v4+s12+$0x0], $0xffff  }
0x1d6: {  	v11 =	vld.idx.msk [tilespmem:v5+s1+$0x0], $0xffff  }
0x1d7: {  	v5 =	vld.idx.msk [tilespmem:v5+s12+$0x0], $0xffff;
	_ =	sdelay $0x1  }
0x1d8: {  	v6 =	vmul.f32 v8, v6;
	v7 =	vmul.f32 v9, v7  }
0x1d9: {  	v3 =	vmul.f32 v8, v3;
	v8 =	vor.u32 $0x1E0, v2;
	v4 =	vmul.f32 v9, v4  }
0x1da: {  	v9 =	vor.u32 $0x1E1, v2;
	v6 =	vadd.f32 v7, v6;
	v7 =	vmul.f32 v10, v11  }
0x1db: {  	v3 =	vadd.f32 v4, v3;
	v4 =	vmul.f32 v10, v5;
	v10 =	vor.u32 $0x800, v0  }
0x1dc: {  	v5 =	vadd.f32 v7, v6  }
0x1dd: {  	[tilespmem:$0x1F760] =	vst v8;
	v3 =	vadd.f32 v4, v3;
	v4 =	vor.u32 $0x801, v0  }
0x1de: {  	[tilespmem:v8+s8+$0x0] =	vst.idx.msk $0xffff, v5  }
0x1df: {  	v5 =	vor.u32 $0x802, v0;
	[tilespmem:v9+s8+$0x0] =	vst.idx.msk $0xffff, v3  }
0x1e0: {  	[tilespmem:$0x1F770] =	vst v9;
	v8 =	vor.u32 $0x300, v1;
	v3 =	vld.idx.msk [tilespmem:v10+s18+$0x0], $0xffff  }
0x1e1: {  	[tilespmem:$0x1F780] =	vst v10;
	v9 =	vadd.s32 $0x301, v1  }
0x1e2: {  	[tilespmem:$0x1F790] =	vst v4;
	v10 =	vadd.s32 $0x302, v1;
	v4 =	vld.idx.msk [tilespmem:v4+s18+$0x0], $0xffff;
	_ =	sdelay $0x1  }
0x1e3: {  	[tilespmem:$0x1F7A0] =	vst v5;
	v5 =	vld.idx.msk [tilespmem:v5+s18+$0x0], $0xffff  }
0x1e4: {  	[tilespmem:$0x1F7B0] =	vst v8;
	v8 =	vld.idx.msk [tilespmem:v8+s13+$0x0], $0xffff  }
0x1e5: {  	[tilespmem:$0x1F7C0] =	vst v9;
	v9 =	vld.idx.msk [tilespmem:v9+s13+$0x0], $0xffff  }
0x1e6: {  	[tilespmem:$0x1F7D0] =	vst v10;
	v10 =	vld.idx.msk [tilespmem:v10+s13+$0x0], $0xffff  }
0x1e7: {  	v6 =	vld.idx.msk [tilespmem:v3+s1+$0x0], $0xffff  }
0x1e8: {  	v3 =	vld.idx.msk [tilespmem:v3+s12+$0x0], $0xffff  }
0x1e9: {  	v7 =	vld.idx.msk [tilespmem:v4+s1+$0x0], $0xffff  }
0x1ea: {  	v4 =	vld.idx.msk [tilespmem:v4+s12+$0x0], $0xffff  }
0x1eb: {  	v11 =	vld.idx.msk [tilespmem:v5+s1+$0x0], $0xffff  }
0x1ec: {  	v5 =	vld.idx.msk [tilespmem:v5+s12+$0x0], $0xffff;
	_ =	sdelay $0x1  }
0x1ed: {  	v6 =	vmul.f32 v8, v6;
	v7 =	vmul.f32 v9, v7  }
0x1ee: {  	v3 =	vmul.f32 v8, v3;
	v8 =	vor.u32 $0x200, v2;
	v4 =	vmul.f32 v9, v4  }
0x1ef: {  	v9 =	vor.u32 $0x201, v2;
	v6 =	vadd.f32 v7, v6;
	v7 =	vmul.f32 v10, v11  }
0x1f0: {  	v3 =	vadd.f32 v4, v3;
	v4 =	vmul.f32 v10, v5;
	v10 =	vor.u32 $0x880, v0  }
0x1f1: {  	v5 =	vadd.f32 v7, v6  }
0x1f2: {  	[tilespmem:$0x1F7E0] =	vst v8;
	v3 =	vadd.f32 v4, v3;
	v4 =	vor.u32 $0x881, v0  }
0x1f3: {  	[tilespmem:v8+s8+$0x0] =	vst.idx.msk $0xffff, v5  }
0x1f4: {  	v5 =	vor.u32 $0x882, v0;
	[tilespmem:v9+s8+$0x0] =	vst.idx.msk $0xffff, v3  }
0x1f5: {  	[tilespmem:$0x1F7F0] =	vst v9;
	v8 =	vadd.s32 $0x330, v1;
	v3 =	vld.idx.msk [tilespmem:v10+s18+$0x0], $0xffff  }
0x1f6: {  	[tilespmem:$0x1F800] =	vst v10;
	v9 =	vadd.s32 $0x331, v1  }
0x1f7: {  	[tilespmem:$0x1F810] =	vst v4;
	v10 =	vadd.s32 $0x332, v1;
	v4 =	vld.idx.msk [tilespmem:v4+s18+$0x0], $0xffff;
	_ =	sdelay $0x1  }
0x1f8: {  	[tilespmem:$0x1F820] =	vst v5;
	v5 =	vld.idx.msk [tilespmem:v5+s18+$0x0], $0xffff  }
0x1f9: {  	[tilespmem:$0x1F830] =	vst v8;
	v8 =	vld.idx.msk [tilespmem:v8+s13+$0x0], $0xffff  }
0x1fa: {  	[tilespmem:$0x1F840] =	vst v9;
	v9 =	vld.idx.msk [tilespmem:v9+s13+$0x0], $0xffff  }
0x1fb: {  	[tilespmem:$0x1F850] =	vst v10;
	v10 =	vld.idx.msk [tilespmem:v10+s13+$0x0], $0xffff  }
0x1fc: {  	v6 =	vld.idx.msk [tilespmem:v3+s1+$0x0], $0xffff  }
0x1fd: {  	v3 =	vld.idx.msk [tilespmem:v3+s12+$0x0], $0xffff  }
0x1fe: {  	v7 =	vld.idx.msk [tilespmem:v4+s1+$0x0], $0xffff  }
0x1ff: {  	v4 =	vld.idx.msk [tilespmem:v4+s12+$0x0], $0xffff  }
0x200: {  	v11 =	vld.idx.msk [tilespmem:v5+s1+$0x0], $0xffff  }
0x201: {  	v5 =	vld.idx.msk [tilespmem:v5+s12+$0x0], $0xffff;
	_ =	sdelay $0x1  }
0x202: {  	v6 =	vmul.f32 v8, v6;
	v7 =	vmul.f32 v9, v7  }
0x203: {  	v3 =	vmul.f32 v8, v3;
	v8 =	vor.u32 $0x220, v2;
	v4 =	vmul.f32 v9, v4  }
0x204: {  	v9 =	vor.u32 $0x221, v2;
	v6 =	vadd.f32 v7, v6;
	v7 =	vmul.f32 v10, v11  }
0x205: {  	v3 =	vadd.f32 v4, v3;
	v4 =	vmul.f32 v10, v5;
	v10 =	vor.u32 $0x900, v0  }
0x206: {  	v5 =	vadd.f32 v7, v6  }
0x207: {  	[tilespmem:$0x1F860] =	vst v8;
	v3 =	vadd.f32 v4, v3;
	v4 =	vor.u32 $0x901, v0  }
0x208: {  	[tilespmem:v8+s8+$0x0] =	vst.idx.msk $0xffff, v5  }
0x209: {  	v5 =	vor.u32 $0x902, v0;
	[tilespmem:v9+s8+$0x0] =	vst.idx.msk $0xffff, v3  }
0x20a: {  	[tilespmem:$0x1F870] =	vst v9;
	v8 =	vadd.s32 $0x360, v1;
	v3 =	vld.idx.msk [tilespmem:v10+s18+$0x0], $0xffff  }
0x20b: {  	[tilespmem:$0x1F880] =	vst v10;
	v9 =	vadd.s32 $0x361, v1  }
0x20c: {  	[tilespmem:$0x1F890] =	vst v4;
	v10 =	vadd.s32 $0x362, v1;
	v4 =	vld.idx.msk [tilespmem:v4+s18+$0x0], $0xffff;
	_ =	sdelay $0x1  }
0x20d: {  	[tilespmem:$0x1F8A0] =	vst v5;
	v5 =	vld.idx.msk [tilespmem:v5+s18+$0x0], $0xffff  }
0x20e: {  	[tilespmem:$0x1F8B0] =	vst v8;
	v8 =	vld.idx.msk [tilespmem:v8+s13+$0x0], $0xffff  }
0x20f: {  	[tilespmem:$0x1F8C0] =	vst v9;
	v9 =	vld.idx.msk [tilespmem:v9+s13+$0x0], $0xffff  }
0x210: {  	[tilespmem:$0x1F8D0] =	vst v10;
	v10 =	vld.idx.msk [tilespmem:v10+s13+$0x0], $0xffff  }
0x211: {  	v6 =	vld.idx.msk [tilespmem:v3+s1+$0x0], $0xffff  }
0x212: {  	v3 =	vld.idx.msk [tilespmem:v3+s12+$0x0], $0xffff  }
0x213: {  	v7 =	vld.idx.msk [tilespmem:v4+s1+$0x0], $0xffff  }
0x214: {  	v4 =	vld.idx.msk [tilespmem:v4+s12+$0x0], $0xffff  }
0x215: {  	v11 =	vld.idx.msk [tilespmem:v5+s1+$0x0], $0xffff  }
0x216: {  	v5 =	vld.idx.msk [tilespmem:v5+s12+$0x0], $0xffff;
	_ =	sdelay $0x1  }
0x217: {  	v6 =	vmul.f32 v8, v6;
	v7 =	vmul.f32 v9, v7  }
0x218: {  	v3 =	vmul.f32 v8, v3;
	v8 =	vor.u32 $0x240, v2;
	v4 =	vmul.f32 v9, v4  }
0x219: {  	v9 =	vor.u32 $0x241, v2;
	v6 =	vadd.f32 v7, v6;
	v7 =	vmul.f32 v10, v11  }
0x21a: {  	v3 =	vadd.f32 v4, v3;
	v4 =	vmul.f32 v10, v5;
	v10 =	vor.u32 $0x980, v0  }
0x21b: {  	v5 =	vadd.f32 v7, v6  }
0x21c: {  	[tilespmem:$0x1F8E0] =	vst v8;
	v3 =	vadd.f32 v4, v3;
	v4 =	vor.u32 $0x981, v0  }
0x21d: {  	[tilespmem:v8+s8+$0x0] =	vst.idx.msk $0xffff, v5  }
0x21e: {  	v5 =	vor.u32 $0x982, v0;
	[tilespmem:v9+s8+$0x0] =	vst.idx.msk $0xffff, v3  }
0x21f: {  	[tilespmem:$0x1F8F0] =	vst v9;
	v8 =	vadd.s32 $0x390, v1;
	v3 =	vld.idx.msk [tilespmem:v10+s18+$0x0], $0xffff  }
0x220: {  	[tilespmem:$0x1F900] =	vst v10;
	v9 =	vadd.s32 $0x391, v1  }
0x221: {  	[tilespmem:$0x1F910] =	vst v4;
	v10 =	vadd.s32 $0x392, v1;
	v4 =	vld.idx.msk [tilespmem:v4+s18+$0x0], $0xffff;
	_ =	sdelay $0x1  }
0x222: {  	[tilespmem:$0x1F920] =	vst v5;
	v5 =	vld.idx.msk [tilespmem:v5+s18+$0x0], $0xffff  }
0x223: {  	[tilespmem:$0x1F930] =	vst v8;
	v8 =	vld.idx.msk [tilespmem:v8+s13+$0x0], $0xffff  }
0x224: {  	[tilespmem:$0x1F940] =	vst v9;
	v9 =	vld.idx.msk [tilespmem:v9+s13+$0x0], $0xffff  }
0x225: {  	[tilespmem:$0x1F950] =	vst v10;
	v10 =	vld.idx.msk [tilespmem:v10+s13+$0x0], $0xffff  }
0x226: {  	v6 =	vld.idx.msk [tilespmem:v3+s1+$0x0], $0xffff  }
0x227: {  	v3 =	vld.idx.msk [tilespmem:v3+s12+$0x0], $0xffff  }
0x228: {  	v7 =	vld.idx.msk [tilespmem:v4+s1+$0x0], $0xffff  }
0x229: {  	v4 =	vld.idx.msk [tilespmem:v4+s12+$0x0], $0xffff  }
0x22a: {  	v11 =	vld.idx.msk [tilespmem:v5+s1+$0x0], $0xffff  }
0x22b: {  	v5 =	vld.idx.msk [tilespmem:v5+s12+$0x0], $0xffff;
	_ =	sdelay $0x1  }
0x22c: {  	v6 =	vmul.f32 v8, v6;
	v7 =	vmul.f32 v9, v7  }
0x22d: {  	v3 =	vmul.f32 v8, v3;
	v8 =	vor.u32 $0x260, v2;
	v4 =	vmul.f32 v9, v4  }
0x22e: {  	v9 =	vor.u32 $0x261, v2;
	v6 =	vadd.f32 v7, v6;
	v7 =	vmul.f32 v10, v11  }
0x22f: {  	v3 =	vadd.f32 v4, v3;
	v4 =	vmul.f32 v10, v5;
	v10 =	vor.u32 $0xA00, v0  }
0x230: {  	v5 =	vadd.f32 v7, v6  }
0x231: {  	[tilespmem:$0x1F960] =	vst v8;
	v3 =	vadd.f32 v4, v3;
	v4 =	vor.u32 $0xA01, v0  }
0x232: {  	[tilespmem:v8+s8+$0x0] =	vst.idx.msk $0xffff, v5  }
0x233: {  	v5 =	vor.u32 $0xA02, v0;
	[tilespmem:v9+s8+$0x0] =	vst.idx.msk $0xffff, v3  }
0x234: {  	[tilespmem:$0x1F970] =	vst v9;
	v8 =	vor.u32 $0x3C0, v1;
	v3 =	vld.idx.msk [tilespmem:v10+s18+$0x0], $0xffff  }
0x235: {  	[tilespmem:$0x1F980] =	vst v10;
	v9 =	vadd.s32 $0x3C1, v1  }
0x236: {  	[tilespmem:$0x1F990] =	vst v4;
	v10 =	vadd.s32 $0x3C2, v1;
	v4 =	vld.idx.msk [tilespmem:v4+s18+$0x0], $0xffff;
	_ =	sdelay $0x1  }
0x237: {  	[tilespmem:$0x1F9A0] =	vst v5;
	v5 =	vld.idx.msk [tilespmem:v5+s18+$0x0], $0xffff  }
0x238: {  	[tilespmem:$0x1F9B0] =	vst v8;
	v8 =	vld.idx.msk [tilespmem:v8+s13+$0x0], $0xffff  }
0x239: {  	[tilespmem:$0x1F9C0] =	vst v9;
	v9 =	vld.idx.msk [tilespmem:v9+s13+$0x0], $0xffff  }
0x23a: {  	[tilespmem:$0x1F9D0] =	vst v10;
	v10 =	vld.idx.msk [tilespmem:v10+s13+$0x0], $0xffff  }
0x23b: {  	v6 =	vld.idx.msk [tilespmem:v3+s1+$0x0], $0xffff  }
0x23c: {  	v3 =	vld.idx.msk [tilespmem:v3+s12+$0x0], $0xffff  }
0x23d: {  	v7 =	vld.idx.msk [tilespmem:v4+s1+$0x0], $0xffff  }
0x23e: {  	v4 =	vld.idx.msk [tilespmem:v4+s12+$0x0], $0xffff  }
0x23f: {  	v11 =	vld.idx.msk [tilespmem:v5+s1+$0x0], $0xffff  }
0x240: {  	v5 =	vld.idx.msk [tilespmem:v5+s12+$0x0], $0xffff;
	_ =	sdelay $0x1  }
0x241: {  	v6 =	vmul.f32 v8, v6;
	v7 =	vmul.f32 v9, v7  }
0x242: {  	v3 =	vmul.f32 v8, v3;
	v8 =	vor.u32 $0x280, v2;
	v4 =	vmul.f32 v9, v4  }
0x243: {  	v9 =	vor.u32 $0x281, v2;
	v6 =	vadd.f32 v7, v6;
	v7 =	vmul.f32 v10, v11  }
0x244: {  	v3 =	vadd.f32 v4, v3;
	v4 =	vmul.f32 v10, v5;
	v10 =	vor.u32 $0xA80, v0  }
0x245: {  	v5 =	vadd.f32 v7, v6  }
0x246: {  	[tilespmem:$0x1F9E0] =	vst v8;
	v3 =	vadd.f32 v4, v3;
	v4 =	vor.u32 $0xA81, v0  }
0x247: {  	[tilespmem:v8+s8+$0x0] =	vst.idx.msk $0xffff, v5  }
0x248: {  	v5 =	vor.u32 $0xA82, v0;
	[tilespmem:v9+s8+$0x0] =	vst.idx.msk $0xffff, v3  }
0x249: {  	[tilespmem:$0x1F9F0] =	vst v9;
	v8 =	vadd.s32 $0x3F0, v1;
	v3 =	vld.idx.msk [tilespmem:v10+s18+$0x0], $0xffff  }
0x24a: {  	[tilespmem:$0x1FA00] =	vst v10;
	v9 =	vadd.s32 $0x3F1, v1  }
0x24b: {  	[tilespmem:$0x1FA10] =	vst v4;
	v10 =	vadd.s32 $0x3F2, v1;
	v4 =	vld.idx.msk [tilespmem:v4+s18+$0x0], $0xffff;
	_ =	sdelay $0x1  }
0x24c: {  	[tilespmem:$0x1FA20] =	vst v5;
	v5 =	vld.idx.msk [tilespmem:v5+s18+$0x0], $0xffff  }
0x24d: {  	[tilespmem:$0x1FA30] =	vst v8;
	v8 =	vld.idx.msk [tilespmem:v8+s13+$0x0], $0xffff  }
0x24e: {  	[tilespmem:$0x1FA40] =	vst v9;
	v9 =	vld.idx.msk [tilespmem:v9+s13+$0x0], $0xffff  }
0x24f: {  	[tilespmem:$0x1FA50] =	vst v10;
	v10 =	vld.idx.msk [tilespmem:v10+s13+$0x0], $0xffff  }
0x250: {  	v6 =	vld.idx.msk [tilespmem:v3+s1+$0x0], $0xffff  }
0x251: {  	v3 =	vld.idx.msk [tilespmem:v3+s12+$0x0], $0xffff  }
0x252: {  	v7 =	vld.idx.msk [tilespmem:v4+s1+$0x0], $0xffff  }
0x253: {  	v4 =	vld.idx.msk [tilespmem:v4+s12+$0x0], $0xffff  }
0x254: {  	v11 =	vld.idx.msk [tilespmem:v5+s1+$0x0], $0xffff  }
0x255: {  	v5 =	vld.idx.msk [tilespmem:v5+s12+$0x0], $0xffff;
	_ =	sdelay $0x1  }
0x256: {  	v6 =	vmul.f32 v8, v6;
	v7 =	vmul.f32 v9, v7  }
0x257: {  	v3 =	vmul.f32 v8, v3;
	v8 =	vor.u32 $0x2A0, v2;
	v4 =	vmul.f32 v9, v4  }
0x258: {  	v9 =	vor.u32 $0x2A1, v2;
	v6 =	vadd.f32 v7, v6;
	v7 =	vmul.f32 v10, v11  }
0x259: {  	v3 =	vadd.f32 v4, v3;
	v4 =	vmul.f32 v10, v5;
	v10 =	vor.u32 $0xB00, v0  }
0x25a: {  	v5 =	vadd.f32 v7, v6  }
0x25b: {  	[tilespmem:$0x1FA60] =	vst v8;
	v3 =	vadd.f32 v4, v3;
	v4 =	vor.u32 $0xB01, v0  }
0x25c: {  	[tilespmem:v8+s8+$0x0] =	vst.idx.msk $0xffff, v5  }
0x25d: {  	v5 =	vor.u32 $0xB02, v0;
	[tilespmem:v9+s8+$0x0] =	vst.idx.msk $0xffff, v3  }
0x25e: {  	[tilespmem:$0x1FA70] =	vst v9;
	v8 =	vadd.s32 $0x420, v1;
	v3 =	vld.idx.msk [tilespmem:v10+s18+$0x0], $0xffff  }
0x25f: {  	[tilespmem:$0x1FA80] =	vst v10;
	v9 =	vadd.s32 $0x421, v1  }
0x260: {  	[tilespmem:$0x1FA90] =	vst v4;
	v10 =	vadd.s32 $0x422, v1;
	v4 =	vld.idx.msk [tilespmem:v4+s18+$0x0], $0xffff;
	_ =	sdelay $0x1  }
0x261: {  	[tilespmem:$0x1FAA0] =	vst v5;
	v5 =	vld.idx.msk [tilespmem:v5+s18+$0x0], $0xffff  }
0x262: {  	[tilespmem:$0x1FAB0] =	vst v8;
	v8 =	vld.idx.msk [tilespmem:v8+s13+$0x0], $0xffff  }
0x263: {  	[tilespmem:$0x1FAC0] =	vst v9;
	v9 =	vld.idx.msk [tilespmem:v9+s13+$0x0], $0xffff  }
0x264: {  	[tilespmem:$0x1FAD0] =	vst v10;
	v10 =	vld.idx.msk [tilespmem:v10+s13+$0x0], $0xffff  }
0x265: {  	v6 =	vld.idx.msk [tilespmem:v3+s1+$0x0], $0xffff  }
0x266: {  	v3 =	vld.idx.msk [tilespmem:v3+s12+$0x0], $0xffff  }
0x267: {  	v7 =	vld.idx.msk [tilespmem:v4+s1+$0x0], $0xffff  }
0x268: {  	v4 =	vld.idx.msk [tilespmem:v4+s12+$0x0], $0xffff  }
0x269: {  	v11 =	vld.idx.msk [tilespmem:v5+s1+$0x0], $0xffff  }
0x26a: {  	v5 =	vld.idx.msk [tilespmem:v5+s12+$0x0], $0xffff;
	_ =	sdelay $0x1  }
0x26b: {  	v6 =	vmul.f32 v8, v6;
	v7 =	vmul.f32 v9, v7  }
0x26c: {  	v3 =	vmul.f32 v8, v3;
	v8 =	vor.u32 $0x2C0, v2;
	v4 =	vmul.f32 v9, v4  }
0x26d: {  	v9 =	vor.u32 $0x2C1, v2;
	v6 =	vadd.f32 v7, v6;
	v7 =	vmul.f32 v10, v11  }
0x26e: {  	v3 =	vadd.f32 v4, v3;
	v4 =	vmul.f32 v10, v5;
	v10 =	vor.u32 $0xB80, v0  }
0x26f: {  	v5 =	vadd.f32 v7, v6  }
0x270: {  	[tilespmem:$0x1FAE0] =	vst v8;
	v3 =	vadd.f32 v4, v3;
	v4 =	vor.u32 $0xB81, v0  }
0x271: {  	[tilespmem:v8+s8+$0x0] =	vst.idx.msk $0xffff, v5  }
0x272: {  	v5 =	vor.u32 $0xB82, v0;
	[tilespmem:v9+s8+$0x0] =	vst.idx.msk $0xffff, v3  }
0x273: {  	[tilespmem:$0x1FAF0] =	vst v9;
	v8 =	vadd.s32 $0x450, v1;
	v3 =	vld.idx.msk [tilespmem:v10+s18+$0x0], $0xffff  }
0x274: {  	[tilespmem:$0x1FB00] =	vst v10;
	v9 =	vadd.s32 $0x451, v1  }
0x275: {  	[tilespmem:$0x1FB10] =	vst v4;
	v10 =	vadd.s32 $0x452, v1;
	v4 =	vld.idx.msk [tilespmem:v4+s18+$0x0], $0xffff;
	_ =	sdelay $0x1  }
0x276: {  	[tilespmem:$0x1FB20] =	vst v5;
	v5 =	vld.idx.msk [tilespmem:v5+s18+$0x0], $0xffff  }
0x277: {  	[tilespmem:$0x1FB30] =	vst v8;
	v8 =	vld.idx.msk [tilespmem:v8+s13+$0x0], $0xffff  }
0x278: {  	[tilespmem:$0x1FB40] =	vst v9;
	v9 =	vld.idx.msk [tilespmem:v9+s13+$0x0], $0xffff  }
0x279: {  	[tilespmem:$0x1FB50] =	vst v10;
	v10 =	vld.idx.msk [tilespmem:v10+s13+$0x0], $0xffff  }
0x27a: {  	v6 =	vld.idx.msk [tilespmem:v3+s1+$0x0], $0xffff  }
0x27b: {  	v3 =	vld.idx.msk [tilespmem:v3+s12+$0x0], $0xffff  }
0x27c: {  	v7 =	vld.idx.msk [tilespmem:v4+s1+$0x0], $0xffff  }
0x27d: {  	v4 =	vld.idx.msk [tilespmem:v4+s12+$0x0], $0xffff  }
0x27e: {  	v11 =	vld.idx.msk [tilespmem:v5+s1+$0x0], $0xffff  }
0x27f: {  	v5 =	vld.idx.msk [tilespmem:v5+s12+$0x0], $0xffff;
	_ =	sdelay $0x1  }
0x280: {  	v6 =	vmul.f32 v8, v6;
	v7 =	vmul.f32 v9, v7  }
0x281: {  	v3 =	vmul.f32 v8, v3;
	v8 =	vor.u32 $0x2E0, v2;
	v4 =	vmul.f32 v9, v4  }
0x282: {  	v9 =	vor.u32 $0x2E1, v2;
	v6 =	vadd.f32 v7, v6;
	v7 =	vmul.f32 v10, v11  }
0x283: {  	v3 =	vadd.f32 v4, v3;
	v4 =	vmul.f32 v10, v5;
	v10 =	vor.u32 $0xC00, v0  }
0x284: {  	v5 =	vadd.f32 v7, v6  }
0x285: {  	[tilespmem:$0x1FB60] =	vst v8;
	v3 =	vadd.f32 v4, v3;
	v4 =	vor.u32 $0xC01, v0  }
0x286: {  	[tilespmem:v8+s8+$0x0] =	vst.idx.msk $0xffff, v5  }
0x287: {  	v5 =	vor.u32 $0xC02, v0;
	[tilespmem:v9+s8+$0x0] =	vst.idx.msk $0xffff, v3  }
0x288: {  	[tilespmem:$0x1FB70] =	vst v9;
	v8 =	vor.u32 $0x480, v1;
	v3 =	vld.idx.msk [tilespmem:v10+s18+$0x0], $0xffff  }
0x289: {  	[tilespmem:$0x1FB80] =	vst v10;
	v9 =	vadd.s32 $0x481, v1  }
0x28a: {  	[tilespmem:$0x1FB90] =	vst v4;
	v10 =	vadd.s32 $0x482, v1;
	v4 =	vld.idx.msk [tilespmem:v4+s18+$0x0], $0xffff;
	_ =	sdelay $0x1  }
0x28b: {  	[tilespmem:$0x1FBA0] =	vst v5;
	v5 =	vld.idx.msk [tilespmem:v5+s18+$0x0], $0xffff  }
0x28c: {  	[tilespmem:$0x1FBB0] =	vst v8;
	v8 =	vld.idx.msk [tilespmem:v8+s13+$0x0], $0xffff  }
0x28d: {  	[tilespmem:$0x1FBC0] =	vst v9;
	v9 =	vld.idx.msk [tilespmem:v9+s13+$0x0], $0xffff  }
0x28e: {  	[tilespmem:$0x1FBD0] =	vst v10;
	v10 =	vld.idx.msk [tilespmem:v10+s13+$0x0], $0xffff  }
0x28f: {  	v6 =	vld.idx.msk [tilespmem:v3+s1+$0x0], $0xffff  }
0x290: {  	v3 =	vld.idx.msk [tilespmem:v3+s12+$0x0], $0xffff  }
0x291: {  	v7 =	vld.idx.msk [tilespmem:v4+s1+$0x0], $0xffff  }
0x292: {  	v4 =	vld.idx.msk [tilespmem:v4+s12+$0x0], $0xffff  }
0x293: {  	v11 =	vld.idx.msk [tilespmem:v5+s1+$0x0], $0xffff  }
0x294: {  	v5 =	vld.idx.msk [tilespmem:v5+s12+$0x0], $0xffff;
	_ =	sdelay $0x1  }
0x295: {  	v6 =	vmul.f32 v8, v6;
	v7 =	vmul.f32 v9, v7  }
0x296: {  	v3 =	vmul.f32 v8, v3;
	v8 =	vor.u32 $0x300, v2;
	v4 =	vmul.f32 v9, v4  }
0x297: {  	v9 =	vor.u32 $0x301, v2;
	v6 =	vadd.f32 v7, v6;
	v7 =	vmul.f32 v10, v11  }
0x298: {  	v3 =	vadd.f32 v4, v3;
	v4 =	vmul.f32 v10, v5;
	v10 =	vor.u32 $0xC80, v0  }
0x299: {  	v5 =	vadd.f32 v7, v6  }
0x29a: {  	v3 =	vadd.f32 v4, v3;
	v4 =	vor.u32 $0xC81, v0  }
0x29b: {  	[tilespmem:v8+s8+$0x0] =	vst.idx.msk $0xffff, v5  }
0x29c: {  	v5 =	vor.u32 $0xC82, v0;
	[tilespmem:v9+s8+$0x0] =	vst.idx.msk $0xffff, v3  }
0x29d: {  	v23 =	vadd.s32 $0x4B1, v1;
	v3 =	vld.idx.msk [tilespmem:v10+s18+$0x0], $0xffff  }
0x29e: {  	v25 =	vadd.s32 $0x4B2, v1;
	[tilespmem:$0x1FBE0] =	vst v8  }
0x29f: {  	[tilespmem:$0x1FC10] =	vst v4;
	v8 =	vadd.s32 $0x4B0, v1;
	v4 =	vld.idx.msk [tilespmem:v4+s18+$0x0], $0xffff;
	_ =	sdelay $0x1  }
0x2a0: {  	[tilespmem:$0x1FC20] =	vst v5;
	v5 =	vld.idx.msk [tilespmem:v5+s18+$0x0], $0xffff  }
0x2a1: {  	[tilespmem:$0x1FBF0] =	vst v9;
	v9 =	vld.idx.msk [tilespmem:v23+s13+$0x0], $0xffff  }
0x2a2: {  	[tilespmem:$0x1FC00] =	vst v10;
	v10 =	vld.idx.msk [tilespmem:v25+s13+$0x0], $0xffff  }
0x2a3: {  	[tilespmem:$0x1FC30] =	vst v8;
	v8 =	vld.idx.msk [tilespmem:v8+s13+$0x0], $0xffff  }
0x2a4: {  	v6 =	vld.idx.msk [tilespmem:v3+s1+$0x0], $0xffff  }
0x2a5: {  	v3 =	vld.idx.msk [tilespmem:v3+s12+$0x0], $0xffff  }
0x2a6: {  	v7 =	vld.idx.msk [tilespmem:v4+s1+$0x0], $0xffff  }
0x2a7: {  	v4 =	vld.idx.msk [tilespmem:v4+s12+$0x0], $0xffff  }
0x2a8: {  	v11 =	vld.idx.msk [tilespmem:v5+s1+$0x0], $0xffff  }
0x2a9: {  	v5 =	vld.idx.msk [tilespmem:v5+s12+$0x0], $0xffff;
	_ =	sdelay $0x1  }
0x2aa: {  	v6 =	vmul.f32 v8, v6;
	v7 =	vmul.f32 v9, v7  }
0x2ab: {  	v3 =	vmul.f32 v8, v3;
	v8 =	vor.u32 $0x320, v2;
	v4 =	vmul.f32 v9, v4  }
0x2ac: {  	v9 =	vor.u32 $0x321, v2;
	v6 =	vadd.f32 v7, v6;
	v7 =	vmul.f32 v10, v11  }
0x2ad: {  	v24 =	vor.u32 $0xD00, v0;
	v3 =	vadd.f32 v4, v3;
	v4 =	vmul.f32 v10, v5  }
0x2ae: {  	v5 =	vadd.f32 v7, v6  }
0x2af: {  	v26 =	vor.u32 $0xD01, v0;
	v3 =	vadd.f32 v4, v3  }
0x2b0: {  	[tilespmem:v8+s8+$0x0] =	vst.idx.msk $0xffff, v5  }
0x2b1: {  	v28 =	vor.u32 $0xD02, v0;
	[tilespmem:v9+s8+$0x0] =	vst.idx.msk $0xffff, v3  }
0x2b2: {  	v30 =	vadd.s32 $0x4E0, v1;
	v3 =	vld.idx.msk [tilespmem:v24+s18+$0x0], $0xffff  }
0x2b3: {  	v31 =	vadd.s32 $0x4E1, v1  }
0x2b4: {  	v33 =	vadd.s32 $0x4E2, v1;
	v4 =	vld.idx.msk [tilespmem:v26+s18+$0x0], $0xffff;
	_ =	sdelay $0x1  }
0x2b5: {  	v5 =	vld.idx.msk [tilespmem:v28+s18+$0x0], $0xffff  }
0x2b6: {  	[tilespmem:$0x1FC40] =	vst v8;
	v8 =	vld.idx.msk [tilespmem:v30+s13+$0x0], $0xffff  }
0x2b7: {  	[tilespmem:$0x1FC50] =	vst v9;
	v9 =	vld.idx.msk [tilespmem:v31+s13+$0x0], $0xffff  }
0x2b8: {  	v10 =	vld.idx.msk [tilespmem:v33+s13+$0x0], $0xffff  }
0x2b9: {  	v6 =	vld.idx.msk [tilespmem:v3+s1+$0x0], $0xffff  }
0x2ba: {  	v3 =	vld.idx.msk [tilespmem:v3+s12+$0x0], $0xffff  }
0x2bb: {  	v7 =	vld.idx.msk [tilespmem:v4+s1+$0x0], $0xffff  }
0x2bc: {  	v4 =	vld.idx.msk [tilespmem:v4+s12+$0x0], $0xffff  }
0x2bd: {  	v11 =	vld.idx.msk [tilespmem:v5+s1+$0x0], $0xffff  }
0x2be: {  	v5 =	vld.idx.msk [tilespmem:v5+s12+$0x0], $0xffff;
	_ =	sdelay $0x1  }
0x2bf: {  	v6 =	vmul.f32 v8, v6;
	v7 =	vmul.f32 v9, v7  }
0x2c0: {  	v27 =	vor.u32 $0x340, v2;
	v3 =	vmul.f32 v8, v3;
	v4 =	vmul.f32 v9, v4  }
0x2c1: {  	v29 =	vor.u32 $0x341, v2;
	v6 =	vadd.f32 v7, v6;
	v7 =	vmul.f32 v10, v11  }
0x2c2: {  	v32 =	vor.u32 $0xD80, v0;
	v3 =	vadd.f32 v4, v3;
	v4 =	vmul.f32 v10, v5  }
0x2c3: {  	v5 =	vadd.f32 v7, v6  }
0x2c4: {  	v34 =	vor.u32 $0xD81, v0;
	v3 =	vadd.f32 v4, v3  }
0x2c5: {  	[tilespmem:v27+s8+$0x0] =	vst.idx.msk $0xffff, v5  }
0x2c6: {  	v36 =	vor.u32 $0xD82, v0;
	[tilespmem:v29+s8+$0x0] =	vst.idx.msk $0xffff, v3  }
0x2c7: {  	v38 =	vadd.s32 $0x510, v1;
	v3 =	vld.idx.msk [tilespmem:v32+s18+$0x0], $0xffff  }
0x2c8: {  	v39 =	vadd.s32 $0x511, v1  }
0x2c9: {  	v41 =	vadd.s32 $0x512, v1;
	v4 =	vld.idx.msk [tilespmem:v34+s18+$0x0], $0xffff;
	_ =	sdelay $0x1  }
0x2ca: {  	v5 =	vld.idx.msk [tilespmem:v36+s18+$0x0], $0xffff  }
0x2cb: {  	v8 =	vld.idx.msk [tilespmem:v38+s13+$0x0], $0xffff  }
0x2cc: {  	v9 =	vld.idx.msk [tilespmem:v39+s13+$0x0], $0xffff  }
0x2cd: {  	v10 =	vld.idx.msk [tilespmem:v41+s13+$0x0], $0xffff  }
0x2ce: {  	v6 =	vld.idx.msk [tilespmem:v3+s1+$0x0], $0xffff  }
0x2cf: {  	v3 =	vld.idx.msk [tilespmem:v3+s12+$0x0], $0xffff  }
0x2d0: {  	v7 =	vld.idx.msk [tilespmem:v4+s1+$0x0], $0xffff  }
0x2d1: {  	v4 =	vld.idx.msk [tilespmem:v4+s12+$0x0], $0xffff  }
0x2d2: {  	v11 =	vld.idx.msk [tilespmem:v5+s1+$0x0], $0xffff  }
0x2d3: {  	v5 =	vld.idx.msk [tilespmem:v5+s12+$0x0], $0xffff;
	_ =	sdelay $0x1  }
0x2d4: {  	v6 =	vmul.f32 v8, v6;
	v7 =	vmul.f32 v9, v7  }
0x2d5: {  	v35 =	vor.u32 $0x360, v2;
	v3 =	vmul.f32 v8, v3;
	v4 =	vmul.f32 v9, v4  }
0x2d6: {  	v37 =	vor.u32 $0x361, v2;
	v6 =	vadd.f32 v7, v6;
	v7 =	vmul.f32 v10, v11  }
0x2d7: {  	v40 =	vor.u32 $0xE00, v0;
	v3 =	vadd.f32 v4, v3;
	v4 =	vmul.f32 v10, v5  }
0x2d8: {  	v5 =	vadd.f32 v7, v6  }
0x2d9: {  	v42 =	vor.u32 $0xE01, v0;
	v3 =	vadd.f32 v4, v3  }
0x2da: {  	[tilespmem:v35+s8+$0x0] =	vst.idx.msk $0xffff, v5  }
0x2db: {  	v44 =	vor.u32 $0xE02, v0;
	[tilespmem:v37+s8+$0x0] =	vst.idx.msk $0xffff, v3  }
0x2dc: {  	v46 =	vor.u32 $0x540, v1;
	v3 =	vld.idx.msk [tilespmem:v40+s18+$0x0], $0xffff  }
0x2dd: {  	v47 =	vadd.s32 $0x541, v1  }
0x2de: {  	v49 =	vadd.s32 $0x542, v1;
	v4 =	vld.idx.msk [tilespmem:v42+s18+$0x0], $0xffff;
	_ =	sdelay $0x1  }
0x2df: {  	v5 =	vld.idx.msk [tilespmem:v44+s18+$0x0], $0xffff  }
0x2e0: {  	v8 =	vld.idx.msk [tilespmem:v46+s13+$0x0], $0xffff  }
0x2e1: {  	v9 =	vld.idx.msk [tilespmem:v47+s13+$0x0], $0xffff  }
0x2e2: {  	v10 =	vld.idx.msk [tilespmem:v49+s13+$0x0], $0xffff  }
0x2e3: {  	v6 =	vld.idx.msk [tilespmem:v3+s1+$0x0], $0xffff  }
0x2e4: {  	v3 =	vld.idx.msk [tilespmem:v3+s12+$0x0], $0xffff  }
0x2e5: {  	v7 =	vld.idx.msk [tilespmem:v4+s1+$0x0], $0xffff  }
0x2e6: {  	v4 =	vld.idx.msk [tilespmem:v4+s12+$0x0], $0xffff  }
0x2e7: {  	v11 =	vld.idx.msk [tilespmem:v5+s1+$0x0], $0xffff  }
0x2e8: {  	v5 =	vld.idx.msk [tilespmem:v5+s12+$0x0], $0xffff;
	_ =	sdelay $0x1  }
0x2e9: {  	v6 =	vmul.f32 v8, v6;
	v7 =	vmul.f32 v9, v7  }
0x2ea: {  	v43 =	vor.u32 $0x380, v2;
	v3 =	vmul.f32 v8, v3;
	v4 =	vmul.f32 v9, v4  }
0x2eb: {  	v45 =	vor.u32 $0x381, v2;
	v6 =	vadd.f32 v7, v6;
	v7 =	vmul.f32 v10, v11  }
0x2ec: {  	v48 =	vor.u32 $0xE80, v0;
	v3 =	vadd.f32 v4, v3;
	v4 =	vmul.f32 v10, v5  }
0x2ed: {  	v5 =	vadd.f32 v7, v6  }
0x2ee: {  	v50 =	vor.u32 $0xE81, v0;
	v3 =	vadd.f32 v4, v3  }
0x2ef: {  	[tilespmem:v43+s8+$0x0] =	vst.idx.msk $0xffff, v5  }
0x2f0: {  	v52 =	vor.u32 $0xE82, v0;
	[tilespmem:v45+s8+$0x0] =	vst.idx.msk $0xffff, v3  }
0x2f1: {  	v54 =	vadd.s32 $0x570, v1;
	v3 =	vld.idx.msk [tilespmem:v48+s18+$0x0], $0xffff  }
0x2f2: {  	v55 =	vadd.s32 $0x571, v1  }
0x2f3: {  	v57 =	vadd.s32 $0x572, v1;
	v4 =	vld.idx.msk [tilespmem:v50+s18+$0x0], $0xffff;
	_ =	sdelay $0x1  }
0x2f4: {  	v5 =	vld.idx.msk [tilespmem:v52+s18+$0x0], $0xffff  }
0x2f5: {  	v8 =	vld.idx.msk [tilespmem:v54+s13+$0x0], $0xffff  }
0x2f6: {  	v9 =	vld.idx.msk [tilespmem:v55+s13+$0x0], $0xffff  }
0x2f7: {  	v10 =	vld.idx.msk [tilespmem:v57+s13+$0x0], $0xffff  }
0x2f8: {  	v6 =	vld.idx.msk [tilespmem:v3+s1+$0x0], $0xffff  }
0x2f9: {  	v3 =	vld.idx.msk [tilespmem:v3+s12+$0x0], $0xffff  }
0x2fa: {  	v7 =	vld.idx.msk [tilespmem:v4+s1+$0x0], $0xffff  }
0x2fb: {  	v4 =	vld.idx.msk [tilespmem:v4+s12+$0x0], $0xffff  }
0x2fc: {  	v11 =	vld.idx.msk [tilespmem:v5+s1+$0x0], $0xffff  }
0x2fd: {  	v5 =	vld.idx.msk [tilespmem:v5+s12+$0x0], $0xffff;
	_ =	sdelay $0x1  }
0x2fe: {  	v6 =	vmul.f32 v8, v6;
	v7 =	vmul.f32 v9, v7  }
0x2ff: {  	v51 =	vor.u32 $0x3A0, v2;
	v3 =	vmul.f32 v8, v3;
	v4 =	vmul.f32 v9, v4  }
0x300: {  	v53 =	vor.u32 $0x3A1, v2;
	v6 =	vadd.f32 v7, v6;
	v7 =	vmul.f32 v10, v11  }
0x301: {  	v56 =	vor.u32 $0xF00, v0;
	v3 =	vadd.f32 v4, v3;
	v4 =	vmul.f32 v10, v5  }
0x302: {  	[tilespmem:$0x1F460] =	vst v58;
	v5 =	vadd.f32 v7, v6  }
0x303: {  	[tilespmem:$0x1F560] =	vst v60;
	v58 =	vor.u32 $0xF01, v0;
	v3 =	vadd.f32 v4, v3  }
0x304: {  	[tilespmem:v51+s8+$0x0] =	vst.idx.msk $0xffff, v5  }
0x305: {  	v60 =	vor.u32 $0xF02, v0;
	[tilespmem:v53+s8+$0x0] =	vst.idx.msk $0xffff, v3  }
0x306: {  	[tilespmem:$0x1F660] =	vst v62;
	v62 =	vadd.s32 $0x5A0, v1;
	v3 =	vld.idx.msk [tilespmem:v56+s18+$0x0], $0xffff  }
0x307: {  	[tilespmem:$0x1F6E0] =	vst v63;
	v63 =	vadd.s32 $0x5A1, v1  }
0x308: {  	v4 =	vadd.s32 $0x5A2, v1;
	v5 =	vld.idx.msk [tilespmem:v58+s18+$0x0], $0xffff;
	_ =	sdelay $0x1  }
0x309: {  	v6 =	vld.idx.msk [tilespmem:v60+s18+$0x0], $0xffff  }
0x30a: {  	v9 =	vld.idx.msk [tilespmem:v62+s13+$0x0], $0xffff  }
0x30b: {  	v10 =	vld.idx.msk [tilespmem:v63+s13+$0x0], $0xffff  }
0x30c: {  	v11 =	vld.idx.msk [tilespmem:v4+s13+$0x0], $0xffff  }
0x30d: {  	v7 =	vld.idx.msk [tilespmem:v3+s1+$0x0], $0xffff  }
0x30e: {  	v3 =	vld.idx.msk [tilespmem:v3+s12+$0x0], $0xffff  }
0x30f: {  	v8 =	vld.idx.msk [tilespmem:v5+s1+$0x0], $0xffff  }
0x310: {  	v5 =	vld.idx.msk [tilespmem:v5+s12+$0x0], $0xffff  }
0x311: {  	[tilespmem:$0x1F5E0] =	vst v61;
	v61 =	vld.idx.msk [tilespmem:v6+s1+$0x0], $0xffff  }
0x312: {  	v6 =	vld.idx.msk [tilespmem:v6+s12+$0x0], $0xffff;
	_ =	sdelay $0x1  }
0x313: {  	v7 =	vmul.f32 v9, v7;
	v8 =	vmul.f32 v10, v8  }
0x314: {  	[tilespmem:$0x1F4E0] =	vst v59;
	v59 =	vor.u32 $0x3C0, v2;
	v3 =	vmul.f32 v9, v3;
	v5 =	vmul.f32 v10, v5  }
0x315: {  	v7 =	vadd.f32 v8, v7;
	v8 =	vmul.f32 v11, v61;
	v61 =	vor.u32 $0x3C1, v2  }
0x316: {  	v6 =	vmul.f32 v11, v6;
	v5 =	vadd.f32 v5, v3;
	v3 =	vor.u32 $0xF80, v0  }
0x317: {  	v7 =	vadd.f32 v8, v7  }
0x318: {  	v6 =	vadd.f32 v6, v5;
	v5 =	vor.u32 $0xF81, v0  }
0x319: {  	[tilespmem:v59+s8+$0x0] =	vst.idx.msk $0xffff, v7  }
0x31a: {  	v7 =	vor.u32 $0xF82, v0;
	[tilespmem:v61+s8+$0x0] =	vst.idx.msk $0xffff, v6  }
0x31b: {  	v9 =	vadd.s32 $0x5D0, v1;
	v6 =	vld.idx.msk [tilespmem:v3+s18+$0x0], $0xffff  }
0x31c: {  	v10 =	vadd.s32 $0x5D1, v1  }
0x31d: {  	v11 =	vadd.s32 $0x5D2, v1;
	v8 =	vld.idx.msk [tilespmem:v5+s18+$0x0], $0xffff;
	_ =	sdelay $0x1  }
0x31e: {  	[tilespmem:$0x1F3E0] =	vst v12;
	v12 =	vld.idx.msk [tilespmem:v7+s18+$0x0], $0xffff  }
0x31f: {  	v15 =	vld.idx.msk [tilespmem:v9+s13+$0x0], $0xffff  }
0x320: {  	v16 =	vld.idx.msk [tilespmem:v10+s13+$0x0], $0xffff  }
0x321: {  	v17 =	vld.idx.msk [tilespmem:v11+s13+$0x0], $0xffff  }
0x322: {  	v13 =	vld.idx.msk [tilespmem:v6+s1+$0x0], $0xffff  }
0x323: {  	v6 =	vld.idx.msk [tilespmem:v6+s12+$0x0], $0xffff  }
0x324: {  	v14 =	vld.idx.msk [tilespmem:v8+s1+$0x0], $0xffff  }
0x325: {  	v8 =	vld.idx.msk [tilespmem:v8+s12+$0x0], $0xffff  }
0x326: {  	v18 =	vld.idx.msk [tilespmem:v12+s1+$0x0], $0xffff  }
0x327: {  	v12 =	vld.idx.msk [tilespmem:v12+s12+$0x0], $0xffff;
	_ =	sdelay $0x1  }
0x328: {  	v13 =	vmul.f32 v15, v13;
	v14 =	vmul.f32 v16, v14  }
0x329: {  	v15 =	vmul.f32 v15, v6;
	v6 =	vor.u32 $0x3E0, v2;
	v16 =	vmul.f32 v16, v8  }
0x32a: {  	v8 =	vor.u32 $0x3E1, v2;
	v13 =	vadd.f32 v14, v13;
	v14 =	vmul.f32 v17, v18  }
0x32b: {  	p1 =	sne.s32 s19, $0x3E00;
	v15 =	vadd.f32 v16, v15;
	v12 =	vmul.f32 v17, v12  }
.Ltmp2:
0x32c: {  	v13 =	vadd.f32 v14, v13;
	(pc) =	sbr.rel @p1 .LBB2_4-.Ltmp2, $4  }
0x32d: {  	v12 =	vadd.f32 v12, v15  }
0x32e: {  	[tilespmem:v6+s8+$0x0] =	vst.idx.msk $0xffff, v13  }
0x32f: {  	[tilespmem:v8+s8+$0x0] =	vst.idx.msk $0xffff, v12  }
0x330: {  	[hbm4b:s17+s1] =	stream.linear.scatter [tilespmem:s8], [sflag:$0x6], $0x400, $0x38;
	[tilespmem:$0x1BEA0] =	vst v63  }
.Ltmp3:
0x331: {  	(pc) =	sbr.rel .LBB2_5-.Ltmp3, $4  }
0x332: {  	_ = 	snop  }
0x333: {  	_ =	swait.ge [sflag:s10], $0x1000  }
0x334: {  	[sflag:s10] =	ssyncset.done $0x0  }
0x335: {  	[sflag:s10] =	ssyncadd.s32 $0xFFFFF000  }
.LBB2_4:
0x336: {  	s20 =	sadd.s32 s19, s9  }
0x337: {  	s20 =	sadd.s32 $0x200, s20  }
0x338: {  	[tilespmem:s13], [sflag:$0x2] =	stream.linear.gather [hbm4b:s20+s1], $0x800, $0x38;
	[tilespmem:$0x1BEA0] =	vst v63  }
0x339: {  	_ =	swait.ge [sflag:s15], $0x800  }
0x33a: {  	[sflag:s15] =	ssyncset.done $0x0  }
0x33b: {  	s20 =	simm.s32 $0x18CA0;
	[sflag:s15] =	ssyncadd.s32 $0xFFFFF800  }
0x33c: {  	[tilespmem:s18], [sflag:$0x4] =	stream.indirect.gather [hbm4b:s4+s16], $0x8, s20, s16, $0xb8;
	[tilespmem:$0x1BEA0] =	vst v63  }
0x33d: {  	s20 =	simm.s32 $0x18D20  }
0x33e: {  	[tilespmem:s21], [sflag:$0x4] =	stream.indirect.gather [hbm4b:s4+s16], $0x8, s20, s16, $0xb8;
	[tilespmem:$0x1BEA0] =	vst v63  }
0x33f: {  	s20 =	simm.s32 $0x18DA0  }
0x340: {  	[tilespmem:s22], [sflag:$0x4] =	stream.indirect.gather [hbm4b:s4+s16], $0x8, s20, s16, $0xb8;
	[tilespmem:$0x1BEA0] =	vst v63  }
.Ltmp4:
0x341: {  	_ = 	snop;
	(pc) =	sbr.rel @p0 .LBB2_6-.Ltmp4, $4  }
0x342: {  	[tilespmem:s24], [sflag:$0x4] =	stream.indirect.gather [hbm4b:s4+s16], $0x8, s23, s16, $0xb8;
	[tilespmem:$0x1BEA0] =	vst v63  }
0x343: {  	_ =	swait.ge [sflag:s10], $0x1000  }
0x344: {  	[sflag:s10] =	ssyncset.done $0x0  }
0x345: {  	[sflag:s10] =	ssyncadd.s32 $0xFFFFF000  }
.LBB2_5:
0x346: {  	_ =	swait.ge [sflag:s11], $0x400  }
0x347: {  	[sflag:s11] =	ssyncset.done $0x0  }
0x348: {  	[sflag:s11] =	ssyncadd.s32 $0xFFFFFC00  }
.LBB2_6:
0x349: {  	_ =	sdelay $0x3  }
0x34a: {  	v12 =	vld.idx.msk [tilespmem:v0+s29+$0x0], $0xffff;
	_ =	sdelay $0x1  }
0x34b: {  	v13 =	vld.idx.msk [tilespmem:v19+s29+$0x0], $0xffff;
	_ =	sdelay $0x1  }
0x34c: {  	v18 =	vld [tilespmem:$0x1FC60]  }
0x34d: {  	v21 =	vmov v19;
	v19 =	vld [tilespmem:$0x1FC70]  }
0x34e: {  	v14 =	vld.idx.msk [tilespmem:v20+s29+$0x0], $0xffff  }
0x34f: {  	v17 =	vld.idx.msk [tilespmem:v1+s14+$0x0], $0xffff  }
0x350: {  	v15 =	vld.idx.msk [tilespmem:v12+s1+$0x0], $0xffff  }
0x351: {  	v12 =	vld.idx.msk [tilespmem:v12+s12+$0x0], $0xffff  }
0x352: {  	v16 =	vld.idx.msk [tilespmem:v13+s1+$0x0], $0xffff  }
0x353: {  	v13 =	vld.idx.msk [tilespmem:v13+s12+$0x0], $0xffff  }
0x354: {  	v18 =	vld.idx.msk [tilespmem:v18+s14+$0x0], $0xffff  }
0x355: {  	v19 =	vld.idx.msk [tilespmem:v19+s14+$0x0], $0xffff  }
0x356: {  	v22 =	vmov v20;
	v20 =	vld.idx.msk [tilespmem:v14+s1+$0x0], $0xffff  }
0x357: {  	v14 =	vld.idx.msk [tilespmem:v14+s12+$0x0], $0xffff;
	_ =	sdelay $0x1  }
0x358: {  	v15 =	vmul.f32 v17, v15;
	v16 =	vmul.f32 v18, v16  }
0x359: {  	v12 =	vmul.f32 v17, v12;
	v13 =	vmul.f32 v18, v13  }
0x35a: {  	v15 =	vadd.f32 v16, v15;
	v16 =	vmul.f32 v19, v20  }
0x35b: {  	v17 =	vmul.f32 v19, v14;
	v12 =	vadd.f32 v13, v12;
	v19 =	vld [tilespmem:$0x1FC80]  }
0x35c: {  	v18 =	vadd.f32 v16, v15;
	v16 =	vld [tilespmem:$0x1FC90]  }
0x35d: {  	v12 =	vadd.f32 v17, v12;
	v17 =	vld [tilespmem:$0x1FCA0]  }
0x35e: {  	[tilespmem:v2+s6+$0x0] =	vst.idx.msk $0xffff, v18;
	v18 =	vld [tilespmem:$0x1FCB0];
	_ =	sdelay $0x4  }
0x35f: {  	[tilespmem:v19+s6+$0x0] =	vst.idx.msk $0xffff, v12;
	v19 =	vld [tilespmem:$0x1FCE0]  }
0x360: {  	v12 =	vld.idx.msk [tilespmem:v16+s29+$0x0], $0xffff  }
0x361: {  	v13 =	vld.idx.msk [tilespmem:v17+s29+$0x0], $0xffff  }
0x362: {  	v14 =	vld.idx.msk [tilespmem:v18+s29+$0x0], $0xffff  }
0x363: {  	v18 =	vld [tilespmem:$0x1FCD0]  }
0x364: {  	v17 =	vld [tilespmem:$0x1FCC0];
	_ =	sdelay $0x2  }
0x365: {  	v19 =	vld.idx.msk [tilespmem:v19+s14+$0x0], $0xffff  }
0x366: {  	v15 =	vld.idx.msk [tilespmem:v12+s1+$0x0], $0xffff  }
0x367: {  	v16 =	vld.idx.msk [tilespmem:v13+s1+$0x0], $0xffff  }
0x368: {  	v13 =	vld.idx.msk [tilespmem:v13+s12+$0x0], $0xffff  }
0x369: {  	v18 =	vld.idx.msk [tilespmem:v18+s14+$0x0], $0xffff  }
0x36a: {  	v17 =	vld.idx.msk [tilespmem:v17+s14+$0x0], $0xffff  }
0x36b: {  	v12 =	vld.idx.msk [tilespmem:v12+s12+$0x0], $0xffff  }
0x36c: {  	v20 =	vld.idx.msk [tilespmem:v14+s1+$0x0], $0xffff  }
0x36d: {  	v14 =	vld.idx.msk [tilespmem:v14+s12+$0x0], $0xffff  }
0x36e: {  	v16 =	vmul.f32 v18, v16;
	v13 =	vmul.f32 v18, v13;
	v18 =	vld [tilespmem:$0x1FCF0]  }
0x36f: {  	v15 =	vmul.f32 v17, v15  }
0x370: {  	v12 =	vmul.f32 v17, v12  }
0x371: {  	v15 =	vadd.f32 v16, v15  }
0x372: {  	v16 =	vmul.f32 v19, v20;
	v12 =	vadd.f32 v13, v12;
	v19 =	vmul.f32 v19, v14;
	_ =	sdelay $0x1  }
0x373: {  	v17 =	vadd.f32 v16, v15;
	v12 =	vadd.f32 v19, v12;
	v19 =	vld [tilespmem:$0x1FD00]  }
0x374: {  	v16 =	vld [tilespmem:$0x1FD10]  }
0x375: {  	[tilespmem:v18+s6+$0x0] =	vst.idx.msk $0xffff, v17;
	v17 =	vld [tilespmem:$0x1FD20]  }
0x376: {  	v18 =	vld [tilespmem:$0x1FD30];
	_ =	sdelay $0x4  }
0x377: {  	[tilespmem:v19+s6+$0x0] =	vst.idx.msk $0xffff, v12;
	v19 =	vld [tilespmem:$0x1FD60]  }
0x378: {  	v12 =	vld.idx.msk [tilespmem:v16+s29+$0x0], $0xffff  }
0x379: {  	v13 =	vld.idx.msk [tilespmem:v17+s29+$0x0], $0xffff  }
0x37a: {  	v14 =	vld.idx.msk [tilespmem:v18+s29+$0x0], $0xffff  }
0x37b: {  	v18 =	vld [tilespmem:$0x1FD50]  }
0x37c: {  	v17 =	vld [tilespmem:$0x1FD40];
	_ =	sdelay $0x2  }
0x37d: {  	v19 =	vld.idx.msk [tilespmem:v19+s14+$0x0], $0xffff  }
0x37e: {  	v15 =	vld.idx.msk [tilespmem:v12+s1+$0x0], $0xffff  }
0x37f: {  	v16 =	vld.idx.msk [tilespmem:v13+s1+$0x0], $0xffff  }
0x380: {  	v13 =	vld.idx.msk [tilespmem:v13+s12+$0x0], $0xffff  }
0x381: {  	v18 =	vld.idx.msk [tilespmem:v18+s14+$0x0], $0xffff  }
0x382: {  	v17 =	vld.idx.msk [tilespmem:v17+s14+$0x0], $0xffff  }
0x383: {  	v12 =	vld.idx.msk [tilespmem:v12+s12+$0x0], $0xffff  }
0x384: {  	v20 =	vld.idx.msk [tilespmem:v14+s1+$0x0], $0xffff  }
0x385: {  	v14 =	vld.idx.msk [tilespmem:v14+s12+$0x0], $0xffff  }
0x386: {  	v16 =	vmul.f32 v18, v16;
	v13 =	vmul.f32 v18, v13;
	v18 =	vld [tilespmem:$0x1FD70]  }
0x387: {  	v15 =	vmul.f32 v17, v15  }
0x388: {  	v12 =	vmul.f32 v17, v12  }
0x389: {  	v15 =	vadd.f32 v16, v15  }
0x38a: {  	v16 =	vmul.f32 v19, v20;
	v12 =	vadd.f32 v13, v12;
	v19 =	vmul.f32 v19, v14;
	_ =	sdelay $0x1  }
0x38b: {  	v17 =	vadd.f32 v16, v15;
	v12 =	vadd.f32 v19, v12;
	v19 =	vld [tilespmem:$0x1FD80]  }
0x38c: {  	v16 =	vld [tilespmem:$0x1FD90]  }
0x38d: {  	[tilespmem:v18+s6+$0x0] =	vst.idx.msk $0xffff, v17;
	v17 =	vld [tilespmem:$0x1FDA0]  }
0x38e: {  	v18 =	vld [tilespmem:$0x1FDB0];
	_ =	sdelay $0x4  }
0x38f: {  	[tilespmem:v19+s6+$0x0] =	vst.idx.msk $0xffff, v12;
	v19 =	vld [tilespmem:$0x1FDE0]  }
0x390: {  	v12 =	vld.idx.msk [tilespmem:v16+s29+$0x0], $0xffff  }
0x391: {  	v13 =	vld.idx.msk [tilespmem:v17+s29+$0x0], $0xffff  }
0x392: {  	v14 =	vld.idx.msk [tilespmem:v18+s29+$0x0], $0xffff  }
0x393: {  	v18 =	vld [tilespmem:$0x1FDD0]  }
0x394: {  	v17 =	vld [tilespmem:$0x1FDC0];
	_ =	sdelay $0x2  }
0x395: {  	v19 =	vld.idx.msk [tilespmem:v19+s14+$0x0], $0xffff  }
0x396: {  	v15 =	vld.idx.msk [tilespmem:v12+s1+$0x0], $0xffff  }
0x397: {  	v16 =	vld.idx.msk [tilespmem:v13+s1+$0x0], $0xffff  }
0x398: {  	v13 =	vld.idx.msk [tilespmem:v13+s12+$0x0], $0xffff  }
0x399: {  	v18 =	vld.idx.msk [tilespmem:v18+s14+$0x0], $0xffff  }
0x39a: {  	v17 =	vld.idx.msk [tilespmem:v17+s14+$0x0], $0xffff  }
0x39b: {  	v12 =	vld.idx.msk [tilespmem:v12+s12+$0x0], $0xffff  }
0x39c: {  	v20 =	vld.idx.msk [tilespmem:v14+s1+$0x0], $0xffff  }
0x39d: {  	v14 =	vld.idx.msk [tilespmem:v14+s12+$0x0], $0xffff  }
0x39e: {  	v16 =	vmul.f32 v18, v16;
	v13 =	vmul.f32 v18, v13;
	v18 =	vld [tilespmem:$0x1FDF0]  }
0x39f: {  	v15 =	vmul.f32 v17, v15  }
0x3a0: {  	v12 =	vmul.f32 v17, v12  }
0x3a1: {  	v15 =	vadd.f32 v16, v15  }
0x3a2: {  	v16 =	vmul.f32 v19, v20;
	v12 =	vadd.f32 v13, v12;
	v19 =	vmul.f32 v19, v14;
	_ =	sdelay $0x1  }
0x3a3: {  	v17 =	vadd.f32 v16, v15;
	v12 =	vadd.f32 v19, v12;
	v19 =	vld [tilespmem:$0x1FE00]  }
0x3a4: {  	v16 =	vld [tilespmem:$0x1FE10]  }
0x3a5: {  	[tilespmem:v18+s6+$0x0] =	vst.idx.msk $0xffff, v17;
	v17 =	vld [tilespmem:$0x1FE20]  }
0x3a6: {  	v18 =	vld [tilespmem:$0x1FE30];
	_ =	sdelay $0x4  }
0x3a7: {  	[tilespmem:v19+s6+$0x0] =	vst.idx.msk $0xffff, v12;
	v19 =	vld [tilespmem:$0x1FE60]  }
0x3a8: {  	v12 =	vld.idx.msk [tilespmem:v16+s29+$0x0], $0xffff  }
0x3a9: {  	v13 =	vld.idx.msk [tilespmem:v17+s29+$0x0], $0xffff  }
0x3aa: {  	v14 =	vld.idx.msk [tilespmem:v18+s29+$0x0], $0xffff  }
0x3ab: {  	v18 =	vld [tilespmem:$0x1FE50]  }
0x3ac: {  	v17 =	vld [tilespmem:$0x1FE40];
	_ =	sdelay $0x2  }
0x3ad: {  	v19 =	vld.idx.msk [tilespmem:v19+s14+$0x0], $0xffff  }
0x3ae: {  	v15 =	vld.idx.msk [tilespmem:v12+s1+$0x0], $0xffff  }
0x3af: {  	v16 =	vld.idx.msk [tilespmem:v13+s1+$0x0], $0xffff  }
0x3b0: {  	v13 =	vld.idx.msk [tilespmem:v13+s12+$0x0], $0xffff  }
0x3b1: {  	v18 =	vld.idx.msk [tilespmem:v18+s14+$0x0], $0xffff  }
0x3b2: {  	v17 =	vld.idx.msk [tilespmem:v17+s14+$0x0], $0xffff  }
0x3b3: {  	v12 =	vld.idx.msk [tilespmem:v12+s12+$0x0], $0xffff  }
0x3b4: {  	v20 =	vld.idx.msk [tilespmem:v14+s1+$0x0], $0xffff  }
0x3b5: {  	v14 =	vld.idx.msk [tilespmem:v14+s12+$0x0], $0xffff  }
0x3b6: {  	v16 =	vmul.f32 v18, v16;
	v13 =	vmul.f32 v18, v13;
	v18 =	vld [tilespmem:$0x1FE70]  }
0x3b7: {  	v15 =	vmul.f32 v17, v15  }
0x3b8: {  	v12 =	vmul.f32 v17, v12  }
0x3b9: {  	v15 =	vadd.f32 v16, v15  }
0x3ba: {  	v16 =	vmul.f32 v19, v20;
	v12 =	vadd.f32 v13, v12;
	v19 =	vmul.f32 v19, v14;
	_ =	sdelay $0x1  }
0x3bb: {  	v17 =	vadd.f32 v16, v15;
	v12 =	vadd.f32 v19, v12;
	v19 =	vld [tilespmem:$0x1FE80]  }
0x3bc: {  	v16 =	vld [tilespmem:$0x1FE90]  }
0x3bd: {  	[tilespmem:v18+s6+$0x0] =	vst.idx.msk $0xffff, v17;
	v17 =	vld [tilespmem:$0x1FEA0]  }
0x3be: {  	v18 =	vld [tilespmem:$0x1FEB0];
	_ =	sdelay $0x4  }
0x3bf: {  	[tilespmem:v19+s6+$0x0] =	vst.idx.msk $0xffff, v12;
	v19 =	vld [tilespmem:$0x1FEE0]  }
0x3c0: {  	v12 =	vld.idx.msk [tilespmem:v16+s29+$0x0], $0xffff  }
0x3c1: {  	v13 =	vld.idx.msk [tilespmem:v17+s29+$0x0], $0xffff  }
0x3c2: {  	v14 =	vld.idx.msk [tilespmem:v18+s29+$0x0], $0xffff  }
0x3c3: {  	v18 =	vld [tilespmem:$0x1FED0]  }
0x3c4: {  	v17 =	vld [tilespmem:$0x1FEC0];
	_ =	sdelay $0x2  }
0x3c5: {  	v19 =	vld.idx.msk [tilespmem:v19+s14+$0x0], $0xffff  }
0x3c6: {  	v15 =	vld.idx.msk [tilespmem:v12+s1+$0x0], $0xffff  }
0x3c7: {  	v16 =	vld.idx.msk [tilespmem:v13+s1+$0x0], $0xffff  }
0x3c8: {  	v13 =	vld.idx.msk [tilespmem:v13+s12+$0x0], $0xffff  }
0x3c9: {  	v18 =	vld.idx.msk [tilespmem:v18+s14+$0x0], $0xffff  }
0x3ca: {  	v17 =	vld.idx.msk [tilespmem:v17+s14+$0x0], $0xffff  }
0x3cb: {  	v12 =	vld.idx.msk [tilespmem:v12+s12+$0x0], $0xffff  }
0x3cc: {  	v20 =	vld.idx.msk [tilespmem:v14+s1+$0x0], $0xffff  }
0x3cd: {  	v14 =	vld.idx.msk [tilespmem:v14+s12+$0x0], $0xffff  }
0x3ce: {  	v16 =	vmul.f32 v18, v16;
	v13 =	vmul.f32 v18, v13;
	v18 =	vld [tilespmem:$0x1FEF0]  }
0x3cf: {  	v15 =	vmul.f32 v17, v15  }
0x3d0: {  	v12 =	vmul.f32 v17, v12  }
0x3d1: {  	v15 =	vadd.f32 v16, v15  }
0x3d2: {  	v16 =	vmul.f32 v19, v20;
	v12 =	vadd.f32 v13, v12;
	v19 =	vmul.f32 v19, v14;
	_ =	sdelay $0x1  }
0x3d3: {  	v17 =	vadd.f32 v16, v15;
	v12 =	vadd.f32 v19, v12;
	v19 =	vld [tilespmem:$0x1FF00]  }
0x3d4: {  	v16 =	vld [tilespmem:$0x1FF10]  }
0x3d5: {  	[tilespmem:v18+s6+$0x0] =	vst.idx.msk $0xffff, v17;
	v17 =	vld [tilespmem:$0x1FF20]  }
0x3d6: {  	v18 =	vld [tilespmem:$0x1FF30];
	_ =	sdelay $0x4  }
0x3d7: {  	[tilespmem:v19+s6+$0x0] =	vst.idx.msk $0xffff, v12;
	v19 =	vld [tilespmem:$0x1FF60]  }
0x3d8: {  	v12 =	vld.idx.msk [tilespmem:v16+s29+$0x0], $0xffff  }
0x3d9: {  	v13 =	vld.idx.msk [tilespmem:v17+s29+$0x0], $0xffff  }
0x3da: {  	v14 =	vld.idx.msk [tilespmem:v18+s29+$0x0], $0xffff  }
0x3db: {  	v17 =	vld [tilespmem:$0x1FF40]  }
0x3dc: {  	v18 =	vld [tilespmem:$0x1FF50];
	_ =	sdelay $0x2  }
0x3dd: {  	v19 =	vld.idx.msk [tilespmem:v19+s14+$0x0], $0xffff  }
0x3de: {  	v15 =	vld.idx.msk [tilespmem:v12+s1+$0x0], $0xffff  }
0x3df: {  	v12 =	vld.idx.msk [tilespmem:v12+s12+$0x0], $0xffff  }
0x3e0: {  	v16 =	vld.idx.msk [tilespmem:v13+s1+$0x0], $0xffff  }
0x3e1: {  	v17 =	vld.idx.msk [tilespmem:v17+s14+$0x0], $0xffff  }
0x3e2: {  	v18 =	vld.idx.msk [tilespmem:v18+s14+$0x0], $0xffff  }
0x3e3: {  	v13 =	vld.idx.msk [tilespmem:v13+s12+$0x0], $0xffff  }
0x3e4: {  	v20 =	vld.idx.msk [tilespmem:v14+s1+$0x0], $0xffff  }
0x3e5: {  	v14 =	vld.idx.msk [tilespmem:v14+s12+$0x0], $0xffff;
	_ =	sdelay $0x1  }
0x3e6: {  	v15 =	vmul.f32 v17, v15;
	v16 =	vmul.f32 v18, v16  }
0x3e7: {  	v12 =	vmul.f32 v17, v12;
	v13 =	vmul.f32 v18, v13  }
0x3e8: {  	v15 =	vadd.f32 v16, v15  }
0x3e9: {  	v16 =	vmul.f32 v19, v20;
	v12 =	vadd.f32 v13, v12;
	v19 =	vmul.f32 v19, v14  }
0x3ea: {  	v18 =	vld [tilespmem:$0x1FF70]  }
0x3eb: {  	v12 =	vadd.f32 v19, v12;
	v19 =	vld [tilespmem:$0x1FF80]  }
0x3ec: {  	v17 =	vadd.f32 v16, v15;
	v16 =	vld [tilespmem:$0x1FF90];
	_ =	sdelay $0x5  }
0x3ed: {  	[tilespmem:v18+s6+$0x0] =	vst.idx.msk $0xffff, v17  }
0x3ee: {  	[tilespmem:v19+s6+$0x0] =	vst.idx.msk $0xffff, v12  }
0x3ef: {  	v12 =	vld.idx.msk [tilespmem:v16+s29+$0x0], $0xffff  }
0x3f0: {  	v17 =	vld [tilespmem:$0x1FFA0];
	_ =	sdelay $0x1  }
0x3f1: {  	v18 =	vld [tilespmem:$0x1FFB0];
	_ =	sdelay $0x4  }
0x3f2: {  	v19 =	vld [tilespmem:$0x1FFE0]  }
0x3f3: {  	v13 =	vld.idx.msk [tilespmem:v17+s29+$0x0], $0xffff  }
0x3f4: {  	v17 =	vld [tilespmem:$0x1FFC0]  }
0x3f5: {  	v14 =	vld.idx.msk [tilespmem:v18+s29+$0x0], $0xffff  }
0x3f6: {  	v18 =	vld [tilespmem:$0x1FFD0];
	_ =	sdelay $0x1  }
0x3f7: {  	v15 =	vld.idx.msk [tilespmem:v12+s1+$0x0], $0xffff  }
0x3f8: {  	v12 =	vld.idx.msk [tilespmem:v12+s12+$0x0], $0xffff  }
0x3f9: {  	v19 =	vld.idx.msk [tilespmem:v19+s14+$0x0], $0xffff  }
0x3fa: {  	v16 =	vld.idx.msk [tilespmem:v13+s1+$0x0], $0xffff  }
0x3fb: {  	v17 =	vld.idx.msk [tilespmem:v17+s14+$0x0], $0xffff  }
0x3fc: {  	v13 =	vld.idx.msk [tilespmem:v13+s12+$0x0], $0xffff  }
0x3fd: {  	v18 =	vld.idx.msk [tilespmem:v18+s14+$0x0], $0xffff  }
0x3fe: {  	v20 =	vld.idx.msk [tilespmem:v14+s1+$0x0], $0xffff  }
0x3ff: {  	v14 =	vld.idx.msk [tilespmem:v14+s12+$0x0], $0xffff  }
0x400: {  	v15 =	vmul.f32 v17, v15;
	v12 =	vmul.f32 v17, v12;
	v17 =	vld [tilespmem:$0x1FFF0];
	_ =	sdelay $0x1  }
0x401: {  	v16 =	vmul.f32 v18, v16  }
0x402: {  	v13 =	vmul.f32 v18, v13  }
0x403: {  	v15 =	vadd.f32 v16, v15;
	v16 =	vmul.f32 v19, v20  }
0x404: {  	v12 =	vadd.f32 v13, v12;
	v19 =	vmul.f32 v19, v14  }
0x405: {  	v18 =	vld [tilespmem:$0x1F370];
	v16 =	vadd.f32 v16, v15  }
0x406: {  	v12 =	vadd.f32 v19, v12;
	v19 =	vld [tilespmem:$0x1F380]  }
0x407: {  	[tilespmem:v17+s6+$0x0] =	vst.idx.msk $0xffff, v16;
	v16 =	vld [tilespmem:$0x1F390]  }
0x408: {  	v17 =	vld [tilespmem:$0x1F3A0];
	_ =	sdelay $0x4  }
0x409: {  	[tilespmem:v18+s6+$0x0] =	vst.idx.msk $0xffff, v12;
	v18 =	vld [tilespmem:$0x1F3B0]  }
0x40a: {  	v12 =	vld.idx.msk [tilespmem:v19+s29+$0x0], $0xffff  }
0x40b: {  	v13 =	vld.idx.msk [tilespmem:v16+s29+$0x0], $0xffff  }
0x40c: {  	v14 =	vld.idx.msk [tilespmem:v17+s29+$0x0], $0xffff  }
0x40d: {  	v16 =	vld [tilespmem:$0x1F3C0]  }
0x40e: {  	v17 =	vld [tilespmem:$0x1F3D0];
	_ =	sdelay $0x3  }
0x40f: {  	v15 =	vld.idx.msk [tilespmem:v18+s14+$0x0], $0xffff  }
0x410: {  	v18 =	vld.idx.msk [tilespmem:v12+s1+$0x0], $0xffff  }
0x411: {  	v12 =	vld.idx.msk [tilespmem:v12+s12+$0x0], $0xffff  }
0x412: {  	v16 =	vld.idx.msk [tilespmem:v16+s14+$0x0], $0xffff  }
0x413: {  	v17 =	vld.idx.msk [tilespmem:v17+s14+$0x0], $0xffff  }
0x414: {  	v19 =	vld.idx.msk [tilespmem:v13+s1+$0x0], $0xffff  }
0x415: {  	v13 =	vld.idx.msk [tilespmem:v13+s12+$0x0], $0xffff  }
0x416: {  	v20 =	vld.idx.msk [tilespmem:v14+s1+$0x0], $0xffff  }
0x417: {  	v14 =	vld.idx.msk [tilespmem:v14+s12+$0x0], $0xffff;
	_ =	sdelay $0x2  }
0x418: {  	v18 =	vmul.f32 v15, v18;
	v19 =	vmul.f32 v16, v19  }
0x419: {  	v12 =	vmul.f32 v15, v12;
	v13 =	vmul.f32 v16, v13  }
0x41a: {  	v16 =	vmul.f32 v17, v20;
	v15 =	vadd.f32 v19, v18;
	v19 =	vmul.f32 v17, v14;
	v17 =	vld [tilespmem:$0x1F3E0];
	_ =	sdelay $0x4  }
0x41b: {  	v12 =	vadd.f32 v13, v12  }
0x41c: {  	v18 =	vld [tilespmem:$0x1F3F0];
	v16 =	vadd.f32 v16, v15  }
0x41d: {  	v12 =	vadd.f32 v19, v12;
	v19 =	vld [tilespmem:$0x1F400]  }
0x41e: {  	[tilespmem:v17+s6+$0x0] =	vst.idx.msk $0xffff, v16;
	v16 =	vld [tilespmem:$0x1F410]  }
0x41f: {  	v17 =	vld [tilespmem:$0x1F420];
	_ =	sdelay $0x4  }
0x420: {  	[tilespmem:v18+s6+$0x0] =	vst.idx.msk $0xffff, v12;
	v18 =	vld [tilespmem:$0x1F430]  }
0x421: {  	v12 =	vld.idx.msk [tilespmem:v19+s29+$0x0], $0xffff  }
0x422: {  	v13 =	vld.idx.msk [tilespmem:v16+s29+$0x0], $0xffff  }
0x423: {  	v14 =	vld.idx.msk [tilespmem:v17+s29+$0x0], $0xffff  }
0x424: {  	v16 =	vld [tilespmem:$0x1F440]  }
0x425: {  	v17 =	vld [tilespmem:$0x1F450];
	_ =	sdelay $0x3  }
0x426: {  	v15 =	vld.idx.msk [tilespmem:v18+s14+$0x0], $0xffff  }
0x427: {  	v18 =	vld.idx.msk [tilespmem:v12+s1+$0x0], $0xffff  }
0x428: {  	v12 =	vld.idx.msk [tilespmem:v12+s12+$0x0], $0xffff  }
0x429: {  	v16 =	vld.idx.msk [tilespmem:v16+s14+$0x0], $0xffff  }
0x42a: {  	v17 =	vld.idx.msk [tilespmem:v17+s14+$0x0], $0xffff  }
0x42b: {  	v19 =	vld.idx.msk [tilespmem:v13+s1+$0x0], $0xffff  }
0x42c: {  	v13 =	vld.idx.msk [tilespmem:v13+s12+$0x0], $0xffff  }
0x42d: {  	v20 =	vld.idx.msk [tilespmem:v14+s1+$0x0], $0xffff  }
0x42e: {  	v14 =	vld.idx.msk [tilespmem:v14+s12+$0x0], $0xffff;
	_ =	sdelay $0x2  }
0x42f: {  	v18 =	vmul.f32 v15, v18;
	v19 =	vmul.f32 v16, v19  }
0x430: {  	v12 =	vmul.f32 v15, v12;
	v13 =	vmul.f32 v16, v13  }
0x431: {  	v16 =	vmul.f32 v17, v20;
	v15 =	vadd.f32 v19, v18;
	v19 =	vmul.f32 v17, v14;
	v17 =	vld [tilespmem:$0x1F460];
	_ =	sdelay $0x4  }
0x432: {  	v12 =	vadd.f32 v13, v12  }
0x433: {  	v18 =	vld [tilespmem:$0x1F470];
	v16 =	vadd.f32 v16, v15  }
0x434: {  	v12 =	vadd.f32 v19, v12;
	v19 =	vld [tilespmem:$0x1F480]  }
0x435: {  	[tilespmem:v17+s6+$0x0] =	vst.idx.msk $0xffff, v16;
	v16 =	vld [tilespmem:$0x1F490]  }
0x436: {  	v17 =	vld [tilespmem:$0x1F4A0];
	_ =	sdelay $0x4  }
0x437: {  	[tilespmem:v18+s6+$0x0] =	vst.idx.msk $0xffff, v12;
	v18 =	vld [tilespmem:$0x1F4B0]  }
0x438: {  	v12 =	vld.idx.msk [tilespmem:v19+s29+$0x0], $0xffff  }
0x439: {  	v13 =	vld.idx.msk [tilespmem:v16+s29+$0x0], $0xffff  }
0x43a: {  	v14 =	vld.idx.msk [tilespmem:v17+s29+$0x0], $0xffff  }
0x43b: {  	v16 =	vld [tilespmem:$0x1F4C0]  }
0x43c: {  	v17 =	vld [tilespmem:$0x1F4D0];
	_ =	sdelay $0x3  }
0x43d: {  	v15 =	vld.idx.msk [tilespmem:v18+s14+$0x0], $0xffff  }
0x43e: {  	v18 =	vld.idx.msk [tilespmem:v12+s1+$0x0], $0xffff  }
0x43f: {  	v12 =	vld.idx.msk [tilespmem:v12+s12+$0x0], $0xffff  }
0x440: {  	v16 =	vld.idx.msk [tilespmem:v16+s14+$0x0], $0xffff  }
0x441: {  	v17 =	vld.idx.msk [tilespmem:v17+s14+$0x0], $0xffff  }
0x442: {  	v19 =	vld.idx.msk [tilespmem:v13+s1+$0x0], $0xffff  }
0x443: {  	v13 =	vld.idx.msk [tilespmem:v13+s12+$0x0], $0xffff  }
0x444: {  	v20 =	vld.idx.msk [tilespmem:v14+s1+$0x0], $0xffff  }
0x445: {  	v14 =	vld.idx.msk [tilespmem:v14+s12+$0x0], $0xffff;
	_ =	sdelay $0x2  }
0x446: {  	v18 =	vmul.f32 v15, v18;
	v19 =	vmul.f32 v16, v19  }
0x447: {  	v12 =	vmul.f32 v15, v12;
	v13 =	vmul.f32 v16, v13  }
0x448: {  	v16 =	vmul.f32 v17, v20;
	v15 =	vadd.f32 v19, v18;
	v19 =	vmul.f32 v17, v14;
	v17 =	vld [tilespmem:$0x1F4E0];
	_ =	sdelay $0x4  }
0x449: {  	v12 =	vadd.f32 v13, v12  }
0x44a: {  	v18 =	vld [tilespmem:$0x1F4F0];
	v16 =	vadd.f32 v16, v15  }
0x44b: {  	v12 =	vadd.f32 v19, v12;
	v19 =	vld [tilespmem:$0x1F500]  }
0x44c: {  	[tilespmem:v17+s6+$0x0] =	vst.idx.msk $0xffff, v16;
	v16 =	vld [tilespmem:$0x1F510]  }
0x44d: {  	v17 =	vld [tilespmem:$0x1F520];
	_ =	sdelay $0x4  }
0x44e: {  	[tilespmem:v18+s6+$0x0] =	vst.idx.msk $0xffff, v12;
	v18 =	vld [tilespmem:$0x1F530]  }
0x44f: {  	v12 =	vld.idx.msk [tilespmem:v19+s29+$0x0], $0xffff  }
0x450: {  	v13 =	vld.idx.msk [tilespmem:v16+s29+$0x0], $0xffff  }
0x451: {  	v14 =	vld.idx.msk [tilespmem:v17+s29+$0x0], $0xffff  }
0x452: {  	v16 =	vld [tilespmem:$0x1F540]  }
0x453: {  	v17 =	vld [tilespmem:$0x1F550];
	_ =	sdelay $0x3  }
0x454: {  	v15 =	vld.idx.msk [tilespmem:v18+s14+$0x0], $0xffff  }
0x455: {  	v18 =	vld.idx.msk [tilespmem:v12+s1+$0x0], $0xffff  }
0x456: {  	v12 =	vld.idx.msk [tilespmem:v12+s12+$0x0], $0xffff  }
0x457: {  	v16 =	vld.idx.msk [tilespmem:v16+s14+$0x0], $0xffff  }
0x458: {  	v17 =	vld.idx.msk [tilespmem:v17+s14+$0x0], $0xffff  }
0x459: {  	v19 =	vld.idx.msk [tilespmem:v13+s1+$0x0], $0xffff  }
0x45a: {  	v13 =	vld.idx.msk [tilespmem:v13+s12+$0x0], $0xffff  }
0x45b: {  	v20 =	vld.idx.msk [tilespmem:v14+s1+$0x0], $0xffff  }
0x45c: {  	v14 =	vld.idx.msk [tilespmem:v14+s12+$0x0], $0xffff;
	_ =	sdelay $0x2  }
0x45d: {  	v18 =	vmul.f32 v15, v18;
	v19 =	vmul.f32 v16, v19  }
0x45e: {  	v12 =	vmul.f32 v15, v12;
	v13 =	vmul.f32 v16, v13  }
0x45f: {  	v16 =	vmul.f32 v17, v20;
	v15 =	vadd.f32 v19, v18;
	v19 =	vmul.f32 v17, v14;
	v17 =	vld [tilespmem:$0x1F560];
	_ =	sdelay $0x4  }
0x460: {  	v12 =	vadd.f32 v13, v12  }
0x461: {  	v18 =	vld [tilespmem:$0x1F570];
	v16 =	vadd.f32 v16, v15  }
0x462: {  	v12 =	vadd.f32 v19, v12;
	v19 =	vld [tilespmem:$0x1F580]  }
0x463: {  	[tilespmem:v17+s6+$0x0] =	vst.idx.msk $0xffff, v16;
	v16 =	vld [tilespmem:$0x1F590]  }
0x464: {  	v17 =	vld [tilespmem:$0x1F5A0];
	_ =	sdelay $0x4  }
0x465: {  	[tilespmem:v18+s6+$0x0] =	vst.idx.msk $0xffff, v12;
	v18 =	vld [tilespmem:$0x1F5B0]  }
0x466: {  	v12 =	vld.idx.msk [tilespmem:v19+s29+$0x0], $0xffff  }
0x467: {  	v13 =	vld.idx.msk [tilespmem:v16+s29+$0x0], $0xffff  }
0x468: {  	v14 =	vld.idx.msk [tilespmem:v17+s29+$0x0], $0xffff  }
0x469: {  	v16 =	vld [tilespmem:$0x1F5C0]  }
0x46a: {  	v17 =	vld [tilespmem:$0x1F5D0];
	_ =	sdelay $0x3  }
0x46b: {  	v15 =	vld.idx.msk [tilespmem:v18+s14+$0x0], $0xffff  }
0x46c: {  	v18 =	vld.idx.msk [tilespmem:v12+s1+$0x0], $0xffff  }
0x46d: {  	v12 =	vld.idx.msk [tilespmem:v12+s12+$0x0], $0xffff  }
0x46e: {  	v16 =	vld.idx.msk [tilespmem:v16+s14+$0x0], $0xffff  }
0x46f: {  	v17 =	vld.idx.msk [tilespmem:v17+s14+$0x0], $0xffff  }
0x470: {  	v19 =	vld.idx.msk [tilespmem:v13+s1+$0x0], $0xffff  }
0x471: {  	v13 =	vld.idx.msk [tilespmem:v13+s12+$0x0], $0xffff  }
0x472: {  	v20 =	vld.idx.msk [tilespmem:v14+s1+$0x0], $0xffff  }
0x473: {  	v14 =	vld.idx.msk [tilespmem:v14+s12+$0x0], $0xffff;
	_ =	sdelay $0x2  }
0x474: {  	v18 =	vmul.f32 v15, v18;
	v19 =	vmul.f32 v16, v19  }
0x475: {  	v12 =	vmul.f32 v15, v12;
	v13 =	vmul.f32 v16, v13  }
0x476: {  	v16 =	vmul.f32 v17, v20;
	v15 =	vadd.f32 v19, v18;
	v19 =	vmul.f32 v17, v14;
	v17 =	vld [tilespmem:$0x1F5E0];
	_ =	sdelay $0x4  }
0x477: {  	v12 =	vadd.f32 v13, v12  }
0x478: {  	v18 =	vld [tilespmem:$0x1F5F0];
	v16 =	vadd.f32 v16, v15  }
0x479: {  	v12 =	vadd.f32 v19, v12;
	v19 =	vld [tilespmem:$0x1F600]  }
0x47a: {  	[tilespmem:v17+s6+$0x0] =	vst.idx.msk $0xffff, v16;
	v16 =	vld [tilespmem:$0x1F610]  }
0x47b: {  	v17 =	vld [tilespmem:$0x1F620];
	_ =	sdelay $0x4  }
0x47c: {  	[tilespmem:v18+s6+$0x0] =	vst.idx.msk $0xffff, v12;
	v18 =	vld [tilespmem:$0x1F630]  }
0x47d: {  	v12 =	vld.idx.msk [tilespmem:v19+s29+$0x0], $0xffff  }
0x47e: {  	v13 =	vld.idx.msk [tilespmem:v16+s29+$0x0], $0xffff  }
0x47f: {  	v14 =	vld.idx.msk [tilespmem:v17+s29+$0x0], $0xffff  }
0x480: {  	v16 =	vld [tilespmem:$0x1F640]  }
0x481: {  	v17 =	vld [tilespmem:$0x1F650];
	_ =	sdelay $0x3  }
0x482: {  	v15 =	vld.idx.msk [tilespmem:v18+s14+$0x0], $0xffff  }
0x483: {  	v18 =	vld.idx.msk [tilespmem:v12+s1+$0x0], $0xffff  }
0x484: {  	v12 =	vld.idx.msk [tilespmem:v12+s12+$0x0], $0xffff  }
0x485: {  	v16 =	vld.idx.msk [tilespmem:v16+s14+$0x0], $0xffff  }
0x486: {  	v17 =	vld.idx.msk [tilespmem:v17+s14+$0x0], $0xffff  }
0x487: {  	v19 =	vld.idx.msk [tilespmem:v13+s1+$0x0], $0xffff  }
0x488: {  	v13 =	vld.idx.msk [tilespmem:v13+s12+$0x0], $0xffff  }
0x489: {  	v20 =	vld.idx.msk [tilespmem:v14+s1+$0x0], $0xffff  }
0x48a: {  	v14 =	vld.idx.msk [tilespmem:v14+s12+$0x0], $0xffff;
	_ =	sdelay $0x2  }
0x48b: {  	v18 =	vmul.f32 v15, v18;
	v19 =	vmul.f32 v16, v19  }
0x48c: {  	v12 =	vmul.f32 v15, v12;
	v13 =	vmul.f32 v16, v13  }
0x48d: {  	v16 =	vmul.f32 v17, v20;
	v15 =	vadd.f32 v19, v18;
	v19 =	vmul.f32 v17, v14;
	v17 =	vld [tilespmem:$0x1F660];
	_ =	sdelay $0x4  }
0x48e: {  	v12 =	vadd.f32 v13, v12  }
0x48f: {  	v18 =	vld [tilespmem:$0x1F670];
	v16 =	vadd.f32 v16, v15  }
0x490: {  	v12 =	vadd.f32 v19, v12;
	v19 =	vld [tilespmem:$0x1F680]  }
0x491: {  	[tilespmem:v17+s6+$0x0] =	vst.idx.msk $0xffff, v16;
	v16 =	vld [tilespmem:$0x1F690]  }
0x492: {  	v17 =	vld [tilespmem:$0x1F6A0];
	_ =	sdelay $0x4  }
0x493: {  	[tilespmem:v18+s6+$0x0] =	vst.idx.msk $0xffff, v12;
	v18 =	vld [tilespmem:$0x1F6B0]  }
0x494: {  	v12 =	vld.idx.msk [tilespmem:v19+s29+$0x0], $0xffff  }
0x495: {  	v13 =	vld.idx.msk [tilespmem:v16+s29+$0x0], $0xffff  }
0x496: {  	v14 =	vld.idx.msk [tilespmem:v17+s29+$0x0], $0xffff  }
0x497: {  	v16 =	vld [tilespmem:$0x1F6C0]  }
0x498: {  	v17 =	vld [tilespmem:$0x1F6D0];
	_ =	sdelay $0x3  }
0x499: {  	v15 =	vld.idx.msk [tilespmem:v18+s14+$0x0], $0xffff  }
0x49a: {  	v18 =	vld.idx.msk [tilespmem:v12+s1+$0x0], $0xffff  }
0x49b: {  	v12 =	vld.idx.msk [tilespmem:v12+s12+$0x0], $0xffff  }
0x49c: {  	v16 =	vld.idx.msk [tilespmem:v16+s14+$0x0], $0xffff  }
0x49d: {  	v17 =	vld.idx.msk [tilespmem:v17+s14+$0x0], $0xffff  }
0x49e: {  	v19 =	vld.idx.msk [tilespmem:v13+s1+$0x0], $0xffff  }
0x49f: {  	v13 =	vld.idx.msk [tilespmem:v13+s12+$0x0], $0xffff  }
0x4a0: {  	v20 =	vld.idx.msk [tilespmem:v14+s1+$0x0], $0xffff  }
0x4a1: {  	v14 =	vld.idx.msk [tilespmem:v14+s12+$0x0], $0xffff;
	_ =	sdelay $0x2  }
0x4a2: {  	v18 =	vmul.f32 v15, v18;
	v19 =	vmul.f32 v16, v19  }
0x4a3: {  	v12 =	vmul.f32 v15, v12;
	v13 =	vmul.f32 v16, v13  }
0x4a4: {  	v16 =	vmul.f32 v17, v20;
	v15 =	vadd.f32 v19, v18;
	v19 =	vmul.f32 v17, v14;
	v17 =	vld [tilespmem:$0x1F6E0];
	_ =	sdelay $0x4  }
0x4a5: {  	v12 =	vadd.f32 v13, v12  }
0x4a6: {  	v18 =	vld [tilespmem:$0x1F6F0];
	v16 =	vadd.f32 v16, v15  }
0x4a7: {  	v12 =	vadd.f32 v19, v12;
	v19 =	vld [tilespmem:$0x1F700]  }
0x4a8: {  	[tilespmem:v17+s6+$0x0] =	vst.idx.msk $0xffff, v16;
	v16 =	vld [tilespmem:$0x1F710]  }
0x4a9: {  	v17 =	vld [tilespmem:$0x1F720];
	_ =	sdelay $0x4  }
0x4aa: {  	[tilespmem:v18+s6+$0x0] =	vst.idx.msk $0xffff, v12;
	v18 =	vld [tilespmem:$0x1F730]  }
0x4ab: {  	v12 =	vld.idx.msk [tilespmem:v19+s29+$0x0], $0xffff  }
0x4ac: {  	v13 =	vld.idx.msk [tilespmem:v16+s29+$0x0], $0xffff  }
0x4ad: {  	v14 =	vld.idx.msk [tilespmem:v17+s29+$0x0], $0xffff  }
0x4ae: {  	v16 =	vld [tilespmem:$0x1F740]  }
0x4af: {  	v17 =	vld [tilespmem:$0x1F750];
	_ =	sdelay $0x3  }
0x4b0: {  	v15 =	vld.idx.msk [tilespmem:v18+s14+$0x0], $0xffff  }
0x4b1: {  	v18 =	vld.idx.msk [tilespmem:v12+s1+$0x0], $0xffff  }
0x4b2: {  	v12 =	vld.idx.msk [tilespmem:v12+s12+$0x0], $0xffff  }
0x4b3: {  	v16 =	vld.idx.msk [tilespmem:v16+s14+$0x0], $0xffff  }
0x4b4: {  	v17 =	vld.idx.msk [tilespmem:v17+s14+$0x0], $0xffff  }
0x4b5: {  	v19 =	vld.idx.msk [tilespmem:v13+s1+$0x0], $0xffff  }
0x4b6: {  	v13 =	vld.idx.msk [tilespmem:v13+s12+$0x0], $0xffff  }
0x4b7: {  	v20 =	vld.idx.msk [tilespmem:v14+s1+$0x0], $0xffff  }
0x4b8: {  	v14 =	vld.idx.msk [tilespmem:v14+s12+$0x0], $0xffff;
	_ =	sdelay $0x2  }
0x4b9: {  	v18 =	vmul.f32 v15, v18;
	v19 =	vmul.f32 v16, v19  }
0x4ba: {  	v12 =	vmul.f32 v15, v12;
	v13 =	vmul.f32 v16, v13  }
0x4bb: {  	v16 =	vmul.f32 v17, v20;
	v15 =	vadd.f32 v19, v18;
	v19 =	vmul.f32 v17, v14;
	v17 =	vld [tilespmem:$0x1F760];
	_ =	sdelay $0x4  }
0x4bc: {  	v12 =	vadd.f32 v13, v12  }
0x4bd: {  	v18 =	vld [tilespmem:$0x1F770];
	v16 =	vadd.f32 v16, v15  }
0x4be: {  	v12 =	vadd.f32 v19, v12;
	v19 =	vld [tilespmem:$0x1F780]  }
0x4bf: {  	[tilespmem:v17+s6+$0x0] =	vst.idx.msk $0xffff, v16;
	v16 =	vld [tilespmem:$0x1F790]  }
0x4c0: {  	v17 =	vld [tilespmem:$0x1F7A0];
	_ =	sdelay $0x4  }
0x4c1: {  	[tilespmem:v18+s6+$0x0] =	vst.idx.msk $0xffff, v12;
	v18 =	vld [tilespmem:$0x1F7B0]  }
0x4c2: {  	v12 =	vld.idx.msk [tilespmem:v19+s29+$0x0], $0xffff  }
0x4c3: {  	v13 =	vld.idx.msk [tilespmem:v16+s29+$0x0], $0xffff  }
0x4c4: {  	v14 =	vld.idx.msk [tilespmem:v17+s29+$0x0], $0xffff  }
0x4c5: {  	v16 =	vld [tilespmem:$0x1F7C0]  }
0x4c6: {  	v17 =	vld [tilespmem:$0x1F7D0];
	_ =	sdelay $0x3  }
0x4c7: {  	v15 =	vld.idx.msk [tilespmem:v18+s14+$0x0], $0xffff  }
0x4c8: {  	v18 =	vld.idx.msk [tilespmem:v12+s1+$0x0], $0xffff  }
0x4c9: {  	v12 =	vld.idx.msk [tilespmem:v12+s12+$0x0], $0xffff  }
0x4ca: {  	v16 =	vld.idx.msk [tilespmem:v16+s14+$0x0], $0xffff  }
0x4cb: {  	v17 =	vld.idx.msk [tilespmem:v17+s14+$0x0], $0xffff  }
0x4cc: {  	v19 =	vld.idx.msk [tilespmem:v13+s1+$0x0], $0xffff  }
0x4cd: {  	v13 =	vld.idx.msk [tilespmem:v13+s12+$0x0], $0xffff  }
0x4ce: {  	v20 =	vld.idx.msk [tilespmem:v14+s1+$0x0], $0xffff  }
0x4cf: {  	v14 =	vld.idx.msk [tilespmem:v14+s12+$0x0], $0xffff;
	_ =	sdelay $0x2  }
0x4d0: {  	v18 =	vmul.f32 v15, v18;
	v19 =	vmul.f32 v16, v19  }
0x4d1: {  	v12 =	vmul.f32 v15, v12;
	v13 =	vmul.f32 v16, v13  }
0x4d2: {  	v16 =	vmul.f32 v17, v20;
	v15 =	vadd.f32 v19, v18;
	v19 =	vmul.f32 v17, v14;
	v17 =	vld [tilespmem:$0x1F7E0];
	_ =	sdelay $0x4  }
0x4d3: {  	v12 =	vadd.f32 v13, v12  }
0x4d4: {  	v18 =	vld [tilespmem:$0x1F7F0];
	v16 =	vadd.f32 v16, v15  }
0x4d5: {  	v12 =	vadd.f32 v19, v12;
	v19 =	vld [tilespmem:$0x1F800]  }
0x4d6: {  	[tilespmem:v17+s6+$0x0] =	vst.idx.msk $0xffff, v16;
	v16 =	vld [tilespmem:$0x1F810]  }
0x4d7: {  	v17 =	vld [tilespmem:$0x1F820];
	_ =	sdelay $0x4  }
0x4d8: {  	[tilespmem:v18+s6+$0x0] =	vst.idx.msk $0xffff, v12;
	v18 =	vld [tilespmem:$0x1F830]  }
0x4d9: {  	v12 =	vld.idx.msk [tilespmem:v19+s29+$0x0], $0xffff  }
0x4da: {  	v13 =	vld.idx.msk [tilespmem:v16+s29+$0x0], $0xffff  }
0x4db: {  	v14 =	vld.idx.msk [tilespmem:v17+s29+$0x0], $0xffff  }
0x4dc: {  	v16 =	vld [tilespmem:$0x1F840]  }
0x4dd: {  	v17 =	vld [tilespmem:$0x1F850];
	_ =	sdelay $0x3  }
0x4de: {  	v15 =	vld.idx.msk [tilespmem:v18+s14+$0x0], $0xffff  }
0x4df: {  	v18 =	vld.idx.msk [tilespmem:v12+s1+$0x0], $0xffff  }
0x4e0: {  	v12 =	vld.idx.msk [tilespmem:v12+s12+$0x0], $0xffff  }
0x4e1: {  	v16 =	vld.idx.msk [tilespmem:v16+s14+$0x0], $0xffff  }
0x4e2: {  	v17 =	vld.idx.msk [tilespmem:v17+s14+$0x0], $0xffff  }
0x4e3: {  	v19 =	vld.idx.msk [tilespmem:v13+s1+$0x0], $0xffff  }
0x4e4: {  	v13 =	vld.idx.msk [tilespmem:v13+s12+$0x0], $0xffff  }
0x4e5: {  	v20 =	vld.idx.msk [tilespmem:v14+s1+$0x0], $0xffff  }
0x4e6: {  	v14 =	vld.idx.msk [tilespmem:v14+s12+$0x0], $0xffff;
	_ =	sdelay $0x2  }
0x4e7: {  	v18 =	vmul.f32 v15, v18;
	v19 =	vmul.f32 v16, v19  }
0x4e8: {  	v12 =	vmul.f32 v15, v12;
	v13 =	vmul.f32 v16, v13  }
0x4e9: {  	v16 =	vmul.f32 v17, v20;
	v15 =	vadd.f32 v19, v18;
	v19 =	vmul.f32 v17, v14;
	v17 =	vld [tilespmem:$0x1F860];
	_ =	sdelay $0x4  }
0x4ea: {  	v12 =	vadd.f32 v13, v12  }
0x4eb: {  	v18 =	vld [tilespmem:$0x1F870];
	v16 =	vadd.f32 v16, v15  }
0x4ec: {  	v12 =	vadd.f32 v19, v12;
	v19 =	vld [tilespmem:$0x1F880]  }
0x4ed: {  	[tilespmem:v17+s6+$0x0] =	vst.idx.msk $0xffff, v16;
	v16 =	vld [tilespmem:$0x1F890]  }
0x4ee: {  	v17 =	vld [tilespmem:$0x1F8A0];
	_ =	sdelay $0x4  }
0x4ef: {  	[tilespmem:v18+s6+$0x0] =	vst.idx.msk $0xffff, v12;
	v18 =	vld [tilespmem:$0x1F8B0]  }
0x4f0: {  	v12 =	vld.idx.msk [tilespmem:v19+s29+$0x0], $0xffff  }
0x4f1: {  	v13 =	vld.idx.msk [tilespmem:v16+s29+$0x0], $0xffff  }
0x4f2: {  	v14 =	vld.idx.msk [tilespmem:v17+s29+$0x0], $0xffff  }
0x4f3: {  	v16 =	vld [tilespmem:$0x1F8C0]  }
0x4f4: {  	v17 =	vld [tilespmem:$0x1F8D0];
	_ =	sdelay $0x3  }
0x4f5: {  	v15 =	vld.idx.msk [tilespmem:v18+s14+$0x0], $0xffff  }
0x4f6: {  	v18 =	vld.idx.msk [tilespmem:v12+s1+$0x0], $0xffff  }
0x4f7: {  	v12 =	vld.idx.msk [tilespmem:v12+s12+$0x0], $0xffff  }
0x4f8: {  	v16 =	vld.idx.msk [tilespmem:v16+s14+$0x0], $0xffff  }
0x4f9: {  	v17 =	vld.idx.msk [tilespmem:v17+s14+$0x0], $0xffff  }
0x4fa: {  	v19 =	vld.idx.msk [tilespmem:v13+s1+$0x0], $0xffff  }
0x4fb: {  	v13 =	vld.idx.msk [tilespmem:v13+s12+$0x0], $0xffff  }
0x4fc: {  	v20 =	vld.idx.msk [tilespmem:v14+s1+$0x0], $0xffff  }
0x4fd: {  	v14 =	vld.idx.msk [tilespmem:v14+s12+$0x0], $0xffff;
	_ =	sdelay $0x2  }
0x4fe: {  	v18 =	vmul.f32 v15, v18;
	v19 =	vmul.f32 v16, v19  }
0x4ff: {  	v12 =	vmul.f32 v15, v12;
	v13 =	vmul.f32 v16, v13  }
0x500: {  	v16 =	vmul.f32 v17, v20;
	v15 =	vadd.f32 v19, v18;
	v19 =	vmul.f32 v17, v14;
	v17 =	vld [tilespmem:$0x1F8E0];
	_ =	sdelay $0x4  }
0x501: {  	v12 =	vadd.f32 v13, v12  }
0x502: {  	v18 =	vld [tilespmem:$0x1F8F0];
	v16 =	vadd.f32 v16, v15  }
0x503: {  	v12 =	vadd.f32 v19, v12;
	v19 =	vld [tilespmem:$0x1F900]  }
0x504: {  	[tilespmem:v17+s6+$0x0] =	vst.idx.msk $0xffff, v16;
	v16 =	vld [tilespmem:$0x1F910]  }
0x505: {  	v17 =	vld [tilespmem:$0x1F920];
	_ =	sdelay $0x4  }
0x506: {  	[tilespmem:v18+s6+$0x0] =	vst.idx.msk $0xffff, v12;
	v18 =	vld [tilespmem:$0x1F930]  }
0x507: {  	v12 =	vld.idx.msk [tilespmem:v19+s29+$0x0], $0xffff  }
0x508: {  	v13 =	vld.idx.msk [tilespmem:v16+s29+$0x0], $0xffff  }
0x509: {  	v14 =	vld.idx.msk [tilespmem:v17+s29+$0x0], $0xffff  }
0x50a: {  	v16 =	vld [tilespmem:$0x1F940]  }
0x50b: {  	v17 =	vld [tilespmem:$0x1F950];
	_ =	sdelay $0x3  }
0x50c: {  	v15 =	vld.idx.msk [tilespmem:v18+s14+$0x0], $0xffff  }
0x50d: {  	v18 =	vld.idx.msk [tilespmem:v12+s1+$0x0], $0xffff  }
0x50e: {  	v12 =	vld.idx.msk [tilespmem:v12+s12+$0x0], $0xffff  }
0x50f: {  	v16 =	vld.idx.msk [tilespmem:v16+s14+$0x0], $0xffff  }
0x510: {  	v17 =	vld.idx.msk [tilespmem:v17+s14+$0x0], $0xffff  }
0x511: {  	v19 =	vld.idx.msk [tilespmem:v13+s1+$0x0], $0xffff  }
0x512: {  	v13 =	vld.idx.msk [tilespmem:v13+s12+$0x0], $0xffff  }
0x513: {  	v20 =	vld.idx.msk [tilespmem:v14+s1+$0x0], $0xffff  }
0x514: {  	v14 =	vld.idx.msk [tilespmem:v14+s12+$0x0], $0xffff;
	_ =	sdelay $0x2  }
0x515: {  	v18 =	vmul.f32 v15, v18;
	v19 =	vmul.f32 v16, v19  }
0x516: {  	v12 =	vmul.f32 v15, v12;
	v13 =	vmul.f32 v16, v13  }
0x517: {  	v16 =	vmul.f32 v17, v20;
	v15 =	vadd.f32 v19, v18;
	v19 =	vmul.f32 v17, v14;
	v17 =	vld [tilespmem:$0x1F960];
	_ =	sdelay $0x4  }
0x518: {  	v12 =	vadd.f32 v13, v12  }
0x519: {  	v18 =	vld [tilespmem:$0x1F970];
	v16 =	vadd.f32 v16, v15  }
0x51a: {  	v12 =	vadd.f32 v19, v12;
	v19 =	vld [tilespmem:$0x1F980]  }
0x51b: {  	[tilespmem:v17+s6+$0x0] =	vst.idx.msk $0xffff, v16;
	v16 =	vld [tilespmem:$0x1F990]  }
0x51c: {  	v17 =	vld [tilespmem:$0x1F9A0];
	_ =	sdelay $0x4  }
0x51d: {  	[tilespmem:v18+s6+$0x0] =	vst.idx.msk $0xffff, v12;
	v18 =	vld [tilespmem:$0x1F9B0]  }
0x51e: {  	v12 =	vld.idx.msk [tilespmem:v19+s29+$0x0], $0xffff  }
0x51f: {  	v13 =	vld.idx.msk [tilespmem:v16+s29+$0x0], $0xffff  }
0x520: {  	v14 =	vld.idx.msk [tilespmem:v17+s29+$0x0], $0xffff  }
0x521: {  	v16 =	vld [tilespmem:$0x1F9C0]  }
0x522: {  	v17 =	vld [tilespmem:$0x1F9D0];
	_ =	sdelay $0x3  }
0x523: {  	v15 =	vld.idx.msk [tilespmem:v18+s14+$0x0], $0xffff  }
0x524: {  	v18 =	vld.idx.msk [tilespmem:v12+s1+$0x0], $0xffff  }
0x525: {  	v12 =	vld.idx.msk [tilespmem:v12+s12+$0x0], $0xffff  }
0x526: {  	v16 =	vld.idx.msk [tilespmem:v16+s14+$0x0], $0xffff  }
0x527: {  	v17 =	vld.idx.msk [tilespmem:v17+s14+$0x0], $0xffff  }
0x528: {  	v19 =	vld.idx.msk [tilespmem:v13+s1+$0x0], $0xffff  }
0x529: {  	v13 =	vld.idx.msk [tilespmem:v13+s12+$0x0], $0xffff  }
0x52a: {  	v20 =	vld.idx.msk [tilespmem:v14+s1+$0x0], $0xffff  }
0x52b: {  	v14 =	vld.idx.msk [tilespmem:v14+s12+$0x0], $0xffff;
	_ =	sdelay $0x2  }
0x52c: {  	v18 =	vmul.f32 v15, v18;
	v19 =	vmul.f32 v16, v19  }
0x52d: {  	v12 =	vmul.f32 v15, v12;
	v13 =	vmul.f32 v16, v13  }
0x52e: {  	v16 =	vmul.f32 v17, v20;
	v15 =	vadd.f32 v19, v18;
	v19 =	vmul.f32 v17, v14;
	v17 =	vld [tilespmem:$0x1F9E0];
	_ =	sdelay $0x4  }
0x52f: {  	v12 =	vadd.f32 v13, v12  }
0x530: {  	v18 =	vld [tilespmem:$0x1F9F0];
	v16 =	vadd.f32 v16, v15  }
0x531: {  	v12 =	vadd.f32 v19, v12;
	v19 =	vld [tilespmem:$0x1FA00]  }
0x532: {  	[tilespmem:v17+s6+$0x0] =	vst.idx.msk $0xffff, v16;
	v16 =	vld [tilespmem:$0x1FA10]  }
0x533: {  	v17 =	vld [tilespmem:$0x1FA20];
	_ =	sdelay $0x4  }
0x534: {  	[tilespmem:v18+s6+$0x0] =	vst.idx.msk $0xffff, v12;
	v18 =	vld [tilespmem:$0x1FA30]  }
0x535: {  	v12 =	vld.idx.msk [tilespmem:v19+s29+$0x0], $0xffff  }
0x536: {  	v13 =	vld.idx.msk [tilespmem:v16+s29+$0x0], $0xffff  }
0x537: {  	v14 =	vld.idx.msk [tilespmem:v17+s29+$0x0], $0xffff  }
0x538: {  	v16 =	vld [tilespmem:$0x1FA40]  }
0x539: {  	v17 =	vld [tilespmem:$0x1FA50];
	_ =	sdelay $0x3  }
0x53a: {  	v15 =	vld.idx.msk [tilespmem:v18+s14+$0x0], $0xffff  }
0x53b: {  	v18 =	vld.idx.msk [tilespmem:v12+s1+$0x0], $0xffff  }
0x53c: {  	v12 =	vld.idx.msk [tilespmem:v12+s12+$0x0], $0xffff  }
0x53d: {  	v16 =	vld.idx.msk [tilespmem:v16+s14+$0x0], $0xffff  }
0x53e: {  	v17 =	vld.idx.msk [tilespmem:v17+s14+$0x0], $0xffff  }
0x53f: {  	v19 =	vld.idx.msk [tilespmem:v13+s1+$0x0], $0xffff  }
0x540: {  	v13 =	vld.idx.msk [tilespmem:v13+s12+$0x0], $0xffff  }
0x541: {  	v20 =	vld.idx.msk [tilespmem:v14+s1+$0x0], $0xffff  }
0x542: {  	v14 =	vld.idx.msk [tilespmem:v14+s12+$0x0], $0xffff;
	_ =	sdelay $0x2  }
0x543: {  	v18 =	vmul.f32 v15, v18;
	v19 =	vmul.f32 v16, v19  }
0x544: {  	v12 =	vmul.f32 v15, v12;
	v13 =	vmul.f32 v16, v13  }
0x545: {  	v16 =	vmul.f32 v17, v20;
	v15 =	vadd.f32 v19, v18;
	v19 =	vmul.f32 v17, v14;
	v17 =	vld [tilespmem:$0x1FA60];
	_ =	sdelay $0x4  }
0x546: {  	v12 =	vadd.f32 v13, v12  }
0x547: {  	v18 =	vld [tilespmem:$0x1FA70];
	v16 =	vadd.f32 v16, v15  }
0x548: {  	v12 =	vadd.f32 v19, v12;
	v19 =	vld [tilespmem:$0x1FA80]  }
0x549: {  	[tilespmem:v17+s6+$0x0] =	vst.idx.msk $0xffff, v16;
	v16 =	vld [tilespmem:$0x1FA90]  }
0x54a: {  	v17 =	vld [tilespmem:$0x1FAA0];
	_ =	sdelay $0x4  }
0x54b: {  	[tilespmem:v18+s6+$0x0] =	vst.idx.msk $0xffff, v12;
	v18 =	vld [tilespmem:$0x1FAB0]  }
0x54c: {  	v12 =	vld.idx.msk [tilespmem:v19+s29+$0x0], $0xffff  }
0x54d: {  	v13 =	vld.idx.msk [tilespmem:v16+s29+$0x0], $0xffff  }
0x54e: {  	v14 =	vld.idx.msk [tilespmem:v17+s29+$0x0], $0xffff  }
0x54f: {  	v16 =	vld [tilespmem:$0x1FAC0]  }
0x550: {  	v17 =	vld [tilespmem:$0x1FAD0];
	_ =	sdelay $0x3  }
0x551: {  	v15 =	vld.idx.msk [tilespmem:v18+s14+$0x0], $0xffff  }
0x552: {  	v18 =	vld.idx.msk [tilespmem:v12+s1+$0x0], $0xffff  }
0x553: {  	v12 =	vld.idx.msk [tilespmem:v12+s12+$0x0], $0xffff  }
0x554: {  	v16 =	vld.idx.msk [tilespmem:v16+s14+$0x0], $0xffff  }
0x555: {  	v17 =	vld.idx.msk [tilespmem:v17+s14+$0x0], $0xffff  }
0x556: {  	v19 =	vld.idx.msk [tilespmem:v13+s1+$0x0], $0xffff  }
0x557: {  	v13 =	vld.idx.msk [tilespmem:v13+s12+$0x0], $0xffff  }
0x558: {  	v20 =	vld.idx.msk [tilespmem:v14+s1+$0x0], $0xffff  }
0x559: {  	v14 =	vld.idx.msk [tilespmem:v14+s12+$0x0], $0xffff;
	_ =	sdelay $0x2  }
0x55a: {  	v18 =	vmul.f32 v15, v18;
	v19 =	vmul.f32 v16, v19  }
0x55b: {  	v12 =	vmul.f32 v15, v12;
	v13 =	vmul.f32 v16, v13  }
0x55c: {  	v16 =	vmul.f32 v17, v20;
	v15 =	vadd.f32 v19, v18;
	v19 =	vmul.f32 v17, v14;
	v17 =	vld [tilespmem:$0x1FAE0];
	_ =	sdelay $0x4  }
0x55d: {  	v12 =	vadd.f32 v13, v12  }
0x55e: {  	v18 =	vld [tilespmem:$0x1FAF0];
	v16 =	vadd.f32 v16, v15  }
0x55f: {  	v12 =	vadd.f32 v19, v12;
	v19 =	vld [tilespmem:$0x1FB00]  }
0x560: {  	[tilespmem:v17+s6+$0x0] =	vst.idx.msk $0xffff, v16;
	v16 =	vld [tilespmem:$0x1FB10]  }
0x561: {  	v17 =	vld [tilespmem:$0x1FB20];
	_ =	sdelay $0x4  }
0x562: {  	[tilespmem:v18+s6+$0x0] =	vst.idx.msk $0xffff, v12;
	v18 =	vld [tilespmem:$0x1FB30]  }
0x563: {  	v12 =	vld.idx.msk [tilespmem:v19+s29+$0x0], $0xffff  }
0x564: {  	v13 =	vld.idx.msk [tilespmem:v16+s29+$0x0], $0xffff  }
0x565: {  	v14 =	vld.idx.msk [tilespmem:v17+s29+$0x0], $0xffff  }
0x566: {  	v16 =	vld [tilespmem:$0x1FB40]  }
0x567: {  	v17 =	vld [tilespmem:$0x1FB50];
	_ =	sdelay $0x3  }
0x568: {  	v15 =	vld.idx.msk [tilespmem:v18+s14+$0x0], $0xffff  }
0x569: {  	v18 =	vld.idx.msk [tilespmem:v12+s1+$0x0], $0xffff  }
0x56a: {  	v12 =	vld.idx.msk [tilespmem:v12+s12+$0x0], $0xffff  }
0x56b: {  	v16 =	vld.idx.msk [tilespmem:v16+s14+$0x0], $0xffff  }
0x56c: {  	v17 =	vld.idx.msk [tilespmem:v17+s14+$0x0], $0xffff  }
0x56d: {  	v19 =	vld.idx.msk [tilespmem:v13+s1+$0x0], $0xffff  }
0x56e: {  	v13 =	vld.idx.msk [tilespmem:v13+s12+$0x0], $0xffff  }
0x56f: {  	v20 =	vld.idx.msk [tilespmem:v14+s1+$0x0], $0xffff  }
0x570: {  	v14 =	vld.idx.msk [tilespmem:v14+s12+$0x0], $0xffff;
	_ =	sdelay $0x2  }
0x571: {  	v18 =	vmul.f32 v15, v18;
	v19 =	vmul.f32 v16, v19  }
0x572: {  	v12 =	vmul.f32 v15, v12;
	v13 =	vmul.f32 v16, v13  }
0x573: {  	v16 =	vmul.f32 v17, v20;
	v15 =	vadd.f32 v19, v18;
	v19 =	vmul.f32 v17, v14;
	v17 =	vld [tilespmem:$0x1FB60];
	_ =	sdelay $0x4  }
0x574: {  	v12 =	vadd.f32 v13, v12  }
0x575: {  	v18 =	vld [tilespmem:$0x1FB70];
	v16 =	vadd.f32 v16, v15  }
0x576: {  	v12 =	vadd.f32 v19, v12;
	v19 =	vld [tilespmem:$0x1FB80]  }
0x577: {  	[tilespmem:v17+s6+$0x0] =	vst.idx.msk $0xffff, v16;
	v16 =	vld [tilespmem:$0x1FB90];
	_ =	sdelay $0x3  }
0x578: {  	v17 =	vld [tilespmem:$0x1FBA0];
	_ =	sdelay $0x1  }
0x579: {  	[tilespmem:v18+s6+$0x0] =	vst.idx.msk $0xffff, v12;
	v18 =	vld [tilespmem:$0x1FBB0]  }
0x57a: {  	v12 =	vld.idx.msk [tilespmem:v19+s29+$0x0], $0xffff  }
0x57b: {  	v13 =	vld.idx.msk [tilespmem:v16+s29+$0x0], $0xffff  }
0x57c: {  	v16 =	vld [tilespmem:$0x1FBC0];
	_ =	sdelay $0x2  }
0x57d: {  	v14 =	vld.idx.msk [tilespmem:v17+s29+$0x0], $0xffff  }
0x57e: {  	v17 =	vld [tilespmem:$0x1FBD0];
	_ =	sdelay $0x1  }
0x57f: {  	v15 =	vld.idx.msk [tilespmem:v18+s14+$0x0], $0xffff  }
0x580: {  	v18 =	vld.idx.msk [tilespmem:v12+s1+$0x0], $0xffff  }
0x581: {  	v16 =	vld.idx.msk [tilespmem:v16+s14+$0x0], $0xffff  }
0x582: {  	v19 =	vld.idx.msk [tilespmem:v13+s1+$0x0], $0xffff;
	_ =	sdelay $0x1  }
0x583: {  	v12 =	vld.idx.msk [tilespmem:v12+s12+$0x0], $0xffff  }
0x584: {  	v17 =	vld.idx.msk [tilespmem:v17+s14+$0x0], $0xffff  }
0x585: {  	v13 =	vld.idx.msk [tilespmem:v13+s12+$0x0], $0xffff  }
0x586: {  	v18 =	vmul.f32 v15, v18;
	v20 =	vld.idx.msk [tilespmem:v14+s1+$0x0], $0xffff;
	v19 =	vmul.f32 v16, v19  }
0x587: {  	v14 =	vld.idx.msk [tilespmem:v14+s12+$0x0], $0xffff  }
0x588: {  	v12 =	vmul.f32 v15, v12;
	v15 =	vadd.f32 v19, v18;
	v18 =	vld [tilespmem:$0x1FBE0];
	_ =	sdelay $0x1  }
0x589: {  	v13 =	vmul.f32 v16, v13;
	_ =	sdelay $0x1  }
0x58a: {  	v16 =	vmul.f32 v17, v20;
	v12 =	vadd.f32 v13, v12;
	v19 =	vmul.f32 v17, v14;
	_ =	sdelay $0x1  }
0x58b: {  	v17 =	vadd.f32 v16, v15;
	v12 =	vadd.f32 v19, v12;
	v19 =	vld [tilespmem:$0x1FBF0]  }
0x58c: {  	v16 =	vld [tilespmem:$0x1FC00]  }
0x58d: {  	[tilespmem:v18+s6+$0x0] =	vst.idx.msk $0xffff, v17;
	v17 =	vld [tilespmem:$0x1FC10];
	_ =	sdelay $0x1  }
0x58e: {  	v18 =	vld [tilespmem:$0x1FC20];
	_ =	sdelay $0x3  }
0x58f: {  	[tilespmem:v19+s6+$0x0] =	vst.idx.msk $0xffff, v12;
	v19 =	vld [tilespmem:$0x1FC30]  }
0x590: {  	v12 =	vld.idx.msk [tilespmem:v16+s29+$0x0], $0xffff  }
0x591: {  	v13 =	vld.idx.msk [tilespmem:v17+s29+$0x0], $0xffff;
	_ =	sdelay $0x1  }
0x592: {  	v14 =	vld.idx.msk [tilespmem:v18+s29+$0x0], $0xffff;
	_ =	sdelay $0x1  }
0x593: {  	v16 =	vld.idx.msk [tilespmem:v23+s14+$0x0], $0xffff  }
0x594: {  	v17 =	vld.idx.msk [tilespmem:v25+s14+$0x0], $0xffff  }
0x595: {  	v15 =	vld.idx.msk [tilespmem:v19+s14+$0x0], $0xffff  }
0x596: {  	v18 =	vld.idx.msk [tilespmem:v12+s1+$0x0], $0xffff  }
0x597: {  	v25 =	vld.idx.msk [tilespmem:v13+s1+$0x0], $0xffff  }
0x598: {  	v12 =	vld.idx.msk [tilespmem:v12+s12+$0x0], $0xffff  }
0x599: {  	v20 =	vld.idx.msk [tilespmem:v14+s1+$0x0], $0xffff;
	_ =	sdelay $0x2  }
0x59a: {  	v18 =	vmul.f32 v15, v18;
	v19 =	vmul.f32 v16, v25  }
0x59b: {  	v13 =	vld.idx.msk [tilespmem:v13+s12+$0x0], $0xffff  }
0x59c: {  	v14 =	vld.idx.msk [tilespmem:v14+s12+$0x0], $0xffff;
	v12 =	vmul.f32 v15, v12;
	v25 =	vmul.f32 v17, v20;
	v15 =	vadd.f32 v19, v18  }
0x59d: {  	v19 =	vld [tilespmem:$0x1FC40]  }
0x59e: {  	v18 =	vadd.f32 v25, v15;
	v25 =	vld [tilespmem:$0x1FC50];
	_ =	sdelay $0x1  }
0x59f: {  	v13 =	vmul.f32 v16, v13;
	_ =	sdelay $0x1  }
0x5a0: {  	v17 =	vmul.f32 v17, v14;
	v12 =	vadd.f32 v13, v12;
	_ =	sdelay $0x1  }
0x5a1: {  	v12 =	vadd.f32 v17, v12  }
0x5a2: {  	[tilespmem:v19+s6+$0x0] =	vst.idx.msk $0xffff, v18  }
0x5a3: {  	[tilespmem:v25+s6+$0x0] =	vst.idx.msk $0xffff, v12  }
0x5a4: {  	v12 =	vld.idx.msk [tilespmem:v24+s29+$0x0], $0xffff  }
0x5a5: {  	v13 =	vld.idx.msk [tilespmem:v26+s29+$0x0], $0xffff;
	_ =	sdelay $0x2  }
0x5a6: {  	v14 =	vld.idx.msk [tilespmem:v28+s29+$0x0], $0xffff  }
0x5a7: {  	v28 =	vld.idx.msk [tilespmem:v30+s14+$0x0], $0xffff  }
0x5a8: {  	v30 =	vld.idx.msk [tilespmem:v31+s14+$0x0], $0xffff  }
0x5a9: {  	v31 =	vld.idx.msk [tilespmem:v33+s14+$0x0], $0xffff  }
0x5aa: {  	v33 =	vld.idx.msk [tilespmem:v12+s1+$0x0], $0xffff  }
0x5ab: {  	v24 =	vld.idx.msk [tilespmem:v13+s1+$0x0], $0xffff  }
0x5ac: {  	v12 =	vld.idx.msk [tilespmem:v12+s12+$0x0], $0xffff  }
0x5ad: {  	v13 =	vld.idx.msk [tilespmem:v13+s12+$0x0], $0xffff  }
0x5ae: {  	v20 =	vld.idx.msk [tilespmem:v14+s1+$0x0], $0xffff  }
0x5af: {  	v14 =	vld.idx.msk [tilespmem:v14+s12+$0x0], $0xffff;
	_ =	sdelay $0x1  }
0x5b0: {  	v18 =	vmul.f32 v28, v33;
	v19 =	vmul.f32 v30, v24  }
0x5b1: {  	v12 =	vmul.f32 v28, v12;
	v13 =	vmul.f32 v30, v13  }
0x5b2: {  	v26 =	vmul.f32 v31, v20;
	v25 =	vadd.f32 v19, v18  }
0x5b3: {  	v28 =	vmul.f32 v31, v14;
	v12 =	vadd.f32 v13, v12  }
0x5b4: {  	v30 =	vadd.f32 v26, v25  }
0x5b5: {  	v12 =	vadd.f32 v28, v12  }
0x5b6: {  	[tilespmem:v27+s6+$0x0] =	vst.idx.msk $0xffff, v30  }
0x5b7: {  	[tilespmem:v29+s6+$0x0] =	vst.idx.msk $0xffff, v12  }
0x5b8: {  	v12 =	vld.idx.msk [tilespmem:v32+s29+$0x0], $0xffff  }
0x5b9: {  	v31 =	vld.idx.msk [tilespmem:v34+s29+$0x0], $0xffff;
	_ =	sdelay $0x2  }
0x5ba: {  	v14 =	vld.idx.msk [tilespmem:v36+s29+$0x0], $0xffff  }
0x5bb: {  	v32 =	vld.idx.msk [tilespmem:v38+s14+$0x0], $0xffff  }
0x5bc: {  	v33 =	vld.idx.msk [tilespmem:v39+s14+$0x0], $0xffff  }
0x5bd: {  	v34 =	vld.idx.msk [tilespmem:v41+s14+$0x0], $0xffff  }
0x5be: {  	v36 =	vld.idx.msk [tilespmem:v12+s1+$0x0], $0xffff  }
0x5bf: {  	v38 =	vld.idx.msk [tilespmem:v31+s1+$0x0], $0xffff  }
0x5c0: {  	v12 =	vld.idx.msk [tilespmem:v12+s12+$0x0], $0xffff  }
0x5c1: {  	v13 =	vld.idx.msk [tilespmem:v31+s12+$0x0], $0xffff  }
0x5c2: {  	v20 =	vld.idx.msk [tilespmem:v14+s1+$0x0], $0xffff  }
0x5c3: {  	v14 =	vld.idx.msk [tilespmem:v14+s12+$0x0], $0xffff;
	_ =	sdelay $0x1  }
0x5c4: {  	v18 =	vmul.f32 v32, v36;
	v19 =	vmul.f32 v33, v38  }
0x5c5: {  	v12 =	vmul.f32 v32, v12;
	v13 =	vmul.f32 v33, v13  }
0x5c6: {  	v41 =	vmul.f32 v34, v20;
	v39 =	vadd.f32 v19, v18  }
0x5c7: {  	v12 =	vadd.f32 v13, v12;
	v19 =	vmul.f32 v34, v14  }
0x5c8: {  	v24 =	vadd.f32 v41, v39  }
0x5c9: {  	v12 =	vadd.f32 v19, v12  }
0x5ca: {  	[tilespmem:v35+s6+$0x0] =	vst.idx.msk $0xffff, v24  }
0x5cb: {  	[tilespmem:v37+s6+$0x0] =	vst.idx.msk $0xffff, v12  }
0x5cc: {  	v12 =	vld.idx.msk [tilespmem:v40+s29+$0x0], $0xffff  }
0x5cd: {  	v25 =	vld.idx.msk [tilespmem:v42+s29+$0x0], $0xffff;
	_ =	sdelay $0x2  }
0x5ce: {  	v14 =	vld.idx.msk [tilespmem:v44+s29+$0x0], $0xffff  }
0x5cf: {  	v26 =	vld.idx.msk [tilespmem:v46+s14+$0x0], $0xffff  }
0x5d0: {  	v27 =	vld.idx.msk [tilespmem:v47+s14+$0x0], $0xffff  }
0x5d1: {  	v28 =	vld.idx.msk [tilespmem:v49+s14+$0x0], $0xffff  }
0x5d2: {  	v29 =	vld.idx.msk [tilespmem:v12+s1+$0x0], $0xffff  }
0x5d3: {  	v30 =	vld.idx.msk [tilespmem:v25+s1+$0x0], $0xffff  }
0x5d4: {  	v12 =	vld.idx.msk [tilespmem:v12+s12+$0x0], $0xffff  }
0x5d5: {  	v13 =	vld.idx.msk [tilespmem:v25+s12+$0x0], $0xffff  }
0x5d6: {  	v20 =	vld.idx.msk [tilespmem:v14+s1+$0x0], $0xffff  }
0x5d7: {  	v14 =	vld.idx.msk [tilespmem:v14+s12+$0x0], $0xffff;
	_ =	sdelay $0x1  }
0x5d8: {  	v18 =	vmul.f32 v26, v29;
	v19 =	vmul.f32 v27, v30  }
0x5d9: {  	v12 =	vmul.f32 v26, v12;
	v13 =	vmul.f32 v27, v13  }
0x5da: {  	v32 =	vmul.f32 v28, v20;
	v31 =	vadd.f32 v19, v18  }
0x5db: {  	v33 =	vmul.f32 v28, v14;
	v12 =	vadd.f32 v13, v12  }
0x5dc: {  	v34 =	vadd.f32 v32, v31  }
0x5dd: {  	v12 =	vadd.f32 v33, v12  }
0x5de: {  	[tilespmem:v43+s6+$0x0] =	vst.idx.msk $0xffff, v34  }
0x5df: {  	[tilespmem:v45+s6+$0x0] =	vst.idx.msk $0xffff, v12  }
0x5e0: {  	v12 =	vld.idx.msk [tilespmem:v48+s29+$0x0], $0xffff  }
0x5e1: {  	v35 =	vld.idx.msk [tilespmem:v50+s29+$0x0], $0xffff;
	_ =	sdelay $0x2  }
0x5e2: {  	v14 =	vld.idx.msk [tilespmem:v52+s29+$0x0], $0xffff  }
0x5e3: {  	v36 =	vld.idx.msk [tilespmem:v54+s14+$0x0], $0xffff  }
0x5e4: {  	v37 =	vld.idx.msk [tilespmem:v55+s14+$0x0], $0xffff  }
0x5e5: {  	v38 =	vld.idx.msk [tilespmem:v57+s14+$0x0], $0xffff  }
0x5e6: {  	v39 =	vld.idx.msk [tilespmem:v12+s1+$0x0], $0xffff  }
0x5e7: {  	v40 =	vld.idx.msk [tilespmem:v35+s1+$0x0], $0xffff  }
0x5e8: {  	v12 =	vld.idx.msk [tilespmem:v12+s12+$0x0], $0xffff  }
0x5e9: {  	v13 =	vld.idx.msk [tilespmem:v35+s12+$0x0], $0xffff  }
0x5ea: {  	v20 =	vld.idx.msk [tilespmem:v14+s1+$0x0], $0xffff  }
0x5eb: {  	v14 =	vld.idx.msk [tilespmem:v14+s12+$0x0], $0xffff;
	_ =	sdelay $0x1  }
0x5ec: {  	v18 =	vmul.f32 v36, v39;
	v19 =	vmul.f32 v37, v40  }
0x5ed: {  	v12 =	vmul.f32 v36, v12;
	v13 =	vmul.f32 v37, v13  }
0x5ee: {  	v42 =	vmul.f32 v38, v20;
	v41 =	vadd.f32 v19, v18  }
0x5ef: {  	v43 =	vmul.f32 v38, v14;
	v12 =	vadd.f32 v13, v12  }
0x5f0: {  	v44 =	vadd.f32 v42, v41  }
0x5f1: {  	v12 =	vadd.f32 v43, v12  }
0x5f2: {  	[tilespmem:v51+s6+$0x0] =	vst.idx.msk $0xffff, v44  }
0x5f3: {  	[tilespmem:v53+s6+$0x0] =	vst.idx.msk $0xffff, v12  }
0x5f4: {  	v12 =	vld.idx.msk [tilespmem:v56+s29+$0x0], $0xffff  }
0x5f5: {  	v45 =	vld.idx.msk [tilespmem:v58+s29+$0x0], $0xffff;
	_ =	sdelay $0x2  }
0x5f6: {  	v14 =	vld.idx.msk [tilespmem:v60+s29+$0x0], $0xffff  }
0x5f7: {  	v46 =	vld.idx.msk [tilespmem:v62+s14+$0x0], $0xffff  }
0x5f8: {  	v47 =	vld.idx.msk [tilespmem:v63+s14+$0x0], $0xffff  }
0x5f9: {  	v4 =	vld.idx.msk [tilespmem:v4+s14+$0x0], $0xffff  }
0x5fa: {  	v48 =	vld.idx.msk [tilespmem:v12+s1+$0x0], $0xffff  }
0x5fb: {  	v49 =	vld.idx.msk [tilespmem:v45+s1+$0x0], $0xffff  }
0x5fc: {  	v12 =	vld.idx.msk [tilespmem:v12+s12+$0x0], $0xffff  }
0x5fd: {  	v13 =	vld.idx.msk [tilespmem:v45+s12+$0x0], $0xffff  }
0x5fe: {  	v50 =	vld.idx.msk [tilespmem:v14+s1+$0x0], $0xffff  }
0x5ff: {  	v14 =	vld.idx.msk [tilespmem:v14+s12+$0x0], $0xffff;
	_ =	sdelay $0x1  }
0x600: {  	v17 =	vmul.f32 v46, v48;
	v18 =	vmul.f32 v47, v49  }
0x601: {  	v12 =	vmul.f32 v46, v12;
	v13 =	vmul.f32 v47, v13  }
0x602: {  	v52 =	vmul.f32 v4, v50;
	v51 =	vadd.f32 v18, v17  }
0x603: {  	v4 =	vmul.f32 v4, v14;
	v12 =	vadd.f32 v13, v12  }
0x604: {  	v53 =	vadd.f32 v52, v51  }
0x605: {  	v4 =	vadd.f32 v4, v12  }
0x606: {  	[tilespmem:v59+s6+$0x0] =	vst.idx.msk $0xffff, v53  }
0x607: {  	[tilespmem:v61+s6+$0x0] =	vst.idx.msk $0xffff, v4  }
0x608: {  	v3 =	vld.idx.msk [tilespmem:v3+s29+$0x0], $0xffff  }
0x609: {  	v4 =	vld.idx.msk [tilespmem:v5+s29+$0x0], $0xffff;
	_ =	sdelay $0x2  }
0x60a: {  	v54 =	vld.idx.msk [tilespmem:v7+s29+$0x0], $0xffff  }
0x60b: {  	v55 =	vld.idx.msk [tilespmem:v9+s14+$0x0], $0xffff  }
0x60c: {  	v56 =	vld.idx.msk [tilespmem:v10+s14+$0x0], $0xffff  }
0x60d: {  	v57 =	vld.idx.msk [tilespmem:v11+s14+$0x0], $0xffff  }
0x60e: {  	v58 =	vld.idx.msk [tilespmem:v3+s1+$0x0], $0xffff  }
0x60f: {  	v59 =	vld.idx.msk [tilespmem:v4+s1+$0x0], $0xffff  }
0x610: {  	v3 =	vld.idx.msk [tilespmem:v3+s12+$0x0], $0xffff  }
0x611: {  	v4 =	vld.idx.msk [tilespmem:v4+s12+$0x0], $0xffff  }
0x612: {  	v13 =	vld.idx.msk [tilespmem:v54+s1+$0x0], $0xffff  }
0x613: {  	v5 =	vld.idx.msk [tilespmem:v54+s12+$0x0], $0xffff;
	_ =	sdelay $0x1  }
0x614: {  	v11 =	vmul.f32 v55, v58;
	v12 =	vmul.f32 v56, v59  }
0x615: {  	v3 =	vmul.f32 v55, v3;
	v4 =	vmul.f32 v56, v4  }
0x616: {  	v61 =	vmul.f32 v57, v13;
	v60 =	vadd.f32 v12, v11  }
0x617: {  	p0 =	seq.s32 s19, $0x3E00;
	v62 =	vmul.f32 v57, v5;
	v3 =	vadd.f32 v4, v3  }
.Ltmp5:
0x618: {  	v63 =	vadd.f32 v61, v60;
	(pc) =	sbr.rel @p0 .LBB2_8-.Ltmp5, $4  }
0x619: {  	v3 =	vadd.f32 v62, v3  }
0x61a: {  	[tilespmem:v6+s6+$0x0] =	vst.idx.msk $0xffff, v63  }
0x61b: {  	[tilespmem:v8+s6+$0x0] =	vst.idx.msk $0xffff, v3  }
0x61c: {  	[hbm4b:s25+s1] =	stream.linear.scatter [tilespmem:s6], [sflag:$0x7], $0x400, $0x38;
	[tilespmem:$0x1BEA0] =	vst v63  }
.Ltmp6:
0x61d: {  	(pc) =	sbr.rel .LBB2_2-.Ltmp6, $4  }
0x61e: {  	_ = 	snop  }
0x61f: {  	s20 =	sadd.s32 s19, s9;
	s19 =	sadd.s32 $0x200, s19  }
0x620: {  	s17 =	sadd.s32 $0x100, s17;
	s25 =	sadd.s32 $0x100, s25;
	s20 =	sadd.s32 $0x300, s20  }
0x621: {  	v19 =	vmov v21;
	v20 =	vmov v22;
	[tilespmem:s14], [sflag:$0x3] =	stream.linear.gather [hbm4b:s20+s1], $0x800, $0x38;
	[tilespmem:$0x1BEA0] =	vst v63  }
.LBB2_9:
0x622: {  	_ =	sfence.sel $0x180000  }
0x623: {  	[bflag:$0x0] =	sbarrier.arrive $0xFFFF  }
0x624: {  	_ =	strace $0x90000047  }
0x625: {  	s0 =	stileid.u32;
	[bflag:$0x2] =	sbarrier.arrive $0xFFFF  }
0x626: {  	p0 =	sne.s32 s0, $0x0;
	s0 =	rddreg [dreg:$0x2]  }
0x627: {  	s0 =	sadd.s32 @!p0 $0x100000, s0  }
0x628: {  	[sflag:s0] =	ssyncadd.tile.s32 @!p0 $0x1;
	_ =	shalt  }
.Lfunc_end2:
_tile_overlayer_lowered:
.L_overlay_start_2:
0x629: {  	(tag) =	ssettag $0x2  }
0x62a: {  	s0 =	rddreg [dreg:$0x0];
	s2 =	stileid.u32  }
0x62b: {  	s1 =	rddreg [dreg:$0x1];
	p0 =	sne.s32 s2, $0x0  }
0x62c: {  	s3 =	rddreg [dreg:$0x2];
	[bflag:$0x3] =	sbarrier.arrive $0xFFFF;
	s2 =	simm.s32 @!p0 $0x1C08  }
0x62d: {  	[timem:s3], [sflag:s2] =	dma.local @!p0 [hbm:s0], s1  }
0x62e: {  	s0 =	simm.s32 @!p0 $0x8  }
0x62f: {  	_ =	swait.ge @!p0 [sflag:s0], s1  }
0x630: {  	s1 =	ssub.s32 @!p0 $0x0, s1;
	[sflag:s0] =	ssyncset.done @!p0 $0x0  }
0x631: {  	[sflag:s0] =	ssyncadd.s32 @!p0 s1  }
0x632: {  	[bflag:$0x3] =	sbarrier.arrive $0xFFFF  }
0x633: {  	_ =	shalt  }

</sc_bundles>
